<compile_context>
chip_gen: v7x
topology: tpu7x:2x2x1
jax: 0.10.2.dev20260603
libtpu: 0.0.44.dev20260713+nightly
codegen_flags: <defaults>
</compile_context>

<pallas_src>
import functools

import jax
import jax.numpy as jnp
from jax import lax
from jax.experimental import pallas as pl
from jax.experimental.pallas import tpu as pltpu
from jax.experimental.pallas import tpu_sc as plsc

_V = 1000000
_D = 32
_B = 16384
_NC = 2
_NS = 16
_NW = _NC * _NS
_BPW = _B // _NW
_L = 16
_WAVE = 8


def _make_sc_kernel():
    mesh = plsc.VectorSubcoreMesh(
        core_axis_name="c", subcore_axis_name="s",
        num_cores=_NC, num_subcores=_NS)

    @functools.partial(
        pl.kernel,
        out_type=jax.ShapeDtypeStruct((_B,), jnp.float32),
        mesh=mesh,
        compiler_params=pltpu.CompilerParams(
            needs_layout_passes=False,
            disable_bounds_checks=True,
        ),
        scratch_types=[
            pltpu.VMEM((_BPW,), jnp.int32),
            pltpu.VMEM((_BPW,), jnp.int32),
            pltpu.VMEM((_WAVE * 64, 128), jnp.float32),
            pltpu.VMEM((_WAVE * 2, 128), jnp.float32),
            pltpu.VMEM((_BPW,), jnp.float32),
            pltpu.SemaphoreType.DMA,
        ],
    )
    def sc_kernel(ids1_hbm, ids2_hbm, w1_hbm, b1_hbm, w2_hbm, b2_hbm,
                  out_hbm, ids1_v, ids2_v, chunks_v, bchunks_v, out_v, sem):
        wid = lax.axis_index("s") * _NC + lax.axis_index("c")
        base = wid * _BPW

        pltpu.sync_copy(ids1_hbm.at[pl.ds(base, _BPW)], ids1_v)
        pltpu.sync_copy(ids2_hbm.at[pl.ds(base, _BPW)], ids2_v)

        iota = lax.iota(jnp.int32, _L)
        izeros = lax.broadcast(jnp.int32(0), (_L,))
        zeros = lax.broadcast(jnp.float32(0), (_L,))
        lane0 = iota == 0
        lane15 = iota == 15

        def block(k, carry):
            idv1 = ids1_v[pl.ds(k * _L, _L)]
            idv2 = ids2_v[pl.ds(k * _L, _L)]
            for half in range(2):
                j0 = k * _L + half * _WAVE
                scalars = []
                copies = []
                for s in range(_WAVE):
                    lane = half * _WAVE + s
                    i1 = jnp.sum(jnp.where(iota == lane, idv1, izeros))
                    i2 = jnp.sum(jnp.where(iota == lane, idv2, izeros))
                    scalars.append((i1, i2))
                    for tab, (w_hbm, b_hbm, i) in enumerate(
                            ((w1_hbm, b1_hbm, i1), (w2_hbm, b2_hbm, i2))):
                        col = pl.multiple_of((i // 128) * 128, 128)
                        copies.append(pltpu.async_copy(
                            w_hbm.at[:, pl.ds(col, 128)],
                            chunks_v.at[pl.ds(s * 64 + tab * 32, 32), :],
                            sem))
                        copies.append(pltpu.async_copy(
                            b_hbm.at[pl.ds(col, 128)],
                            bchunks_v.at[s * 2 + tab], sem))
                for c in copies:
                    c.wait()
                for s in range(_WAVE):
                    i1, i2 = scalars[s]
                    c1 = lax.broadcast(i1 % 128, (_L,))
                    c2 = lax.broadcast(i2 % 128, (_L,))
                    r0 = s * 64
                    w1lo = plsc.load_gather(chunks_v, [r0 + iota, c1])
                    w1hi = plsc.load_gather(chunks_v, [r0 + 16 + iota, c1])
                    w2lo = plsc.load_gather(chunks_v, [r0 + 32 + iota, c2])
                    w2hi = plsc.load_gather(chunks_v, [r0 + 48 + iota, c2])
                    b1v = plsc.load_gather(
                        bchunks_v,
                        [lax.broadcast(jnp.int32(s * 2), (_L,)), c1])
                    b2v = plsc.load_gather(
                        bchunks_v,
                        [lax.broadcast(jnp.int32(s * 2 + 1), (_L,)), c2])
                    sv = w1lo * w2lo + w1hi * w2hi
                    sv = sv + jnp.where(lane0, b1v + b2v, zeros)
                    cs = plsc.cumsum(sv)
                    plsc.store_scatter(out_v, [lax.broadcast(j0 + s, (_L,))],
                                       cs, mask=lane15)
            return carry

        lax.fori_loop(0, _BPW // _L, block, 0)

        pltpu.sync_copy(out_v, out_hbm.at[pl.ds(base, _BPW)])

    return sc_kernel


_SC_KERNEL = _make_sc_kernel()


def kernel(ids1, ids2, W1, b1, W2, b2):
    return _SC_KERNEL(ids1.astype(jnp.int32), ids2.astype(jnp.int32),
                      W1.T, b1, W2.T, b2)

# --- scband reference (transcript-rebuilt; emitter-appended) ---
"""Pipeline reference for scband-log-bilinear-64596308132249 (READ-ONLY COPY).

The authoritative reference and input builder live on the scoring server;
editing this copy changes nothing except your own understanding.
"""

import jax, jax.numpy as jnp
import numpy as np

V = 1000000
D = 32
B = 16384

def setup_inputs(seed: int = 0) -> dict:
    key = jax.random.key(seed)
    k1, k2, k3, k4, k5, k6 = jax.random.split(key, 6)
    ids1 = jax.random.randint(k1, (B,), 0, V)
    ids2 = jax.random.randint(k2, (B,), 0, V)
    W1 = jax.random.normal(k3, (V, D), dtype=jnp.float32) * 0.01
    b1 = jax.random.normal(k4, (V,), dtype=jnp.float32) * 0.01
    W2 = jax.random.normal(k5, (V, D), dtype=jnp.float32) * 0.01
    b2 = jax.random.normal(k6, (V,), dtype=jnp.float32) * 0.01
    return {"ids1": ids1, "ids2": ids2, "W1": W1, "b1": b1, "W2": W2, "b2": b2}

def reference(ids1, ids2, W1, b1, W2, b2):
    # embed1(ids1) -> word vectors + scalar biases
    w1 = jnp.take(W1, ids1, axis=0)
    bias1 = jnp.take(b1, ids1, axis=0)
    # embed2(ids2) -> context vectors + scalar biases (two_embedding_layers=True)
    w2 = jnp.take(W2, ids2, axis=0)
    bias2 = jnp.take(b2, ids2, axis=0)
    scores = jnp.sum(w1 * w2, axis=1) + bias1 + bias2
    return scores

if __name__ == "__main__":
    import jax
    _d = setup_inputs()
    print(jax.jit(kernel)(*tuple(_d.values())))

</pallas_src>

<mosaic_0001>
#map = affine_map<(d0, d1) -> (0)>
#map1 = affine_map<(d0, d1) -> (0, 0)>
module attributes {stable_mosaic.version = 14 : i64} {
  func.func @sc_kernel(%arg0: i32, %arg1: i32, %arg2: memref<16384xi32, #tpu.memory_space<hbm>>, %arg3: memref<16384xi32, #tpu.memory_space<hbm>>, %arg4: memref<32x1000000xf32, #tpu.memory_space<hbm>>, %arg5: memref<1000000xf32, #tpu.memory_space<hbm>>, %arg6: memref<32x1000000xf32, #tpu.memory_space<hbm>>, %arg7: memref<1000000xf32, #tpu.memory_space<hbm>>, %arg8: memref<16384xf32, #tpu.memory_space<hbm>>, %arg9: memref<512xi32, #tpu.memory_space<vmem>>, %arg10: memref<512xi32, #tpu.memory_space<vmem>>, %arg11: memref<512x128xf32, #tpu.memory_space<vmem>>, %arg12: memref<16x128xf32, #tpu.memory_space<vmem>>, %arg13: memref<512xf32, #tpu.memory_space<vmem>>, %arg14: memref<!tpu.dma_semaphore, #tpu.memory_space<semaphore_mem>>) attributes {dimension_semantics = [#tpu.dimension_semantics<core_parallel>, #tpu.dimension_semantics<subcore_parallel>], iteration_bounds = array<i64: 2, 16>, scalar_prefetch = 0 : i64, scratch_operands = 6 : i64, tpu.core_type = #tpu.core_type<sc_vector_subcore>, window_params = [{transform_indices = #map}, {transform_indices = #map}, {transform_indices = #map1}, {transform_indices = #map}, {transform_indices = #map1}, {transform_indices = #map}, {transform_indices = #map}]} {
    %mul3A = arith.constant 2 : i32
    %mul3A_0 = arith.muli %arg1, %mul3A : i32
    %add3A = arith.addi %mul3A_0, %arg0 : i32
    %mul3A_1 = arith.constant 512 : i32
    %mul3A_2 = arith.muli %add3A, %mul3A_1 : i32
    "tpu.region"() ({
      %run_scoped3A = tpu.sem_alloc : memref<!tpu.dma_semaphore, #tpu.memory_space<semaphore_mem>>
      %dma_start3A = tpu.memref_slice %arg2[%mul3A_2] : memref<16384xi32, #tpu.memory_space<hbm>> -> memref<512xi32, #tpu.memory_space<hbm>>
      %dma_start3A_16 = tpu.memref_slice %arg2[%mul3A_2] : memref<16384xi32, #tpu.memory_space<hbm>> -> memref<512xi32, #tpu.memory_space<hbm>>
      tpu.enqueue_dma source(%dma_start3A_16 : memref<512xi32, #tpu.memory_space<hbm>>) target(%arg9 : memref<512xi32, #tpu.memory_space<vmem>>) target_semaphore(%run_scoped3A : memref<!tpu.dma_semaphore, #tpu.memory_space<semaphore_mem>>)
      %dma_wait3A = tpu.memref_slice %arg2[%mul3A_2] : memref<16384xi32, #tpu.memory_space<hbm>> -> memref<512xi32, #tpu.memory_space<hbm>>
      %dma_wait3A_17 = tpu.memref_slice %arg2[%mul3A_2] : memref<16384xi32, #tpu.memory_space<hbm>> -> memref<512xi32, #tpu.memory_space<hbm>>
      tpu.wait_dma2 semaphore(%run_scoped3A : memref<!tpu.dma_semaphore, #tpu.memory_space<semaphore_mem>>) src(%dma_wait3A_17 : memref<512xi32, #tpu.memory_space<hbm>>) dst(%arg9 : memref<512xi32, #tpu.memory_space<vmem>>)
      tpu.yield
    }) : () -> ()
    "tpu.region"() ({
      %run_scoped3A = tpu.sem_alloc : memref<!tpu.dma_semaphore, #tpu.memory_space<semaphore_mem>>
      %dma_start3A = tpu.memref_slice %arg3[%mul3A_2] : memref<16384xi32, #tpu.memory_space<hbm>> -> memref<512xi32, #tpu.memory_space<hbm>>
      %dma_start3A_16 = tpu.memref_slice %arg3[%mul3A_2] : memref<16384xi32, #tpu.memory_space<hbm>> -> memref<512xi32, #tpu.memory_space<hbm>>
      tpu.enqueue_dma source(%dma_start3A_16 : memref<512xi32, #tpu.memory_space<hbm>>) target(%arg10 : memref<512xi32, #tpu.memory_space<vmem>>) target_semaphore(%run_scoped3A : memref<!tpu.dma_semaphore, #tpu.memory_space<semaphore_mem>>)
      %dma_wait3A = tpu.memref_slice %arg3[%mul3A_2] : memref<16384xi32, #tpu.memory_space<hbm>> -> memref<512xi32, #tpu.memory_space<hbm>>
      %dma_wait3A_17 = tpu.memref_slice %arg3[%mul3A_2] : memref<16384xi32, #tpu.memory_space<hbm>> -> memref<512xi32, #tpu.memory_space<hbm>>
      tpu.wait_dma2 semaphore(%run_scoped3A : memref<!tpu.dma_semaphore, #tpu.memory_space<semaphore_mem>>) src(%dma_wait3A_17 : memref<512xi32, #tpu.memory_space<hbm>>) dst(%arg10 : memref<512xi32, #tpu.memory_space<vmem>>)
      tpu.yield
    }) : () -> ()
    %iota3A = tpu.iota {dimensions = array<i32: 0>} : vector<16xi32>
    %broadcast_in_dim3A = arith.constant 0 : i32
    %broadcast_in_dim3A_3 = vector.broadcast %broadcast_in_dim3A : i32 to vector<16xi32>
    %broadcast_in_dim3A_4 = arith.constant 0.000000e+00 : f32
    %broadcast_in_dim3A_5 = vector.broadcast %broadcast_in_dim3A_4 : f32 to vector<16xf32>
    %eq3A = arith.constant 0 : i32
    %eq3A_6 = vector.broadcast %eq3A : i32 to vector<16xi32>
    %eq3A_7 = arith.cmpi eq, %iota3A, %eq3A_6 : vector<16xi32>
    %eq3A_8 = arith.constant 15 : i32
    %eq3A_9 = vector.broadcast %eq3A_8 : i32 to vector<16xi32>
    %eq3A_10 = arith.cmpi eq, %iota3A, %eq3A_9 : vector<16xi32>
    %scan3A = arith.constant 0 : i32
    %scan3A_11 = arith.constant 0 : i32
    %scan3A_12 = arith.constant 32 : i32
    %scan3A_13 = arith.addi %scan3A_11, %scan3A_12 : i32
    %scan3A_14 = arith.constant 1 : i32
    scf.for %scan3A_16 = %scan3A_11 to %scan3A_13 step %scan3A_14  : i32 {
      %mul3A_17 = arith.constant 16 : i32
      %mul3A_18 = arith.muli %scan3A_16, %mul3A_17 : i32
      %get3A = arith.index_cast %mul3A_18 : i32 to index
      %get3A_19 = tpu.vector_load %arg9[%get3A] {strides = array<i32>} : memref<512xi32, #tpu.memory_space<vmem>>, vector<16xi32>,
      %mul3A_20 = arith.constant 16 : i32
      %mul3A_21 = arith.muli %scan3A_16, %mul3A_20 : i32
      %get3A_22 = arith.index_cast %mul3A_21 : i32 to index
      %get3A_23 = tpu.vector_load %arg10[%get3A_22] {strides = array<i32>} : memref<512xi32, #tpu.memory_space<vmem>>, vector<16xi32>,
      %mul3A_24 = arith.constant 16 : i32
      %mul3A_25 = arith.muli %scan3A_16, %mul3A_24 : i32
      %add3A_26 = arith.constant 0 : i32
      %add3A_27 = arith.addi %mul3A_25, %add3A_26 : i32
      %eq3A_28 = arith.constant 0 : i32
      %eq3A_29 = vector.broadcast %eq3A_28 : i32 to vector<16xi32>
      %eq3A_30 = arith.cmpi eq, %iota3A, %eq3A_29 : vector<16xi32>
      %select_n3A = arith.select %eq3A_30, %get3A_19, %broadcast_in_dim3A_3 : vector<16xi1>, vector<16xi32>
      %reduce_sum3A = arith.constant true
      %reduce_sum3A_31 = vector.broadcast %reduce_sum3A : i1 to vector<16xi1>
      %reduce_sum3A_32 = tpu.scan <sum>, %select_n3A masked %reduce_sum3A_31 : vector<16xi32>, vector<16xi1> -> vector<16xi32>
      %reduce_sum3A_33 = vector.extract %reduce_sum3A_32[15] : i32 from vector<16xi32>
      %eq3A_34 = arith.constant 0 : i32
      %eq3A_35 = vector.broadcast %eq3A_34 : i32 to vector<16xi32>
      %eq3A_36 = arith.cmpi eq, %iota3A, %eq3A_35 : vector<16xi32>
      %select_n3A_37 = arith.select %eq3A_36, %get3A_23, %broadcast_in_dim3A_3 : vector<16xi1>, vector<16xi32>
      %reduce_sum3A_38 = arith.constant true
      %reduce_sum3A_39 = vector.broadcast %reduce_sum3A_38 : i1 to vector<16xi1>
      %reduce_sum3A_40 = tpu.scan <sum>, %select_n3A_37 masked %reduce_sum3A_39 : vector<16xi32>, vector<16xi1> -> vector<16xi32>
      %reduce_sum3A_41 = vector.extract %reduce_sum3A_40[15] : i32 from vector<16xi32>
      %jit3A = arith.constant 128 : i32
      %div3A = arith.divsi %reduce_sum3A_33, %jit3A : i32
      %sign3A = arith.constant 0 : i32
      %sign3A_42 = arith.cmpi sgt, %reduce_sum3A_33, %sign3A : i32
      %sign3A_43 = arith.extui %sign3A_42 : i1 to i32
      %sign3A_44 = arith.constant 0 : i32
      %sign3A_45 = arith.cmpi slt, %reduce_sum3A_33, %sign3A_44 : i32
      %sign3A_46 = arith.extui %sign3A_45 : i1 to i32
      %sign3A_47 = arith.subi %sign3A_43, %sign3A_46 : i32
      %sign3A_48 = arith.constant 0 : i32
      %sign3A_49 = arith.cmpi sgt, %jit3A, %sign3A_48 : i32
      %sign3A_50 = arith.extui %sign3A_49 : i1 to i32
      %sign3A_51 = arith.constant 0 : i32
      %sign3A_52 = arith.cmpi slt, %jit3A, %sign3A_51 : i32
      %sign3A_53 = arith.extui %sign3A_52 : i1 to i32
      %sign3A_54 = arith.subi %sign3A_50, %sign3A_53 : i32
      %ne3A = arith.cmpi ne, %sign3A_47, %sign3A_54 : i32
      %rem3A = arith.remsi %reduce_sum3A_33, %jit3A : i32
      %ne3A_55 = arith.constant 0 : i32
      %ne3A_56 = arith.cmpi ne, %rem3A, %ne3A_55 : i32
      %and3A = arith.andi %ne3A, %ne3A_56 : i1
      %sub3A = arith.constant 1 : i32
      %sub3A_57 = arith.subi %div3A, %sub3A : i32
      %select_n3A_58 = arith.select %and3A, %sub3A_57, %div3A : i32
      %mul3A_59 = arith.constant 128 : i32
      %mul3A_60 = arith.muli %select_n3A_58, %mul3A_59 : i32
      %multiple_of3A = tpu.assume_multiple %mul3A_60, 128 : i32
      %dma_start3A = arith.constant 0 : i32
      %dma_start3A_61 = arith.constant 0 : i32
      %dma_start3A_62 = tpu.memref_slice %arg11[%dma_start3A, %dma_start3A_61] : memref<512x128xf32, #tpu.memory_space<vmem>> -> memref<32x128xf32, #tpu.memory_space<vmem>>
      %dma_start3A_63 = arith.constant 0 : i32
      %dma_start3A_64 = tpu.memref_slice %arg4[%dma_start3A_63, %multiple_of3A] : memref<32x1000000xf32, #tpu.memory_space<hbm>> -> memref<32x128xf32, #tpu.memory_space<hbm>>
      %dma_start3A_65 = arith.constant 0 : i32
      %dma_start3A_66 = arith.constant 0 : i32
      %dma_start3A_67 = tpu.memref_slice %arg11[%dma_start3A_65, %dma_start3A_66] : memref<512x128xf32, #tpu.memory_space<vmem>> -> memref<32x128xf32, #tpu.memory_space<vmem>>
      %dma_start3A_68 = arith.constant 0 : i32
      %dma_start3A_69 = tpu.memref_slice %arg4[%dma_start3A_68, %multiple_of3A] : memref<32x1000000xf32, #tpu.memory_space<hbm>> -> memref<32x128xf32, #tpu.memory_space<hbm>>
      tpu.enqueue_dma source(%dma_start3A_69 : memref<32x128xf32, #tpu.memory_space<hbm>>) target(%dma_start3A_67 : memref<32x128xf32, #tpu.memory_space<vmem>>) target_semaphore(%arg14 : memref<!tpu.dma_semaphore, #tpu.memory_space<semaphore_mem>>)
      %dma_start3A_70 = arith.constant 0 : i32
      %dma_start3A_71 = arith.constant 0 : i32
      %dma_start3A_72 = tpu.memref_slice %arg12[%dma_start3A_70, %dma_start3A_71] : memref<16x128xf32, #tpu.memory_space<vmem>> -> memref<1x128xf32, #tpu.memory_space<vmem>>
      %dma_start3A_73 = tpu.memref_squeeze %dma_start3A_72 : memref<1x128xf32, #tpu.memory_space<vmem>> -> memref<128xf32, #tpu.memory_space<vmem>>
      %dma_start3A_74 = tpu.memref_slice %arg5[%multiple_of3A] : memref<1000000xf32, #tpu.memory_space<hbm>> -> memref<128xf32, #tpu.memory_space<hbm>>
      %dma_start3A_75 = arith.constant 0 : i32
      %dma_start3A_76 = tpu.memref_slice %arg12[%dma_start3A_70, %dma_start3A_75] : memref<16x128xf32, #tpu.memory_space<vmem>> -> memref<1x128xf32, #tpu.memory_space<vmem>>
      %dma_start3A_77 = tpu.memref_squeeze %dma_start3A_76 : memref<1x128xf32, #tpu.memory_space<vmem>> -> memref<128xf32, #tpu.memory_space<vmem>>
      %dma_start3A_78 = tpu.memref_slice %arg5[%multiple_of3A] : memref<1000000xf32, #tpu.memory_space<hbm>> -> memref<128xf32, #tpu.memory_space<hbm>>
      tpu.enqueue_dma source(%dma_start3A_78 : memref<128xf32, #tpu.memory_space<hbm>>) target(%dma_start3A_77 : memref<128xf32, #tpu.memory_space<vmem>>) target_semaphore(%arg14 : memref<!tpu.dma_semaphore, #tpu.memory_space<semaphore_mem>>)
      %jit3A_79 = arith.constant 128 : i32
      %div3A_80 = arith.divsi %reduce_sum3A_41, %jit3A_79 : i32
      %sign3A_81 = arith.constant 0 : i32
      %sign3A_82 = arith.cmpi sgt, %reduce_sum3A_41, %sign3A_81 : i32
      %sign3A_83 = arith.extui %sign3A_82 : i1 to i32
      %sign3A_84 = arith.constant 0 : i32
      %sign3A_85 = arith.cmpi slt, %reduce_sum3A_41, %sign3A_84 : i32
      %sign3A_86 = arith.extui %sign3A_85 : i1 to i32
      %sign3A_87 = arith.subi %sign3A_83, %sign3A_86 : i32
      %sign3A_88 = arith.constant 0 : i32
      %sign3A_89 = arith.cmpi sgt, %jit3A_79, %sign3A_88 : i32
      %sign3A_90 = arith.extui %sign3A_89 : i1 to i32
      %sign3A_91 = arith.constant 0 : i32
      %sign3A_92 = arith.cmpi slt, %jit3A_79, %sign3A_91 : i32
      %sign3A_93 = arith.extui %sign3A_92 : i1 to i32
      %sign3A_94 = arith.subi %sign3A_90, %sign3A_93 : i32
      %ne3A_95 = arith.cmpi ne, %sign3A_87, %sign3A_94 : i32
      %rem3A_96 = arith.remsi %reduce_sum3A_41, %jit3A_79 : i32
      %ne3A_97 = arith.constant 0 : i32
      %ne3A_98 = arith.cmpi ne, %rem3A_96, %ne3A_97 : i32
      %and3A_99 = arith.andi %ne3A_95, %ne3A_98 : i1
      %sub3A_100 = arith.constant 1 : i32
      %sub3A_101 = arith.subi %div3A_80, %sub3A_100 : i32
      %select_n3A_102 = arith.select %and3A_99, %sub3A_101, %div3A_80 : i32
      %mul3A_103 = arith.constant 128 : i32
      %mul3A_104 = arith.muli %select_n3A_102, %mul3A_103 : i32
      %multiple_of3A_105 = tpu.assume_multiple %mul3A_104, 128 : i32
      %dma_start3A_106 = arith.constant 32 : i32
      %dma_start3A_107 = arith.constant 0 : i32
      %dma_start3A_108 = tpu.memref_slice %arg11[%dma_start3A_106, %dma_start3A_107] : memref<512x128xf32, #tpu.memory_space<vmem>> -> memref<32x128xf32, #tpu.memory_space<vmem>>
      %dma_start3A_109 = arith.constant 0 : i32
      %dma_start3A_110 = tpu.memref_slice %arg6[%dma_start3A_109, %multiple_of3A_105] : memref<32x1000000xf32, #tpu.memory_space<hbm>> -> memref<32x128xf32, #tpu.memory_space<hbm>>
      %dma_start3A_111 = arith.constant 32 : i32
      %dma_start3A_112 = arith.constant 0 : i32
      %dma_start3A_113 = tpu.memref_slice %arg11[%dma_start3A_111, %dma_start3A_112] : memref<512x128xf32, #tpu.memory_space<vmem>> -> memref<32x128xf32, #tpu.memory_space<vmem>>
      %dma_start3A_114 = arith.constant 0 : i32
      %dma_start3A_115 = tpu.memref_slice %arg6[%dma_start3A_114, %multiple_of3A_105] : memref<32x1000000xf32, #tpu.memory_space<hbm>> -> memref<32x128xf32, #tpu.memory_space<hbm>>
      tpu.enqueue_dma source(%dma_start3A_115 : memref<32x128xf32, #tpu.memory_space<hbm>>) target(%dma_start3A_113 : memref<32x128xf32, #tpu.memory_space<vmem>>) target_semaphore(%arg14 : memref<!tpu.dma_semaphore, #tpu.memory_space<semaphore_mem>>)
      %dma_start3A_116 = arith.constant 1 : i32
      %dma_start3A_117 = arith.constant 0 : i32
      %dma_start3A_118 = tpu.memref_slice %arg12[%dma_start3A_116, %dma_start3A_117] : memref<16x128xf32, #tpu.memory_space<vmem>> -> memref<1x128xf32, #tpu.memory_space<vmem>>
      %dma_start3A_119 = tpu.memref_squeeze %dma_start3A_118 : memref<1x128xf32, #tpu.memory_space<vmem>> -> memref<128xf32, #tpu.memory_space<vmem>>
      %dma_start3A_120 = tpu.memref_slice %arg7[%multiple_of3A_105] : memref<1000000xf32, #tpu.memory_space<hbm>> -> memref<128xf32, #tpu.memory_space<hbm>>
      %dma_start3A_121 = arith.constant 0 : i32
      %dma_start3A_122 = tpu.memref_slice %arg12[%dma_start3A_116, %dma_start3A_121] : memref<16x128xf32, #tpu.memory_space<vmem>> -> memref<1x128xf32, #tpu.memory_space<vmem>>
      %dma_start3A_123 = tpu.memref_squeeze %dma_start3A_122 : memref<1x128xf32, #tpu.memory_space<vmem>> -> memref<128xf32, #tpu.memory_space<vmem>>
      %dma_start3A_124 = tpu.memref_slice %arg7[%multiple_of3A_105] : memref<1000000xf32, #tpu.memory_space<hbm>> -> memref<128xf32, #tpu.memory_space<hbm>>
      tpu.enqueue_dma source(%dma_start3A_124 : memref<128xf32, #tpu.memory_space<hbm>>) target(%dma_start3A_123 : memref<128xf32, #tpu.memory_space<vmem>>) target_semaphore(%arg14 : memref<!tpu.dma_semaphore, #tpu.memory_space<semaphore_mem>>)
      %eq3A_125 = arith.constant 1 : i32
      %eq3A_126 = vector.broadcast %eq3A_125 : i32 to vector<16xi32>
      %eq3A_127 = arith.cmpi eq, %iota3A, %eq3A_126 : vector<16xi32>
      %select_n3A_128 = arith.select %eq3A_127, %get3A_19, %broadcast_in_dim3A_3 : vector<16xi1>, vector<16xi32>
      %reduce_sum3A_129 = arith.constant true
      %reduce_sum3A_130 = vector.broadcast %reduce_sum3A_129 : i1 to vector<16xi1>
      %reduce_sum3A_131 = tpu.scan <sum>, %select_n3A_128 masked %reduce_sum3A_130 : vector<16xi32>, vector<16xi1> -> vector<16xi32>
      %reduce_sum3A_132 = vector.extract %reduce_sum3A_131[15] : i32 from vector<16xi32>
      %eq3A_133 = arith.constant 1 : i32
      %eq3A_134 = vector.broadcast %eq3A_133 : i32 to vector<16xi32>
      %eq3A_135 = arith.cmpi eq, %iota3A, %eq3A_134 : vector<16xi32>
      %select_n3A_136 = arith.select %eq3A_135, %get3A_23, %broadcast_in_dim3A_3 : vector<16xi1>, vector<16xi32>
      %reduce_sum3A_137 = arith.constant true
      %reduce_sum3A_138 = vector.broadcast %reduce_sum3A_137 : i1 to vector<16xi1>
      %reduce_sum3A_139 = tpu.scan <sum>, %select_n3A_136 masked %reduce_sum3A_138 : vector<16xi32>, vector<16xi1> -> vector<16xi32>
      %reduce_sum3A_140 = vector.extract %reduce_sum3A_139[15] : i32 from vector<16xi32>
      %jit3A_141 = arith.constant 128 : i32
      %div3A_142 = arith.divsi %reduce_sum3A_132, %jit3A_141 : i32
      %sign3A_143 = arith.constant 0 : i32
      %sign3A_144 = arith.cmpi sgt, %reduce_sum3A_132, %sign3A_143 : i32
      %sign3A_145 = arith.extui %sign3A_144 : i1 to i32
      %sign3A_146 = arith.constant 0 : i32
      %sign3A_147 = arith.cmpi slt, %reduce_sum3A_132, %sign3A_146 : i32
      %sign3A_148 = arith.extui %sign3A_147 : i1 to i32
      %sign3A_149 = arith.subi %sign3A_145, %sign3A_148 : i32
      %sign3A_150 = arith.constant 0 : i32
      %sign3A_151 = arith.cmpi sgt, %jit3A_141, %sign3A_150 : i32
      %sign3A_152 = arith.extui %sign3A_151 : i1 to i32
      %sign3A_153 = arith.constant 0 : i32
      %sign3A_154 = arith.cmpi slt, %jit3A_141, %sign3A_153 : i32
      %sign3A_155 = arith.extui %sign3A_154 : i1 to i32
      %sign3A_156 = arith.subi %sign3A_152, %sign3A_155 : i32
      %ne3A_157 = arith.cmpi ne, %sign3A_149, %sign3A_156 : i32
      %rem3A_158 = arith.remsi %reduce_sum3A_132, %jit3A_141 : i32
      %ne3A_159 = arith.constant 0 : i32
      %ne3A_160 = arith.cmpi ne, %rem3A_158, %ne3A_159 : i32
      %and3A_161 = arith.andi %ne3A_157, %ne3A_160 : i1
      %sub3A_162 = arith.constant 1 : i32
      %sub3A_163 = arith.subi %div3A_142, %sub3A_162 : i32
      %select_n3A_164 = arith.select %and3A_161, %sub3A_163, %div3A_142 : i32
      %mul3A_165 = arith.constant 128 : i32
      %mul3A_166 = arith.muli %select_n3A_164, %mul3A_165 : i32
      %multiple_of3A_167 = tpu.assume_multiple %mul3A_166, 128 : i32
      %dma_start3A_168 = arith.constant 64 : i32
      %dma_start3A_169 = arith.constant 0 : i32
      %dma_start3A_170 = tpu.memref_slice %arg11[%dma_start3A_168, %dma_start3A_169] : memref<512x128xf32, #tpu.memory_space<vmem>> -> memref<32x128xf32, #tpu.memory_space<vmem>>
      %dma_start3A_171 = arith.constant 0 : i32
      %dma_start3A_172 = tpu.memref_slice %arg4[%dma_start3A_171, %multiple_of3A_167] : memref<32x1000000xf32, #tpu.memory_space<hbm>> -> memref<32x128xf32, #tpu.memory_space<hbm>>
      %dma_start3A_173 = arith.constant 64 : i32
      %dma_start3A_174 = arith.constant 0 : i32
      %dma_start3A_175 = tpu.memref_slice %arg11[%dma_start3A_173, %dma_start3A_174] : memref<512x128xf32, #tpu.memory_space<vmem>> -> memref<32x128xf32, #tpu.memory_space<vmem>>
      %dma_start3A_176 = arith.constant 0 : i32
      %dma_start3A_177 = tpu.memref_slice %arg4[%dma_start3A_176, %multiple_of3A_167] : memref<32x1000000xf32, #tpu.memory_space<hbm>> -> memref<32x128xf32, #tpu.memory_space<hbm>>
      tpu.enqueue_dma source(%dma_start3A_177 : memref<32x128xf32, #tpu.memory_space<hbm>>) target(%dma_start3A_175 : memref<32x128xf32, #tpu.memory_space<vmem>>) target_semaphore(%arg14 : memref<!tpu.dma_semaphore, #tpu.memory_space<semaphore_mem>>)
      %dma_start3A_178 = arith.constant 2 : i32
      %dma_start3A_179 = arith.constant 0 : i32
      %dma_start3A_180 = tpu.memref_slice %arg12[%dma_start3A_178, %dma_start3A_179] : memref<16x128xf32, #tpu.memory_space<vmem>> -> memref<1x128xf32, #tpu.memory_space<vmem>>
      %dma_start3A_181 = tpu.memref_squeeze %dma_start3A_180 : memref<1x128xf32, #tpu.memory_space<vmem>> -> memref<128xf32, #tpu.memory_space<vmem>>
      %dma_start3A_182 = tpu.memref_slice %arg5[%multiple_of3A_167] : memref<1000000xf32, #tpu.memory_space<hbm>> -> memref<128xf32, #tpu.memory_space<hbm>>
      %dma_start3A_183 = arith.constant 0 : i32
      %dma_start3A_184 = tpu.memref_slice %arg12[%dma_start3A_178, %dma_start3A_183] : memref<16x128xf32, #tpu.memory_space<vmem>> -> memref<1x128xf32, #tpu.memory_space<vmem>>
      %dma_start3A_185 = tpu.memref_squeeze %dma_start3A_184 : memref<1x128xf32, #tpu.memory_space<vmem>> -> memref<128xf32, #tpu.memory_space<vmem>>
      %dma_start3A_186 = tpu.memref_slice %arg5[%multiple_of3A_167] : memref<1000000xf32, #tpu.memory_space<hbm>> -> memref<128xf32, #tpu.memory_space<hbm>>
      tpu.enqueue_dma source(%dma_start3A_186 : memref<128xf32, #tpu.memory_space<hbm>>) target(%dma_start3A_185 : memref<128xf32, #tpu.memory_space<vmem>>) target_semaphore(%arg14 : memref<!tpu.dma_semaphore, #tpu.memory_space<semaphore_mem>>)
      %jit3A_187 = arith.constant 128 : i32
      %div3A_188 = arith.divsi %reduce_sum3A_140, %jit3A_187 : i32
      %sign3A_189 = arith.constant 0 : i32
      %sign3A_190 = arith.cmpi sgt, %reduce_sum3A_140, %sign3A_189 : i32
      %sign3A_191 = arith.extui %sign3A_190 : i1 to i32
      %sign3A_192 = arith.constant 0 : i32
      %sign3A_193 = arith.cmpi slt, %reduce_sum3A_140, %sign3A_192 : i32
      %sign3A_194 = arith.extui %sign3A_193 : i1 to i32
      %sign3A_195 = arith.subi %sign3A_191, %sign3A_194 : i32
      %sign3A_196 = arith.constant 0 : i32
      %sign3A_197 = arith.cmpi sgt, %jit3A_187, %sign3A_196 : i32
      %sign3A_198 = arith.extui %sign3A_197 : i1 to i32
      %sign3A_199 = arith.constant 0 : i32
      %sign3A_200 = arith.cmpi slt, %jit3A_187, %sign3A_199 : i32
      %sign3A_201 = arith.extui %sign3A_200 : i1 to i32
      %sign3A_202 = arith.subi %sign3A_198, %sign3A_201 : i32
      %ne3A_203 = arith.cmpi ne, %sign3A_195, %sign3A_202 : i32
      %rem3A_204 = arith.remsi %reduce_sum3A_140, %jit3A_187 : i32
      %ne3A_205 = arith.constant 0 : i32
      %ne3A_206 = arith.cmpi ne, %rem3A_204, %ne3A_205 : i32
      %and3A_207 = arith.andi %ne3A_203, %ne3A_206 : i1
      %sub3A_208 = arith.constant 1 : i32
      %sub3A_209 = arith.subi %div3A_188, %sub3A_208 : i32
      %select_n3A_210 = arith.select %and3A_207, %sub3A_209, %div3A_188 : i32
      %mul3A_211 = arith.constant 128 : i32
      %mul3A_212 = arith.muli %select_n3A_210, %mul3A_211 : i32
      %multiple_of3A_213 = tpu.assume_multiple %mul3A_212, 128 : i32
      %dma_start3A_214 = arith.constant 96 : i32
      %dma_start3A_215 = arith.constant 0 : i32
      %dma_start3A_216 = tpu.memref_slice %arg11[%dma_start3A_214, %dma_start3A_215] : memref<512x128xf32, #tpu.memory_space<vmem>> -> memref<32x128xf32, #tpu.memory_space<vmem>>
      %dma_start3A_217 = arith.constant 0 : i32
      %dma_start3A_218 = tpu.memref_slice %arg6[%dma_start3A_217, %multiple_of3A_213] : memref<32x1000000xf32, #tpu.memory_space<hbm>> -> memref<32x128xf32, #tpu.memory_space<hbm>>
      %dma_start3A_219 = arith.constant 96 : i32
      %dma_start3A_220 = arith.constant 0 : i32
      %dma_start3A_221 = tpu.memref_slice %arg11[%dma_start3A_219, %dma_start3A_220] : memref<512x128xf32, #tpu.memory_space<vmem>> -> memref<32x128xf32, #tpu.memory_space<vmem>>
      %dma_start3A_222 = arith.constant 0 : i32
      %dma_start3A_223 = tpu.memref_slice %arg6[%dma_start3A_222, %multiple_of3A_213] : memref<32x1000000xf32, #tpu.memory_space<hbm>> -> memref<32x128xf32, #tpu.memory_space<hbm>>
      tpu.enqueue_dma source(%dma_start3A_223 : memref<32x128xf32, #tpu.memory_space<hbm>>) target(%dma_start3A_221 : memref<32x128xf32, #tpu.memory_space<vmem>>) target_semaphore(%arg14 : memref<!tpu.dma_semaphore, #tpu.memory_space<semaphore_mem>>)
      %dma_start3A_224 = arith.constant 3 : i32
      %dma_start3A_225 = arith.constant 0 : i32
      %dma_start3A_226 = tpu.memref_slice %arg12[%dma_start3A_224, %dma_start3A_225] : memref<16x128xf32, #tpu.memory_space<vmem>> -> memref<1x128xf32, #tpu.memory_space<vmem>>
      %dma_start3A_227 = tpu.memref_squeeze %dma_start3A_226 : memref<1x128xf32, #tpu.memory_space<vmem>> -> memref<128xf32, #tpu.memory_space<vmem>>
      %dma_start3A_228 = tpu.memref_slice %arg7[%multiple_of3A_213] : memref<1000000xf32, #tpu.memory_space<hbm>> -> memref<128xf32, #tpu.memory_space<hbm>>
      %dma_start3A_229 = arith.constant 0 : i32
      %dma_start3A_230 = tpu.memref_slice %arg12[%dma_start3A_224, %dma_start3A_229] : memref<16x128xf32, #tpu.memory_space<vmem>> -> memref<1x128xf32, #tpu.memory_space<vmem>>
      %dma_start3A_231 = tpu.memref_squeeze %dma_start3A_230 : memref<1x128xf32, #tpu.memory_space<vmem>> -> memref<128xf32, #tpu.memory_space<vmem>>
      %dma_start3A_232 = tpu.memref_slice %arg7[%multiple_of3A_213] : memref<1000000xf32, #tpu.memory_space<hbm>> -> memref<128xf32, #tpu.memory_space<hbm>>
      tpu.enqueue_dma source(%dma_start3A_232 : memref<128xf32, #tpu.memory_space<hbm>>) target(%dma_start3A_231 : memref<128xf32, #tpu.memory_space<vmem>>) target_semaphore(%arg14 : memref<!tpu.dma_semaphore, #tpu.memory_space<semaphore_mem>>)
      %eq3A_233 = arith.constant 2 : i32
      %eq3A_234 = vector.broadcast %eq3A_233 : i32 to vector<16xi32>
      %eq3A_235 = arith.cmpi eq, %iota3A, %eq3A_234 : vector<16xi32>
      %select_n3A_236 = arith.select %eq3A_235, %get3A_19, %broadcast_in_dim3A_3 : vector<16xi1>, vector<16xi32>
      %reduce_sum3A_237 = arith.constant true
      %reduce_sum3A_238 = vector.broadcast %reduce_sum3A_237 : i1 to vector<16xi1>
      %reduce_sum3A_239 = tpu.scan <sum>, %select_n3A_236 masked %reduce_sum3A_238 : vector<16xi32>, vector<16xi1> -> vector<16xi32>
      %reduce_sum3A_240 = vector.extract %reduce_sum3A_239[15] : i32 from vector<16xi32>
      %eq3A_241 = arith.constant 2 : i32
      %eq3A_242 = vector.broadcast %eq3A_241 : i32 to vector<16xi32>
      %eq3A_243 = arith.cmpi eq, %iota3A, %eq3A_242 : vector<16xi32>
      %select_n3A_244 = arith.select %eq3A_243, %get3A_23, %broadcast_in_dim3A_3 : vector<16xi1>, vector<16xi32>
      %reduce_sum3A_245 = arith.constant true
      %reduce_sum3A_246 = vector.broadcast %reduce_sum3A_245 : i1 to vector<16xi1>
      %reduce_sum3A_247 = tpu.scan <sum>, %select_n3A_244 masked %reduce_sum3A_246 : vector<16xi32>, vector<16xi1> -> vector<16xi32>
      %reduce_sum3A_248 = vector.extract %reduce_sum3A_247[15] : i32 from vector<16xi32>
      %jit3A_249 = arith.constant 128 : i32
      %div3A_250 = arith.divsi %reduce_sum3A_240, %jit3A_249 : i32
      %sign3A_251 = arith.constant 0 : i32
      %sign3A_252 = arith.cmpi sgt, %reduce_sum3A_240, %sign3A_251 : i32
      %sign3A_253 = arith.extui %sign3A_252 : i1 to i32
      %sign3A_254 = arith.constant 0 : i32
      %sign3A_255 = arith.cmpi slt, %reduce_sum3A_240, %sign3A_254 : i32
      %sign3A_256 = arith.extui %sign3A_255 : i1 to i32
      %sign3A_257 = arith.subi %sign3A_253, %sign3A_256 : i32
      %sign3A_258 = arith.constant 0 : i32
      %sign3A_259 = arith.cmpi sgt, %jit3A_249, %sign3A_258 : i32
      %sign3A_260 = arith.extui %sign3A_259 : i1 to i32
      %sign3A_261 = arith.constant 0 : i32
      %sign3A_262 = arith.cmpi slt, %jit3A_249, %sign3A_261 : i32
      %sign3A_263 = arith.extui %sign3A_262 : i1 to i32
      %sign3A_264 = arith.subi %sign3A_260, %sign3A_263 : i32
      %ne3A_265 = arith.cmpi ne, %sign3A_257, %sign3A_264 : i32
      %rem3A_266 = arith.remsi %reduce_sum3A_240, %jit3A_249 : i32
      %ne3A_267 = arith.constant 0 : i32
      %ne3A_268 = arith.cmpi ne, %rem3A_266, %ne3A_267 : i32
      %and3A_269 = arith.andi %ne3A_265, %ne3A_268 : i1
      %sub3A_270 = arith.constant 1 : i32
      %sub3A_271 = arith.subi %div3A_250, %sub3A_270 : i32
      %select_n3A_272 = arith.select %and3A_269, %sub3A_271, %div3A_250 : i32
      %mul3A_273 = arith.constant 128 : i32
      %mul3A_274 = arith.muli %select_n3A_272, %mul3A_273 : i32
      %multiple_of3A_275 = tpu.assume_multiple %mul3A_274, 128 : i32
      %dma_start3A_276 = arith.constant 128 : i32
      %dma_start3A_277 = arith.constant 0 : i32
      %dma_start3A_278 = tpu.memref_slice %arg11[%dma_start3A_276, %dma_start3A_277] : memref<512x128xf32, #tpu.memory_space<vmem>> -> memref<32x128xf32, #tpu.memory_space<vmem>>
      %dma_start3A_279 = arith.constant 0 : i32
      %dma_start3A_280 = tpu.memref_slice %arg4[%dma_start3A_279, %multiple_of3A_275] : memref<32x1000000xf32, #tpu.memory_space<hbm>> -> memref<32x128xf32, #tpu.memory_space<hbm>>
      %dma_start3A_281 = arith.constant 128 : i32
      %dma_start3A_282 = arith.constant 0 : i32
      %dma_start3A_283 = tpu.memref_slice %arg11[%dma_start3A_281, %dma_start3A_282] : memref<512x128xf32, #tpu.memory_space<vmem>> -> memref<32x128xf32, #tpu.memory_space<vmem>>
      %dma_start3A_284 = arith.constant 0 : i32
      %dma_start3A_285 = tpu.memref_slice %arg4[%dma_start3A_284, %multiple_of3A_275] : memref<32x1000000xf32, #tpu.memory_space<hbm>> -> memref<32x128xf32, #tpu.memory_space<hbm>>
      tpu.enqueue_dma source(%dma_start3A_285 : memref<32x128xf32, #tpu.memory_space<hbm>>) target(%dma_start3A_283 : memref<32x128xf32, #tpu.memory_space<vmem>>) target_semaphore(%arg14 : memref<!tpu.dma_semaphore, #tpu.memory_space<semaphore_mem>>)
      %dma_start3A_286 = arith.constant 4 : i32
      %dma_start3A_287 = arith.constant 0 : i32
      %dma_start3A_288 = tpu.memref_slice %arg12[%dma_start3A_286, %dma_start3A_287] : memref<16x128xf32, #tpu.memory_space<vmem>> -> memref<1x128xf32, #tpu.memory_space<vmem>>
      %dma_start3A_289 = tpu.memref_squeeze %dma_start3A_288 : memref<1x128xf32, #tpu.memory_space<vmem>> -> memref<128xf32, #tpu.memory_space<vmem>>
      %dma_start3A_290 = tpu.memref_slice %arg5[%multiple_of3A_275] : memref<1000000xf32, #tpu.memory_space<hbm>> -> memref<128xf32, #tpu.memory_space<hbm>>
      %dma_start3A_291 = arith.constant 0 : i32
      %dma_start3A_292 = tpu.memref_slice %arg12[%dma_start3A_286, %dma_start3A_291] : memref<16x128xf32, #tpu.memory_space<vmem>> -> memref<1x128xf32, #tpu.memory_space<vmem>>
      %dma_start3A_293 = tpu.memref_squeeze %dma_start3A_292 : memref<1x128xf32, #tpu.memory_space<vmem>> -> memref<128xf32, #tpu.memory_space<vmem>>
      %dma_start3A_294 = tpu.memref_slice %arg5[%multiple_of3A_275] : memref<1000000xf32, #tpu.memory_space<hbm>> -> memref<128xf32, #tpu.memory_space<hbm>>
      tpu.enqueue_dma source(%dma_start3A_294 : memref<128xf32, #tpu.memory_space<hbm>>) target(%dma_start3A_293 : memref<128xf32, #tpu.memory_space<vmem>>) target_semaphore(%arg14 : memref<!tpu.dma_semaphore, #tpu.memory_space<semaphore_mem>>)
      %jit3A_295 = arith.constant 128 : i32
      %div3A_296 = arith.divsi %reduce_sum3A_248, %jit3A_295 : i32
      %sign3A_297 = arith.constant 0 : i32
      %sign3A_298 = arith.cmpi sgt, %reduce_sum3A_248, %sign3A_297 : i32
      %sign3A_299 = arith.extui %sign3A_298 : i1 to i32
      %sign3A_300 = arith.constant 0 : i32
      %sign3A_301 = arith.cmpi slt, %reduce_sum3A_248, %sign3A_300 : i32
      %sign3A_302 = arith.extui %sign3A_301 : i1 to i32
      %sign3A_303 = arith.subi %sign3A_299, %sign3A_302 : i32
      %sign3A_304 = arith.constant 0 : i32
      %sign3A_305 = arith.cmpi sgt, %jit3A_295, %sign3A_304 : i32
      %sign3A_306 = arith.extui %sign3A_305 : i1 to i32
      %sign3A_307 = arith.constant 0 : i32
      %sign3A_308 = arith.cmpi slt, %jit3A_295, %sign3A_307 : i32
      %sign3A_309 = arith.extui %sign3A_308 : i1 to i32
      %sign3A_310 = arith.subi %sign3A_306, %sign3A_309 : i32
      %ne3A_311 = arith.cmpi ne, %sign3A_303, %sign3A_310 : i32
      %rem3A_312 = arith.remsi %reduce_sum3A_248, %jit3A_295 : i32
      %ne3A_313 = arith.constant 0 : i32
      %ne3A_314 = arith.cmpi ne, %rem3A_312, %ne3A_313 : i32
      %and3A_315 = arith.andi %ne3A_311, %ne3A_314 : i1
      %sub3A_316 = arith.constant 1 : i32
      %sub3A_317 = arith.subi %div3A_296, %sub3A_316 : i32
      %select_n3A_318 = arith.select %and3A_315, %sub3A_317, %div3A_296 : i32
      %mul3A_319 = arith.constant 128 : i32
      %mul3A_320 = arith.muli %select_n3A_318, %mul3A_319 : i32
      %multiple_of3A_321 = tpu.assume_multiple %mul3A_320, 128 : i32
      %dma_start3A_322 = arith.constant 160 : i32
      %dma_start3A_323 = arith.constant 0 : i32
      %dma_start3A_324 = tpu.memref_slice %arg11[%dma_start3A_322, %dma_start3A_323] : memref<512x128xf32, #tpu.memory_space<vmem>> -> memref<32x128xf32, #tpu.memory_space<vmem>>
      %dma_start3A_325 = arith.constant 0 : i32
      %dma_start3A_326 = tpu.memref_slice %arg6[%dma_start3A_325, %multiple_of3A_321] : memref<32x1000000xf32, #tpu.memory_space<hbm>> -> memref<32x128xf32, #tpu.memory_space<hbm>>
      %dma_start3A_327 = arith.constant 160 : i32
      %dma_start3A_328 = arith.constant 0 : i32
      %dma_start3A_329 = tpu.memref_slice %arg11[%dma_start3A_327, %dma_start3A_328] : memref<512x128xf32, #tpu.memory_space<vmem>> -> memref<32x128xf32, #tpu.memory_space<vmem>>
      %dma_start3A_330 = arith.constant 0 : i32
      %dma_start3A_331 = tpu.memref_slice %arg6[%dma_start3A_330, %multiple_of3A_321] : memref<32x1000000xf32, #tpu.memory_space<hbm>> -> memref<32x128xf32, #tpu.memory_space<hbm>>
      tpu.enqueue_dma source(%dma_start3A_331 : memref<32x128xf32, #tpu.memory_space<hbm>>) target(%dma_start3A_329 : memref<32x128xf32, #tpu.memory_space<vmem>>) target_semaphore(%arg14 : memref<!tpu.dma_semaphore, #tpu.memory_space<semaphore_mem>>)
      %dma_start3A_332 = arith.constant 5 : i32
      %dma_start3A_333 = arith.constant 0 : i32
      %dma_start3A_334 = tpu.memref_slice %arg12[%dma_start3A_332, %dma_start3A_333] : memref<16x128xf32, #tpu.memory_space<vmem>> -> memref<1x128xf32, #tpu.memory_space<vmem>>
      %dma_start3A_335 = tpu.memref_squeeze %dma_start3A_334 : memref<1x128xf32, #tpu.memory_space<vmem>> -> memref<128xf32, #tpu.memory_space<vmem>>
      %dma_start3A_336 = tpu.memref_slice %arg7[%multiple_of3A_321] : memref<1000000xf32, #tpu.memory_space<hbm>> -> memref<128xf32, #tpu.memory_space<hbm>>
      %dma_start3A_337 = arith.constant 0 : i32
      %dma_start3A_338 = tpu.memref_slice %arg12[%dma_start3A_332, %dma_start3A_337] : memref<16x128xf32, #tpu.memory_space<vmem>> -> memref<1x128xf32, #tpu.memory_space<vmem>>
      %dma_start3A_339 = tpu.memref_squeeze %dma_start3A_338 : memref<1x128xf32, #tpu.memory_space<vmem>> -> memref<128xf32, #tpu.memory_space<vmem>>
      %dma_start3A_340 = tpu.memref_slice %arg7[%multiple_of3A_321] : memref<1000000xf32, #tpu.memory_space<hbm>> -> memref<128xf32, #tpu.memory_space<hbm>>
      tpu.enqueue_dma source(%dma_start3A_340 : memref<128xf32, #tpu.memory_space<hbm>>) target(%dma_start3A_339 : memref<128xf32, #tpu.memory_space<vmem>>) target_semaphore(%arg14 : memref<!tpu.dma_semaphore, #tpu.memory_space<semaphore_mem>>)
      %eq3A_341 = arith.constant 3 : i32
      %eq3A_342 = vector.broadcast %eq3A_341 : i32 to vector<16xi32>
      %eq3A_343 = arith.cmpi eq, %iota3A, %eq3A_342 : vector<16xi32>
      %select_n3A_344 = arith.select %eq3A_343, %get3A_19, %broadcast_in_dim3A_3 : vector<16xi1>, vector<16xi32>
      %reduce_sum3A_345 = arith.constant true
      %reduce_sum3A_346 = vector.broadcast %reduce_sum3A_345 : i1 to vector<16xi1>
      %reduce_sum3A_347 = tpu.scan <sum>, %select_n3A_344 masked %reduce_sum3A_346 : vector<16xi32>, vector<16xi1> -> vector<16xi32>
      %reduce_sum3A_348 = vector.extract %reduce_sum3A_347[15] : i32 from vector<16xi32>
      %eq3A_349 = arith.constant 3 : i32
      %eq3A_350 = vector.broadcast %eq3A_349 : i32 to vector<16xi32>
      %eq3A_351 = arith.cmpi eq, %iota3A, %eq3A_350 : vector<16xi32>
      %select_n3A_352 = arith.select %eq3A_351, %get3A_23, %broadcast_in_dim3A_3 : vector<16xi1>, vector<16xi32>
      %reduce_sum3A_353 = arith.constant true
      %reduce_sum3A_354 = vector.broadcast %reduce_sum3A_353 : i1 to vector<16xi1>
      %reduce_sum3A_355 = tpu.scan <sum>, %select_n3A_352 masked %reduce_sum3A_354 : vector<16xi32>, vector<16xi1> -> vector<16xi32>
      %reduce_sum3A_356 = vector.extract %reduce_sum3A_355[15] : i32 from vector<16xi32>
      %jit3A_357 = arith.constant 128 : i32
      %div3A_358 = arith.divsi %reduce_sum3A_348, %jit3A_357 : i32
      %sign3A_359 = arith.constant 0 : i32
      %sign3A_360 = arith.cmpi sgt, %reduce_sum3A_348, %sign3A_359 : i32
      %sign3A_361 = arith.extui %sign3A_360 : i1 to i32
      %sign3A_362 = arith.constant 0 : i32
      %sign3A_363 = arith.cmpi slt, %reduce_sum3A_348, %sign3A_362 : i32
      %sign3A_364 = arith.extui %sign3A_363 : i1 to i32
      %sign3A_365 = arith.subi %sign3A_361, %sign3A_364 : i32
      %sign3A_366 = arith.constant 0 : i32
      %sign3A_367 = arith.cmpi sgt, %jit3A_357, %sign3A_366 : i32
      %sign3A_368 = arith.extui %sign3A_367 : i1 to i32
      %sign3A_369 = arith.constant 0 : i32
      %sign3A_370 = arith.cmpi slt, %jit3A_357, %sign3A_369 : i32
      %sign3A_371 = arith.extui %sign3A_370 : i1 to i32
      %sign3A_372 = arith.subi %sign3A_368, %sign3A_371 : i32
      %ne3A_373 = arith.cmpi ne, %sign3A_365, %sign3A_372 : i32
      %rem3A_374 = arith.remsi %reduce_sum3A_348, %jit3A_357 : i32
      %ne3A_375 = arith.constant 0 : i32
      %ne3A_376 = arith.cmpi ne, %rem3A_374, %ne3A_375 : i32
      %and3A_377 = arith.andi %ne3A_373, %ne3A_376 : i1
      %sub3A_378 = arith.constant 1 : i32
      %sub3A_379 = arith.subi %div3A_358, %sub3A_378 : i32
      %select_n3A_380 = arith.select %and3A_377, %sub3A_379, %div3A_358 : i32
      %mul3A_381 = arith.constant 128 : i32
      %mul3A_382 = arith.muli %select_n3A_380, %mul3A_381 : i32
      %multiple_of3A_383 = tpu.assume_multiple %mul3A_382, 128 : i32
      %dma_start3A_384 = arith.constant 192 : i32
      %dma_start3A_385 = arith.constant 0 : i32
      %dma_start3A_386 = tpu.memref_slice %arg11[%dma_start3A_384, %dma_start3A_385] : memref<512x128xf32, #tpu.memory_space<vmem>> -> memref<32x128xf32, #tpu.memory_space<vmem>>
      %dma_start3A_387 = arith.constant 0 : i32
      %dma_start3A_388 = tpu.memref_slice %arg4[%dma_start3A_387, %multiple_of3A_383] : memref<32x1000000xf32, #tpu.memory_space<hbm>> -> memref<32x128xf32, #tpu.memory_space<hbm>>
      %dma_start3A_389 = arith.constant 192 : i32
      %dma_start3A_390 = arith.constant 0 : i32
      %dma_start3A_391 = tpu.memref_slice %arg11[%dma_start3A_389, %dma_start3A_390] : memref<512x128xf32, #tpu.memory_space<vmem>> -> memref<32x128xf32, #tpu.memory_space<vmem>>
      %dma_start3A_392 = arith.constant 0 : i32
      %dma_start3A_393 = tpu.memref_slice %arg4[%dma_start3A_392, %multiple_of3A_383] : memref<32x1000000xf32, #tpu.memory_space<hbm>> -> memref<32x128xf32, #tpu.memory_space<hbm>>
      tpu.enqueue_dma source(%dma_start3A_393 : memref<32x128xf32, #tpu.memory_space<hbm>>) target(%dma_start3A_391 : memref<32x128xf32, #tpu.memory_space<vmem>>) target_semaphore(%arg14 : memref<!tpu.dma_semaphore, #tpu.memory_space<semaphore_mem>>)
      %dma_start3A_394 = arith.constant 6 : i32
      %dma_start3A_395 = arith.constant 0 : i32
      %dma_start3A_396 = tpu.memref_slice %arg12[%dma_start3A_394, %dma_start3A_395] : memref<16x128xf32, #tpu.memory_space<vmem>> -> memref<1x128xf32, #tpu.memory_space<vmem>>
      %dma_start3A_397 = tpu.memref_squeeze %dma_start3A_396 : memref<1x128xf32, #tpu.memory_space<vmem>> -> memref<128xf32, #tpu.memory_space<vmem>>
      %dma_start3A_398 = tpu.memref_slice %arg5[%multiple_of3A_383] : memref<1000000xf32, #tpu.memory_space<hbm>> -> memref<128xf32, #tpu.memory_space<hbm>>
      %dma_start3A_399 = arith.constant 0 : i32
      %dma_start3A_400 = tpu.memref_slice %arg12[%dma_start3A_394, %dma_start3A_399] : memref<16x128xf32, #tpu.memory_space<vmem>> -> memref<1x128xf32, #tpu.memory_space<vmem>>
      %dma_start3A_401 = tpu.memref_squeeze %dma_start3A_400 : memref<1x128xf32, #tpu.memory_space<vmem>> -> memref<128xf32, #tpu.memory_space<vmem>>
      %dma_start3A_402 = tpu.memref_slice %arg5[%multiple_of3A_383] : memref<1000000xf32, #tpu.memory_space<hbm>> -> memref<128xf32, #tpu.memory_space<hbm>>
      tpu.enqueue_dma source(%dma_start3A_402 : memref<128xf32, #tpu.memory_space<hbm>>) target(%dma_start3A_401 : memref<128xf32, #tpu.memory_space<vmem>>) target_semaphore(%arg14 : memref<!tpu.dma_semaphore, #tpu.memory_space<semaphore_mem>>)
      %jit3A_403 = arith.constant 128 : i32
      %div3A_404 = arith.divsi %reduce_sum3A_356, %jit3A_403 : i32
      %sign3A_405 = arith.constant 0 : i32
      %sign3A_406 = arith.cmpi sgt, %reduce_sum3A_356, %sign3A_405 : i32
      %sign3A_407 = arith.extui %sign3A_406 : i1 to i32
      %sign3A_408 = arith.constant 0 : i32
      %sign3A_409 = arith.cmpi slt, %reduce_sum3A_356, %sign3A_408 : i32
      %sign3A_410 = arith.extui %sign3A_409 : i1 to i32
      %sign3A_411 = arith.subi %sign3A_407, %sign3A_410 : i32
      %sign3A_412 = arith.constant 0 : i32
      %sign3A_413 = arith.cmpi sgt, %jit3A_403, %sign3A_412 : i32
      %sign3A_414 = arith.extui %sign3A_413 : i1 to i32
      %sign3A_415 = arith.constant 0 : i32
      %sign3A_416 = arith.cmpi slt, %jit3A_403, %sign3A_415 : i32
      %sign3A_417 = arith.extui %sign3A_416 : i1 to i32
      %sign3A_418 = arith.subi %sign3A_414, %sign3A_417 : i32
      %ne3A_419 = arith.cmpi ne, %sign3A_411, %sign3A_418 : i32
      %rem3A_420 = arith.remsi %reduce_sum3A_356, %jit3A_403 : i32
      %ne3A_421 = arith.constant 0 : i32
      %ne3A_422 = arith.cmpi ne, %rem3A_420, %ne3A_421 : i32
      %and3A_423 = arith.andi %ne3A_419, %ne3A_422 : i1
      %sub3A_424 = arith.constant 1 : i32
      %sub3A_425 = arith.subi %div3A_404, %sub3A_424 : i32
      %select_n3A_426 = arith.select %and3A_423, %sub3A_425, %div3A_404 : i32
      %mul3A_427 = arith.constant 128 : i32
      %mul3A_428 = arith.muli %select_n3A_426, %mul3A_427 : i32
      %multiple_of3A_429 = tpu.assume_multiple %mul3A_428, 128 : i32
      %dma_start3A_430 = arith.constant 224 : i32
      %dma_start3A_431 = arith.constant 0 : i32
      %dma_start3A_432 = tpu.memref_slice %arg11[%dma_start3A_430, %dma_start3A_431] : memref<512x128xf32, #tpu.memory_space<vmem>> -> memref<32x128xf32, #tpu.memory_space<vmem>>
      %dma_start3A_433 = arith.constant 0 : i32
      %dma_start3A_434 = tpu.memref_slice %arg6[%dma_start3A_433, %multiple_of3A_429] : memref<32x1000000xf32, #tpu.memory_space<hbm>> -> memref<32x128xf32, #tpu.memory_space<hbm>>
      %dma_start3A_435 = arith.constant 224 : i32
      %dma_start3A_436 = arith.constant 0 : i32
      %dma_start3A_437 = tpu.memref_slice %arg11[%dma_start3A_435, %dma_start3A_436] : memref<512x128xf32, #tpu.memory_space<vmem>> -> memref<32x128xf32, #tpu.memory_space<vmem>>
      %dma_start3A_438 = arith.constant 0 : i32
      %dma_start3A_439 = tpu.memref_slice %arg6[%dma_start3A_438, %multiple_of3A_429] : memref<32x1000000xf32, #tpu.memory_space<hbm>> -> memref<32x128xf32, #tpu.memory_space<hbm>>
      tpu.enqueue_dma source(%dma_start3A_439 : memref<32x128xf32, #tpu.memory_space<hbm>>) target(%dma_start3A_437 : memref<32x128xf32, #tpu.memory_space<vmem>>) target_semaphore(%arg14 : memref<!tpu.dma_semaphore, #tpu.memory_space<semaphore_mem>>)
      %dma_start3A_440 = arith.constant 7 : i32
      %dma_start3A_441 = arith.constant 0 : i32
      %dma_start3A_442 = tpu.memref_slice %arg12[%dma_start3A_440, %dma_start3A_441] : memref<16x128xf32, #tpu.memory_space<vmem>> -> memref<1x128xf32, #tpu.memory_space<vmem>>
      %dma_start3A_443 = tpu.memref_squeeze %dma_start3A_442 : memref<1x128xf32, #tpu.memory_space<vmem>> -> memref<128xf32, #tpu.memory_space<vmem>>
      %dma_start3A_444 = tpu.memref_slice %arg7[%multiple_of3A_429] : memref<1000000xf32, #tpu.memory_space<hbm>> -> memref<128xf32, #tpu.memory_space<hbm>>
      %dma_start3A_445 = arith.constant 0 : i32
      %dma_start3A_446 = tpu.memref_slice %arg12[%dma_start3A_440, %dma_start3A_445] : memref<16x128xf32, #tpu.memory_space<vmem>> -> memref<1x128xf32, #tpu.memory_space<vmem>>
      %dma_start3A_447 = tpu.memref_squeeze %dma_start3A_446 : memref<1x128xf32, #tpu.memory_space<vmem>> -> memref<128xf32, #tpu.memory_space<vmem>>
      %dma_start3A_448 = tpu.memref_slice %arg7[%multiple_of3A_429] : memref<1000000xf32, #tpu.memory_space<hbm>> -> memref<128xf32, #tpu.memory_space<hbm>>
      tpu.enqueue_dma source(%dma_start3A_448 : memref<128xf32, #tpu.memory_space<hbm>>) target(%dma_start3A_447 : memref<128xf32, #tpu.memory_space<vmem>>) target_semaphore(%arg14 : memref<!tpu.dma_semaphore, #tpu.memory_space<semaphore_mem>>)
      %eq3A_449 = arith.constant 4 : i32
      %eq3A_450 = vector.broadcast %eq3A_449 : i32 to vector<16xi32>
      %eq3A_451 = arith.cmpi eq, %iota3A, %eq3A_450 : vector<16xi32>
      %select_n3A_452 = arith.select %eq3A_451, %get3A_19, %broadcast_in_dim3A_3 : vector<16xi1>, vector<16xi32>
      %reduce_sum3A_453 = arith.constant true
      %reduce_sum3A_454 = vector.broadcast %reduce_sum3A_453 : i1 to vector<16xi1>
      %reduce_sum3A_455 = tpu.scan <sum>, %select_n3A_452 masked %reduce_sum3A_454 : vector<16xi32>, vector<16xi1> -> vector<16xi32>
      %reduce_sum3A_456 = vector.extract %reduce_sum3A_455[15] : i32 from vector<16xi32>
      %eq3A_457 = arith.constant 4 : i32
      %eq3A_458 = vector.broadcast %eq3A_457 : i32 to vector<16xi32>
      %eq3A_459 = arith.cmpi eq, %iota3A, %eq3A_458 : vector<16xi32>
      %select_n3A_460 = arith.select %eq3A_459, %get3A_23, %broadcast_in_dim3A_3 : vector<16xi1>, vector<16xi32>
      %reduce_sum3A_461 = arith.constant true
      %reduce_sum3A_462 = vector.broadcast %reduce_sum3A_461 : i1 to vector<16xi1>
      %reduce_sum3A_463 = tpu.scan <sum>, %select_n3A_460 masked %reduce_sum3A_462 : vector<16xi32>, vector<16xi1> -> vector<16xi32>
      %reduce_sum3A_464 = vector.extract %reduce_sum3A_463[15] : i32 from vector<16xi32>
      %jit3A_465 = arith.constant 128 : i32
      %div3A_466 = arith.divsi %reduce_sum3A_456, %jit3A_465 : i32
      %sign3A_467 = arith.constant 0 : i32
      %sign3A_468 = arith.cmpi sgt, %reduce_sum3A_456, %sign3A_467 : i32
      %sign3A_469 = arith.extui %sign3A_468 : i1 to i32
      %sign3A_470 = arith.constant 0 : i32
      %sign3A_471 = arith.cmpi slt, %reduce_sum3A_456, %sign3A_470 : i32
      %sign3A_472 = arith.extui %sign3A_471 : i1 to i32
      %sign3A_473 = arith.subi %sign3A_469, %sign3A_472 : i32
      %sign3A_474 = arith.constant 0 : i32
      %sign3A_475 = arith.cmpi sgt, %jit3A_465, %sign3A_474 : i32
      %sign3A_476 = arith.extui %sign3A_475 : i1 to i32
      %sign3A_477 = arith.constant 0 : i32
      %sign3A_478 = arith.cmpi slt, %jit3A_465, %sign3A_477 : i32
      %sign3A_479 = arith.extui %sign3A_478 : i1 to i32
      %sign3A_480 = arith.subi %sign3A_476, %sign3A_479 : i32
      %ne3A_481 = arith.cmpi ne, %sign3A_473, %sign3A_480 : i32
      %rem3A_482 = arith.remsi %reduce_sum3A_456, %jit3A_465 : i32
      %ne3A_483 = arith.constant 0 : i32
      %ne3A_484 = arith.cmpi ne, %rem3A_482, %ne3A_483 : i32
      %and3A_485 = arith.andi %ne3A_481, %ne3A_484 : i1
      %sub3A_486 = arith.constant 1 : i32
      %sub3A_487 = arith.subi %div3A_466, %sub3A_486 : i32
      %select_n3A_488 = arith.select %and3A_485, %sub3A_487, %div3A_466 : i32
      %mul3A_489 = arith.constant 128 : i32
      %mul3A_490 = arith.muli %select_n3A_488, %mul3A_489 : i32
      %multiple_of3A_491 = tpu.assume_multiple %mul3A_490, 128 : i32
      %dma_start3A_492 = arith.constant 256 : i32
      %dma_start3A_493 = arith.constant 0 : i32
      %dma_start3A_494 = tpu.memref_slice %arg11[%dma_start3A_492, %dma_start3A_493] : memref<512x128xf32, #tpu.memory_space<vmem>> -> memref<32x128xf32, #tpu.memory_space<vmem>>
      %dma_start3A_495 = arith.constant 0 : i32
      %dma_start3A_496 = tpu.memref_slice %arg4[%dma_start3A_495, %multiple_of3A_491] : memref<32x1000000xf32, #tpu.memory_space<hbm>> -> memref<32x128xf32, #tpu.memory_space<hbm>>
      %dma_start3A_497 = arith.constant 256 : i32
      %dma_start3A_498 = arith.constant 0 : i32
      %dma_start3A_499 = tpu.memref_slice %arg11[%dma_start3A_497, %dma_start3A_498] : memref<512x128xf32, #tpu.memory_space<vmem>> -> memref<32x128xf32, #tpu.memory_space<vmem>>
      %dma_start3A_500 = arith.constant 0 : i32
      %dma_start3A_501 = tpu.memref_slice %arg4[%dma_start3A_500, %multiple_of3A_491] : memref<32x1000000xf32, #tpu.memory_space<hbm>> -> memref<32x128xf32, #tpu.memory_space<hbm>>
      tpu.enqueue_dma source(%dma_start3A_501 : memref<32x128xf32, #tpu.memory_space<hbm>>) target(%dma_start3A_499 : memref<32x128xf32, #tpu.memory_space<vmem>>) target_semaphore(%arg14 : memref<!tpu.dma_semaphore, #tpu.memory_space<semaphore_mem>>)
      %dma_start3A_502 = arith.constant 8 : i32
      %dma_start3A_503 = arith.constant 0 : i32
      %dma_start3A_504 = tpu.memref_slice %arg12[%dma_start3A_502, %dma_start3A_503] : memref<16x128xf32, #tpu.memory_space<vmem>> -> memref<1x128xf32, #tpu.memory_space<vmem>>
      %dma_start3A_505 = tpu.memref_squeeze %dma_start3A_504 : memref<1x128xf32, #tpu.memory_space<vmem>> -> memref<128xf32, #tpu.memory_space<vmem>>
      %dma_start3A_506 = tpu.memref_slice %arg5[%multiple_of3A_491] : memref<1000000xf32, #tpu.memory_space<hbm>> -> memref<128xf32, #tpu.memory_space<hbm>>
      %dma_start3A_507 = arith.constant 0 : i32
      %dma_start3A_508 = tpu.memref_slice %arg12[%dma_start3A_502, %dma_start3A_507] : memref<16x128xf32, #tpu.memory_space<vmem>> -> memref<1x128xf32, #tpu.memory_space<vmem>>
      %dma_start3A_509 = tpu.memref_squeeze %dma_start3A_508 : memref<1x128xf32, #tpu.memory_space<vmem>> -> memref<128xf32, #tpu.memory_space<vmem>>
      %dma_start3A_510 = tpu.memref_slice %arg5[%multiple_of3A_491] : memref<1000000xf32, #tpu.memory_space<hbm>> -> memref<128xf32, #tpu.memory_space<hbm>>
      tpu.enqueue_dma source(%dma_start3A_510 : memref<128xf32, #tpu.memory_space<hbm>>) target(%dma_start3A_509 : memref<128xf32, #tpu.memory_space<vmem>>) target_semaphore(%arg14 : memref<!tpu.dma_semaphore, #tpu.memory_space<semaphore_mem>>)
      %jit3A_511 = arith.constant 128 : i32
      %div3A_512 = arith.divsi %reduce_sum3A_464, %jit3A_511 : i32
      %sign3A_513 = arith.constant 0 : i32
      %sign3A_514 = arith.cmpi sgt, %reduce_sum3A_464, %sign3A_513 : i32
      %sign3A_515 = arith.extui %sign3A_514 : i1 to i32
      %sign3A_516 = arith.constant 0 : i32
      %sign3A_517 = arith.cmpi slt, %reduce_sum3A_464, %sign3A_516 : i32
      %sign3A_518 = arith.extui %sign3A_517 : i1 to i32
      %sign3A_519 = arith.subi %sign3A_515, %sign3A_518 : i32
      %sign3A_520 = arith.constant 0 : i32
      %sign3A_521 = arith.cmpi sgt, %jit3A_511, %sign3A_520 : i32
      %sign3A_522 = arith.extui %sign3A_521 : i1 to i32
      %sign3A_523 = arith.constant 0 : i32
      %sign3A_524 = arith.cmpi slt, %jit3A_511, %sign3A_523 : i32
      %sign3A_525 = arith.extui %sign3A_524 : i1 to i32
      %sign3A_526 = arith.subi %sign3A_522, %sign3A_525 : i32
      %ne3A_527 = arith.cmpi ne, %sign3A_519, %sign3A_526 : i32
      %rem3A_528 = arith.remsi %reduce_sum3A_464, %jit3A_511 : i32
      %ne3A_529 = arith.constant 0 : i32
      %ne3A_530 = arith.cmpi ne, %rem3A_528, %ne3A_529 : i32
      %and3A_531 = arith.andi %ne3A_527, %ne3A_530 : i1
      %sub3A_532 = arith.constant 1 : i32
      %sub3A_533 = arith.subi %div3A_512, %sub3A_532 : i32
      %select_n3A_534 = arith.select %and3A_531, %sub3A_533, %div3A_512 : i32
      %mul3A_535 = arith.constant 128 : i32
      %mul3A_536 = arith.muli %select_n3A_534, %mul3A_535 : i32
      %multiple_of3A_537 = tpu.assume_multiple %mul3A_536, 128 : i32
      %dma_start3A_538 = arith.constant 288 : i32
      %dma_start3A_539 = arith.constant 0 : i32
      %dma_start3A_540 = tpu.memref_slice %arg11[%dma_start3A_538, %dma_start3A_539] : memref<512x128xf32, #tpu.memory_space<vmem>> -> memref<32x128xf32, #tpu.memory_space<vmem>>
      %dma_start3A_541 = arith.constant 0 : i32
      %dma_start3A_542 = tpu.memref_slice %arg6[%dma_start3A_541, %multiple_of3A_537] : memref<32x1000000xf32, #tpu.memory_space<hbm>> -> memref<32x128xf32, #tpu.memory_space<hbm>>
      %dma_start3A_543 = arith.constant 288 : i32
      %dma_start3A_544 = arith.constant 0 : i32
      %dma_start3A_545 = tpu.memref_slice %arg11[%dma_start3A_543, %dma_start3A_544] : memref<512x128xf32, #tpu.memory_space<vmem>> -> memref<32x128xf32, #tpu.memory_space<vmem>>
      %dma_start3A_546 = arith.constant 0 : i32
      %dma_start3A_547 = tpu.memref_slice %arg6[%dma_start3A_546, %multiple_of3A_537] : memref<32x1000000xf32, #tpu.memory_space<hbm>> -> memref<32x128xf32, #tpu.memory_space<hbm>>
      tpu.enqueue_dma source(%dma_start3A_547 : memref<32x128xf32, #tpu.memory_space<hbm>>) target(%dma_start3A_545 : memref<32x128xf32, #tpu.memory_space<vmem>>) target_semaphore(%arg14 : memref<!tpu.dma_semaphore, #tpu.memory_space<semaphore_mem>>)
      %dma_start3A_548 = arith.constant 9 : i32
      %dma_start3A_549 = arith.constant 0 : i32
      %dma_start3A_550 = tpu.memref_slice %arg12[%dma_start3A_548, %dma_start3A_549] : memref<16x128xf32, #tpu.memory_space<vmem>> -> memref<1x128xf32, #tpu.memory_space<vmem>>
      %dma_start3A_551 = tpu.memref_squeeze %dma_start3A_550 : memref<1x128xf32, #tpu.memory_space<vmem>> -> memref<128xf32, #tpu.memory_space<vmem>>
      %dma_start3A_552 = tpu.memref_slice %arg7[%multiple_of3A_537] : memref<1000000xf32, #tpu.memory_space<hbm>> -> memref<128xf32, #tpu.memory_space<hbm>>
      %dma_start3A_553 = arith.constant 0 : i32
      %dma_start3A_554 = tpu.memref_slice %arg12[%dma_start3A_548, %dma_start3A_553] : memref<16x128xf32, #tpu.memory_space<vmem>> -> memref<1x128xf32, #tpu.memory_space<vmem>>
      %dma_start3A_555 = tpu.memref_squeeze %dma_start3A_554 : memref<1x128xf32, #tpu.memory_space<vmem>> -> memref<128xf32, #tpu.memory_space<vmem>>
      %dma_start3A_556 = tpu.memref_slice %arg7[%multiple_of3A_537] : memref<1000000xf32, #tpu.memory_space<hbm>> -> memref<128xf32, #tpu.memory_space<hbm>>
      tpu.enqueue_dma source(%dma_start3A_556 : memref<128xf32, #tpu.memory_space<hbm>>) target(%dma_start3A_555 : memref<128xf32, #tpu.memory_space<vmem>>) target_semaphore(%arg14 : memref<!tpu.dma_semaphore, #tpu.memory_space<semaphore_mem>>)
      %eq3A_557 = arith.constant 5 : i32
      %eq3A_558 = vector.broadcast %eq3A_557 : i32 to vector<16xi32>
      %eq3A_559 = arith.cmpi eq, %iota3A, %eq3A_558 : vector<16xi32>
      %select_n3A_560 = arith.select %eq3A_559, %get3A_19, %broadcast_in_dim3A_3 : vector<16xi1>, vector<16xi32>
      %reduce_sum3A_561 = arith.constant true
      %reduce_sum3A_562 = vector.broadcast %reduce_sum3A_561 : i1 to vector<16xi1>
      %reduce_sum3A_563 = tpu.scan <sum>, %select_n3A_560 masked %reduce_sum3A_562 : vector<16xi32>, vector<16xi1> -> vector<16xi32>
      %reduce_sum3A_564 = vector.extract %reduce_sum3A_563[15] : i32 from vector<16xi32>
      %eq3A_565 = arith.constant 5 : i32
      %eq3A_566 = vector.broadcast %eq3A_565 : i32 to vector<16xi32>
      %eq3A_567 = arith.cmpi eq, %iota3A, %eq3A_566 : vector<16xi32>
      %select_n3A_568 = arith.select %eq3A_567, %get3A_23, %broadcast_in_dim3A_3 : vector<16xi1>, vector<16xi32>
      %reduce_sum3A_569 = arith.constant true
      %reduce_sum3A_570 = vector.broadcast %reduce_sum3A_569 : i1 to vector<16xi1>
      %reduce_sum3A_571 = tpu.scan <sum>, %select_n3A_568 masked %reduce_sum3A_570 : vector<16xi32>, vector<16xi1> -> vector<16xi32>
      %reduce_sum3A_572 = vector.extract %reduce_sum3A_571[15] : i32 from vector<16xi32>
      %jit3A_573 = arith.constant 128 : i32
      %div3A_574 = arith.divsi %reduce_sum3A_564, %jit3A_573 : i32
      %sign3A_575 = arith.constant 0 : i32
      %sign3A_576 = arith.cmpi sgt, %reduce_sum3A_564, %sign3A_575 : i32
      %sign3A_577 = arith.extui %sign3A_576 : i1 to i32
      %sign3A_578 = arith.constant 0 : i32
      %sign3A_579 = arith.cmpi slt, %reduce_sum3A_564, %sign3A_578 : i32
      %sign3A_580 = arith.extui %sign3A_579 : i1 to i32
      %sign3A_581 = arith.subi %sign3A_577, %sign3A_580 : i32
      %sign3A_582 = arith.constant 0 : i32
      %sign3A_583 = arith.cmpi sgt, %jit3A_573, %sign3A_582 : i32
      %sign3A_584 = arith.extui %sign3A_583 : i1 to i32
      %sign3A_585 = arith.constant 0 : i32
      %sign3A_586 = arith.cmpi slt, %jit3A_573, %sign3A_585 : i32
      %sign3A_587 = arith.extui %sign3A_586 : i1 to i32
      %sign3A_588 = arith.subi %sign3A_584, %sign3A_587 : i32
      %ne3A_589 = arith.cmpi ne, %sign3A_581, %sign3A_588 : i32
      %rem3A_590 = arith.remsi %reduce_sum3A_564, %jit3A_573 : i32
      %ne3A_591 = arith.constant 0 : i32
      %ne3A_592 = arith.cmpi ne, %rem3A_590, %ne3A_591 : i32
      %and3A_593 = arith.andi %ne3A_589, %ne3A_592 : i1
      %sub3A_594 = arith.constant 1 : i32
      %sub3A_595 = arith.subi %div3A_574, %sub3A_594 : i32
      %select_n3A_596 = arith.select %and3A_593, %sub3A_595, %div3A_574 : i32
      %mul3A_597 = arith.constant 128 : i32
      %mul3A_598 = arith.muli %select_n3A_596, %mul3A_597 : i32
      %multiple_of3A_599 = tpu.assume_multiple %mul3A_598, 128 : i32
      %dma_start3A_600 = arith.constant 320 : i32
      %dma_start3A_601 = arith.constant 0 : i32
      %dma_start3A_602 = tpu.memref_slice %arg11[%dma_start3A_600, %dma_start3A_601] : memref<512x128xf32, #tpu.memory_space<vmem>> -> memref<32x128xf32, #tpu.memory_space<vmem>>
      %dma_start3A_603 = arith.constant 0 : i32
      %dma_start3A_604 = tpu.memref_slice %arg4[%dma_start3A_603, %multiple_of3A_599] : memref<32x1000000xf32, #tpu.memory_space<hbm>> -> memref<32x128xf32, #tpu.memory_space<hbm>>
      %dma_start3A_605 = arith.constant 320 : i32
      %dma_start3A_606 = arith.constant 0 : i32
      %dma_start3A_607 = tpu.memref_slice %arg11[%dma_start3A_605, %dma_start3A_606] : memref<512x128xf32, #tpu.memory_space<vmem>> -> memref<32x128xf32, #tpu.memory_space<vmem>>
      %dma_start3A_608 = arith.constant 0 : i32
      %dma_start3A_609 = tpu.memref_slice %arg4[%dma_start3A_608, %multiple_of3A_599] : memref<32x1000000xf32, #tpu.memory_space<hbm>> -> memref<32x128xf32, #tpu.memory_space<hbm>>
      tpu.enqueue_dma source(%dma_start3A_609 : memref<32x128xf32, #tpu.memory_space<hbm>>) target(%dma_start3A_607 : memref<32x128xf32, #tpu.memory_space<vmem>>) target_semaphore(%arg14 : memref<!tpu.dma_semaphore, #tpu.memory_space<semaphore_mem>>)
      %dma_start3A_610 = arith.constant 10 : i32
      %dma_start3A_611 = arith.constant 0 : i32
      %dma_start3A_612 = tpu.memref_slice %arg12[%dma_start3A_610, %dma_start3A_611] : memref<16x128xf32, #tpu.memory_space<vmem>> -> memref<1x128xf32, #tpu.memory_space<vmem>>
      %dma_start3A_613 = tpu.memref_squeeze %dma_start3A_612 : memref<1x128xf32, #tpu.memory_space<vmem>> -> memref<128xf32, #tpu.memory_space<vmem>>
      %dma_start3A_614 = tpu.memref_slice %arg5[%multiple_of3A_599] : memref<1000000xf32, #tpu.memory_space<hbm>> -> memref<128xf32, #tpu.memory_space<hbm>>
      %dma_start3A_615 = arith.constant 0 : i32
      %dma_start3A_616 = tpu.memref_slice %arg12[%dma_start3A_610, %dma_start3A_615] : memref<16x128xf32, #tpu.memory_space<vmem>> -> memref<1x128xf32, #tpu.memory_space<vmem>>
      %dma_start3A_617 = tpu.memref_squeeze %dma_start3A_616 : memref<1x128xf32, #tpu.memory_space<vmem>> -> memref<128xf32, #tpu.memory_space<vmem>>
      %dma_start3A_618 = tpu.memref_slice %arg5[%multiple_of3A_599] : memref<1000000xf32, #tpu.memory_space<hbm>> -> memref<128xf32, #tpu.memory_space<hbm>>
      tpu.enqueue_dma source(%dma_start3A_618 : memref<128xf32, #tpu.memory_space<hbm>>) target(%dma_start3A_617 : memref<128xf32, #tpu.memory_space<vmem>>) target_semaphore(%arg14 : memref<!tpu.dma_semaphore, #tpu.memory_space<semaphore_mem>>)
      %jit3A_619 = arith.constant 128 : i32
      %div3A_620 = arith.divsi %reduce_sum3A_572, %jit3A_619 : i32
      %sign3A_621 = arith.constant 0 : i32
      %sign3A_622 = arith.cmpi sgt, %reduce_sum3A_572, %sign3A_621 : i32
      %sign3A_623 = arith.extui %sign3A_622 : i1 to i32
      %sign3A_624 = arith.constant 0 : i32
      %sign3A_625 = arith.cmpi slt, %reduce_sum3A_572, %sign3A_624 : i32
      %sign3A_626 = arith.extui %sign3A_625 : i1 to i32
      %sign3A_627 = arith.subi %sign3A_623, %sign3A_626 : i32
      %sign3A_628 = arith.constant 0 : i32
      %sign3A_629 = arith.cmpi sgt, %jit3A_619, %sign3A_628 : i32
      %sign3A_630 = arith.extui %sign3A_629 : i1 to i32
      %sign3A_631 = arith.constant 0 : i32
      %sign3A_632 = arith.cmpi slt, %jit3A_619, %sign3A_631 : i32
      %sign3A_633 = arith.extui %sign3A_632 : i1 to i32
      %sign3A_634 = arith.subi %sign3A_630, %sign3A_633 : i32
      %ne3A_635 = arith.cmpi ne, %sign3A_627, %sign3A_634 : i32
      %rem3A_636 = arith.remsi %reduce_sum3A_572, %jit3A_619 : i32
      %ne3A_637 = arith.constant 0 : i32
      %ne3A_638 = arith.cmpi ne, %rem3A_636, %ne3A_637 : i32
      %and3A_639 = arith.andi %ne3A_635, %ne3A_638 : i1
      %sub3A_640 = arith.constant 1 : i32
      %sub3A_641 = arith.subi %div3A_620, %sub3A_640 : i32
      %select_n3A_642 = arith.select %and3A_639, %sub3A_641, %div3A_620 : i32
      %mul3A_643 = arith.constant 128 : i32
      %mul3A_644 = arith.muli %select_n3A_642, %mul3A_643 : i32
      %multiple_of3A_645 = tpu.assume_multiple %mul3A_644, 128 : i32
      %dma_start3A_646 = arith.constant 352 : i32
      %dma_start3A_647 = arith.constant 0 : i32
      %dma_start3A_648 = tpu.memref_slice %arg11[%dma_start3A_646, %dma_start3A_647] : memref<512x128xf32, #tpu.memory_space<vmem>> -> memref<32x128xf32, #tpu.memory_space<vmem>>
      %dma_start3A_649 = arith.constant 0 : i32
      %dma_start3A_650 = tpu.memref_slice %arg6[%dma_start3A_649, %multiple_of3A_645] : memref<32x1000000xf32, #tpu.memory_space<hbm>> -> memref<32x128xf32, #tpu.memory_space<hbm>>
      %dma_start3A_651 = arith.constant 352 : i32
      %dma_start3A_652 = arith.constant 0 : i32
      %dma_start3A_653 = tpu.memref_slice %arg11[%dma_start3A_651, %dma_start3A_652] : memref<512x128xf32, #tpu.memory_space<vmem>> -> memref<32x128xf32, #tpu.memory_space<vmem>>
      %dma_start3A_654 = arith.constant 0 : i32
      %dma_start3A_655 = tpu.memref_slice %arg6[%dma_start3A_654, %multiple_of3A_645] : memref<32x1000000xf32, #tpu.memory_space<hbm>> -> memref<32x128xf32, #tpu.memory_space<hbm>>
      tpu.enqueue_dma source(%dma_start3A_655 : memref<32x128xf32, #tpu.memory_space<hbm>>) target(%dma_start3A_653 : memref<32x128xf32, #tpu.memory_space<vmem>>) target_semaphore(%arg14 : memref<!tpu.dma_semaphore, #tpu.memory_space<semaphore_mem>>)
      %dma_start3A_656 = arith.constant 11 : i32
      %dma_start3A_657 = arith.constant 0 : i32
      %dma_start3A_658 = tpu.memref_slice %arg12[%dma_start3A_656, %dma_start3A_657] : memref<16x128xf32, #tpu.memory_space<vmem>> -> memref<1x128xf32, #tpu.memory_space<vmem>>
      %dma_start3A_659 = tpu.memref_squeeze %dma_start3A_658 : memref<1x128xf32, #tpu.memory_space<vmem>> -> memref<128xf32, #tpu.memory_space<vmem>>
      %dma_start3A_660 = tpu.memref_slice %arg7[%multiple_of3A_645] : memref<1000000xf32, #tpu.memory_space<hbm>> -> memref<128xf32, #tpu.memory_space<hbm>>
      %dma_start3A_661 = arith.constant 0 : i32
      %dma_start3A_662 = tpu.memref_slice %arg12[%dma_start3A_656, %dma_start3A_661] : memref<16x128xf32, #tpu.memory_space<vmem>> -> memref<1x128xf32, #tpu.memory_space<vmem>>
      %dma_start3A_663 = tpu.memref_squeeze %dma_start3A_662 : memref<1x128xf32, #tpu.memory_space<vmem>> -> memref<128xf32, #tpu.memory_space<vmem>>
      %dma_start3A_664 = tpu.memref_slice %arg7[%multiple_of3A_645] : memref<1000000xf32, #tpu.memory_space<hbm>> -> memref<128xf32, #tpu.memory_space<hbm>>
      tpu.enqueue_dma source(%dma_start3A_664 : memref<128xf32, #tpu.memory_space<hbm>>) target(%dma_start3A_663 : memref<128xf32, #tpu.memory_space<vmem>>) target_semaphore(%arg14 : memref<!tpu.dma_semaphore, #tpu.memory_space<semaphore_mem>>)
      %eq3A_665 = arith.constant 6 : i32
      %eq3A_666 = vector.broadcast %eq3A_665 : i32 to vector<16xi32>
      %eq3A_667 = arith.cmpi eq, %iota3A, %eq3A_666 : vector<16xi32>
      %select_n3A_668 = arith.select %eq3A_667, %get3A_19, %broadcast_in_dim3A_3 : vector<16xi1>, vector<16xi32>
      %reduce_sum3A_669 = arith.constant true
      %reduce_sum3A_670 = vector.broadcast %reduce_sum3A_669 : i1 to vector<16xi1>
      %reduce_sum3A_671 = tpu.scan <sum>, %select_n3A_668 masked %reduce_sum3A_670 : vector<16xi32>, vector<16xi1> -> vector<16xi32>
      %reduce_sum3A_672 = vector.extract %reduce_sum3A_671[15] : i32 from vector<16xi32>
      %eq3A_673 = arith.constant 6 : i32
      %eq3A_674 = vector.broadcast %eq3A_673 : i32 to vector<16xi32>
      %eq3A_675 = arith.cmpi eq, %iota3A, %eq3A_674 : vector<16xi32>
      %select_n3A_676 = arith.select %eq3A_675, %get3A_23, %broadcast_in_dim3A_3 : vector<16xi1>, vector<16xi32>
      %reduce_sum3A_677 = arith.constant true
      %reduce_sum3A_678 = vector.broadcast %reduce_sum3A_677 : i1 to vector<16xi1>
      %reduce_sum3A_679 = tpu.scan <sum>, %select_n3A_676 masked %reduce_sum3A_678 : vector<16xi32>, vector<16xi1> -> vector<16xi32>
      %reduce_sum3A_680 = vector.extract %reduce_sum3A_679[15] : i32 from vector<16xi32>
      %jit3A_681 = arith.constant 128 : i32
      %div3A_682 = arith.divsi %reduce_sum3A_672, %jit3A_681 : i32
      %sign3A_683 = arith.constant 0 : i32
      %sign3A_684 = arith.cmpi sgt, %reduce_sum3A_672, %sign3A_683 : i32
      %sign3A_685 = arith.extui %sign3A_684 : i1 to i32
      %sign3A_686 = arith.constant 0 : i32
      %sign3A_687 = arith.cmpi slt, %reduce_sum3A_672, %sign3A_686 : i32
      %sign3A_688 = arith.extui %sign3A_687 : i1 to i32
      %sign3A_689 = arith.subi %sign3A_685, %sign3A_688 : i32
      %sign3A_690 = arith.constant 0 : i32
      %sign3A_691 = arith.cmpi sgt, %jit3A_681, %sign3A_690 : i32
      %sign3A_692 = arith.extui %sign3A_691 : i1 to i32
      %sign3A_693 = arith.constant 0 : i32
      %sign3A_694 = arith.cmpi slt, %jit3A_681, %sign3A_693 : i32
      %sign3A_695 = arith.extui %sign3A_694 : i1 to i32
      %sign3A_696 = arith.subi %sign3A_692, %sign3A_695 : i32
      %ne3A_697 = arith.cmpi ne, %sign3A_689, %sign3A_696 : i32
      %rem3A_698 = arith.remsi %reduce_sum3A_672, %jit3A_681 : i32
      %ne3A_699 = arith.constant 0 : i32
      %ne3A_700 = arith.cmpi ne, %rem3A_698, %ne3A_699 : i32
      %and3A_701 = arith.andi %ne3A_697, %ne3A_700 : i1
      %sub3A_702 = arith.constant 1 : i32
      %sub3A_703 = arith.subi %div3A_682, %sub3A_702 : i32
      %select_n3A_704 = arith.select %and3A_701, %sub3A_703, %div3A_682 : i32
      %mul3A_705 = arith.constant 128 : i32
      %mul3A_706 = arith.muli %select_n3A_704, %mul3A_705 : i32
      %multiple_of3A_707 = tpu.assume_multiple %mul3A_706, 128 : i32
      %dma_start3A_708 = arith.constant 384 : i32
      %dma_start3A_709 = arith.constant 0 : i32
      %dma_start3A_710 = tpu.memref_slice %arg11[%dma_start3A_708, %dma_start3A_709] : memref<512x128xf32, #tpu.memory_space<vmem>> -> memref<32x128xf32, #tpu.memory_space<vmem>>
      %dma_start3A_711 = arith.constant 0 : i32
      %dma_start3A_712 = tpu.memref_slice %arg4[%dma_start3A_711, %multiple_of3A_707] : memref<32x1000000xf32, #tpu.memory_space<hbm>> -> memref<32x128xf32, #tpu.memory_space<hbm>>
      %dma_start3A_713 = arith.constant 384 : i32
      %dma_start3A_714 = arith.constant 0 : i32
      %dma_start3A_715 = tpu.memref_slice %arg11[%dma_start3A_713, %dma_start3A_714] : memref<512x128xf32, #tpu.memory_space<vmem>> -> memref<32x128xf32, #tpu.memory_space<vmem>>
      %dma_start3A_716 = arith.constant 0 : i32
      %dma_start3A_717 = tpu.memref_slice %arg4[%dma_start3A_716, %multiple_of3A_707] : memref<32x1000000xf32, #tpu.memory_space<hbm>> -> memref<32x128xf32, #tpu.memory_space<hbm>>
      tpu.enqueue_dma source(%dma_start3A_717 : memref<32x128xf32, #tpu.memory_space<hbm>>) target(%dma_start3A_715 : memref<32x128xf32, #tpu.memory_space<vmem>>) target_semaphore(%arg14 : memref<!tpu.dma_semaphore, #tpu.memory_space<semaphore_mem>>)
      %dma_start3A_718 = arith.constant 12 : i32
      %dma_start3A_719 = arith.constant 0 : i32
      %dma_start3A_720 = tpu.memref_slice %arg12[%dma_start3A_718, %dma_start3A_719] : memref<16x128xf32, #tpu.memory_space<vmem>> -> memref<1x128xf32, #tpu.memory_space<vmem>>
      %dma_start3A_721 = tpu.memref_squeeze %dma_start3A_720 : memref<1x128xf32, #tpu.memory_space<vmem>> -> memref<128xf32, #tpu.memory_space<vmem>>
      %dma_start3A_722 = tpu.memref_slice %arg5[%multiple_of3A_707] : memref<1000000xf32, #tpu.memory_space<hbm>> -> memref<128xf32, #tpu.memory_space<hbm>>
      %dma_start3A_723 = arith.constant 0 : i32
      %dma_start3A_724 = tpu.memref_slice %arg12[%dma_start3A_718, %dma_start3A_723] : memref<16x128xf32, #tpu.memory_space<vmem>> -> memref<1x128xf32, #tpu.memory_space<vmem>>
      %dma_start3A_725 = tpu.memref_squeeze %dma_start3A_724 : memref<1x128xf32, #tpu.memory_space<vmem>> -> memref<128xf32, #tpu.memory_space<vmem>>
      %dma_start3A_726 = tpu.memref_slice %arg5[%multiple_of3A_707] : memref<1000000xf32, #tpu.memory_space<hbm>> -> memref<128xf32, #tpu.memory_space<hbm>>
      tpu.enqueue_dma source(%dma_start3A_726 : memref<128xf32, #tpu.memory_space<hbm>>) target(%dma_start3A_725 : memref<128xf32, #tpu.memory_space<vmem>>) target_semaphore(%arg14 : memref<!tpu.dma_semaphore, #tpu.memory_space<semaphore_mem>>)
      %jit3A_727 = arith.constant 128 : i32
      %div3A_728 = arith.divsi %reduce_sum3A_680, %jit3A_727 : i32
      %sign3A_729 = arith.constant 0 : i32
      %sign3A_730 = arith.cmpi sgt, %reduce_sum3A_680, %sign3A_729 : i32
      %sign3A_731 = arith.extui %sign3A_730 : i1 to i32
      %sign3A_732 = arith.constant 0 : i32
      %sign3A_733 = arith.cmpi slt, %reduce_sum3A_680, %sign3A_732 : i32
      %sign3A_734 = arith.extui %sign3A_733 : i1 to i32
      %sign3A_735 = arith.subi %sign3A_731, %sign3A_734 : i32
      %sign3A_736 = arith.constant 0 : i32
      %sign3A_737 = arith.cmpi sgt, %jit3A_727, %sign3A_736 : i32
      %sign3A_738 = arith.extui %sign3A_737 : i1 to i32
      %sign3A_739 = arith.constant 0 : i32
      %sign3A_740 = arith.cmpi slt, %jit3A_727, %sign3A_739 : i32
      %sign3A_741 = arith.extui %sign3A_740 : i1 to i32
      %sign3A_742 = arith.subi %sign3A_738, %sign3A_741 : i32
      %ne3A_743 = arith.cmpi ne, %sign3A_735, %sign3A_742 : i32
      %rem3A_744 = arith.remsi %reduce_sum3A_680, %jit3A_727 : i32
      %ne3A_745 = arith.constant 0 : i32
      %ne3A_746 = arith.cmpi ne, %rem3A_744, %ne3A_745 : i32
      %and3A_747 = arith.andi %ne3A_743, %ne3A_746 : i1
      %sub3A_748 = arith.constant 1 : i32
      %sub3A_749 = arith.subi %div3A_728, %sub3A_748 : i32
      %select_n3A_750 = arith.select %and3A_747, %sub3A_749, %div3A_728 : i32
      %mul3A_751 = arith.constant 128 : i32
      %mul3A_752 = arith.muli %select_n3A_750, %mul3A_751 : i32
      %multiple_of3A_753 = tpu.assume_multiple %mul3A_752, 128 : i32
      %dma_start3A_754 = arith.constant 416 : i32
      %dma_start3A_755 = arith.constant 0 : i32
      %dma_start3A_756 = tpu.memref_slice %arg11[%dma_start3A_754, %dma_start3A_755] : memref<512x128xf32, #tpu.memory_space<vmem>> -> memref<32x128xf32, #tpu.memory_space<vmem>>
      %dma_start3A_757 = arith.constant 0 : i32
      %dma_start3A_758 = tpu.memref_slice %arg6[%dma_start3A_757, %multiple_of3A_753] : memref<32x1000000xf32, #tpu.memory_space<hbm>> -> memref<32x128xf32, #tpu.memory_space<hbm>>
      %dma_start3A_759 = arith.constant 416 : i32
      %dma_start3A_760 = arith.constant 0 : i32
      %dma_start3A_761 = tpu.memref_slice %arg11[%dma_start3A_759, %dma_start3A_760] : memref<512x128xf32, #tpu.memory_space<vmem>> -> memref<32x128xf32, #tpu.memory_space<vmem>>
      %dma_start3A_762 = arith.constant 0 : i32
      %dma_start3A_763 = tpu.memref_slice %arg6[%dma_start3A_762, %multiple_of3A_753] : memref<32x1000000xf32, #tpu.memory_space<hbm>> -> memref<32x128xf32, #tpu.memory_space<hbm>>
      tpu.enqueue_dma source(%dma_start3A_763 : memref<32x128xf32, #tpu.memory_space<hbm>>) target(%dma_start3A_761 : memref<32x128xf32, #tpu.memory_space<vmem>>) target_semaphore(%arg14 : memref<!tpu.dma_semaphore, #tpu.memory_space<semaphore_mem>>)
      %dma_start3A_764 = arith.constant 13 : i32
      %dma_start3A_765 = arith.constant 0 : i32
      %dma_start3A_766 = tpu.memref_slice %arg12[%dma_start3A_764, %dma_start3A_765] : memref<16x128xf32, #tpu.memory_space<vmem>> -> memref<1x128xf32, #tpu.memory_space<vmem>>
      %dma_start3A_767 = tpu.memref_squeeze %dma_start3A_766 : memref<1x128xf32, #tpu.memory_space<vmem>> -> memref<128xf32, #tpu.memory_space<vmem>>
      %dma_start3A_768 = tpu.memref_slice %arg7[%multiple_of3A_753] : memref<1000000xf32, #tpu.memory_space<hbm>> -> memref<128xf32, #tpu.memory_space<hbm>>
      %dma_start3A_769 = arith.constant 0 : i32
      %dma_start3A_770 = tpu.memref_slice %arg12[%dma_start3A_764, %dma_start3A_769] : memref<16x128xf32, #tpu.memory_space<vmem>> -> memref<1x128xf32, #tpu.memory_space<vmem>>
      %dma_start3A_771 = tpu.memref_squeeze %dma_start3A_770 : memref<1x128xf32, #tpu.memory_space<vmem>> -> memref<128xf32, #tpu.memory_space<vmem>>
      %dma_start3A_772 = tpu.memref_slice %arg7[%multiple_of3A_753] : memref<1000000xf32, #tpu.memory_space<hbm>> -> memref<128xf32, #tpu.memory_space<hbm>>
      tpu.enqueue_dma source(%dma_start3A_772 : memref<128xf32, #tpu.memory_space<hbm>>) target(%dma_start3A_771 : memref<128xf32, #tpu.memory_space<vmem>>) target_semaphore(%arg14 : memref<!tpu.dma_semaphore, #tpu.memory_space<semaphore_mem>>)
      %eq3A_773 = arith.constant 7 : i32
      %eq3A_774 = vector.broadcast %eq3A_773 : i32 to vector<16xi32>
      %eq3A_775 = arith.cmpi eq, %iota3A, %eq3A_774 : vector<16xi32>
      %select_n3A_776 = arith.select %eq3A_775, %get3A_19, %broadcast_in_dim3A_3 : vector<16xi1>, vector<16xi32>
      %reduce_sum3A_777 = arith.constant true
      %reduce_sum3A_778 = vector.broadcast %reduce_sum3A_777 : i1 to vector<16xi1>
      %reduce_sum3A_779 = tpu.scan <sum>, %select_n3A_776 masked %reduce_sum3A_778 : vector<16xi32>, vector<16xi1> -> vector<16xi32>
      %reduce_sum3A_780 = vector.extract %reduce_sum3A_779[15] : i32 from vector<16xi32>
      %eq3A_781 = arith.constant 7 : i32
      %eq3A_782 = vector.broadcast %eq3A_781 : i32 to vector<16xi32>
      %eq3A_783 = arith.cmpi eq, %iota3A, %eq3A_782 : vector<16xi32>
      %select_n3A_784 = arith.select %eq3A_783, %get3A_23, %broadcast_in_dim3A_3 : vector<16xi1>, vector<16xi32>
      %reduce_sum3A_785 = arith.constant true
      %reduce_sum3A_786 = vector.broadcast %reduce_sum3A_785 : i1 to vector<16xi1>
      %reduce_sum3A_787 = tpu.scan <sum>, %select_n3A_784 masked %reduce_sum3A_786 : vector<16xi32>, vector<16xi1> -> vector<16xi32>
      %reduce_sum3A_788 = vector.extract %reduce_sum3A_787[15] : i32 from vector<16xi32>
      %jit3A_789 = arith.constant 128 : i32
      %div3A_790 = arith.divsi %reduce_sum3A_780, %jit3A_789 : i32
      %sign3A_791 = arith.constant 0 : i32
      %sign3A_792 = arith.cmpi sgt, %reduce_sum3A_780, %sign3A_791 : i32
      %sign3A_793 = arith.extui %sign3A_792 : i1 to i32
      %sign3A_794 = arith.constant 0 : i32
      %sign3A_795 = arith.cmpi slt, %reduce_sum3A_780, %sign3A_794 : i32
      %sign3A_796 = arith.extui %sign3A_795 : i1 to i32
      %sign3A_797 = arith.subi %sign3A_793, %sign3A_796 : i32
      %sign3A_798 = arith.constant 0 : i32
      %sign3A_799 = arith.cmpi sgt, %jit3A_789, %sign3A_798 : i32
      %sign3A_800 = arith.extui %sign3A_799 : i1 to i32
      %sign3A_801 = arith.constant 0 : i32
      %sign3A_802 = arith.cmpi slt, %jit3A_789, %sign3A_801 : i32
      %sign3A_803 = arith.extui %sign3A_802 : i1 to i32
      %sign3A_804 = arith.subi %sign3A_800, %sign3A_803 : i32
      %ne3A_805 = arith.cmpi ne, %sign3A_797, %sign3A_804 : i32
      %rem3A_806 = arith.remsi %reduce_sum3A_780, %jit3A_789 : i32
      %ne3A_807 = arith.constant 0 : i32
      %ne3A_808 = arith.cmpi ne, %rem3A_806, %ne3A_807 : i32
      %and3A_809 = arith.andi %ne3A_805, %ne3A_808 : i1
      %sub3A_810 = arith.constant 1 : i32
      %sub3A_811 = arith.subi %div3A_790, %sub3A_810 : i32
      %select_n3A_812 = arith.select %and3A_809, %sub3A_811, %div3A_790 : i32
      %mul3A_813 = arith.constant 128 : i32
      %mul3A_814 = arith.muli %select_n3A_812, %mul3A_813 : i32
      %multiple_of3A_815 = tpu.assume_multiple %mul3A_814, 128 : i32
      %dma_start3A_816 = arith.constant 448 : i32
      %dma_start3A_817 = arith.constant 0 : i32
      %dma_start3A_818 = tpu.memref_slice %arg11[%dma_start3A_816, %dma_start3A_817] : memref<512x128xf32, #tpu.memory_space<vmem>> -> memref<32x128xf32, #tpu.memory_space<vmem>>
      %dma_start3A_819 = arith.constant 0 : i32
      %dma_start3A_820 = tpu.memref_slice %arg4[%dma_start3A_819, %multiple_of3A_815] : memref<32x1000000xf32, #tpu.memory_space<hbm>> -> memref<32x128xf32, #tpu.memory_space<hbm>>
      %dma_start3A_821 = arith.constant 448 : i32
      %dma_start3A_822 = arith.constant 0 : i32
      %dma_start3A_823 = tpu.memref_slice %arg11[%dma_start3A_821, %dma_start3A_822] : memref<512x128xf32, #tpu.memory_space<vmem>> -> memref<32x128xf32, #tpu.memory_space<vmem>>
      %dma_start3A_824 = arith.constant 0 : i32
      %dma_start3A_825 = tpu.memref_slice %arg4[%dma_start3A_824, %multiple_of3A_815] : memref<32x1000000xf32, #tpu.memory_space<hbm>> -> memref<32x128xf32, #tpu.memory_space<hbm>>
      tpu.enqueue_dma source(%dma_start3A_825 : memref<32x128xf32, #tpu.memory_space<hbm>>) target(%dma_start3A_823 : memref<32x128xf32, #tpu.memory_space<vmem>>) target_semaphore(%arg14 : memref<!tpu.dma_semaphore, #tpu.memory_space<semaphore_mem>>)
      %dma_start3A_826 = arith.constant 14 : i32
      %dma_start3A_827 = arith.constant 0 : i32
      %dma_start3A_828 = tpu.memref_slice %arg12[%dma_start3A_826, %dma_start3A_827] : memref<16x128xf32, #tpu.memory_space<vmem>> -> memref<1x128xf32, #tpu.memory_space<vmem>>
      %dma_start3A_829 = tpu.memref_squeeze %dma_start3A_828 : memref<1x128xf32, #tpu.memory_space<vmem>> -> memref<128xf32, #tpu.memory_space<vmem>>
      %dma_start3A_830 = tpu.memref_slice %arg5[%multiple_of3A_815] : memref<1000000xf32, #tpu.memory_space<hbm>> -> memref<128xf32, #tpu.memory_space<hbm>>
      %dma_start3A_831 = arith.constant 0 : i32
      %dma_start3A_832 = tpu.memref_slice %arg12[%dma_start3A_826, %dma_start3A_831] : memref<16x128xf32, #tpu.memory_space<vmem>> -> memref<1x128xf32, #tpu.memory_space<vmem>>
      %dma_start3A_833 = tpu.memref_squeeze %dma_start3A_832 : memref<1x128xf32, #tpu.memory_space<vmem>> -> memref<128xf32, #tpu.memory_space<vmem>>
      %dma_start3A_834 = tpu.memref_slice %arg5[%multiple_of3A_815] : memref<1000000xf32, #tpu.memory_space<hbm>> -> memref<128xf32, #tpu.memory_space<hbm>>
      tpu.enqueue_dma source(%dma_start3A_834 : memref<128xf32, #tpu.memory_space<hbm>>) target(%dma_start3A_833 : memref<128xf32, #tpu.memory_space<vmem>>) target_semaphore(%arg14 : memref<!tpu.dma_semaphore, #tpu.memory_space<semaphore_mem>>)
      %jit3A_835 = arith.constant 128 : i32
      %div3A_836 = arith.divsi %reduce_sum3A_788, %jit3A_835 : i32
      %sign3A_837 = arith.constant 0 : i32
      %sign3A_838 = arith.cmpi sgt, %reduce_sum3A_788, %sign3A_837 : i32
      %sign3A_839 = arith.extui %sign3A_838 : i1 to i32
      %sign3A_840 = arith.constant 0 : i32
      %sign3A_841 = arith.cmpi slt, %reduce_sum3A_788, %sign3A_840 : i32
      %sign3A_842 = arith.extui %sign3A_841 : i1 to i32
      %sign3A_843 = arith.subi %sign3A_839, %sign3A_842 : i32
      %sign3A_844 = arith.constant 0 : i32
      %sign3A_845 = arith.cmpi sgt, %jit3A_835, %sign3A_844 : i32
      %sign3A_846 = arith.extui %sign3A_845 : i1 to i32
      %sign3A_847 = arith.constant 0 : i32
      %sign3A_848 = arith.cmpi slt, %jit3A_835, %sign3A_847 : i32
      %sign3A_849 = arith.extui %sign3A_848 : i1 to i32
      %sign3A_850 = arith.subi %sign3A_846, %sign3A_849 : i32
      %ne3A_851 = arith.cmpi ne, %sign3A_843, %sign3A_850 : i32
      %rem3A_852 = arith.remsi %reduce_sum3A_788, %jit3A_835 : i32
      %ne3A_853 = arith.constant 0 : i32
      %ne3A_854 = arith.cmpi ne, %rem3A_852, %ne3A_853 : i32
      %and3A_855 = arith.andi %ne3A_851, %ne3A_854 : i1
      %sub3A_856 = arith.constant 1 : i32
      %sub3A_857 = arith.subi %div3A_836, %sub3A_856 : i32
      %select_n3A_858 = arith.select %and3A_855, %sub3A_857, %div3A_836 : i32
      %mul3A_859 = arith.constant 128 : i32
      %mul3A_860 = arith.muli %select_n3A_858, %mul3A_859 : i32
      %multiple_of3A_861 = tpu.assume_multiple %mul3A_860, 128 : i32
      %dma_start3A_862 = arith.constant 480 : i32
      %dma_start3A_863 = arith.constant 0 : i32
      %dma_start3A_864 = tpu.memref_slice %arg11[%dma_start3A_862, %dma_start3A_863] : memref<512x128xf32, #tpu.memory_space<vmem>> -> memref<32x128xf32, #tpu.memory_space<vmem>>
      %dma_start3A_865 = arith.constant 0 : i32
      %dma_start3A_866 = tpu.memref_slice %arg6[%dma_start3A_865, %multiple_of3A_861] : memref<32x1000000xf32, #tpu.memory_space<hbm>> -> memref<32x128xf32, #tpu.memory_space<hbm>>
      %dma_start3A_867 = arith.constant 480 : i32
      %dma_start3A_868 = arith.constant 0 : i32
      %dma_start3A_869 = tpu.memref_slice %arg11[%dma_start3A_867, %dma_start3A_868] : memref<512x128xf32, #tpu.memory_space<vmem>> -> memref<32x128xf32, #tpu.memory_space<vmem>>
      %dma_start3A_870 = arith.constant 0 : i32
      %dma_start3A_871 = tpu.memref_slice %arg6[%dma_start3A_870, %multiple_of3A_861] : memref<32x1000000xf32, #tpu.memory_space<hbm>> -> memref<32x128xf32, #tpu.memory_space<hbm>>
      tpu.enqueue_dma source(%dma_start3A_871 : memref<32x128xf32, #tpu.memory_space<hbm>>) target(%dma_start3A_869 : memref<32x128xf32, #tpu.memory_space<vmem>>) target_semaphore(%arg14 : memref<!tpu.dma_semaphore, #tpu.memory_space<semaphore_mem>>)
      %dma_start3A_872 = arith.constant 15 : i32
      %dma_start3A_873 = arith.constant 0 : i32
      %dma_start3A_874 = tpu.memref_slice %arg12[%dma_start3A_872, %dma_start3A_873] : memref<16x128xf32, #tpu.memory_space<vmem>> -> memref<1x128xf32, #tpu.memory_space<vmem>>
      %dma_start3A_875 = tpu.memref_squeeze %dma_start3A_874 : memref<1x128xf32, #tpu.memory_space<vmem>> -> memref<128xf32, #tpu.memory_space<vmem>>
      %dma_start3A_876 = tpu.memref_slice %arg7[%multiple_of3A_861] : memref<1000000xf32, #tpu.memory_space<hbm>> -> memref<128xf32, #tpu.memory_space<hbm>>
      %dma_start3A_877 = arith.constant 0 : i32
      %dma_start3A_878 = tpu.memref_slice %arg12[%dma_start3A_872, %dma_start3A_877] : memref<16x128xf32, #tpu.memory_space<vmem>> -> memref<1x128xf32, #tpu.memory_space<vmem>>
      %dma_start3A_879 = tpu.memref_squeeze %dma_start3A_878 : memref<1x128xf32, #tpu.memory_space<vmem>> -> memref<128xf32, #tpu.memory_space<vmem>>
      %dma_start3A_880 = tpu.memref_slice %arg7[%multiple_of3A_861] : memref<1000000xf32, #tpu.memory_space<hbm>> -> memref<128xf32, #tpu.memory_space<hbm>>
      tpu.enqueue_dma source(%dma_start3A_880 : memref<128xf32, #tpu.memory_space<hbm>>) target(%dma_start3A_879 : memref<128xf32, #tpu.memory_space<vmem>>) target_semaphore(%arg14 : memref<!tpu.dma_semaphore, #tpu.memory_space<semaphore_mem>>)
      %dma_wait3A = arith.constant 0 : i32
      %dma_wait3A_881 = arith.constant 0 : i32
      %dma_wait3A_882 = tpu.memref_slice %arg11[%dma_wait3A, %dma_wait3A_881] : memref<512x128xf32, #tpu.memory_space<vmem>> -> memref<32x128xf32, #tpu.memory_space<vmem>>
      %dma_wait3A_883 = arith.constant 0 : i32
      %dma_wait3A_884 = tpu.memref_slice %arg4[%dma_wait3A_883, %multiple_of3A] : memref<32x1000000xf32, #tpu.memory_space<hbm>> -> memref<32x128xf32, #tpu.memory_space<hbm>>
      %dma_wait3A_885 = arith.constant 0 : i32
      %dma_wait3A_886 = arith.constant 0 : i32
      %dma_wait3A_887 = tpu.memref_slice %arg11[%dma_wait3A_885, %dma_wait3A_886] : memref<512x128xf32, #tpu.memory_space<vmem>> -> memref<32x128xf32, #tpu.memory_space<vmem>>
      %dma_wait3A_888 = arith.constant 0 : i32
      %dma_wait3A_889 = tpu.memref_slice %arg4[%dma_wait3A_888, %multiple_of3A] : memref<32x1000000xf32, #tpu.memory_space<hbm>> -> memref<32x128xf32, #tpu.memory_space<hbm>>
      tpu.wait_dma2 semaphore(%arg14 : memref<!tpu.dma_semaphore, #tpu.memory_space<semaphore_mem>>) src(%dma_wait3A_889 : memref<32x128xf32, #tpu.memory_space<hbm>>) dst(%dma_wait3A_887 : memref<32x128xf32, #tpu.memory_space<vmem>>)
      %dma_wait3A_890 = arith.constant 0 : i32
      %dma_wait3A_891 = arith.constant 0 : i32
      %dma_wait3A_892 = tpu.memref_slice %arg12[%dma_wait3A_890, %dma_wait3A_891] : memref<16x128xf32, #tpu.memory_space<vmem>> -> memref<1x128xf32, #tpu.memory_space<vmem>>
      %dma_wait3A_893 = tpu.memref_squeeze %dma_wait3A_892 : memref<1x128xf32, #tpu.memory_space<vmem>> -> memref<128xf32, #tpu.memory_space<vmem>>
      %dma_wait3A_894 = tpu.memref_slice %arg5[%multiple_of3A] : memref<1000000xf32, #tpu.memory_space<hbm>> -> memref<128xf32, #tpu.memory_space<hbm>>
      %dma_wait3A_895 = arith.constant 0 : i32
      %dma_wait3A_896 = tpu.memref_slice %arg12[%dma_wait3A_890, %dma_wait3A_895] : memref<16x128xf32, #tpu.memory_space<vmem>> -> memref<1x128xf32, #tpu.memory_space<vmem>>
      %dma_wait3A_897 = tpu.memref_squeeze %dma_wait3A_896 : memref<1x128xf32, #tpu.memory_space<vmem>> -> memref<128xf32, #tpu.memory_space<vmem>>
      %dma_wait3A_898 = tpu.memref_slice %arg5[%multiple_of3A] : memref<1000000xf32, #tpu.memory_space<hbm>> -> memref<128xf32, #tpu.memory_space<hbm>>
      tpu.wait_dma2 semaphore(%arg14 : memref<!tpu.dma_semaphore, #tpu.memory_space<semaphore_mem>>) src(%dma_wait3A_898 : memref<128xf32, #tpu.memory_space<hbm>>) dst(%dma_wait3A_897 : memref<128xf32, #tpu.memory_space<vmem>>)
      %dma_wait3A_899 = arith.constant 32 : i32
      %dma_wait3A_900 = arith.constant 0 : i32
      %dma_wait3A_901 = tpu.memref_slice %arg11[%dma_wait3A_899, %dma_wait3A_900] : memref<512x128xf32, #tpu.memory_space<vmem>> -> memref<32x128xf32, #tpu.memory_space<vmem>>
      %dma_wait3A_902 = arith.constant 0 : i32
      %dma_wait3A_903 = tpu.memref_slice %arg6[%dma_wait3A_902, %multiple_of3A_105] : memref<32x1000000xf32, #tpu.memory_space<hbm>> -> memref<32x128xf32, #tpu.memory_space<hbm>>
      %dma_wait3A_904 = arith.constant 32 : i32
      %dma_wait3A_905 = arith.constant 0 : i32
      %dma_wait3A_906 = tpu.memref_slice %arg11[%dma_wait3A_904, %dma_wait3A_905] : memref<512x128xf32, #tpu.memory_space<vmem>> -> memref<32x128xf32, #tpu.memory_space<vmem>>
      %dma_wait3A_907 = arith.constant 0 : i32
      %dma_wait3A_908 = tpu.memref_slice %arg6[%dma_wait3A_907, %multiple_of3A_105] : memref<32x1000000xf32, #tpu.memory_space<hbm>> -> memref<32x128xf32, #tpu.memory_space<hbm>>
      tpu.wait_dma2 semaphore(%arg14 : memref<!tpu.dma_semaphore, #tpu.memory_space<semaphore_mem>>) src(%dma_wait3A_908 : memref<32x128xf32, #tpu.memory_space<hbm>>) dst(%dma_wait3A_906 : memref<32x128xf32, #tpu.memory_space<vmem>>)
      %dma_wait3A_909 = arith.constant 1 : i32
      %dma_wait3A_910 = arith.constant 0 : i32
      %dma_wait3A_911 = tpu.memref_slice %arg12[%dma_wait3A_909, %dma_wait3A_910] : memref<16x128xf32, #tpu.memory_space<vmem>> -> memref<1x128xf32, #tpu.memory_space<vmem>>
      %dma_wait3A_912 = tpu.memref_squeeze %dma_wait3A_911 : memref<1x128xf32, #tpu.memory_space<vmem>> -> memref<128xf32, #tpu.memory_space<vmem>>
      %dma_wait3A_913 = tpu.memref_slice %arg7[%multiple_of3A_105] : memref<1000000xf32, #tpu.memory_space<hbm>> -> memref<128xf32, #tpu.memory_space<hbm>>
      %dma_wait3A_914 = arith.constant 0 : i32
      %dma_wait3A_915 = tpu.memref_slice %arg12[%dma_wait3A_909, %dma_wait3A_914] : memref<16x128xf32, #tpu.memory_space<vmem>> -> memref<1x128xf32, #tpu.memory_space<vmem>>
      %dma_wait3A_916 = tpu.memref_squeeze %dma_wait3A_915 : memref<1x128xf32, #tpu.memory_space<vmem>> -> memref<128xf32, #tpu.memory_space<vmem>>
      %dma_wait3A_917 = tpu.memref_slice %arg7[%multiple_of3A_105] : memref<1000000xf32, #tpu.memory_space<hbm>> -> memref<128xf32, #tpu.memory_space<hbm>>
      tpu.wait_dma2 semaphore(%arg14 : memref<!tpu.dma_semaphore, #tpu.memory_space<semaphore_mem>>) src(%dma_wait3A_917 : memref<128xf32, #tpu.memory_space<hbm>>) dst(%dma_wait3A_916 : memref<128xf32, #tpu.memory_space<vmem>>)
      %dma_wait3A_918 = arith.constant 64 : i32
      %dma_wait3A_919 = arith.constant 0 : i32
      %dma_wait3A_920 = tpu.memref_slice %arg11[%dma_wait3A_918, %dma_wait3A_919] : memref<512x128xf32, #tpu.memory_space<vmem>> -> memref<32x128xf32, #tpu.memory_space<vmem>>
      %dma_wait3A_921 = arith.constant 0 : i32
      %dma_wait3A_922 = tpu.memref_slice %arg4[%dma_wait3A_921, %multiple_of3A_167] : memref<32x1000000xf32, #tpu.memory_space<hbm>> -> memref<32x128xf32, #tpu.memory_space<hbm>>
      %dma_wait3A_923 = arith.constant 64 : i32
      %dma_wait3A_924 = arith.constant 0 : i32
      %dma_wait3A_925 = tpu.memref_slice %arg11[%dma_wait3A_923, %dma_wait3A_924] : memref<512x128xf32, #tpu.memory_space<vmem>> -> memref<32x128xf32, #tpu.memory_space<vmem>>
      %dma_wait3A_926 = arith.constant 0 : i32
      %dma_wait3A_927 = tpu.memref_slice %arg4[%dma_wait3A_926, %multiple_of3A_167] : memref<32x1000000xf32, #tpu.memory_space<hbm>> -> memref<32x128xf32, #tpu.memory_space<hbm>>
      tpu.wait_dma2 semaphore(%arg14 : memref<!tpu.dma_semaphore, #tpu.memory_space<semaphore_mem>>) src(%dma_wait3A_927 : memref<32x128xf32, #tpu.memory_space<hbm>>) dst(%dma_wait3A_925 : memref<32x128xf32, #tpu.memory_space<vmem>>)
      %dma_wait3A_928 = arith.constant 2 : i32
      %dma_wait3A_929 = arith.constant 0 : i32
      %dma_wait3A_930 = tpu.memref_slice %arg12[%dma_wait3A_928, %dma_wait3A_929] : memref<16x128xf32, #tpu.memory_space<vmem>> -> memref<1x128xf32, #tpu.memory_space<vmem>>
      %dma_wait3A_931 = tpu.memref_squeeze %dma_wait3A_930 : memref<1x128xf32, #tpu.memory_space<vmem>> -> memref<128xf32, #tpu.memory_space<vmem>>
      %dma_wait3A_932 = tpu.memref_slice %arg5[%multiple_of3A_167] : memref<1000000xf32, #tpu.memory_space<hbm>> -> memref<128xf32, #tpu.memory_space<hbm>>
      %dma_wait3A_933 = arith.constant 0 : i32
      %dma_wait3A_934 = tpu.memref_slice %arg12[%dma_wait3A_928, %dma_wait3A_933] : memref<16x128xf32, #tpu.memory_space<vmem>> -> memref<1x128xf32, #tpu.memory_space<vmem>>
      %dma_wait3A_935 = tpu.memref_squeeze %dma_wait3A_934 : memref<1x128xf32, #tpu.memory_space<vmem>> -> memref<128xf32, #tpu.memory_space<vmem>>
      %dma_wait3A_936 = tpu.memref_slice %arg5[%multiple_of3A_167] : memref<1000000xf32, #tpu.memory_space<hbm>> -> memref<128xf32, #tpu.memory_space<hbm>>
      tpu.wait_dma2 semaphore(%arg14 : memref<!tpu.dma_semaphore, #tpu.memory_space<semaphore_mem>>) src(%dma_wait3A_936 : memref<128xf32, #tpu.memory_space<hbm>>) dst(%dma_wait3A_935 : memref<128xf32, #tpu.memory_space<vmem>>)
      %dma_wait3A_937 = arith.constant 96 : i32
      %dma_wait3A_938 = arith.constant 0 : i32
      %dma_wait3A_939 = tpu.memref_slice %arg11[%dma_wait3A_937, %dma_wait3A_938] : memref<512x128xf32, #tpu.memory_space<vmem>> -> memref<32x128xf32, #tpu.memory_space<vmem>>
      %dma_wait3A_940 = arith.constant 0 : i32
      %dma_wait3A_941 = tpu.memref_slice %arg6[%dma_wait3A_940, %multiple_of3A_213] : memref<32x1000000xf32, #tpu.memory_space<hbm>> -> memref<32x128xf32, #tpu.memory_space<hbm>>
      %dma_wait3A_942 = arith.constant 96 : i32
      %dma_wait3A_943 = arith.constant 0 : i32
      %dma_wait3A_944 = tpu.memref_slice %arg11[%dma_wait3A_942, %dma_wait3A_943] : memref<512x128xf32, #tpu.memory_space<vmem>> -> memref<32x128xf32, #tpu.memory_space<vmem>>
      %dma_wait3A_945 = arith.constant 0 : i32
      %dma_wait3A_946 = tpu.memref_slice %arg6[%dma_wait3A_945, %multiple_of3A_213] : memref<32x1000000xf32, #tpu.memory_space<hbm>> -> memref<32x128xf32, #tpu.memory_space<hbm>>
      tpu.wait_dma2 semaphore(%arg14 : memref<!tpu.dma_semaphore, #tpu.memory_space<semaphore_mem>>) src(%dma_wait3A_946 : memref<32x128xf32, #tpu.memory_space<hbm>>) dst(%dma_wait3A_944 : memref<32x128xf32, #tpu.memory_space<vmem>>)
      %dma_wait3A_947 = arith.constant 3 : i32
      %dma_wait3A_948 = arith.constant 0 : i32
      %dma_wait3A_949 = tpu.memref_slice %arg12[%dma_wait3A_947, %dma_wait3A_948] : memref<16x128xf32, #tpu.memory_space<vmem>> -> memref<1x128xf32, #tpu.memory_space<vmem>>
      %dma_wait3A_950 = tpu.memref_squeeze %dma_wait3A_949 : memref<1x128xf32, #tpu.memory_space<vmem>> -> memref<128xf32, #tpu.memory_space<vmem>>
      %dma_wait3A_951 = tpu.memref_slice %arg7[%multiple_of3A_213] : memref<1000000xf32, #tpu.memory_space<hbm>> -> memref<128xf32, #tpu.memory_space<hbm>>
      %dma_wait3A_952 = arith.constant 0 : i32
      %dma_wait3A_953 = tpu.memref_slice %arg12[%dma_wait3A_947, %dma_wait3A_952] : memref<16x128xf32, #tpu.memory_space<vmem>> -> memref<1x128xf32, #tpu.memory_space<vmem>>
      %dma_wait3A_954 = tpu.memref_squeeze %dma_wait3A_953 : memref<1x128xf32, #tpu.memory_space<vmem>> -> memref<128xf32, #tpu.memory_space<vmem>>
      %dma_wait3A_955 = tpu.memref_slice %arg7[%multiple_of3A_213] : memref<1000000xf32, #tpu.memory_space<hbm>> -> memref<128xf32, #tpu.memory_space<hbm>>
      tpu.wait_dma2 semaphore(%arg14 : memref<!tpu.dma_semaphore, #tpu.memory_space<semaphore_mem>>) src(%dma_wait3A_955 : memref<128xf32, #tpu.memory_space<hbm>>) dst(%dma_wait3A_954 : memref<128xf32, #tpu.memory_space<vmem>>)
      %dma_wait3A_956 = arith.constant 128 : i32
      %dma_wait3A_957 = arith.constant 0 : i32
      %dma_wait3A_958 = tpu.memref_slice %arg11[%dma_wait3A_956, %dma_wait3A_957] : memref<512x128xf32, #tpu.memory_space<vmem>> -> memref<32x128xf32, #tpu.memory_space<vmem>>
      %dma_wait3A_959 = arith.constant 0 : i32
      %dma_wait3A_960 = tpu.memref_slice %arg4[%dma_wait3A_959, %multiple_of3A_275] : memref<32x1000000xf32, #tpu.memory_space<hbm>> -> memref<32x128xf32, #tpu.memory_space<hbm>>
      %dma_wait3A_961 = arith.constant 128 : i32
      %dma_wait3A_962 = arith.constant 0 : i32
      %dma_wait3A_963 = tpu.memref_slice %arg11[%dma_wait3A_961, %dma_wait3A_962] : memref<512x128xf32, #tpu.memory_space<vmem>> -> memref<32x128xf32, #tpu.memory_space<vmem>>
      %dma_wait3A_964 = arith.constant 0 : i32
      %dma_wait3A_965 = tpu.memref_slice %arg4[%dma_wait3A_964, %multiple_of3A_275] : memref<32x1000000xf32, #tpu.memory_space<hbm>> -> memref<32x128xf32, #tpu.memory_space<hbm>>
      tpu.wait_dma2 semaphore(%arg14 : memref<!tpu.dma_semaphore, #tpu.memory_space<semaphore_mem>>) src(%dma_wait3A_965 : memref<32x128xf32, #tpu.memory_space<hbm>>) dst(%dma_wait3A_963 : memref<32x128xf32, #tpu.memory_space<vmem>>)
      %dma_wait3A_966 = arith.constant 4 : i32
      %dma_wait3A_967 = arith.constant 0 : i32
      %dma_wait3A_968 = tpu.memref_slice %arg12[%dma_wait3A_966, %dma_wait3A_967] : memref<16x128xf32, #tpu.memory_space<vmem>> -> memref<1x128xf32, #tpu.memory_space<vmem>>
      %dma_wait3A_969 = tpu.memref_squeeze %dma_wait3A_968 : memref<1x128xf32, #tpu.memory_space<vmem>> -> memref<128xf32, #tpu.memory_space<vmem>>
      %dma_wait3A_970 = tpu.memref_slice %arg5[%multiple_of3A_275] : memref<1000000xf32, #tpu.memory_space<hbm>> -> memref<128xf32, #tpu.memory_space<hbm>>
      %dma_wait3A_971 = arith.constant 0 : i32
      %dma_wait3A_972 = tpu.memref_slice %arg12[%dma_wait3A_966, %dma_wait3A_971] : memref<16x128xf32, #tpu.memory_space<vmem>> -> memref<1x128xf32, #tpu.memory_space<vmem>>
      %dma_wait3A_973 = tpu.memref_squeeze %dma_wait3A_972 : memref<1x128xf32, #tpu.memory_space<vmem>> -> memref<128xf32, #tpu.memory_space<vmem>>
      %dma_wait3A_974 = tpu.memref_slice %arg5[%multiple_of3A_275] : memref<1000000xf32, #tpu.memory_space<hbm>> -> memref<128xf32, #tpu.memory_space<hbm>>
      tpu.wait_dma2 semaphore(%arg14 : memref<!tpu.dma_semaphore, #tpu.memory_space<semaphore_mem>>) src(%dma_wait3A_974 : memref<128xf32, #tpu.memory_space<hbm>>) dst(%dma_wait3A_973 : memref<128xf32, #tpu.memory_space<vmem>>)
      %dma_wait3A_975 = arith.constant 160 : i32
      %dma_wait3A_976 = arith.constant 0 : i32
      %dma_wait3A_977 = tpu.memref_slice %arg11[%dma_wait3A_975, %dma_wait3A_976] : memref<512x128xf32, #tpu.memory_space<vmem>> -> memref<32x128xf32, #tpu.memory_space<vmem>>
      %dma_wait3A_978 = arith.constant 0 : i32
      %dma_wait3A_979 = tpu.memref_slice %arg6[%dma_wait3A_978, %multiple_of3A_321] : memref<32x1000000xf32, #tpu.memory_space<hbm>> -> memref<32x128xf32, #tpu.memory_space<hbm>>
      %dma_wait3A_980 = arith.constant 160 : i32
      %dma_wait3A_981 = arith.constant 0 : i32
      %dma_wait3A_982 = tpu.memref_slice %arg11[%dma_wait3A_980, %dma_wait3A_981] : memref<512x128xf32, #tpu.memory_space<vmem>> -> memref<32x128xf32, #tpu.memory_space<vmem>>
      %dma_wait3A_983 = arith.constant 0 : i32
      %dma_wait3A_984 = tpu.memref_slice %arg6[%dma_wait3A_983, %multiple_of3A_321] : memref<32x1000000xf32, #tpu.memory_space<hbm>> -> memref<32x128xf32, #tpu.memory_space<hbm>>
      tpu.wait_dma2 semaphore(%arg14 : memref<!tpu.dma_semaphore, #tpu.memory_space<semaphore_mem>>) src(%dma_wait3A_984 : memref<32x128xf32, #tpu.memory_space<hbm>>) dst(%dma_wait3A_982 : memref<32x128xf32, #tpu.memory_space<vmem>>)
      %dma_wait3A_985 = arith.constant 5 : i32
      %dma_wait3A_986 = arith.constant 0 : i32
      %dma_wait3A_987 = tpu.memref_slice %arg12[%dma_wait3A_985, %dma_wait3A_986] : memref<16x128xf32, #tpu.memory_space<vmem>> -> memref<1x128xf32, #tpu.memory_space<vmem>>
      %dma_wait3A_988 = tpu.memref_squeeze %dma_wait3A_987 : memref<1x128xf32, #tpu.memory_space<vmem>> -> memref<128xf32, #tpu.memory_space<vmem>>
      %dma_wait3A_989 = tpu.memref_slice %arg7[%multiple_of3A_321] : memref<1000000xf32, #tpu.memory_space<hbm>> -> memref<128xf32, #tpu.memory_space<hbm>>
      %dma_wait3A_990 = arith.constant 0 : i32
      %dma_wait3A_991 = tpu.memref_slice %arg12[%dma_wait3A_985, %dma_wait3A_990] : memref<16x128xf32, #tpu.memory_space<vmem>> -> memref<1x128xf32, #tpu.memory_space<vmem>>
      %dma_wait3A_992 = tpu.memref_squeeze %dma_wait3A_991 : memref<1x128xf32, #tpu.memory_space<vmem>> -> memref<128xf32, #tpu.memory_space<vmem>>
      %dma_wait3A_993 = tpu.memref_slice %arg7[%multiple_of3A_321] : memref<1000000xf32, #tpu.memory_space<hbm>> -> memref<128xf32, #tpu.memory_space<hbm>>
      tpu.wait_dma2 semaphore(%arg14 : memref<!tpu.dma_semaphore, #tpu.memory_space<semaphore_mem>>) src(%dma_wait3A_993 : memref<128xf32, #tpu.memory_space<hbm>>) dst(%dma_wait3A_992 : memref<128xf32, #tpu.memory_space<vmem>>)
      %dma_wait3A_994 = arith.constant 192 : i32
      %dma_wait3A_995 = arith.constant 0 : i32
      %dma_wait3A_996 = tpu.memref_slice %arg11[%dma_wait3A_994, %dma_wait3A_995] : memref<512x128xf32, #tpu.memory_space<vmem>> -> memref<32x128xf32, #tpu.memory_space<vmem>>
      %dma_wait3A_997 = arith.constant 0 : i32
      %dma_wait3A_998 = tpu.memref_slice %arg4[%dma_wait3A_997, %multiple_of3A_383] : memref<32x1000000xf32, #tpu.memory_space<hbm>> -> memref<32x128xf32, #tpu.memory_space<hbm>>
      %dma_wait3A_999 = arith.constant 192 : i32
      %dma_wait3A_1000 = arith.constant 0 : i32
      %dma_wait3A_1001 = tpu.memref_slice %arg11[%dma_wait3A_999, %dma_wait3A_1000] : memref<512x128xf32, #tpu.memory_space<vmem>> -> memref<32x128xf32, #tpu.memory_space<vmem>>
      %dma_wait3A_1002 = arith.constant 0 : i32
      %dma_wait3A_1003 = tpu.memref_slice %arg4[%dma_wait3A_1002, %multiple_of3A_383] : memref<32x1000000xf32, #tpu.memory_space<hbm>> -> memref<32x128xf32, #tpu.memory_space<hbm>>
      tpu.wait_dma2 semaphore(%arg14 : memref<!tpu.dma_semaphore, #tpu.memory_space<semaphore_mem>>) src(%dma_wait3A_1003 : memref<32x128xf32, #tpu.memory_space<hbm>>) dst(%dma_wait3A_1001 : memref<32x128xf32, #tpu.memory_space<vmem>>)
      %dma_wait3A_1004 = arith.constant 6 : i32
      %dma_wait3A_1005 = arith.constant 0 : i32
      %dma_wait3A_1006 = tpu.memref_slice %arg12[%dma_wait3A_1004, %dma_wait3A_1005] : memref<16x128xf32, #tpu.memory_space<vmem>> -> memref<1x128xf32, #tpu.memory_space<vmem>>
      %dma_wait3A_1007 = tpu.memref_squeeze %dma_wait3A_1006 : memref<1x128xf32, #tpu.memory_space<vmem>> -> memref<128xf32, #tpu.memory_space<vmem>>
      %dma_wait3A_1008 = tpu.memref_slice %arg5[%multiple_of3A_383] : memref<1000000xf32, #tpu.memory_space<hbm>> -> memref<128xf32, #tpu.memory_space<hbm>>
      %dma_wait3A_1009 = arith.constant 0 : i32
      %dma_wait3A_1010 = tpu.memref_slice %arg12[%dma_wait3A_1004, %dma_wait3A_1009] : memref<16x128xf32, #tpu.memory_space<vmem>> -> memref<1x128xf32, #tpu.memory_space<vmem>>
      %dma_wait3A_1011 = tpu.memref_squeeze %dma_wait3A_1010 : memref<1x128xf32, #tpu.memory_space<vmem>> -> memref<128xf32, #tpu.memory_space<vmem>>
      %dma_wait3A_1012 = tpu.memref_slice %arg5[%multiple_of3A_383] : memref<1000000xf32, #tpu.memory_space<hbm>> -> memref<128xf32, #tpu.memory_space<hbm>>
      tpu.wait_dma2 semaphore(%arg14 : memref<!tpu.dma_semaphore, #tpu.memory_space<semaphore_mem>>) src(%dma_wait3A_1012 : memref<128xf32, #tpu.memory_space<hbm>>) dst(%dma_wait3A_1011 : memref<128xf32, #tpu.memory_space<vmem>>)
      %dma_wait3A_1013 = arith.constant 224 : i32
      %dma_wait3A_1014 = arith.constant 0 : i32
      %dma_wait3A_1015 = tpu.memref_slice %arg11[%dma_wait3A_1013, %dma_wait3A_1014] : memref<512x128xf32, #tpu.memory_space<vmem>> -> memref<32x128xf32, #tpu.memory_space<vmem>>
      %dma_wait3A_1016 = arith.constant 0 : i32
      %dma_wait3A_1017 = tpu.memref_slice %arg6[%dma_wait3A_1016, %multiple_of3A_429] : memref<32x1000000xf32, #tpu.memory_space<hbm>> -> memref<32x128xf32, #tpu.memory_space<hbm>>
      %dma_wait3A_1018 = arith.constant 224 : i32
      %dma_wait3A_1019 = arith.constant 0 : i32
      %dma_wait3A_1020 = tpu.memref_slice %arg11[%dma_wait3A_1018, %dma_wait3A_1019] : memref<512x128xf32, #tpu.memory_space<vmem>> -> memref<32x128xf32, #tpu.memory_space<vmem>>
      %dma_wait3A_1021 = arith.constant 0 : i32
      %dma_wait3A_1022 = tpu.memref_slice %arg6[%dma_wait3A_1021, %multiple_of3A_429] : memref<32x1000000xf32, #tpu.memory_space<hbm>> -> memref<32x128xf32, #tpu.memory_space<hbm>>
      tpu.wait_dma2 semaphore(%arg14 : memref<!tpu.dma_semaphore, #tpu.memory_space<semaphore_mem>>) src(%dma_wait3A_1022 : memref<32x128xf32, #tpu.memory_space<hbm>>) dst(%dma_wait3A_1020 : memref<32x128xf32, #tpu.memory_space<vmem>>)
      %dma_wait3A_1023 = arith.constant 7 : i32
      %dma_wait3A_1024 = arith.constant 0 : i32
      %dma_wait3A_1025 = tpu.memref_slice %arg12[%dma_wait3A_1023, %dma_wait3A_1024] : memref<16x128xf32, #tpu.memory_space<vmem>> -> memref<1x128xf32, #tpu.memory_space<vmem>>
      %dma_wait3A_1026 = tpu.memref_squeeze %dma_wait3A_1025 : memref<1x128xf32, #tpu.memory_space<vmem>> -> memref<128xf32, #tpu.memory_space<vmem>>
      %dma_wait3A_1027 = tpu.memref_slice %arg7[%multiple_of3A_429] : memref<1000000xf32, #tpu.memory_space<hbm>> -> memref<128xf32, #tpu.memory_space<hbm>>
      %dma_wait3A_1028 = arith.constant 0 : i32
      %dma_wait3A_1029 = tpu.memref_slice %arg12[%dma_wait3A_1023, %dma_wait3A_1028] : memref<16x128xf32, #tpu.memory_space<vmem>> -> memref<1x128xf32, #tpu.memory_space<vmem>>
      %dma_wait3A_1030 = tpu.memref_squeeze %dma_wait3A_1029 : memref<1x128xf32, #tpu.memory_space<vmem>> -> memref<128xf32, #tpu.memory_space<vmem>>
      %dma_wait3A_1031 = tpu.memref_slice %arg7[%multiple_of3A_429] : memref<1000000xf32, #tpu.memory_space<hbm>> -> memref<128xf32, #tpu.memory_space<hbm>>
      tpu.wait_dma2 semaphore(%arg14 : memref<!tpu.dma_semaphore, #tpu.memory_space<semaphore_mem>>) src(%dma_wait3A_1031 : memref<128xf32, #tpu.memory_space<hbm>>) dst(%dma_wait3A_1030 : memref<128xf32, #tpu.memory_space<vmem>>)
      %dma_wait3A_1032 = arith.constant 256 : i32
      %dma_wait3A_1033 = arith.constant 0 : i32
      %dma_wait3A_1034 = tpu.memref_slice %arg11[%dma_wait3A_1032, %dma_wait3A_1033] : memref<512x128xf32, #tpu.memory_space<vmem>> -> memref<32x128xf32, #tpu.memory_space<vmem>>
      %dma_wait3A_1035 = arith.constant 0 : i32
      %dma_wait3A_1036 = tpu.memref_slice %arg4[%dma_wait3A_1035, %multiple_of3A_491] : memref<32x1000000xf32, #tpu.memory_space<hbm>> -> memref<32x128xf32, #tpu.memory_space<hbm>>
      %dma_wait3A_1037 = arith.constant 256 : i32
      %dma_wait3A_1038 = arith.constant 0 : i32
      %dma_wait3A_1039 = tpu.memref_slice %arg11[%dma_wait3A_1037, %dma_wait3A_1038] : memref<512x128xf32, #tpu.memory_space<vmem>> -> memref<32x128xf32, #tpu.memory_space<vmem>>
      %dma_wait3A_1040 = arith.constant 0 : i32
      %dma_wait3A_1041 = tpu.memref_slice %arg4[%dma_wait3A_1040, %multiple_of3A_491] : memref<32x1000000xf32, #tpu.memory_space<hbm>> -> memref<32x128xf32, #tpu.memory_space<hbm>>
      tpu.wait_dma2 semaphore(%arg14 : memref<!tpu.dma_semaphore, #tpu.memory_space<semaphore_mem>>) src(%dma_wait3A_1041 : memref<32x128xf32, #tpu.memory_space<hbm>>) dst(%dma_wait3A_1039 : memref<32x128xf32, #tpu.memory_space<vmem>>)
      %dma_wait3A_1042 = arith.constant 8 : i32
      %dma_wait3A_1043 = arith.constant 0 : i32
      %dma_wait3A_1044 = tpu.memref_slice %arg12[%dma_wait3A_1042, %dma_wait3A_1043] : memref<16x128xf32, #tpu.memory_space<vmem>> -> memref<1x128xf32, #tpu.memory_space<vmem>>
      %dma_wait3A_1045 = tpu.memref_squeeze %dma_wait3A_1044 : memref<1x128xf32, #tpu.memory_space<vmem>> -> memref<128xf32, #tpu.memory_space<vmem>>
      %dma_wait3A_1046 = tpu.memref_slice %arg5[%multiple_of3A_491] : memref<1000000xf32, #tpu.memory_space<hbm>> -> memref<128xf32, #tpu.memory_space<hbm>>
      %dma_wait3A_1047 = arith.constant 0 : i32
      %dma_wait3A_1048 = tpu.memref_slice %arg12[%dma_wait3A_1042, %dma_wait3A_1047] : memref<16x128xf32, #tpu.memory_space<vmem>> -> memref<1x128xf32, #tpu.memory_space<vmem>>
      %dma_wait3A_1049 = tpu.memref_squeeze %dma_wait3A_1048 : memref<1x128xf32, #tpu.memory_space<vmem>> -> memref<128xf32, #tpu.memory_space<vmem>>
      %dma_wait3A_1050 = tpu.memref_slice %arg5[%multiple_of3A_491] : memref<1000000xf32, #tpu.memory_space<hbm>> -> memref<128xf32, #tpu.memory_space<hbm>>
      tpu.wait_dma2 semaphore(%arg14 : memref<!tpu.dma_semaphore, #tpu.memory_space<semaphore_mem>>) src(%dma_wait3A_1050 : memref<128xf32, #tpu.memory_space<hbm>>) dst(%dma_wait3A_1049 : memref<128xf32, #tpu.memory_space<vmem>>)
      %dma_wait3A_1051 = arith.constant 288 : i32
      %dma_wait3A_1052 = arith.constant 0 : i32
      %dma_wait3A_1053 = tpu.memref_slice %arg11[%dma_wait3A_1051, %dma_wait3A_1052] : memref<512x128xf32, #tpu.memory_space<vmem>> -> memref<32x128xf32, #tpu.memory_space<vmem>>
      %dma_wait3A_1054 = arith.constant 0 : i32
      %dma_wait3A_1055 = tpu.memref_slice %arg6[%dma_wait3A_1054, %multiple_of3A_537] : memref<32x1000000xf32, #tpu.memory_space<hbm>> -> memref<32x128xf32, #tpu.memory_space<hbm>>
      %dma_wait3A_1056 = arith.constant 288 : i32
      %dma_wait3A_1057 = arith.constant 0 : i32
      %dma_wait3A_1058 = tpu.memref_slice %arg11[%dma_wait3A_1056, %dma_wait3A_1057] : memref<512x128xf32, #tpu.memory_space<vmem>> -> memref<32x128xf32, #tpu.memory_space<vmem>>
      %dma_wait3A_1059 = arith.constant 0 : i32
      %dma_wait3A_1060 = tpu.memref_slice %arg6[%dma_wait3A_1059, %multiple_of3A_537] : memref<32x1000000xf32, #tpu.memory_space<hbm>> -> memref<32x128xf32, #tpu.memory_space<hbm>>
      tpu.wait_dma2 semaphore(%arg14 : memref<!tpu.dma_semaphore, #tpu.memory_space<semaphore_mem>>) src(%dma_wait3A_1060 : memref<32x128xf32, #tpu.memory_space<hbm>>) dst(%dma_wait3A_1058 : memref<32x128xf32, #tpu.memory_space<vmem>>)
      %dma_wait3A_1061 = arith.constant 9 : i32
      %dma_wait3A_1062 = arith.constant 0 : i32
      %dma_wait3A_1063 = tpu.memref_slice %arg12[%dma_wait3A_1061, %dma_wait3A_1062] : memref<16x128xf32, #tpu.memory_space<vmem>> -> memref<1x128xf32, #tpu.memory_space<vmem>>
      %dma_wait3A_1064 = tpu.memref_squeeze %dma_wait3A_1063 : memref<1x128xf32, #tpu.memory_space<vmem>> -> memref<128xf32, #tpu.memory_space<vmem>>
      %dma_wait3A_1065 = tpu.memref_slice %arg7[%multiple_of3A_537] : memref<1000000xf32, #tpu.memory_space<hbm>> -> memref<128xf32, #tpu.memory_space<hbm>>
      %dma_wait3A_1066 = arith.constant 0 : i32
      %dma_wait3A_1067 = tpu.memref_slice %arg12[%dma_wait3A_1061, %dma_wait3A_1066] : memref<16x128xf32, #tpu.memory_space<vmem>> -> memref<1x128xf32, #tpu.memory_space<vmem>>
      %dma_wait3A_1068 = tpu.memref_squeeze %dma_wait3A_1067 : memref<1x128xf32, #tpu.memory_space<vmem>> -> memref<128xf32, #tpu.memory_space<vmem>>
      %dma_wait3A_1069 = tpu.memref_slice %arg7[%multiple_of3A_537] : memref<1000000xf32, #tpu.memory_space<hbm>> -> memref<128xf32, #tpu.memory_space<hbm>>
      tpu.wait_dma2 semaphore(%arg14 : memref<!tpu.dma_semaphore, #tpu.memory_space<semaphore_mem>>) src(%dma_wait3A_1069 : memref<128xf32, #tpu.memory_space<hbm>>) dst(%dma_wait3A_1068 : memref<128xf32, #tpu.memory_space<vmem>>)
      %dma_wait3A_1070 = arith.constant 320 : i32
      %dma_wait3A_1071 = arith.constant 0 : i32
      %dma_wait3A_1072 = tpu.memref_slice %arg11[%dma_wait3A_1070, %dma_wait3A_1071] : memref<512x128xf32, #tpu.memory_space<vmem>> -> memref<32x128xf32, #tpu.memory_space<vmem>>
      %dma_wait3A_1073 = arith.constant 0 : i32
      %dma_wait3A_1074 = tpu.memref_slice %arg4[%dma_wait3A_1073, %multiple_of3A_599] : memref<32x1000000xf32, #tpu.memory_space<hbm>> -> memref<32x128xf32, #tpu.memory_space<hbm>>
      %dma_wait3A_1075 = arith.constant 320 : i32
      %dma_wait3A_1076 = arith.constant 0 : i32
      %dma_wait3A_1077 = tpu.memref_slice %arg11[%dma_wait3A_1075, %dma_wait3A_1076] : memref<512x128xf32, #tpu.memory_space<vmem>> -> memref<32x128xf32, #tpu.memory_space<vmem>>
      %dma_wait3A_1078 = arith.constant 0 : i32
      %dma_wait3A_1079 = tpu.memref_slice %arg4[%dma_wait3A_1078, %multiple_of3A_599] : memref<32x1000000xf32, #tpu.memory_space<hbm>> -> memref<32x128xf32, #tpu.memory_space<hbm>>
      tpu.wait_dma2 semaphore(%arg14 : memref<!tpu.dma_semaphore, #tpu.memory_space<semaphore_mem>>) src(%dma_wait3A_1079 : memref<32x128xf32, #tpu.memory_space<hbm>>) dst(%dma_wait3A_1077 : memref<32x128xf32, #tpu.memory_space<vmem>>)
      %dma_wait3A_1080 = arith.constant 10 : i32
      %dma_wait3A_1081 = arith.constant 0 : i32
      %dma_wait3A_1082 = tpu.memref_slice %arg12[%dma_wait3A_1080, %dma_wait3A_1081] : memref<16x128xf32, #tpu.memory_space<vmem>> -> memref<1x128xf32, #tpu.memory_space<vmem>>
      %dma_wait3A_1083 = tpu.memref_squeeze %dma_wait3A_1082 : memref<1x128xf32, #tpu.memory_space<vmem>> -> memref<128xf32, #tpu.memory_space<vmem>>
      %dma_wait3A_1084 = tpu.memref_slice %arg5[%multiple_of3A_599] : memref<1000000xf32, #tpu.memory_space<hbm>> -> memref<128xf32, #tpu.memory_space<hbm>>
      %dma_wait3A_1085 = arith.constant 0 : i32
      %dma_wait3A_1086 = tpu.memref_slice %arg12[%dma_wait3A_1080, %dma_wait3A_1085] : memref<16x128xf32, #tpu.memory_space<vmem>> -> memref<1x128xf32, #tpu.memory_space<vmem>>
      %dma_wait3A_1087 = tpu.memref_squeeze %dma_wait3A_1086 : memref<1x128xf32, #tpu.memory_space<vmem>> -> memref<128xf32, #tpu.memory_space<vmem>>
      %dma_wait3A_1088 = tpu.memref_slice %arg5[%multiple_of3A_599] : memref<1000000xf32, #tpu.memory_space<hbm>> -> memref<128xf32, #tpu.memory_space<hbm>>
      tpu.wait_dma2 semaphore(%arg14 : memref<!tpu.dma_semaphore, #tpu.memory_space<semaphore_mem>>) src(%dma_wait3A_1088 : memref<128xf32, #tpu.memory_space<hbm>>) dst(%dma_wait3A_1087 : memref<128xf32, #tpu.memory_space<vmem>>)
      %dma_wait3A_1089 = arith.constant 352 : i32
      %dma_wait3A_1090 = arith.constant 0 : i32
      %dma_wait3A_1091 = tpu.memref_slice %arg11[%dma_wait3A_1089, %dma_wait3A_1090] : memref<512x128xf32, #tpu.memory_space<vmem>> -> memref<32x128xf32, #tpu.memory_space<vmem>>
      %dma_wait3A_1092 = arith.constant 0 : i32
      %dma_wait3A_1093 = tpu.memref_slice %arg6[%dma_wait3A_1092, %multiple_of3A_645] : memref<32x1000000xf32, #tpu.memory_space<hbm>> -> memref<32x128xf32, #tpu.memory_space<hbm>>
      %dma_wait3A_1094 = arith.constant 352 : i32
      %dma_wait3A_1095 = arith.constant 0 : i32
      %dma_wait3A_1096 = tpu.memref_slice %arg11[%dma_wait3A_1094, %dma_wait3A_1095] : memref<512x128xf32, #tpu.memory_space<vmem>> -> memref<32x128xf32, #tpu.memory_space<vmem>>
      %dma_wait3A_1097 = arith.constant 0 : i32
      %dma_wait3A_1098 = tpu.memref_slice %arg6[%dma_wait3A_1097, %multiple_of3A_645] : memref<32x1000000xf32, #tpu.memory_space<hbm>> -> memref<32x128xf32, #tpu.memory_space<hbm>>
      tpu.wait_dma2 semaphore(%arg14 : memref<!tpu.dma_semaphore, #tpu.memory_space<semaphore_mem>>) src(%dma_wait3A_1098 : memref<32x128xf32, #tpu.memory_space<hbm>>) dst(%dma_wait3A_1096 : memref<32x128xf32, #tpu.memory_space<vmem>>)
      %dma_wait3A_1099 = arith.constant 11 : i32
      %dma_wait3A_1100 = arith.constant 0 : i32
      %dma_wait3A_1101 = tpu.memref_slice %arg12[%dma_wait3A_1099, %dma_wait3A_1100] : memref<16x128xf32, #tpu.memory_space<vmem>> -> memref<1x128xf32, #tpu.memory_space<vmem>>
      %dma_wait3A_1102 = tpu.memref_squeeze %dma_wait3A_1101 : memref<1x128xf32, #tpu.memory_space<vmem>> -> memref<128xf32, #tpu.memory_space<vmem>>
      %dma_wait3A_1103 = tpu.memref_slice %arg7[%multiple_of3A_645] : memref<1000000xf32, #tpu.memory_space<hbm>> -> memref<128xf32, #tpu.memory_space<hbm>>
      %dma_wait3A_1104 = arith.constant 0 : i32
      %dma_wait3A_1105 = tpu.memref_slice %arg12[%dma_wait3A_1099, %dma_wait3A_1104] : memref<16x128xf32, #tpu.memory_space<vmem>> -> memref<1x128xf32, #tpu.memory_space<vmem>>
      %dma_wait3A_1106 = tpu.memref_squeeze %dma_wait3A_1105 : memref<1x128xf32, #tpu.memory_space<vmem>> -> memref<128xf32, #tpu.memory_space<vmem>>
      %dma_wait3A_1107 = tpu.memref_slice %arg7[%multiple_of3A_645] : memref<1000000xf32, #tpu.memory_space<hbm>> -> memref<128xf32, #tpu.memory_space<hbm>>
      tpu.wait_dma2 semaphore(%arg14 : memref<!tpu.dma_semaphore, #tpu.memory_space<semaphore_mem>>) src(%dma_wait3A_1107 : memref<128xf32, #tpu.memory_space<hbm>>) dst(%dma_wait3A_1106 : memref<128xf32, #tpu.memory_space<vmem>>)
      %dma_wait3A_1108 = arith.constant 384 : i32
      %dma_wait3A_1109 = arith.constant 0 : i32
      %dma_wait3A_1110 = tpu.memref_slice %arg11[%dma_wait3A_1108, %dma_wait3A_1109] : memref<512x128xf32, #tpu.memory_space<vmem>> -> memref<32x128xf32, #tpu.memory_space<vmem>>
      %dma_wait3A_1111 = arith.constant 0 : i32
      %dma_wait3A_1112 = tpu.memref_slice %arg4[%dma_wait3A_1111, %multiple_of3A_707] : memref<32x1000000xf32, #tpu.memory_space<hbm>> -> memref<32x128xf32, #tpu.memory_space<hbm>>
      %dma_wait3A_1113 = arith.constant 384 : i32
      %dma_wait3A_1114 = arith.constant 0 : i32
      %dma_wait3A_1115 = tpu.memref_slice %arg11[%dma_wait3A_1113, %dma_wait3A_1114] : memref<512x128xf32, #tpu.memory_space<vmem>> -> memref<32x128xf32, #tpu.memory_space<vmem>>
      %dma_wait3A_1116 = arith.constant 0 : i32
      %dma_wait3A_1117 = tpu.memref_slice %arg4[%dma_wait3A_1116, %multiple_of3A_707] : memref<32x1000000xf32, #tpu.memory_space<hbm>> -> memref<32x128xf32, #tpu.memory_space<hbm>>
      tpu.wait_dma2 semaphore(%arg14 : memref<!tpu.dma_semaphore, #tpu.memory_space<semaphore_mem>>) src(%dma_wait3A_1117 : memref<32x128xf32, #tpu.memory_space<hbm>>) dst(%dma_wait3A_1115 : memref<32x128xf32, #tpu.memory_space<vmem>>)
      %dma_wait3A_1118 = arith.constant 12 : i32
      %dma_wait3A_1119 = arith.constant 0 : i32
      %dma_wait3A_1120 = tpu.memref_slice %arg12[%dma_wait3A_1118, %dma_wait3A_1119] : memref<16x128xf32, #tpu.memory_space<vmem>> -> memref<1x128xf32, #tpu.memory_space<vmem>>
      %dma_wait3A_1121 = tpu.memref_squeeze %dma_wait3A_1120 : memref<1x128xf32, #tpu.memory_space<vmem>> -> memref<128xf32, #tpu.memory_space<vmem>>
      %dma_wait3A_1122 = tpu.memref_slice %arg5[%multiple_of3A_707] : memref<1000000xf32, #tpu.memory_space<hbm>> -> memref<128xf32, #tpu.memory_space<hbm>>
      %dma_wait3A_1123 = arith.constant 0 : i32
      %dma_wait3A_1124 = tpu.memref_slice %arg12[%dma_wait3A_1118, %dma_wait3A_1123] : memref<16x128xf32, #tpu.memory_space<vmem>> -> memref<1x128xf32, #tpu.memory_space<vmem>>
      %dma_wait3A_1125 = tpu.memref_squeeze %dma_wait3A_1124 : memref<1x128xf32, #tpu.memory_space<vmem>> -> memref<128xf32, #tpu.memory_space<vmem>>
      %dma_wait3A_1126 = tpu.memref_slice %arg5[%multiple_of3A_707] : memref<1000000xf32, #tpu.memory_space<hbm>> -> memref<128xf32, #tpu.memory_space<hbm>>
      tpu.wait_dma2 semaphore(%arg14 : memref<!tpu.dma_semaphore, #tpu.memory_space<semaphore_mem>>) src(%dma_wait3A_1126 : memref<128xf32, #tpu.memory_space<hbm>>) dst(%dma_wait3A_1125 : memref<128xf32, #tpu.memory_space<vmem>>)
      %dma_wait3A_1127 = arith.constant 416 : i32
      %dma_wait3A_1128 = arith.constant 0 : i32
      %dma_wait3A_1129 = tpu.memref_slice %arg11[%dma_wait3A_1127, %dma_wait3A_1128] : memref<512x128xf32, #tpu.memory_space<vmem>> -> memref<32x128xf32, #tpu.memory_space<vmem>>
      %dma_wait3A_1130 = arith.constant 0 : i32
      %dma_wait3A_1131 = tpu.memref_slice %arg6[%dma_wait3A_1130, %multiple_of3A_753] : memref<32x1000000xf32, #tpu.memory_space<hbm>> -> memref<32x128xf32, #tpu.memory_space<hbm>>
      %dma_wait3A_1132 = arith.constant 416 : i32
      %dma_wait3A_1133 = arith.constant 0 : i32
      %dma_wait3A_1134 = tpu.memref_slice %arg11[%dma_wait3A_1132, %dma_wait3A_1133] : memref<512x128xf32, #tpu.memory_space<vmem>> -> memref<32x128xf32, #tpu.memory_space<vmem>>
      %dma_wait3A_1135 = arith.constant 0 : i32
      %dma_wait3A_1136 = tpu.memref_slice %arg6[%dma_wait3A_1135, %multiple_of3A_753] : memref<32x1000000xf32, #tpu.memory_space<hbm>> -> memref<32x128xf32, #tpu.memory_space<hbm>>
      tpu.wait_dma2 semaphore(%arg14 : memref<!tpu.dma_semaphore, #tpu.memory_space<semaphore_mem>>) src(%dma_wait3A_1136 : memref<32x128xf32, #tpu.memory_space<hbm>>) dst(%dma_wait3A_1134 : memref<32x128xf32, #tpu.memory_space<vmem>>)
      %dma_wait3A_1137 = arith.constant 13 : i32
      %dma_wait3A_1138 = arith.constant 0 : i32
      %dma_wait3A_1139 = tpu.memref_slice %arg12[%dma_wait3A_1137, %dma_wait3A_1138] : memref<16x128xf32, #tpu.memory_space<vmem>> -> memref<1x128xf32, #tpu.memory_space<vmem>>
      %dma_wait3A_1140 = tpu.memref_squeeze %dma_wait3A_1139 : memref<1x128xf32, #tpu.memory_space<vmem>> -> memref<128xf32, #tpu.memory_space<vmem>>
      %dma_wait3A_1141 = tpu.memref_slice %arg7[%multiple_of3A_753] : memref<1000000xf32, #tpu.memory_space<hbm>> -> memref<128xf32, #tpu.memory_space<hbm>>
      %dma_wait3A_1142 = arith.constant 0 : i32
      %dma_wait3A_1143 = tpu.memref_slice %arg12[%dma_wait3A_1137, %dma_wait3A_1142] : memref<16x128xf32, #tpu.memory_space<vmem>> -> memref<1x128xf32, #tpu.memory_space<vmem>>
      %dma_wait3A_1144 = tpu.memref_squeeze %dma_wait3A_1143 : memref<1x128xf32, #tpu.memory_space<vmem>> -> memref<128xf32, #tpu.memory_space<vmem>>
      %dma_wait3A_1145 = tpu.memref_slice %arg7[%multiple_of3A_753] : memref<1000000xf32, #tpu.memory_space<hbm>> -> memref<128xf32, #tpu.memory_space<hbm>>
      tpu.wait_dma2 semaphore(%arg14 : memref<!tpu.dma_semaphore, #tpu.memory_space<semaphore_mem>>) src(%dma_wait3A_1145 : memref<128xf32, #tpu.memory_space<hbm>>) dst(%dma_wait3A_1144 : memref<128xf32, #tpu.memory_space<vmem>>)
      %dma_wait3A_1146 = arith.constant 448 : i32
      %dma_wait3A_1147 = arith.constant 0 : i32
      %dma_wait3A_1148 = tpu.memref_slice %arg11[%dma_wait3A_1146, %dma_wait3A_1147] : memref<512x128xf32, #tpu.memory_space<vmem>> -> memref<32x128xf32, #tpu.memory_space<vmem>>
      %dma_wait3A_1149 = arith.constant 0 : i32
      %dma_wait3A_1150 = tpu.memref_slice %arg4[%dma_wait3A_1149, %multiple_of3A_815] : memref<32x1000000xf32, #tpu.memory_space<hbm>> -> memref<32x128xf32, #tpu.memory_space<hbm>>
      %dma_wait3A_1151 = arith.constant 448 : i32
      %dma_wait3A_1152 = arith.constant 0 : i32
      %dma_wait3A_1153 = tpu.memref_slice %arg11[%dma_wait3A_1151, %dma_wait3A_1152] : memref<512x128xf32, #tpu.memory_space<vmem>> -> memref<32x128xf32, #tpu.memory_space<vmem>>
      %dma_wait3A_1154 = arith.constant 0 : i32
      %dma_wait3A_1155 = tpu.memref_slice %arg4[%dma_wait3A_1154, %multiple_of3A_815] : memref<32x1000000xf32, #tpu.memory_space<hbm>> -> memref<32x128xf32, #tpu.memory_space<hbm>>
      tpu.wait_dma2 semaphore(%arg14 : memref<!tpu.dma_semaphore, #tpu.memory_space<semaphore_mem>>) src(%dma_wait3A_1155 : memref<32x128xf32, #tpu.memory_space<hbm>>) dst(%dma_wait3A_1153 : memref<32x128xf32, #tpu.memory_space<vmem>>)
      %dma_wait3A_1156 = arith.constant 14 : i32
      %dma_wait3A_1157 = arith.constant 0 : i32
      %dma_wait3A_1158 = tpu.memref_slice %arg12[%dma_wait3A_1156, %dma_wait3A_1157] : memref<16x128xf32, #tpu.memory_space<vmem>> -> memref<1x128xf32, #tpu.memory_space<vmem>>
      %dma_wait3A_1159 = tpu.memref_squeeze %dma_wait3A_1158 : memref<1x128xf32, #tpu.memory_space<vmem>> -> memref<128xf32, #tpu.memory_space<vmem>>
      %dma_wait3A_1160 = tpu.memref_slice %arg5[%multiple_of3A_815] : memref<1000000xf32, #tpu.memory_space<hbm>> -> memref<128xf32, #tpu.memory_space<hbm>>
      %dma_wait3A_1161 = arith.constant 0 : i32
      %dma_wait3A_1162 = tpu.memref_slice %arg12[%dma_wait3A_1156, %dma_wait3A_1161] : memref<16x128xf32, #tpu.memory_space<vmem>> -> memref<1x128xf32, #tpu.memory_space<vmem>>
      %dma_wait3A_1163 = tpu.memref_squeeze %dma_wait3A_1162 : memref<1x128xf32, #tpu.memory_space<vmem>> -> memref<128xf32, #tpu.memory_space<vmem>>
      %dma_wait3A_1164 = tpu.memref_slice %arg5[%multiple_of3A_815] : memref<1000000xf32, #tpu.memory_space<hbm>> -> memref<128xf32, #tpu.memory_space<hbm>>
      tpu.wait_dma2 semaphore(%arg14 : memref<!tpu.dma_semaphore, #tpu.memory_space<semaphore_mem>>) src(%dma_wait3A_1164 : memref<128xf32, #tpu.memory_space<hbm>>) dst(%dma_wait3A_1163 : memref<128xf32, #tpu.memory_space<vmem>>)
      %dma_wait3A_1165 = arith.constant 480 : i32
      %dma_wait3A_1166 = arith.constant 0 : i32
      %dma_wait3A_1167 = tpu.memref_slice %arg11[%dma_wait3A_1165, %dma_wait3A_1166] : memref<512x128xf32, #tpu.memory_space<vmem>> -> memref<32x128xf32, #tpu.memory_space<vmem>>
      %dma_wait3A_1168 = arith.constant 0 : i32
      %dma_wait3A_1169 = tpu.memref_slice %arg6[%dma_wait3A_1168, %multiple_of3A_861] : memref<32x1000000xf32, #tpu.memory_space<hbm>> -> memref<32x128xf32, #tpu.memory_space<hbm>>
      %dma_wait3A_1170 = arith.constant 480 : i32
      %dma_wait3A_1171 = arith.constant 0 : i32
      %dma_wait3A_1172 = tpu.memref_slice %arg11[%dma_wait3A_1170, %dma_wait3A_1171] : memref<512x128xf32, #tpu.memory_space<vmem>> -> memref<32x128xf32, #tpu.memory_space<vmem>>
      %dma_wait3A_1173 = arith.constant 0 : i32
      %dma_wait3A_1174 = tpu.memref_slice %arg6[%dma_wait3A_1173, %multiple_of3A_861] : memref<32x1000000xf32, #tpu.memory_space<hbm>> -> memref<32x128xf32, #tpu.memory_space<hbm>>
      tpu.wait_dma2 semaphore(%arg14 : memref<!tpu.dma_semaphore, #tpu.memory_space<semaphore_mem>>) src(%dma_wait3A_1174 : memref<32x128xf32, #tpu.memory_space<hbm>>) dst(%dma_wait3A_1172 : memref<32x128xf32, #tpu.memory_space<vmem>>)
      %dma_wait3A_1175 = arith.constant 15 : i32
      %dma_wait3A_1176 = arith.constant 0 : i32
      %dma_wait3A_1177 = tpu.memref_slice %arg12[%dma_wait3A_1175, %dma_wait3A_1176] : memref<16x128xf32, #tpu.memory_space<vmem>> -> memref<1x128xf32, #tpu.memory_space<vmem>>
      %dma_wait3A_1178 = tpu.memref_squeeze %dma_wait3A_1177 : memref<1x128xf32, #tpu.memory_space<vmem>> -> memref<128xf32, #tpu.memory_space<vmem>>
      %dma_wait3A_1179 = tpu.memref_slice %arg7[%multiple_of3A_861] : memref<1000000xf32, #tpu.memory_space<hbm>> -> memref<128xf32, #tpu.memory_space<hbm>>
      %dma_wait3A_1180 = arith.constant 0 : i32
      %dma_wait3A_1181 = tpu.memref_slice %arg12[%dma_wait3A_1175, %dma_wait3A_1180] : memref<16x128xf32, #tpu.memory_space<vmem>> -> memref<1x128xf32, #tpu.memory_space<vmem>>
      %dma_wait3A_1182 = tpu.memref_squeeze %dma_wait3A_1181 : memref<1x128xf32, #tpu.memory_space<vmem>> -> memref<128xf32, #tpu.memory_space<vmem>>
      %dma_wait3A_1183 = tpu.memref_slice %arg7[%multiple_of3A_861] : memref<1000000xf32, #tpu.memory_space<hbm>> -> memref<128xf32, #tpu.memory_space<hbm>>
      tpu.wait_dma2 semaphore(%arg14 : memref<!tpu.dma_semaphore, #tpu.memory_space<semaphore_mem>>) src(%dma_wait3A_1183 : memref<128xf32, #tpu.memory_space<hbm>>) dst(%dma_wait3A_1182 : memref<128xf32, #tpu.memory_space<vmem>>)
      %jit3A_1184 = arith.constant 128 : i32
      %eq3A_1185 = arith.constant 0 : i32
      %eq3A_1186 = arith.cmpi eq, %jit3A_1184, %eq3A_1185 : i32
      %jit3A_1187 = arith.constant 1 : i32
      %select_n3A_1188 = arith.select %eq3A_1186, %jit3A_1187, %jit3A_1184 : i32
      %rem3A_1189 = arith.remsi %reduce_sum3A_33, %select_n3A_1188 : i32
      %ne3A_1190 = arith.constant 0 : i32
      %ne3A_1191 = arith.cmpi ne, %rem3A_1189, %ne3A_1190 : i32
      %lt3A = arith.constant 0 : i32
      %lt3A_1192 = arith.cmpi slt, %rem3A_1189, %lt3A : i32
      %lt3A_1193 = arith.constant 0 : i32
      %lt3A_1194 = arith.cmpi slt, %select_n3A_1188, %lt3A_1193 : i32
      %ne3A_1195 = arith.xori %lt3A_1192, %lt3A_1194 : i1
      %and3A_1196 = arith.andi %ne3A_1195, %ne3A_1191 : i1
      %add3A_1197 = arith.addi %rem3A_1189, %select_n3A_1188 : i32
      %select_n3A_1198 = arith.select %and3A_1196, %add3A_1197, %rem3A_1189 : i32
      %broadcast_in_dim3A_1199 = vector.broadcast %select_n3A_1198 : i32 to vector<16xi32>
      %jit3A_1200 = arith.constant 128 : i32
      %eq3A_1201 = arith.constant 0 : i32
      %eq3A_1202 = arith.cmpi eq, %jit3A_1200, %eq3A_1201 : i32
      %jit3A_1203 = arith.constant 1 : i32
      %select_n3A_1204 = arith.select %eq3A_1202, %jit3A_1203, %jit3A_1200 : i32
      %rem3A_1205 = arith.remsi %reduce_sum3A_41, %select_n3A_1204 : i32
      %ne3A_1206 = arith.constant 0 : i32
      %ne3A_1207 = arith.cmpi ne, %rem3A_1205, %ne3A_1206 : i32
      %lt3A_1208 = arith.constant 0 : i32
      %lt3A_1209 = arith.cmpi slt, %rem3A_1205, %lt3A_1208 : i32
      %lt3A_1210 = arith.constant 0 : i32
      %lt3A_1211 = arith.cmpi slt, %select_n3A_1204, %lt3A_1210 : i32
      %ne3A_1212 = arith.xori %lt3A_1209, %lt3A_1211 : i1
      %and3A_1213 = arith.andi %ne3A_1212, %ne3A_1207 : i1
      %add3A_1214 = arith.addi %rem3A_1205, %select_n3A_1204 : i32
      %select_n3A_1215 = arith.select %and3A_1213, %add3A_1214, %rem3A_1205 : i32
      %broadcast_in_dim3A_1216 = vector.broadcast %select_n3A_1215 : i32 to vector<16xi32>
      %add3A_1217 = arith.constant 0 : i32
      %add3A_1218 = vector.broadcast %add3A_1217 : i32 to vector<16xi32>
      %add3A_1219 = arith.addi %add3A_1218, %iota3A : vector<16xi32>
      %gather3A = tpu.vector_load_idx %arg11[%add3A_1219, %broadcast_in_dim3A_1199] : memref<512x128xf32, #tpu.memory_space<vmem>>[vector<16xi32>, vector<16xi32>], vector<16xf32>,
      %add3A_1220 = arith.constant 16 : i32
      %add3A_1221 = vector.broadcast %add3A_1220 : i32 to vector<16xi32>
      %add3A_1222 = arith.addi %add3A_1221, %iota3A : vector<16xi32>
      %gather3A_1223 = tpu.vector_load_idx %arg11[%add3A_1222, %broadcast_in_dim3A_1199] : memref<512x128xf32, #tpu.memory_space<vmem>>[vector<16xi32>, vector<16xi32>], vector<16xf32>,
      %add3A_1224 = arith.constant 32 : i32
      %add3A_1225 = vector.broadcast %add3A_1224 : i32 to vector<16xi32>
      %add3A_1226 = arith.addi %add3A_1225, %iota3A : vector<16xi32>
      %gather3A_1227 = tpu.vector_load_idx %arg11[%add3A_1226, %broadcast_in_dim3A_1216] : memref<512x128xf32, #tpu.memory_space<vmem>>[vector<16xi32>, vector<16xi32>], vector<16xf32>,
      %add3A_1228 = arith.constant 48 : i32
      %add3A_1229 = vector.broadcast %add3A_1228 : i32 to vector<16xi32>
      %add3A_1230 = arith.addi %add3A_1229, %iota3A : vector<16xi32>
      %gather3A_1231 = tpu.vector_load_idx %arg11[%add3A_1230, %broadcast_in_dim3A_1216] : memref<512x128xf32, #tpu.memory_space<vmem>>[vector<16xi32>, vector<16xi32>], vector<16xf32>,
      %broadcast_in_dim3A_1232 = arith.constant 0 : i32
      %broadcast_in_dim3A_1233 = vector.broadcast %broadcast_in_dim3A_1232 : i32 to vector<16xi32>
      %gather3A_1234 = tpu.vector_load_idx %arg12[%broadcast_in_dim3A_1233, %broadcast_in_dim3A_1199] : memref<16x128xf32, #tpu.memory_space<vmem>>[vector<16xi32>, vector<16xi32>], vector<16xf32>,
      %broadcast_in_dim3A_1235 = arith.constant 1 : i32
      %broadcast_in_dim3A_1236 = vector.broadcast %broadcast_in_dim3A_1235 : i32 to vector<16xi32>
      %gather3A_1237 = tpu.vector_load_idx %arg12[%broadcast_in_dim3A_1236, %broadcast_in_dim3A_1216] : memref<16x128xf32, #tpu.memory_space<vmem>>[vector<16xi32>, vector<16xi32>], vector<16xf32>,
      %mul3A_1238 = arith.mulf %gather3A, %gather3A_1227 : vector<16xf32>
      %mul3A_1239 = arith.mulf %gather3A_1223, %gather3A_1231 : vector<16xf32>
      %add3A_1240 = arith.addf %mul3A_1238, %mul3A_1239 : vector<16xf32>
      %add3A_1241 = arith.addf %gather3A_1234, %gather3A_1237 : vector<16xf32>
      %select_n3A_1242 = arith.select %eq3A_7, %add3A_1241, %broadcast_in_dim3A_5 : vector<16xi1>, vector<16xf32>
      %add3A_1243 = arith.addf %add3A_1240, %select_n3A_1242 : vector<16xf32>
      %broadcast_in_dim3A_1244 = arith.constant true
      %broadcast_in_dim3A_1245 = vector.broadcast %broadcast_in_dim3A_1244 : i1 to vector<16xi1>
      %masked_cumsum3A = tpu.scan <sum>, %add3A_1243 masked %broadcast_in_dim3A_1245 : vector<16xf32>, vector<16xi1> -> vector<16xf32>
      %add3A_1246 = arith.constant 0 : i32
      %add3A_1247 = arith.addi %add3A_27, %add3A_1246 : i32
      %broadcast_in_dim3A_1248 = vector.broadcast %add3A_1247 : i32 to vector<16xi32>
      tpu.vector_store_idx %arg13[%broadcast_in_dim3A_1248], %masked_cumsum3A masked %eq3A_10 : memref<512xf32, #tpu.memory_space<vmem>>[vector<16xi32>], vector<16xf32>, vector<16xi1>
      %jit3A_1249 = arith.constant 128 : i32
      %eq3A_1250 = arith.constant 0 : i32
      %eq3A_1251 = arith.cmpi eq, %jit3A_1249, %eq3A_1250 : i32
      %jit3A_1252 = arith.constant 1 : i32
      %select_n3A_1253 = arith.select %eq3A_1251, %jit3A_1252, %jit3A_1249 : i32
      %rem3A_1254 = arith.remsi %reduce_sum3A_132, %select_n3A_1253 : i32
      %ne3A_1255 = arith.constant 0 : i32
      %ne3A_1256 = arith.cmpi ne, %rem3A_1254, %ne3A_1255 : i32
      %lt3A_1257 = arith.constant 0 : i32
      %lt3A_1258 = arith.cmpi slt, %rem3A_1254, %lt3A_1257 : i32
      %lt3A_1259 = arith.constant 0 : i32
      %lt3A_1260 = arith.cmpi slt, %select_n3A_1253, %lt3A_1259 : i32
      %ne3A_1261 = arith.xori %lt3A_1258, %lt3A_1260 : i1
      %and3A_1262 = arith.andi %ne3A_1261, %ne3A_1256 : i1
      %add3A_1263 = arith.addi %rem3A_1254, %select_n3A_1253 : i32
      %select_n3A_1264 = arith.select %and3A_1262, %add3A_1263, %rem3A_1254 : i32
      %broadcast_in_dim3A_1265 = vector.broadcast %select_n3A_1264 : i32 to vector<16xi32>
      %jit3A_1266 = arith.constant 128 : i32
      %eq3A_1267 = arith.constant 0 : i32
      %eq3A_1268 = arith.cmpi eq, %jit3A_1266, %eq3A_1267 : i32
      %jit3A_1269 = arith.constant 1 : i32
      %select_n3A_1270 = arith.select %eq3A_1268, %jit3A_1269, %jit3A_1266 : i32
      %rem3A_1271 = arith.remsi %reduce_sum3A_140, %select_n3A_1270 : i32
      %ne3A_1272 = arith.constant 0 : i32
      %ne3A_1273 = arith.cmpi ne, %rem3A_1271, %ne3A_1272 : i32
      %lt3A_1274 = arith.constant 0 : i32
      %lt3A_1275 = arith.cmpi slt, %rem3A_1271, %lt3A_1274 : i32
      %lt3A_1276 = arith.constant 0 : i32
      %lt3A_1277 = arith.cmpi slt, %select_n3A_1270, %lt3A_1276 : i32
      %ne3A_1278 = arith.xori %lt3A_1275, %lt3A_1277 : i1
      %and3A_1279 = arith.andi %ne3A_1278, %ne3A_1273 : i1
      %add3A_1280 = arith.addi %rem3A_1271, %select_n3A_1270 : i32
      %select_n3A_1281 = arith.select %and3A_1279, %add3A_1280, %rem3A_1271 : i32
      %broadcast_in_dim3A_1282 = vector.broadcast %select_n3A_1281 : i32 to vector<16xi32>
      %add3A_1283 = arith.constant 64 : i32
      %add3A_1284 = vector.broadcast %add3A_1283 : i32 to vector<16xi32>
      %add3A_1285 = arith.addi %add3A_1284, %iota3A : vector<16xi32>
      %gather3A_1286 = tpu.vector_load_idx %arg11[%add3A_1285, %broadcast_in_dim3A_1265] : memref<512x128xf32, #tpu.memory_space<vmem>>[vector<16xi32>, vector<16xi32>], vector<16xf32>,
      %add3A_1287 = arith.constant 80 : i32
      %add3A_1288 = vector.broadcast %add3A_1287 : i32 to vector<16xi32>
      %add3A_1289 = arith.addi %add3A_1288, %iota3A : vector<16xi32>
      %gather3A_1290 = tpu.vector_load_idx %arg11[%add3A_1289, %broadcast_in_dim3A_1265] : memref<512x128xf32, #tpu.memory_space<vmem>>[vector<16xi32>, vector<16xi32>], vector<16xf32>,
      %add3A_1291 = arith.constant 96 : i32
      %add3A_1292 = vector.broadcast %add3A_1291 : i32 to vector<16xi32>
      %add3A_1293 = arith.addi %add3A_1292, %iota3A : vector<16xi32>
      %gather3A_1294 = tpu.vector_load_idx %arg11[%add3A_1293, %broadcast_in_dim3A_1282] : memref<512x128xf32, #tpu.memory_space<vmem>>[vector<16xi32>, vector<16xi32>], vector<16xf32>,
      %add3A_1295 = arith.constant 112 : i32
      %add3A_1296 = vector.broadcast %add3A_1295 : i32 to vector<16xi32>
      %add3A_1297 = arith.addi %add3A_1296, %iota3A : vector<16xi32>
      %gather3A_1298 = tpu.vector_load_idx %arg11[%add3A_1297, %broadcast_in_dim3A_1282] : memref<512x128xf32, #tpu.memory_space<vmem>>[vector<16xi32>, vector<16xi32>], vector<16xf32>,
      %broadcast_in_dim3A_1299 = arith.constant 2 : i32
      %broadcast_in_dim3A_1300 = vector.broadcast %broadcast_in_dim3A_1299 : i32 to vector<16xi32>
      %gather3A_1301 = tpu.vector_load_idx %arg12[%broadcast_in_dim3A_1300, %broadcast_in_dim3A_1265] : memref<16x128xf32, #tpu.memory_space<vmem>>[vector<16xi32>, vector<16xi32>], vector<16xf32>,
      %broadcast_in_dim3A_1302 = arith.constant 3 : i32
      %broadcast_in_dim3A_1303 = vector.broadcast %broadcast_in_dim3A_1302 : i32 to vector<16xi32>
      %gather3A_1304 = tpu.vector_load_idx %arg12[%broadcast_in_dim3A_1303, %broadcast_in_dim3A_1282] : memref<16x128xf32, #tpu.memory_space<vmem>>[vector<16xi32>, vector<16xi32>], vector<16xf32>,
      %mul3A_1305 = arith.mulf %gather3A_1286, %gather3A_1294 : vector<16xf32>
      %mul3A_1306 = arith.mulf %gather3A_1290, %gather3A_1298 : vector<16xf32>
      %add3A_1307 = arith.addf %mul3A_1305, %mul3A_1306 : vector<16xf32>
      %add3A_1308 = arith.addf %gather3A_1301, %gather3A_1304 : vector<16xf32>
      %select_n3A_1309 = arith.select %eq3A_7, %add3A_1308, %broadcast_in_dim3A_5 : vector<16xi1>, vector<16xf32>
      %add3A_1310 = arith.addf %add3A_1307, %select_n3A_1309 : vector<16xf32>
      %broadcast_in_dim3A_1311 = arith.constant true
      %broadcast_in_dim3A_1312 = vector.broadcast %broadcast_in_dim3A_1311 : i1 to vector<16xi1>
      %masked_cumsum3A_1313 = tpu.scan <sum>, %add3A_1310 masked %broadcast_in_dim3A_1312 : vector<16xf32>, vector<16xi1> -> vector<16xf32>
      %add3A_1314 = arith.constant 1 : i32
      %add3A_1315 = arith.addi %add3A_27, %add3A_1314 : i32
      %broadcast_in_dim3A_1316 = vector.broadcast %add3A_1315 : i32 to vector<16xi32>
      tpu.vector_store_idx %arg13[%broadcast_in_dim3A_1316], %masked_cumsum3A_1313 masked %eq3A_10 : memref<512xf32, #tpu.memory_space<vmem>>[vector<16xi32>], vector<16xf32>, vector<16xi1>
      %jit3A_1317 = arith.constant 128 : i32
      %eq3A_1318 = arith.constant 0 : i32
      %eq3A_1319 = arith.cmpi eq, %jit3A_1317, %eq3A_1318 : i32
      %jit3A_1320 = arith.constant 1 : i32
      %select_n3A_1321 = arith.select %eq3A_1319, %jit3A_1320, %jit3A_1317 : i32
      %rem3A_1322 = arith.remsi %reduce_sum3A_240, %select_n3A_1321 : i32
      %ne3A_1323 = arith.constant 0 : i32
      %ne3A_1324 = arith.cmpi ne, %rem3A_1322, %ne3A_1323 : i32
      %lt3A_1325 = arith.constant 0 : i32
      %lt3A_1326 = arith.cmpi slt, %rem3A_1322, %lt3A_1325 : i32
      %lt3A_1327 = arith.constant 0 : i32
      %lt3A_1328 = arith.cmpi slt, %select_n3A_1321, %lt3A_1327 : i32
      %ne3A_1329 = arith.xori %lt3A_1326, %lt3A_1328 : i1
      %and3A_1330 = arith.andi %ne3A_1329, %ne3A_1324 : i1
      %add3A_1331 = arith.addi %rem3A_1322, %select_n3A_1321 : i32
      %select_n3A_1332 = arith.select %and3A_1330, %add3A_1331, %rem3A_1322 : i32
      %broadcast_in_dim3A_1333 = vector.broadcast %select_n3A_1332 : i32 to vector<16xi32>
      %jit3A_1334 = arith.constant 128 : i32
      %eq3A_1335 = arith.constant 0 : i32
      %eq3A_1336 = arith.cmpi eq, %jit3A_1334, %eq3A_1335 : i32
      %jit3A_1337 = arith.constant 1 : i32
      %select_n3A_1338 = arith.select %eq3A_1336, %jit3A_1337, %jit3A_1334 : i32
      %rem3A_1339 = arith.remsi %reduce_sum3A_248, %select_n3A_1338 : i32
      %ne3A_1340 = arith.constant 0 : i32
      %ne3A_1341 = arith.cmpi ne, %rem3A_1339, %ne3A_1340 : i32
      %lt3A_1342 = arith.constant 0 : i32
      %lt3A_1343 = arith.cmpi slt, %rem3A_1339, %lt3A_1342 : i32
      %lt3A_1344 = arith.constant 0 : i32
      %lt3A_1345 = arith.cmpi slt, %select_n3A_1338, %lt3A_1344 : i32
      %ne3A_1346 = arith.xori %lt3A_1343, %lt3A_1345 : i1
      %and3A_1347 = arith.andi %ne3A_1346, %ne3A_1341 : i1
      %add3A_1348 = arith.addi %rem3A_1339, %select_n3A_1338 : i32
      %select_n3A_1349 = arith.select %and3A_1347, %add3A_1348, %rem3A_1339 : i32
      %broadcast_in_dim3A_1350 = vector.broadcast %select_n3A_1349 : i32 to vector<16xi32>
      %add3A_1351 = arith.constant 128 : i32
      %add3A_1352 = vector.broadcast %add3A_1351 : i32 to vector<16xi32>
      %add3A_1353 = arith.addi %add3A_1352, %iota3A : vector<16xi32>
      %gather3A_1354 = tpu.vector_load_idx %arg11[%add3A_1353, %broadcast_in_dim3A_1333] : memref<512x128xf32, #tpu.memory_space<vmem>>[vector<16xi32>, vector<16xi32>], vector<16xf32>,
      %add3A_1355 = arith.constant 144 : i32
      %add3A_1356 = vector.broadcast %add3A_1355 : i32 to vector<16xi32>
      %add3A_1357 = arith.addi %add3A_1356, %iota3A : vector<16xi32>
      %gather3A_1358 = tpu.vector_load_idx %arg11[%add3A_1357, %broadcast_in_dim3A_1333] : memref<512x128xf32, #tpu.memory_space<vmem>>[vector<16xi32>, vector<16xi32>], vector<16xf32>,
      %add3A_1359 = arith.constant 160 : i32
      %add3A_1360 = vector.broadcast %add3A_1359 : i32 to vector<16xi32>
      %add3A_1361 = arith.addi %add3A_1360, %iota3A : vector<16xi32>
      %gather3A_1362 = tpu.vector_load_idx %arg11[%add3A_1361, %broadcast_in_dim3A_1350] : memref<512x128xf32, #tpu.memory_space<vmem>>[vector<16xi32>, vector<16xi32>], vector<16xf32>,
      %add3A_1363 = arith.constant 176 : i32
      %add3A_1364 = vector.broadcast %add3A_1363 : i32 to vector<16xi32>
      %add3A_1365 = arith.addi %add3A_1364, %iota3A : vector<16xi32>
      %gather3A_1366 = tpu.vector_load_idx %arg11[%add3A_1365, %broadcast_in_dim3A_1350] : memref<512x128xf32, #tpu.memory_space<vmem>>[vector<16xi32>, vector<16xi32>], vector<16xf32>,
      %broadcast_in_dim3A_1367 = arith.constant 4 : i32
      %broadcast_in_dim3A_1368 = vector.broadcast %broadcast_in_dim3A_1367 : i32 to vector<16xi32>
      %gather3A_1369 = tpu.vector_load_idx %arg12[%broadcast_in_dim3A_1368, %broadcast_in_dim3A_1333] : memref<16x128xf32, #tpu.memory_space<vmem>>[vector<16xi32>, vector<16xi32>], vector<16xf32>,
      %broadcast_in_dim3A_1370 = arith.constant 5 : i32
      %broadcast_in_dim3A_1371 = vector.broadcast %broadcast_in_dim3A_1370 : i32 to vector<16xi32>
      %gather3A_1372 = tpu.vector_load_idx %arg12[%broadcast_in_dim3A_1371, %broadcast_in_dim3A_1350] : memref<16x128xf32, #tpu.memory_space<vmem>>[vector<16xi32>, vector<16xi32>], vector<16xf32>,
      %mul3A_1373 = arith.mulf %gather3A_1354, %gather3A_1362 : vector<16xf32>
      %mul3A_1374 = arith.mulf %gather3A_1358, %gather3A_1366 : vector<16xf32>
      %add3A_1375 = arith.addf %mul3A_1373, %mul3A_1374 : vector<16xf32>
      %add3A_1376 = arith.addf %gather3A_1369, %gather3A_1372 : vector<16xf32>
      %select_n3A_1377 = arith.select %eq3A_7, %add3A_1376, %broadcast_in_dim3A_5 : vector<16xi1>, vector<16xf32>
      %add3A_1378 = arith.addf %add3A_1375, %select_n3A_1377 : vector<16xf32>
      %broadcast_in_dim3A_1379 = arith.constant true
      %broadcast_in_dim3A_1380 = vector.broadcast %broadcast_in_dim3A_1379 : i1 to vector<16xi1>
      %masked_cumsum3A_1381 = tpu.scan <sum>, %add3A_1378 masked %broadcast_in_dim3A_1380 : vector<16xf32>, vector<16xi1> -> vector<16xf32>
      %add3A_1382 = arith.constant 2 : i32
      %add3A_1383 = arith.addi %add3A_27, %add3A_1382 : i32
      %broadcast_in_dim3A_1384 = vector.broadcast %add3A_1383 : i32 to vector<16xi32>
      tpu.vector_store_idx %arg13[%broadcast_in_dim3A_1384], %masked_cumsum3A_1381 masked %eq3A_10 : memref<512xf32, #tpu.memory_space<vmem>>[vector<16xi32>], vector<16xf32>, vector<16xi1>
      %jit3A_1385 = arith.constant 128 : i32
      %eq3A_1386 = arith.constant 0 : i32
      %eq3A_1387 = arith.cmpi eq, %jit3A_1385, %eq3A_1386 : i32
      %jit3A_1388 = arith.constant 1 : i32
      %select_n3A_1389 = arith.select %eq3A_1387, %jit3A_1388, %jit3A_1385 : i32
      %rem3A_1390 = arith.remsi %reduce_sum3A_348, %select_n3A_1389 : i32
      %ne3A_1391 = arith.constant 0 : i32
      %ne3A_1392 = arith.cmpi ne, %rem3A_1390, %ne3A_1391 : i32
      %lt3A_1393 = arith.constant 0 : i32
      %lt3A_1394 = arith.cmpi slt, %rem3A_1390, %lt3A_1393 : i32
      %lt3A_1395 = arith.constant 0 : i32
      %lt3A_1396 = arith.cmpi slt, %select_n3A_1389, %lt3A_1395 : i32
      %ne3A_1397 = arith.xori %lt3A_1394, %lt3A_1396 : i1
      %and3A_1398 = arith.andi %ne3A_1397, %ne3A_1392 : i1
      %add3A_1399 = arith.addi %rem3A_1390, %select_n3A_1389 : i32
      %select_n3A_1400 = arith.select %and3A_1398, %add3A_1399, %rem3A_1390 : i32
      %broadcast_in_dim3A_1401 = vector.broadcast %select_n3A_1400 : i32 to vector<16xi32>
      %jit3A_1402 = arith.constant 128 : i32
      %eq3A_1403 = arith.constant 0 : i32
      %eq3A_1404 = arith.cmpi eq, %jit3A_1402, %eq3A_1403 : i32
      %jit3A_1405 = arith.constant 1 : i32
      %select_n3A_1406 = arith.select %eq3A_1404, %jit3A_1405, %jit3A_1402 : i32
      %rem3A_1407 = arith.remsi %reduce_sum3A_356, %select_n3A_1406 : i32
      %ne3A_1408 = arith.constant 0 : i32
      %ne3A_1409 = arith.cmpi ne, %rem3A_1407, %ne3A_1408 : i32
      %lt3A_1410 = arith.constant 0 : i32
      %lt3A_1411 = arith.cmpi slt, %rem3A_1407, %lt3A_1410 : i32
      %lt3A_1412 = arith.constant 0 : i32
      %lt3A_1413 = arith.cmpi slt, %select_n3A_1406, %lt3A_1412 : i32
      %ne3A_1414 = arith.xori %lt3A_1411, %lt3A_1413 : i1
      %and3A_1415 = arith.andi %ne3A_1414, %ne3A_1409 : i1
      %add3A_1416 = arith.addi %rem3A_1407, %select_n3A_1406 : i32
      %select_n3A_1417 = arith.select %and3A_1415, %add3A_1416, %rem3A_1407 : i32
      %broadcast_in_dim3A_1418 = vector.broadcast %select_n3A_1417 : i32 to vector<16xi32>
      %add3A_1419 = arith.constant 192 : i32
      %add3A_1420 = vector.broadcast %add3A_1419 : i32 to vector<16xi32>
      %add3A_1421 = arith.addi %add3A_1420, %iota3A : vector<16xi32>
      %gather3A_1422 = tpu.vector_load_idx %arg11[%add3A_1421, %broadcast_in_dim3A_1401] : memref<512x128xf32, #tpu.memory_space<vmem>>[vector<16xi32>, vector<16xi32>], vector<16xf32>,
      %add3A_1423 = arith.constant 208 : i32
      %add3A_1424 = vector.broadcast %add3A_1423 : i32 to vector<16xi32>
      %add3A_1425 = arith.addi %add3A_1424, %iota3A : vector<16xi32>
      %gather3A_1426 = tpu.vector_load_idx %arg11[%add3A_1425, %broadcast_in_dim3A_1401] : memref<512x128xf32, #tpu.memory_space<vmem>>[vector<16xi32>, vector<16xi32>], vector<16xf32>,
      %add3A_1427 = arith.constant 224 : i32
      %add3A_1428 = vector.broadcast %add3A_1427 : i32 to vector<16xi32>
      %add3A_1429 = arith.addi %add3A_1428, %iota3A : vector<16xi32>
      %gather3A_1430 = tpu.vector_load_idx %arg11[%add3A_1429, %broadcast_in_dim3A_1418] : memref<512x128xf32, #tpu.memory_space<vmem>>[vector<16xi32>, vector<16xi32>], vector<16xf32>,
      %add3A_1431 = arith.constant 240 : i32
      %add3A_1432 = vector.broadcast %add3A_1431 : i32 to vector<16xi32>
      %add3A_1433 = arith.addi %add3A_1432, %iota3A : vector<16xi32>
      %gather3A_1434 = tpu.vector_load_idx %arg11[%add3A_1433, %broadcast_in_dim3A_1418] : memref<512x128xf32, #tpu.memory_space<vmem>>[vector<16xi32>, vector<16xi32>], vector<16xf32>,
      %broadcast_in_dim3A_1435 = arith.constant 6 : i32
      %broadcast_in_dim3A_1436 = vector.broadcast %broadcast_in_dim3A_1435 : i32 to vector<16xi32>
      %gather3A_1437 = tpu.vector_load_idx %arg12[%broadcast_in_dim3A_1436, %broadcast_in_dim3A_1401] : memref<16x128xf32, #tpu.memory_space<vmem>>[vector<16xi32>, vector<16xi32>], vector<16xf32>,
      %broadcast_in_dim3A_1438 = arith.constant 7 : i32
      %broadcast_in_dim3A_1439 = vector.broadcast %broadcast_in_dim3A_1438 : i32 to vector<16xi32>
      %gather3A_1440 = tpu.vector_load_idx %arg12[%broadcast_in_dim3A_1439, %broadcast_in_dim3A_1418] : memref<16x128xf32, #tpu.memory_space<vmem>>[vector<16xi32>, vector<16xi32>], vector<16xf32>,
      %mul3A_1441 = arith.mulf %gather3A_1422, %gather3A_1430 : vector<16xf32>
      %mul3A_1442 = arith.mulf %gather3A_1426, %gather3A_1434 : vector<16xf32>
      %add3A_1443 = arith.addf %mul3A_1441, %mul3A_1442 : vector<16xf32>
      %add3A_1444 = arith.addf %gather3A_1437, %gather3A_1440 : vector<16xf32>
      %select_n3A_1445 = arith.select %eq3A_7, %add3A_1444, %broadcast_in_dim3A_5 : vector<16xi1>, vector<16xf32>
      %add3A_1446 = arith.addf %add3A_1443, %select_n3A_1445 : vector<16xf32>
      %broadcast_in_dim3A_1447 = arith.constant true
      %broadcast_in_dim3A_1448 = vector.broadcast %broadcast_in_dim3A_1447 : i1 to vector<16xi1>
      %masked_cumsum3A_1449 = tpu.scan <sum>, %add3A_1446 masked %broadcast_in_dim3A_1448 : vector<16xf32>, vector<16xi1> -> vector<16xf32>
      %add3A_1450 = arith.constant 3 : i32
      %add3A_1451 = arith.addi %add3A_27, %add3A_1450 : i32
      %broadcast_in_dim3A_1452 = vector.broadcast %add3A_1451 : i32 to vector<16xi32>
      tpu.vector_store_idx %arg13[%broadcast_in_dim3A_1452], %masked_cumsum3A_1449 masked %eq3A_10 : memref<512xf32, #tpu.memory_space<vmem>>[vector<16xi32>], vector<16xf32>, vector<16xi1>
      %jit3A_1453 = arith.constant 128 : i32
      %eq3A_1454 = arith.constant 0 : i32
      %eq3A_1455 = arith.cmpi eq, %jit3A_1453, %eq3A_1454 : i32
      %jit3A_1456 = arith.constant 1 : i32
      %select_n3A_1457 = arith.select %eq3A_1455, %jit3A_1456, %jit3A_1453 : i32
      %rem3A_1458 = arith.remsi %reduce_sum3A_456, %select_n3A_1457 : i32
      %ne3A_1459 = arith.constant 0 : i32
      %ne3A_1460 = arith.cmpi ne, %rem3A_1458, %ne3A_1459 : i32
      %lt3A_1461 = arith.constant 0 : i32
      %lt3A_1462 = arith.cmpi slt, %rem3A_1458, %lt3A_1461 : i32
      %lt3A_1463 = arith.constant 0 : i32
      %lt3A_1464 = arith.cmpi slt, %select_n3A_1457, %lt3A_1463 : i32
      %ne3A_1465 = arith.xori %lt3A_1462, %lt3A_1464 : i1
      %and3A_1466 = arith.andi %ne3A_1465, %ne3A_1460 : i1
      %add3A_1467 = arith.addi %rem3A_1458, %select_n3A_1457 : i32
      %select_n3A_1468 = arith.select %and3A_1466, %add3A_1467, %rem3A_1458 : i32
      %broadcast_in_dim3A_1469 = vector.broadcast %select_n3A_1468 : i32 to vector<16xi32>
      %jit3A_1470 = arith.constant 128 : i32
      %eq3A_1471 = arith.constant 0 : i32
      %eq3A_1472 = arith.cmpi eq, %jit3A_1470, %eq3A_1471 : i32
      %jit3A_1473 = arith.constant 1 : i32
      %select_n3A_1474 = arith.select %eq3A_1472, %jit3A_1473, %jit3A_1470 : i32
      %rem3A_1475 = arith.remsi %reduce_sum3A_464, %select_n3A_1474 : i32
      %ne3A_1476 = arith.constant 0 : i32
      %ne3A_1477 = arith.cmpi ne, %rem3A_1475, %ne3A_1476 : i32
      %lt3A_1478 = arith.constant 0 : i32
      %lt3A_1479 = arith.cmpi slt, %rem3A_1475, %lt3A_1478 : i32
      %lt3A_1480 = arith.constant 0 : i32
      %lt3A_1481 = arith.cmpi slt, %select_n3A_1474, %lt3A_1480 : i32
      %ne3A_1482 = arith.xori %lt3A_1479, %lt3A_1481 : i1
      %and3A_1483 = arith.andi %ne3A_1482, %ne3A_1477 : i1
      %add3A_1484 = arith.addi %rem3A_1475, %select_n3A_1474 : i32
      %select_n3A_1485 = arith.select %and3A_1483, %add3A_1484, %rem3A_1475 : i32
      %broadcast_in_dim3A_1486 = vector.broadcast %select_n3A_1485 : i32 to vector<16xi32>
      %add3A_1487 = arith.constant 256 : i32
      %add3A_1488 = vector.broadcast %add3A_1487 : i32 to vector<16xi32>
      %add3A_1489 = arith.addi %add3A_1488, %iota3A : vector<16xi32>
      %gather3A_1490 = tpu.vector_load_idx %arg11[%add3A_1489, %broadcast_in_dim3A_1469] : memref<512x128xf32, #tpu.memory_space<vmem>>[vector<16xi32>, vector<16xi32>], vector<16xf32>,
      %add3A_1491 = arith.constant 272 : i32
      %add3A_1492 = vector.broadcast %add3A_1491 : i32 to vector<16xi32>
      %add3A_1493 = arith.addi %add3A_1492, %iota3A : vector<16xi32>
      %gather3A_1494 = tpu.vector_load_idx %arg11[%add3A_1493, %broadcast_in_dim3A_1469] : memref<512x128xf32, #tpu.memory_space<vmem>>[vector<16xi32>, vector<16xi32>], vector<16xf32>,
      %add3A_1495 = arith.constant 288 : i32
      %add3A_1496 = vector.broadcast %add3A_1495 : i32 to vector<16xi32>
      %add3A_1497 = arith.addi %add3A_1496, %iota3A : vector<16xi32>
      %gather3A_1498 = tpu.vector_load_idx %arg11[%add3A_1497, %broadcast_in_dim3A_1486] : memref<512x128xf32, #tpu.memory_space<vmem>>[vector<16xi32>, vector<16xi32>], vector<16xf32>,
      %add3A_1499 = arith.constant 304 : i32
      %add3A_1500 = vector.broadcast %add3A_1499 : i32 to vector<16xi32>
      %add3A_1501 = arith.addi %add3A_1500, %iota3A : vector<16xi32>
      %gather3A_1502 = tpu.vector_load_idx %arg11[%add3A_1501, %broadcast_in_dim3A_1486] : memref<512x128xf32, #tpu.memory_space<vmem>>[vector<16xi32>, vector<16xi32>], vector<16xf32>,
      %broadcast_in_dim3A_1503 = arith.constant 8 : i32
      %broadcast_in_dim3A_1504 = vector.broadcast %broadcast_in_dim3A_1503 : i32 to vector<16xi32>
      %gather3A_1505 = tpu.vector_load_idx %arg12[%broadcast_in_dim3A_1504, %broadcast_in_dim3A_1469] : memref<16x128xf32, #tpu.memory_space<vmem>>[vector<16xi32>, vector<16xi32>], vector<16xf32>,
      %broadcast_in_dim3A_1506 = arith.constant 9 : i32
      %broadcast_in_dim3A_1507 = vector.broadcast %broadcast_in_dim3A_1506 : i32 to vector<16xi32>
      %gather3A_1508 = tpu.vector_load_idx %arg12[%broadcast_in_dim3A_1507, %broadcast_in_dim3A_1486] : memref<16x128xf32, #tpu.memory_space<vmem>>[vector<16xi32>, vector<16xi32>], vector<16xf32>,
      %mul3A_1509 = arith.mulf %gather3A_1490, %gather3A_1498 : vector<16xf32>
      %mul3A_1510 = arith.mulf %gather3A_1494, %gather3A_1502 : vector<16xf32>
      %add3A_1511 = arith.addf %mul3A_1509, %mul3A_1510 : vector<16xf32>
      %add3A_1512 = arith.addf %gather3A_1505, %gather3A_1508 : vector<16xf32>
      %select_n3A_1513 = arith.select %eq3A_7, %add3A_1512, %broadcast_in_dim3A_5 : vector<16xi1>, vector<16xf32>
      %add3A_1514 = arith.addf %add3A_1511, %select_n3A_1513 : vector<16xf32>
      %broadcast_in_dim3A_1515 = arith.constant true
      %broadcast_in_dim3A_1516 = vector.broadcast %broadcast_in_dim3A_1515 : i1 to vector<16xi1>
      %masked_cumsum3A_1517 = tpu.scan <sum>, %add3A_1514 masked %broadcast_in_dim3A_1516 : vector<16xf32>, vector<16xi1> -> vector<16xf32>
      %add3A_1518 = arith.constant 4 : i32
      %add3A_1519 = arith.addi %add3A_27, %add3A_1518 : i32
      %broadcast_in_dim3A_1520 = vector.broadcast %add3A_1519 : i32 to vector<16xi32>
      tpu.vector_store_idx %arg13[%broadcast_in_dim3A_1520], %masked_cumsum3A_1517 masked %eq3A_10 : memref<512xf32, #tpu.memory_space<vmem>>[vector<16xi32>], vector<16xf32>, vector<16xi1>
      %jit3A_1521 = arith.constant 128 : i32
      %eq3A_1522 = arith.constant 0 : i32
      %eq3A_1523 = arith.cmpi eq, %jit3A_1521, %eq3A_1522 : i32
      %jit3A_1524 = arith.constant 1 : i32
      %select_n3A_1525 = arith.select %eq3A_1523, %jit3A_1524, %jit3A_1521 : i32
      %rem3A_1526 = arith.remsi %reduce_sum3A_564, %select_n3A_1525 : i32
      %ne3A_1527 = arith.constant 0 : i32
      %ne3A_1528 = arith.cmpi ne, %rem3A_1526, %ne3A_1527 : i32
      %lt3A_1529 = arith.constant 0 : i32
      %lt3A_1530 = arith.cmpi slt, %rem3A_1526, %lt3A_1529 : i32
      %lt3A_1531 = arith.constant 0 : i32
      %lt3A_1532 = arith.cmpi slt, %select_n3A_1525, %lt3A_1531 : i32
      %ne3A_1533 = arith.xori %lt3A_1530, %lt3A_1532 : i1
      %and3A_1534 = arith.andi %ne3A_1533, %ne3A_1528 : i1
      %add3A_1535 = arith.addi %rem3A_1526, %select_n3A_1525 : i32
      %select_n3A_1536 = arith.select %and3A_1534, %add3A_1535, %rem3A_1526 : i32
      %broadcast_in_dim3A_1537 = vector.broadcast %select_n3A_1536 : i32 to vector<16xi32>
      %jit3A_1538 = arith.constant 128 : i32
      %eq3A_1539 = arith.constant 0 : i32
      %eq3A_1540 = arith.cmpi eq, %jit3A_1538, %eq3A_1539 : i32
      %jit3A_1541 = arith.constant 1 : i32
      %select_n3A_1542 = arith.select %eq3A_1540, %jit3A_1541, %jit3A_1538 : i32
      %rem3A_1543 = arith.remsi %reduce_sum3A_572, %select_n3A_1542 : i32
      %ne3A_1544 = arith.constant 0 : i32
      %ne3A_1545 = arith.cmpi ne, %rem3A_1543, %ne3A_1544 : i32
      %lt3A_1546 = arith.constant 0 : i32
      %lt3A_1547 = arith.cmpi slt, %rem3A_1543, %lt3A_1546 : i32
      %lt3A_1548 = arith.constant 0 : i32
      %lt3A_1549 = arith.cmpi slt, %select_n3A_1542, %lt3A_1548 : i32
      %ne3A_1550 = arith.xori %lt3A_1547, %lt3A_1549 : i1
      %and3A_1551 = arith.andi %ne3A_1550, %ne3A_1545 : i1
      %add3A_1552 = arith.addi %rem3A_1543, %select_n3A_1542 : i32
      %select_n3A_1553 = arith.select %and3A_1551, %add3A_1552, %rem3A_1543 : i32
      %broadcast_in_dim3A_1554 = vector.broadcast %select_n3A_1553 : i32 to vector<16xi32>
      %add3A_1555 = arith.constant 320 : i32
      %add3A_1556 = vector.broadcast %add3A_1555 : i32 to vector<16xi32>
      %add3A_1557 = arith.addi %add3A_1556, %iota3A : vector<16xi32>
      %gather3A_1558 = tpu.vector_load_idx %arg11[%add3A_1557, %broadcast_in_dim3A_1537] : memref<512x128xf32, #tpu.memory_space<vmem>>[vector<16xi32>, vector<16xi32>], vector<16xf32>,
      %add3A_1559 = arith.constant 336 : i32
      %add3A_1560 = vector.broadcast %add3A_1559 : i32 to vector<16xi32>
      %add3A_1561 = arith.addi %add3A_1560, %iota3A : vector<16xi32>
      %gather3A_1562 = tpu.vector_load_idx %arg11[%add3A_1561, %broadcast_in_dim3A_1537] : memref<512x128xf32, #tpu.memory_space<vmem>>[vector<16xi32>, vector<16xi32>], vector<16xf32>,
      %add3A_1563 = arith.constant 352 : i32
      %add3A_1564 = vector.broadcast %add3A_1563 : i32 to vector<16xi32>
      %add3A_1565 = arith.addi %add3A_1564, %iota3A : vector<16xi32>
      %gather3A_1566 = tpu.vector_load_idx %arg11[%add3A_1565, %broadcast_in_dim3A_1554] : memref<512x128xf32, #tpu.memory_space<vmem>>[vector<16xi32>, vector<16xi32>], vector<16xf32>,
      %add3A_1567 = arith.constant 368 : i32
      %add3A_1568 = vector.broadcast %add3A_1567 : i32 to vector<16xi32>
      %add3A_1569 = arith.addi %add3A_1568, %iota3A : vector<16xi32>
      %gather3A_1570 = tpu.vector_load_idx %arg11[%add3A_1569, %broadcast_in_dim3A_1554] : memref<512x128xf32, #tpu.memory_space<vmem>>[vector<16xi32>, vector<16xi32>], vector<16xf32>,
      %broadcast_in_dim3A_1571 = arith.constant 10 : i32
      %broadcast_in_dim3A_1572 = vector.broadcast %broadcast_in_dim3A_1571 : i32 to vector<16xi32>
      %gather3A_1573 = tpu.vector_load_idx %arg12[%broadcast_in_dim3A_1572, %broadcast_in_dim3A_1537] : memref<16x128xf32, #tpu.memory_space<vmem>>[vector<16xi32>, vector<16xi32>], vector<16xf32>,
      %broadcast_in_dim3A_1574 = arith.constant 11 : i32
      %broadcast_in_dim3A_1575 = vector.broadcast %broadcast_in_dim3A_1574 : i32 to vector<16xi32>
      %gather3A_1576 = tpu.vector_load_idx %arg12[%broadcast_in_dim3A_1575, %broadcast_in_dim3A_1554] : memref<16x128xf32, #tpu.memory_space<vmem>>[vector<16xi32>, vector<16xi32>], vector<16xf32>,
      %mul3A_1577 = arith.mulf %gather3A_1558, %gather3A_1566 : vector<16xf32>
      %mul3A_1578 = arith.mulf %gather3A_1562, %gather3A_1570 : vector<16xf32>
      %add3A_1579 = arith.addf %mul3A_1577, %mul3A_1578 : vector<16xf32>
      %add3A_1580 = arith.addf %gather3A_1573, %gather3A_1576 : vector<16xf32>
      %select_n3A_1581 = arith.select %eq3A_7, %add3A_1580, %broadcast_in_dim3A_5 : vector<16xi1>, vector<16xf32>
      %add3A_1582 = arith.addf %add3A_1579, %select_n3A_1581 : vector<16xf32>
      %broadcast_in_dim3A_1583 = arith.constant true
      %broadcast_in_dim3A_1584 = vector.broadcast %broadcast_in_dim3A_1583 : i1 to vector<16xi1>
      %masked_cumsum3A_1585 = tpu.scan <sum>, %add3A_1582 masked %broadcast_in_dim3A_1584 : vector<16xf32>, vector<16xi1> -> vector<16xf32>
      %add3A_1586 = arith.constant 5 : i32
      %add3A_1587 = arith.addi %add3A_27, %add3A_1586 : i32
      %broadcast_in_dim3A_1588 = vector.broadcast %add3A_1587 : i32 to vector<16xi32>
      tpu.vector_store_idx %arg13[%broadcast_in_dim3A_1588], %masked_cumsum3A_1585 masked %eq3A_10 : memref<512xf32, #tpu.memory_space<vmem>>[vector<16xi32>], vector<16xf32>, vector<16xi1>
      %jit3A_1589 = arith.constant 128 : i32
      %eq3A_1590 = arith.constant 0 : i32
      %eq3A_1591 = arith.cmpi eq, %jit3A_1589, %eq3A_1590 : i32
      %jit3A_1592 = arith.constant 1 : i32
      %select_n3A_1593 = arith.select %eq3A_1591, %jit3A_1592, %jit3A_1589 : i32
      %rem3A_1594 = arith.remsi %reduce_sum3A_672, %select_n3A_1593 : i32
      %ne3A_1595 = arith.constant 0 : i32
      %ne3A_1596 = arith.cmpi ne, %rem3A_1594, %ne3A_1595 : i32
      %lt3A_1597 = arith.constant 0 : i32
      %lt3A_1598 = arith.cmpi slt, %rem3A_1594, %lt3A_1597 : i32
      %lt3A_1599 = arith.constant 0 : i32
      %lt3A_1600 = arith.cmpi slt, %select_n3A_1593, %lt3A_1599 : i32
      %ne3A_1601 = arith.xori %lt3A_1598, %lt3A_1600 : i1
      %and3A_1602 = arith.andi %ne3A_1601, %ne3A_1596 : i1
      %add3A_1603 = arith.addi %rem3A_1594, %select_n3A_1593 : i32
      %select_n3A_1604 = arith.select %and3A_1602, %add3A_1603, %rem3A_1594 : i32
      %broadcast_in_dim3A_1605 = vector.broadcast %select_n3A_1604 : i32 to vector<16xi32>
      %jit3A_1606 = arith.constant 128 : i32
      %eq3A_1607 = arith.constant 0 : i32
      %eq3A_1608 = arith.cmpi eq, %jit3A_1606, %eq3A_1607 : i32
      %jit3A_1609 = arith.constant 1 : i32
      %select_n3A_1610 = arith.select %eq3A_1608, %jit3A_1609, %jit3A_1606 : i32
      %rem3A_1611 = arith.remsi %reduce_sum3A_680, %select_n3A_1610 : i32
      %ne3A_1612 = arith.constant 0 : i32
      %ne3A_1613 = arith.cmpi ne, %rem3A_1611, %ne3A_1612 : i32
      %lt3A_1614 = arith.constant 0 : i32
      %lt3A_1615 = arith.cmpi slt, %rem3A_1611, %lt3A_1614 : i32
      %lt3A_1616 = arith.constant 0 : i32
      %lt3A_1617 = arith.cmpi slt, %select_n3A_1610, %lt3A_1616 : i32
      %ne3A_1618 = arith.xori %lt3A_1615, %lt3A_1617 : i1
      %and3A_1619 = arith.andi %ne3A_1618, %ne3A_1613 : i1
      %add3A_1620 = arith.addi %rem3A_1611, %select_n3A_1610 : i32
      %select_n3A_1621 = arith.select %and3A_1619, %add3A_1620, %rem3A_1611 : i32
      %broadcast_in_dim3A_1622 = vector.broadcast %select_n3A_1621 : i32 to vector<16xi32>
      %add3A_1623 = arith.constant 384 : i32
      %add3A_1624 = vector.broadcast %add3A_1623 : i32 to vector<16xi32>
      %add3A_1625 = arith.addi %add3A_1624, %iota3A : vector<16xi32>
      %gather3A_1626 = tpu.vector_load_idx %arg11[%add3A_1625, %broadcast_in_dim3A_1605] : memref<512x128xf32, #tpu.memory_space<vmem>>[vector<16xi32>, vector<16xi32>], vector<16xf32>,
      %add3A_1627 = arith.constant 400 : i32
      %add3A_1628 = vector.broadcast %add3A_1627 : i32 to vector<16xi32>
      %add3A_1629 = arith.addi %add3A_1628, %iota3A : vector<16xi32>
      %gather3A_1630 = tpu.vector_load_idx %arg11[%add3A_1629, %broadcast_in_dim3A_1605] : memref<512x128xf32, #tpu.memory_space<vmem>>[vector<16xi32>, vector<16xi32>], vector<16xf32>,
      %add3A_1631 = arith.constant 416 : i32
      %add3A_1632 = vector.broadcast %add3A_1631 : i32 to vector<16xi32>
      %add3A_1633 = arith.addi %add3A_1632, %iota3A : vector<16xi32>
      %gather3A_1634 = tpu.vector_load_idx %arg11[%add3A_1633, %broadcast_in_dim3A_1622] : memref<512x128xf32, #tpu.memory_space<vmem>>[vector<16xi32>, vector<16xi32>], vector<16xf32>,
      %add3A_1635 = arith.constant 432 : i32
      %add3A_1636 = vector.broadcast %add3A_1635 : i32 to vector<16xi32>
      %add3A_1637 = arith.addi %add3A_1636, %iota3A : vector<16xi32>
      %gather3A_1638 = tpu.vector_load_idx %arg11[%add3A_1637, %broadcast_in_dim3A_1622] : memref<512x128xf32, #tpu.memory_space<vmem>>[vector<16xi32>, vector<16xi32>], vector<16xf32>,
      %broadcast_in_dim3A_1639 = arith.constant 12 : i32
      %broadcast_in_dim3A_1640 = vector.broadcast %broadcast_in_dim3A_1639 : i32 to vector<16xi32>
      %gather3A_1641 = tpu.vector_load_idx %arg12[%broadcast_in_dim3A_1640, %broadcast_in_dim3A_1605] : memref<16x128xf32, #tpu.memory_space<vmem>>[vector<16xi32>, vector<16xi32>], vector<16xf32>,
      %broadcast_in_dim3A_1642 = arith.constant 13 : i32
      %broadcast_in_dim3A_1643 = vector.broadcast %broadcast_in_dim3A_1642 : i32 to vector<16xi32>
      %gather3A_1644 = tpu.vector_load_idx %arg12[%broadcast_in_dim3A_1643, %broadcast_in_dim3A_1622] : memref<16x128xf32, #tpu.memory_space<vmem>>[vector<16xi32>, vector<16xi32>], vector<16xf32>,
      %mul3A_1645 = arith.mulf %gather3A_1626, %gather3A_1634 : vector<16xf32>
      %mul3A_1646 = arith.mulf %gather3A_1630, %gather3A_1638 : vector<16xf32>
      %add3A_1647 = arith.addf %mul3A_1645, %mul3A_1646 : vector<16xf32>
      %add3A_1648 = arith.addf %gather3A_1641, %gather3A_1644 : vector<16xf32>
      %select_n3A_1649 = arith.select %eq3A_7, %add3A_1648, %broadcast_in_dim3A_5 : vector<16xi1>, vector<16xf32>
      %add3A_1650 = arith.addf %add3A_1647, %select_n3A_1649 : vector<16xf32>
      %broadcast_in_dim3A_1651 = arith.constant true
      %broadcast_in_dim3A_1652 = vector.broadcast %broadcast_in_dim3A_1651 : i1 to vector<16xi1>
      %masked_cumsum3A_1653 = tpu.scan <sum>, %add3A_1650 masked %broadcast_in_dim3A_1652 : vector<16xf32>, vector<16xi1> -> vector<16xf32>
      %add3A_1654 = arith.constant 6 : i32
      %add3A_1655 = arith.addi %add3A_27, %add3A_1654 : i32
      %broadcast_in_dim3A_1656 = vector.broadcast %add3A_1655 : i32 to vector<16xi32>
      tpu.vector_store_idx %arg13[%broadcast_in_dim3A_1656], %masked_cumsum3A_1653 masked %eq3A_10 : memref<512xf32, #tpu.memory_space<vmem>>[vector<16xi32>], vector<16xf32>, vector<16xi1>
      %jit3A_1657 = arith.constant 128 : i32
      %eq3A_1658 = arith.constant 0 : i32
      %eq3A_1659 = arith.cmpi eq, %jit3A_1657, %eq3A_1658 : i32
      %jit3A_1660 = arith.constant 1 : i32
      %select_n3A_1661 = arith.select %eq3A_1659, %jit3A_1660, %jit3A_1657 : i32
      %rem3A_1662 = arith.remsi %reduce_sum3A_780, %select_n3A_1661 : i32
      %ne3A_1663 = arith.constant 0 : i32
      %ne3A_1664 = arith.cmpi ne, %rem3A_1662, %ne3A_1663 : i32
      %lt3A_1665 = arith.constant 0 : i32
      %lt3A_1666 = arith.cmpi slt, %rem3A_1662, %lt3A_1665 : i32
      %lt3A_1667 = arith.constant 0 : i32
      %lt3A_1668 = arith.cmpi slt, %select_n3A_1661, %lt3A_1667 : i32
      %ne3A_1669 = arith.xori %lt3A_1666, %lt3A_1668 : i1
      %and3A_1670 = arith.andi %ne3A_1669, %ne3A_1664 : i1
      %add3A_1671 = arith.addi %rem3A_1662, %select_n3A_1661 : i32
      %select_n3A_1672 = arith.select %and3A_1670, %add3A_1671, %rem3A_1662 : i32
      %broadcast_in_dim3A_1673 = vector.broadcast %select_n3A_1672 : i32 to vector<16xi32>
      %jit3A_1674 = arith.constant 128 : i32
      %eq3A_1675 = arith.constant 0 : i32
      %eq3A_1676 = arith.cmpi eq, %jit3A_1674, %eq3A_1675 : i32
      %jit3A_1677 = arith.constant 1 : i32
      %select_n3A_1678 = arith.select %eq3A_1676, %jit3A_1677, %jit3A_1674 : i32
      %rem3A_1679 = arith.remsi %reduce_sum3A_788, %select_n3A_1678 : i32
      %ne3A_1680 = arith.constant 0 : i32
      %ne3A_1681 = arith.cmpi ne, %rem3A_1679, %ne3A_1680 : i32
      %lt3A_1682 = arith.constant 0 : i32
      %lt3A_1683 = arith.cmpi slt, %rem3A_1679, %lt3A_1682 : i32
      %lt3A_1684 = arith.constant 0 : i32
      %lt3A_1685 = arith.cmpi slt, %select_n3A_1678, %lt3A_1684 : i32
      %ne3A_1686 = arith.xori %lt3A_1683, %lt3A_1685 : i1
      %and3A_1687 = arith.andi %ne3A_1686, %ne3A_1681 : i1
      %add3A_1688 = arith.addi %rem3A_1679, %select_n3A_1678 : i32
      %select_n3A_1689 = arith.select %and3A_1687, %add3A_1688, %rem3A_1679 : i32
      %broadcast_in_dim3A_1690 = vector.broadcast %select_n3A_1689 : i32 to vector<16xi32>
      %add3A_1691 = arith.constant 448 : i32
      %add3A_1692 = vector.broadcast %add3A_1691 : i32 to vector<16xi32>
      %add3A_1693 = arith.addi %add3A_1692, %iota3A : vector<16xi32>
      %gather3A_1694 = tpu.vector_load_idx %arg11[%add3A_1693, %broadcast_in_dim3A_1673] : memref<512x128xf32, #tpu.memory_space<vmem>>[vector<16xi32>, vector<16xi32>], vector<16xf32>,
      %add3A_1695 = arith.constant 464 : i32
      %add3A_1696 = vector.broadcast %add3A_1695 : i32 to vector<16xi32>
      %add3A_1697 = arith.addi %add3A_1696, %iota3A : vector<16xi32>
      %gather3A_1698 = tpu.vector_load_idx %arg11[%add3A_1697, %broadcast_in_dim3A_1673] : memref<512x128xf32, #tpu.memory_space<vmem>>[vector<16xi32>, vector<16xi32>], vector<16xf32>,
      %add3A_1699 = arith.constant 480 : i32
      %add3A_1700 = vector.broadcast %add3A_1699 : i32 to vector<16xi32>
      %add3A_1701 = arith.addi %add3A_1700, %iota3A : vector<16xi32>
      %gather3A_1702 = tpu.vector_load_idx %arg11[%add3A_1701, %broadcast_in_dim3A_1690] : memref<512x128xf32, #tpu.memory_space<vmem>>[vector<16xi32>, vector<16xi32>], vector<16xf32>,
      %add3A_1703 = arith.constant 496 : i32
      %add3A_1704 = vector.broadcast %add3A_1703 : i32 to vector<16xi32>
      %add3A_1705 = arith.addi %add3A_1704, %iota3A : vector<16xi32>
      %gather3A_1706 = tpu.vector_load_idx %arg11[%add3A_1705, %broadcast_in_dim3A_1690] : memref<512x128xf32, #tpu.memory_space<vmem>>[vector<16xi32>, vector<16xi32>], vector<16xf32>,
      %broadcast_in_dim3A_1707 = arith.constant 14 : i32
      %broadcast_in_dim3A_1708 = vector.broadcast %broadcast_in_dim3A_1707 : i32 to vector<16xi32>
      %gather3A_1709 = tpu.vector_load_idx %arg12[%broadcast_in_dim3A_1708, %broadcast_in_dim3A_1673] : memref<16x128xf32, #tpu.memory_space<vmem>>[vector<16xi32>, vector<16xi32>], vector<16xf32>,
      %broadcast_in_dim3A_1710 = arith.constant 15 : i32
      %broadcast_in_dim3A_1711 = vector.broadcast %broadcast_in_dim3A_1710 : i32 to vector<16xi32>
      %gather3A_1712 = tpu.vector_load_idx %arg12[%broadcast_in_dim3A_1711, %broadcast_in_dim3A_1690] : memref<16x128xf32, #tpu.memory_space<vmem>>[vector<16xi32>, vector<16xi32>], vector<16xf32>,
      %mul3A_1713 = arith.mulf %gather3A_1694, %gather3A_1702 : vector<16xf32>
      %mul3A_1714 = arith.mulf %gather3A_1698, %gather3A_1706 : vector<16xf32>
      %add3A_1715 = arith.addf %mul3A_1713, %mul3A_1714 : vector<16xf32>
      %add3A_1716 = arith.addf %gather3A_1709, %gather3A_1712 : vector<16xf32>
      %select_n3A_1717 = arith.select %eq3A_7, %add3A_1716, %broadcast_in_dim3A_5 : vector<16xi1>, vector<16xf32>
      %add3A_1718 = arith.addf %add3A_1715, %select_n3A_1717 : vector<16xf32>
      %broadcast_in_dim3A_1719 = arith.constant true
      %broadcast_in_dim3A_1720 = vector.broadcast %broadcast_in_dim3A_1719 : i1 to vector<16xi1>
      %masked_cumsum3A_1721 = tpu.scan <sum>, %add3A_1718 masked %broadcast_in_dim3A_1720 : vector<16xf32>, vector<16xi1> -> vector<16xf32>
      %add3A_1722 = arith.constant 7 : i32
      %add3A_1723 = arith.addi %add3A_27, %add3A_1722 : i32
      %broadcast_in_dim3A_1724 = vector.broadcast %add3A_1723 : i32 to vector<16xi32>
      tpu.vector_store_idx %arg13[%broadcast_in_dim3A_1724], %masked_cumsum3A_1721 masked %eq3A_10 : memref<512xf32, #tpu.memory_space<vmem>>[vector<16xi32>], vector<16xf32>, vector<16xi1>
      %mul3A_1725 = arith.constant 16 : i32
      %mul3A_1726 = arith.muli %scan3A_16, %mul3A_1725 : i32
      %add3A_1727 = arith.constant 8 : i32
      %add3A_1728 = arith.addi %mul3A_1726, %add3A_1727 : i32
      %eq3A_1729 = arith.constant 8 : i32
      %eq3A_1730 = vector.broadcast %eq3A_1729 : i32 to vector<16xi32>
      %eq3A_1731 = arith.cmpi eq, %iota3A, %eq3A_1730 : vector<16xi32>
      %select_n3A_1732 = arith.select %eq3A_1731, %get3A_19, %broadcast_in_dim3A_3 : vector<16xi1>, vector<16xi32>
      %reduce_sum3A_1733 = arith.constant true
      %reduce_sum3A_1734 = vector.broadcast %reduce_sum3A_1733 : i1 to vector<16xi1>
      %reduce_sum3A_1735 = tpu.scan <sum>, %select_n3A_1732 masked %reduce_sum3A_1734 : vector<16xi32>, vector<16xi1> -> vector<16xi32>
      %reduce_sum3A_1736 = vector.extract %reduce_sum3A_1735[15] : i32 from vector<16xi32>
      %eq3A_1737 = arith.constant 8 : i32
      %eq3A_1738 = vector.broadcast %eq3A_1737 : i32 to vector<16xi32>
      %eq3A_1739 = arith.cmpi eq, %iota3A, %eq3A_1738 : vector<16xi32>
      %select_n3A_1740 = arith.select %eq3A_1739, %get3A_23, %broadcast_in_dim3A_3 : vector<16xi1>, vector<16xi32>
      %reduce_sum3A_1741 = arith.constant true
      %reduce_sum3A_1742 = vector.broadcast %reduce_sum3A_1741 : i1 to vector<16xi1>
      %reduce_sum3A_1743 = tpu.scan <sum>, %select_n3A_1740 masked %reduce_sum3A_1742 : vector<16xi32>, vector<16xi1> -> vector<16xi32>
      %reduce_sum3A_1744 = vector.extract %reduce_sum3A_1743[15] : i32 from vector<16xi32>
      %jit3A_1745 = arith.constant 128 : i32
      %div3A_1746 = arith.divsi %reduce_sum3A_1736, %jit3A_1745 : i32
      %sign3A_1747 = arith.constant 0 : i32
      %sign3A_1748 = arith.cmpi sgt, %reduce_sum3A_1736, %sign3A_1747 : i32
      %sign3A_1749 = arith.extui %sign3A_1748 : i1 to i32
      %sign3A_1750 = arith.constant 0 : i32
      %sign3A_1751 = arith.cmpi slt, %reduce_sum3A_1736, %sign3A_1750 : i32
      %sign3A_1752 = arith.extui %sign3A_1751 : i1 to i32
      %sign3A_1753 = arith.subi %sign3A_1749, %sign3A_1752 : i32
      %sign3A_1754 = arith.constant 0 : i32
      %sign3A_1755 = arith.cmpi sgt, %jit3A_1745, %sign3A_1754 : i32
      %sign3A_1756 = arith.extui %sign3A_1755 : i1 to i32
      %sign3A_1757 = arith.constant 0 : i32
      %sign3A_1758 = arith.cmpi slt, %jit3A_1745, %sign3A_1757 : i32
      %sign3A_1759 = arith.extui %sign3A_1758 : i1 to i32
      %sign3A_1760 = arith.subi %sign3A_1756, %sign3A_1759 : i32
      %ne3A_1761 = arith.cmpi ne, %sign3A_1753, %sign3A_1760 : i32
      %rem3A_1762 = arith.remsi %reduce_sum3A_1736, %jit3A_1745 : i32
      %ne3A_1763 = arith.constant 0 : i32
      %ne3A_1764 = arith.cmpi ne, %rem3A_1762, %ne3A_1763 : i32
      %and3A_1765 = arith.andi %ne3A_1761, %ne3A_1764 : i1
      %sub3A_1766 = arith.constant 1 : i32
      %sub3A_1767 = arith.subi %div3A_1746, %sub3A_1766 : i32
      %select_n3A_1768 = arith.select %and3A_1765, %sub3A_1767, %div3A_1746 : i32
      %mul3A_1769 = arith.constant 128 : i32
      %mul3A_1770 = arith.muli %select_n3A_1768, %mul3A_1769 : i32
      %multiple_of3A_1771 = tpu.assume_multiple %mul3A_1770, 128 : i32
      %dma_start3A_1772 = arith.constant 0 : i32
      %dma_start3A_1773 = arith.constant 0 : i32
      %dma_start3A_1774 = tpu.memref_slice %arg11[%dma_start3A_1772, %dma_start3A_1773] : memref<512x128xf32, #tpu.memory_space<vmem>> -> memref<32x128xf32, #tpu.memory_space<vmem>>
      %dma_start3A_1775 = arith.constant 0 : i32
      %dma_start3A_1776 = tpu.memref_slice %arg4[%dma_start3A_1775, %multiple_of3A_1771] : memref<32x1000000xf32, #tpu.memory_space<hbm>> -> memref<32x128xf32, #tpu.memory_space<hbm>>
      %dma_start3A_1777 = arith.constant 0 : i32
      %dma_start3A_1778 = arith.constant 0 : i32
      %dma_start3A_1779 = tpu.memref_slice %arg11[%dma_start3A_1777, %dma_start3A_1778] : memref<512x128xf32, #tpu.memory_space<vmem>> -> memref<32x128xf32, #tpu.memory_space<vmem>>
      %dma_start3A_1780 = arith.constant 0 : i32
      %dma_start3A_1781 = tpu.memref_slice %arg4[%dma_start3A_1780, %multiple_of3A_1771] : memref<32x1000000xf32, #tpu.memory_space<hbm>> -> memref<32x128xf32, #tpu.memory_space<hbm>>
      tpu.enqueue_dma source(%dma_start3A_1781 : memref<32x128xf32, #tpu.memory_space<hbm>>) target(%dma_start3A_1779 : memref<32x128xf32, #tpu.memory_space<vmem>>) target_semaphore(%arg14 : memref<!tpu.dma_semaphore, #tpu.memory_space<semaphore_mem>>)
      %dma_start3A_1782 = arith.constant 0 : i32
      %dma_start3A_1783 = arith.constant 0 : i32
      %dma_start3A_1784 = tpu.memref_slice %arg12[%dma_start3A_1782, %dma_start3A_1783] : memref<16x128xf32, #tpu.memory_space<vmem>> -> memref<1x128xf32, #tpu.memory_space<vmem>>
      %dma_start3A_1785 = tpu.memref_squeeze %dma_start3A_1784 : memref<1x128xf32, #tpu.memory_space<vmem>> -> memref<128xf32, #tpu.memory_space<vmem>>
      %dma_start3A_1786 = tpu.memref_slice %arg5[%multiple_of3A_1771] : memref<1000000xf32, #tpu.memory_space<hbm>> -> memref<128xf32, #tpu.memory_space<hbm>>
      %dma_start3A_1787 = arith.constant 0 : i32
      %dma_start3A_1788 = tpu.memref_slice %arg12[%dma_start3A_1782, %dma_start3A_1787] : memref<16x128xf32, #tpu.memory_space<vmem>> -> memref<1x128xf32, #tpu.memory_space<vmem>>
      %dma_start3A_1789 = tpu.memref_squeeze %dma_start3A_1788 : memref<1x128xf32, #tpu.memory_space<vmem>> -> memref<128xf32, #tpu.memory_space<vmem>>
      %dma_start3A_1790 = tpu.memref_slice %arg5[%multiple_of3A_1771] : memref<1000000xf32, #tpu.memory_space<hbm>> -> memref<128xf32, #tpu.memory_space<hbm>>
      tpu.enqueue_dma source(%dma_start3A_1790 : memref<128xf32, #tpu.memory_space<hbm>>) target(%dma_start3A_1789 : memref<128xf32, #tpu.memory_space<vmem>>) target_semaphore(%arg14 : memref<!tpu.dma_semaphore, #tpu.memory_space<semaphore_mem>>)
      %jit3A_1791 = arith.constant 128 : i32
      %div3A_1792 = arith.divsi %reduce_sum3A_1744, %jit3A_1791 : i32
      %sign3A_1793 = arith.constant 0 : i32
      %sign3A_1794 = arith.cmpi sgt, %reduce_sum3A_1744, %sign3A_1793 : i32
      %sign3A_1795 = arith.extui %sign3A_1794 : i1 to i32
      %sign3A_1796 = arith.constant 0 : i32
      %sign3A_1797 = arith.cmpi slt, %reduce_sum3A_1744, %sign3A_1796 : i32
      %sign3A_1798 = arith.extui %sign3A_1797 : i1 to i32
      %sign3A_1799 = arith.subi %sign3A_1795, %sign3A_1798 : i32
      %sign3A_1800 = arith.constant 0 : i32
      %sign3A_1801 = arith.cmpi sgt, %jit3A_1791, %sign3A_1800 : i32
      %sign3A_1802 = arith.extui %sign3A_1801 : i1 to i32
      %sign3A_1803 = arith.constant 0 : i32
      %sign3A_1804 = arith.cmpi slt, %jit3A_1791, %sign3A_1803 : i32
      %sign3A_1805 = arith.extui %sign3A_1804 : i1 to i32
      %sign3A_1806 = arith.subi %sign3A_1802, %sign3A_1805 : i32
      %ne3A_1807 = arith.cmpi ne, %sign3A_1799, %sign3A_1806 : i32
      %rem3A_1808 = arith.remsi %reduce_sum3A_1744, %jit3A_1791 : i32
      %ne3A_1809 = arith.constant 0 : i32
      %ne3A_1810 = arith.cmpi ne, %rem3A_1808, %ne3A_1809 : i32
      %and3A_1811 = arith.andi %ne3A_1807, %ne3A_1810 : i1
      %sub3A_1812 = arith.constant 1 : i32
      %sub3A_1813 = arith.subi %div3A_1792, %sub3A_1812 : i32
      %select_n3A_1814 = arith.select %and3A_1811, %sub3A_1813, %div3A_1792 : i32
      %mul3A_1815 = arith.constant 128 : i32
      %mul3A_1816 = arith.muli %select_n3A_1814, %mul3A_1815 : i32
      %multiple_of3A_1817 = tpu.assume_multiple %mul3A_1816, 128 : i32
      %dma_start3A_1818 = arith.constant 32 : i32
      %dma_start3A_1819 = arith.constant 0 : i32
      %dma_start3A_1820 = tpu.memref_slice %arg11[%dma_start3A_1818, %dma_start3A_1819] : memref<512x128xf32, #tpu.memory_space<vmem>> -> memref<32x128xf32, #tpu.memory_space<vmem>>
      %dma_start3A_1821 = arith.constant 0 : i32
      %dma_start3A_1822 = tpu.memref_slice %arg6[%dma_start3A_1821, %multiple_of3A_1817] : memref<32x1000000xf32, #tpu.memory_space<hbm>> -> memref<32x128xf32, #tpu.memory_space<hbm>>
      %dma_start3A_1823 = arith.constant 32 : i32
      %dma_start3A_1824 = arith.constant 0 : i32
      %dma_start3A_1825 = tpu.memref_slice %arg11[%dma_start3A_1823, %dma_start3A_1824] : memref<512x128xf32, #tpu.memory_space<vmem>> -> memref<32x128xf32, #tpu.memory_space<vmem>>
      %dma_start3A_1826 = arith.constant 0 : i32
      %dma_start3A_1827 = tpu.memref_slice %arg6[%dma_start3A_1826, %multiple_of3A_1817] : memref<32x1000000xf32, #tpu.memory_space<hbm>> -> memref<32x128xf32, #tpu.memory_space<hbm>>
      tpu.enqueue_dma source(%dma_start3A_1827 : memref<32x128xf32, #tpu.memory_space<hbm>>) target(%dma_start3A_1825 : memref<32x128xf32, #tpu.memory_space<vmem>>) target_semaphore(%arg14 : memref<!tpu.dma_semaphore, #tpu.memory_space<semaphore_mem>>)
      %dma_start3A_1828 = arith.constant 1 : i32
      %dma_start3A_1829 = arith.constant 0 : i32
      %dma_start3A_1830 = tpu.memref_slice %arg12[%dma_start3A_1828, %dma_start3A_1829] : memref<16x128xf32, #tpu.memory_space<vmem>> -> memref<1x128xf32, #tpu.memory_space<vmem>>
      %dma_start3A_1831 = tpu.memref_squeeze %dma_start3A_1830 : memref<1x128xf32, #tpu.memory_space<vmem>> -> memref<128xf32, #tpu.memory_space<vmem>>
      %dma_start3A_1832 = tpu.memref_slice %arg7[%multiple_of3A_1817] : memref<1000000xf32, #tpu.memory_space<hbm>> -> memref<128xf32, #tpu.memory_space<hbm>>
      %dma_start3A_1833 = arith.constant 0 : i32
      %dma_start3A_1834 = tpu.memref_slice %arg12[%dma_start3A_1828, %dma_start3A_1833] : memref<16x128xf32, #tpu.memory_space<vmem>> -> memref<1x128xf32, #tpu.memory_space<vmem>>
      %dma_start3A_1835 = tpu.memref_squeeze %dma_start3A_1834 : memref<1x128xf32, #tpu.memory_space<vmem>> -> memref<128xf32, #tpu.memory_space<vmem>>
      %dma_start3A_1836 = tpu.memref_slice %arg7[%multiple_of3A_1817] : memref<1000000xf32, #tpu.memory_space<hbm>> -> memref<128xf32, #tpu.memory_space<hbm>>
      tpu.enqueue_dma source(%dma_start3A_1836 : memref<128xf32, #tpu.memory_space<hbm>>) target(%dma_start3A_1835 : memref<128xf32, #tpu.memory_space<vmem>>) target_semaphore(%arg14 : memref<!tpu.dma_semaphore, #tpu.memory_space<semaphore_mem>>)
      %eq3A_1837 = arith.constant 9 : i32
      %eq3A_1838 = vector.broadcast %eq3A_1837 : i32 to vector<16xi32>
      %eq3A_1839 = arith.cmpi eq, %iota3A, %eq3A_1838 : vector<16xi32>
      %select_n3A_1840 = arith.select %eq3A_1839, %get3A_19, %broadcast_in_dim3A_3 : vector<16xi1>, vector<16xi32>
      %reduce_sum3A_1841 = arith.constant true
      %reduce_sum3A_1842 = vector.broadcast %reduce_sum3A_1841 : i1 to vector<16xi1>
      %reduce_sum3A_1843 = tpu.scan <sum>, %select_n3A_1840 masked %reduce_sum3A_1842 : vector<16xi32>, vector<16xi1> -> vector<16xi32>
      %reduce_sum3A_1844 = vector.extract %reduce_sum3A_1843[15] : i32 from vector<16xi32>
      %eq3A_1845 = arith.constant 9 : i32
      %eq3A_1846 = vector.broadcast %eq3A_1845 : i32 to vector<16xi32>
      %eq3A_1847 = arith.cmpi eq, %iota3A, %eq3A_1846 : vector<16xi32>
      %select_n3A_1848 = arith.select %eq3A_1847, %get3A_23, %broadcast_in_dim3A_3 : vector<16xi1>, vector<16xi32>
      %reduce_sum3A_1849 = arith.constant true
      %reduce_sum3A_1850 = vector.broadcast %reduce_sum3A_1849 : i1 to vector<16xi1>
      %reduce_sum3A_1851 = tpu.scan <sum>, %select_n3A_1848 masked %reduce_sum3A_1850 : vector<16xi32>, vector<16xi1> -> vector<16xi32>
      %reduce_sum3A_1852 = vector.extract %reduce_sum3A_1851[15] : i32 from vector<16xi32>
      %jit3A_1853 = arith.constant 128 : i32
      %div3A_1854 = arith.divsi %reduce_sum3A_1844, %jit3A_1853 : i32
      %sign3A_1855 = arith.constant 0 : i32
      %sign3A_1856 = arith.cmpi sgt, %reduce_sum3A_1844, %sign3A_1855 : i32
      %sign3A_1857 = arith.extui %sign3A_1856 : i1 to i32
      %sign3A_1858 = arith.constant 0 : i32
      %sign3A_1859 = arith.cmpi slt, %reduce_sum3A_1844, %sign3A_1858 : i32
      %sign3A_1860 = arith.extui %sign3A_1859 : i1 to i32
      %sign3A_1861 = arith.subi %sign3A_1857, %sign3A_1860 : i32
      %sign3A_1862 = arith.constant 0 : i32
      %sign3A_1863 = arith.cmpi sgt, %jit3A_1853, %sign3A_1862 : i32
      %sign3A_1864 = arith.extui %sign3A_1863 : i1 to i32
      %sign3A_1865 = arith.constant 0 : i32
      %sign3A_1866 = arith.cmpi slt, %jit3A_1853, %sign3A_1865 : i32
      %sign3A_1867 = arith.extui %sign3A_1866 : i1 to i32
      %sign3A_1868 = arith.subi %sign3A_1864, %sign3A_1867 : i32
      %ne3A_1869 = arith.cmpi ne, %sign3A_1861, %sign3A_1868 : i32
      %rem3A_1870 = arith.remsi %reduce_sum3A_1844, %jit3A_1853 : i32
      %ne3A_1871 = arith.constant 0 : i32
      %ne3A_1872 = arith.cmpi ne, %rem3A_1870, %ne3A_1871 : i32
      %and3A_1873 = arith.andi %ne3A_1869, %ne3A_1872 : i1
      %sub3A_1874 = arith.constant 1 : i32
      %sub3A_1875 = arith.subi %div3A_1854, %sub3A_1874 : i32
      %select_n3A_1876 = arith.select %and3A_1873, %sub3A_1875, %div3A_1854 : i32
      %mul3A_1877 = arith.constant 128 : i32
      %mul3A_1878 = arith.muli %select_n3A_1876, %mul3A_1877 : i32
      %multiple_of3A_1879 = tpu.assume_multiple %mul3A_1878, 128 : i32
      %dma_start3A_1880 = arith.constant 64 : i32
      %dma_start3A_1881 = arith.constant 0 : i32
      %dma_start3A_1882 = tpu.memref_slice %arg11[%dma_start3A_1880, %dma_start3A_1881] : memref<512x128xf32, #tpu.memory_space<vmem>> -> memref<32x128xf32, #tpu.memory_space<vmem>>
      %dma_start3A_1883 = arith.constant 0 : i32
      %dma_start3A_1884 = tpu.memref_slice %arg4[%dma_start3A_1883, %multiple_of3A_1879] : memref<32x1000000xf32, #tpu.memory_space<hbm>> -> memref<32x128xf32, #tpu.memory_space<hbm>>
      %dma_start3A_1885 = arith.constant 64 : i32
      %dma_start3A_1886 = arith.constant 0 : i32
      %dma_start3A_1887 = tpu.memref_slice %arg11[%dma_start3A_1885, %dma_start3A_1886] : memref<512x128xf32, #tpu.memory_space<vmem>> -> memref<32x128xf32, #tpu.memory_space<vmem>>
      %dma_start3A_1888 = arith.constant 0 : i32
      %dma_start3A_1889 = tpu.memref_slice %arg4[%dma_start3A_1888, %multiple_of3A_1879] : memref<32x1000000xf32, #tpu.memory_space<hbm>> -> memref<32x128xf32, #tpu.memory_space<hbm>>
      tpu.enqueue_dma source(%dma_start3A_1889 : memref<32x128xf32, #tpu.memory_space<hbm>>) target(%dma_start3A_1887 : memref<32x128xf32, #tpu.memory_space<vmem>>) target_semaphore(%arg14 : memref<!tpu.dma_semaphore, #tpu.memory_space<semaphore_mem>>)
      %dma_start3A_1890 = arith.constant 2 : i32
      %dma_start3A_1891 = arith.constant 0 : i32
      %dma_start3A_1892 = tpu.memref_slice %arg12[%dma_start3A_1890, %dma_start3A_1891] : memref<16x128xf32, #tpu.memory_space<vmem>> -> memref<1x128xf32, #tpu.memory_space<vmem>>
      %dma_start3A_1893 = tpu.memref_squeeze %dma_start3A_1892 : memref<1x128xf32, #tpu.memory_space<vmem>> -> memref<128xf32, #tpu.memory_space<vmem>>
      %dma_start3A_1894 = tpu.memref_slice %arg5[%multiple_of3A_1879] : memref<1000000xf32, #tpu.memory_space<hbm>> -> memref<128xf32, #tpu.memory_space<hbm>>
      %dma_start3A_1895 = arith.constant 0 : i32
      %dma_start3A_1896 = tpu.memref_slice %arg12[%dma_start3A_1890, %dma_start3A_1895] : memref<16x128xf32, #tpu.memory_space<vmem>> -> memref<1x128xf32, #tpu.memory_space<vmem>>
      %dma_start3A_1897 = tpu.memref_squeeze %dma_start3A_1896 : memref<1x128xf32, #tpu.memory_space<vmem>> -> memref<128xf32, #tpu.memory_space<vmem>>
      %dma_start3A_1898 = tpu.memref_slice %arg5[%multiple_of3A_1879] : memref<1000000xf32, #tpu.memory_space<hbm>> -> memref<128xf32, #tpu.memory_space<hbm>>
      tpu.enqueue_dma source(%dma_start3A_1898 : memref<128xf32, #tpu.memory_space<hbm>>) target(%dma_start3A_1897 : memref<128xf32, #tpu.memory_space<vmem>>) target_semaphore(%arg14 : memref<!tpu.dma_semaphore, #tpu.memory_space<semaphore_mem>>)
      %jit3A_1899 = arith.constant 128 : i32
      %div3A_1900 = arith.divsi %reduce_sum3A_1852, %jit3A_1899 : i32
      %sign3A_1901 = arith.constant 0 : i32
      %sign3A_1902 = arith.cmpi sgt, %reduce_sum3A_1852, %sign3A_1901 : i32
      %sign3A_1903 = arith.extui %sign3A_1902 : i1 to i32
      %sign3A_1904 = arith.constant 0 : i32
      %sign3A_1905 = arith.cmpi slt, %reduce_sum3A_1852, %sign3A_1904 : i32
      %sign3A_1906 = arith.extui %sign3A_1905 : i1 to i32
      %sign3A_1907 = arith.subi %sign3A_1903, %sign3A_1906 : i32
      %sign3A_1908 = arith.constant 0 : i32
      %sign3A_1909 = arith.cmpi sgt, %jit3A_1899, %sign3A_1908 : i32
      %sign3A_1910 = arith.extui %sign3A_1909 : i1 to i32
      %sign3A_1911 = arith.constant 0 : i32
      %sign3A_1912 = arith.cmpi slt, %jit3A_1899, %sign3A_1911 : i32
      %sign3A_1913 = arith.extui %sign3A_1912 : i1 to i32
      %sign3A_1914 = arith.subi %sign3A_1910, %sign3A_1913 : i32
      %ne3A_1915 = arith.cmpi ne, %sign3A_1907, %sign3A_1914 : i32
      %rem3A_1916 = arith.remsi %reduce_sum3A_1852, %jit3A_1899 : i32
      %ne3A_1917 = arith.constant 0 : i32
      %ne3A_1918 = arith.cmpi ne, %rem3A_1916, %ne3A_1917 : i32
      %and3A_1919 = arith.andi %ne3A_1915, %ne3A_1918 : i1
      %sub3A_1920 = arith.constant 1 : i32
      %sub3A_1921 = arith.subi %div3A_1900, %sub3A_1920 : i32
      %select_n3A_1922 = arith.select %and3A_1919, %sub3A_1921, %div3A_1900 : i32
      %mul3A_1923 = arith.constant 128 : i32
      %mul3A_1924 = arith.muli %select_n3A_1922, %mul3A_1923 : i32
      %multiple_of3A_1925 = tpu.assume_multiple %mul3A_1924, 128 : i32
      %dma_start3A_1926 = arith.constant 96 : i32
      %dma_start3A_1927 = arith.constant 0 : i32
      %dma_start3A_1928 = tpu.memref_slice %arg11[%dma_start3A_1926, %dma_start3A_1927] : memref<512x128xf32, #tpu.memory_space<vmem>> -> memref<32x128xf32, #tpu.memory_space<vmem>>
      %dma_start3A_1929 = arith.constant 0 : i32
      %dma_start3A_1930 = tpu.memref_slice %arg6[%dma_start3A_1929, %multiple_of3A_1925] : memref<32x1000000xf32, #tpu.memory_space<hbm>> -> memref<32x128xf32, #tpu.memory_space<hbm>>
      %dma_start3A_1931 = arith.constant 96 : i32
      %dma_start3A_1932 = arith.constant 0 : i32
      %dma_start3A_1933 = tpu.memref_slice %arg11[%dma_start3A_1931, %dma_start3A_1932] : memref<512x128xf32, #tpu.memory_space<vmem>> -> memref<32x128xf32, #tpu.memory_space<vmem>>
      %dma_start3A_1934 = arith.constant 0 : i32
      %dma_start3A_1935 = tpu.memref_slice %arg6[%dma_start3A_1934, %multiple_of3A_1925] : memref<32x1000000xf32, #tpu.memory_space<hbm>> -> memref<32x128xf32, #tpu.memory_space<hbm>>
      tpu.enqueue_dma source(%dma_start3A_1935 : memref<32x128xf32, #tpu.memory_space<hbm>>) target(%dma_start3A_1933 : memref<32x128xf32, #tpu.memory_space<vmem>>) target_semaphore(%arg14 : memref<!tpu.dma_semaphore, #tpu.memory_space<semaphore_mem>>)
      %dma_start3A_1936 = arith.constant 3 : i32
      %dma_start3A_1937 = arith.constant 0 : i32
      %dma_start3A_1938 = tpu.memref_slice %arg12[%dma_start3A_1936, %dma_start3A_1937] : memref<16x128xf32, #tpu.memory_space<vmem>> -> memref<1x128xf32, #tpu.memory_space<vmem>>
      %dma_start3A_1939 = tpu.memref_squeeze %dma_start3A_1938 : memref<1x128xf32, #tpu.memory_space<vmem>> -> memref<128xf32, #tpu.memory_space<vmem>>
      %dma_start3A_1940 = tpu.memref_slice %arg7[%multiple_of3A_1925] : memref<1000000xf32, #tpu.memory_space<hbm>> -> memref<128xf32, #tpu.memory_space<hbm>>
      %dma_start3A_1941 = arith.constant 0 : i32
      %dma_start3A_1942 = tpu.memref_slice %arg12[%dma_start3A_1936, %dma_start3A_1941] : memref<16x128xf32, #tpu.memory_space<vmem>> -> memref<1x128xf32, #tpu.memory_space<vmem>>
      %dma_start3A_1943 = tpu.memref_squeeze %dma_start3A_1942 : memref<1x128xf32, #tpu.memory_space<vmem>> -> memref<128xf32, #tpu.memory_space<vmem>>
      %dma_start3A_1944 = tpu.memref_slice %arg7[%multiple_of3A_1925] : memref<1000000xf32, #tpu.memory_space<hbm>> -> memref<128xf32, #tpu.memory_space<hbm>>
      tpu.enqueue_dma source(%dma_start3A_1944 : memref<128xf32, #tpu.memory_space<hbm>>) target(%dma_start3A_1943 : memref<128xf32, #tpu.memory_space<vmem>>) target_semaphore(%arg14 : memref<!tpu.dma_semaphore, #tpu.memory_space<semaphore_mem>>)
      %eq3A_1945 = arith.constant 10 : i32
      %eq3A_1946 = vector.broadcast %eq3A_1945 : i32 to vector<16xi32>
      %eq3A_1947 = arith.cmpi eq, %iota3A, %eq3A_1946 : vector<16xi32>
      %select_n3A_1948 = arith.select %eq3A_1947, %get3A_19, %broadcast_in_dim3A_3 : vector<16xi1>, vector<16xi32>
      %reduce_sum3A_1949 = arith.constant true
      %reduce_sum3A_1950 = vector.broadcast %reduce_sum3A_1949 : i1 to vector<16xi1>
      %reduce_sum3A_1951 = tpu.scan <sum>, %select_n3A_1948 masked %reduce_sum3A_1950 : vector<16xi32>, vector<16xi1> -> vector<16xi32>
      %reduce_sum3A_1952 = vector.extract %reduce_sum3A_1951[15] : i32 from vector<16xi32>
      %eq3A_1953 = arith.constant 10 : i32
      %eq3A_1954 = vector.broadcast %eq3A_1953 : i32 to vector<16xi32>
      %eq3A_1955 = arith.cmpi eq, %iota3A, %eq3A_1954 : vector<16xi32>
      %select_n3A_1956 = arith.select %eq3A_1955, %get3A_23, %broadcast_in_dim3A_3 : vector<16xi1>, vector<16xi32>
      %reduce_sum3A_1957 = arith.constant true
      %reduce_sum3A_1958 = vector.broadcast %reduce_sum3A_1957 : i1 to vector<16xi1>
      %reduce_sum3A_1959 = tpu.scan <sum>, %select_n3A_1956 masked %reduce_sum3A_1958 : vector<16xi32>, vector<16xi1> -> vector<16xi32>
      %reduce_sum3A_1960 = vector.extract %reduce_sum3A_1959[15] : i32 from vector<16xi32>
      %jit3A_1961 = arith.constant 128 : i32
      %div3A_1962 = arith.divsi %reduce_sum3A_1952, %jit3A_1961 : i32
      %sign3A_1963 = arith.constant 0 : i32
      %sign3A_1964 = arith.cmpi sgt, %reduce_sum3A_1952, %sign3A_1963 : i32
      %sign3A_1965 = arith.extui %sign3A_1964 : i1 to i32
      %sign3A_1966 = arith.constant 0 : i32
      %sign3A_1967 = arith.cmpi slt, %reduce_sum3A_1952, %sign3A_1966 : i32
      %sign3A_1968 = arith.extui %sign3A_1967 : i1 to i32
      %sign3A_1969 = arith.subi %sign3A_1965, %sign3A_1968 : i32
      %sign3A_1970 = arith.constant 0 : i32
      %sign3A_1971 = arith.cmpi sgt, %jit3A_1961, %sign3A_1970 : i32
      %sign3A_1972 = arith.extui %sign3A_1971 : i1 to i32
      %sign3A_1973 = arith.constant 0 : i32
      %sign3A_1974 = arith.cmpi slt, %jit3A_1961, %sign3A_1973 : i32
      %sign3A_1975 = arith.extui %sign3A_1974 : i1 to i32
      %sign3A_1976 = arith.subi %sign3A_1972, %sign3A_1975 : i32
      %ne3A_1977 = arith.cmpi ne, %sign3A_1969, %sign3A_1976 : i32
      %rem3A_1978 = arith.remsi %reduce_sum3A_1952, %jit3A_1961 : i32
      %ne3A_1979 = arith.constant 0 : i32
      %ne3A_1980 = arith.cmpi ne, %rem3A_1978, %ne3A_1979 : i32
      %and3A_1981 = arith.andi %ne3A_1977, %ne3A_1980 : i1
      %sub3A_1982 = arith.constant 1 : i32
      %sub3A_1983 = arith.subi %div3A_1962, %sub3A_1982 : i32
      %select_n3A_1984 = arith.select %and3A_1981, %sub3A_1983, %div3A_1962 : i32
      %mul3A_1985 = arith.constant 128 : i32
      %mul3A_1986 = arith.muli %select_n3A_1984, %mul3A_1985 : i32
      %multiple_of3A_1987 = tpu.assume_multiple %mul3A_1986, 128 : i32
      %dma_start3A_1988 = arith.constant 128 : i32
      %dma_start3A_1989 = arith.constant 0 : i32
      %dma_start3A_1990 = tpu.memref_slice %arg11[%dma_start3A_1988, %dma_start3A_1989] : memref<512x128xf32, #tpu.memory_space<vmem>> -> memref<32x128xf32, #tpu.memory_space<vmem>>
      %dma_start3A_1991 = arith.constant 0 : i32
      %dma_start3A_1992 = tpu.memref_slice %arg4[%dma_start3A_1991, %multiple_of3A_1987] : memref<32x1000000xf32, #tpu.memory_space<hbm>> -> memref<32x128xf32, #tpu.memory_space<hbm>>
      %dma_start3A_1993 = arith.constant 128 : i32
      %dma_start3A_1994 = arith.constant 0 : i32
      %dma_start3A_1995 = tpu.memref_slice %arg11[%dma_start3A_1993, %dma_start3A_1994] : memref<512x128xf32, #tpu.memory_space<vmem>> -> memref<32x128xf32, #tpu.memory_space<vmem>>
      %dma_start3A_1996 = arith.constant 0 : i32
      %dma_start3A_1997 = tpu.memref_slice %arg4[%dma_start3A_1996, %multiple_of3A_1987] : memref<32x1000000xf32, #tpu.memory_space<hbm>> -> memref<32x128xf32, #tpu.memory_space<hbm>>
      tpu.enqueue_dma source(%dma_start3A_1997 : memref<32x128xf32, #tpu.memory_space<hbm>>) target(%dma_start3A_1995 : memref<32x128xf32, #tpu.memory_space<vmem>>) target_semaphore(%arg14 : memref<!tpu.dma_semaphore, #tpu.memory_space<semaphore_mem>>)
      %dma_start3A_1998 = arith.constant 4 : i32
      %dma_start3A_1999 = arith.constant 0 : i32
      %dma_start3A_2000 = tpu.memref_slice %arg12[%dma_start3A_1998, %dma_start3A_1999] : memref<16x128xf32, #tpu.memory_space<vmem>> -> memref<1x128xf32, #tpu.memory_space<vmem>>
      %dma_start3A_2001 = tpu.memref_squeeze %dma_start3A_2000 : memref<1x128xf32, #tpu.memory_space<vmem>> -> memref<128xf32, #tpu.memory_space<vmem>>
      %dma_start3A_2002 = tpu.memref_slice %arg5[%multiple_of3A_1987] : memref<1000000xf32, #tpu.memory_space<hbm>> -> memref<128xf32, #tpu.memory_space<hbm>>
      %dma_start3A_2003 = arith.constant 0 : i32
      %dma_start3A_2004 = tpu.memref_slice %arg12[%dma_start3A_1998, %dma_start3A_2003] : memref<16x128xf32, #tpu.memory_space<vmem>> -> memref<1x128xf32, #tpu.memory_space<vmem>>
      %dma_start3A_2005 = tpu.memref_squeeze %dma_start3A_2004 : memref<1x128xf32, #tpu.memory_space<vmem>> -> memref<128xf32, #tpu.memory_space<vmem>>
      %dma_start3A_2006 = tpu.memref_slice %arg5[%multiple_of3A_1987] : memref<1000000xf32, #tpu.memory_space<hbm>> -> memref<128xf32, #tpu.memory_space<hbm>>
      tpu.enqueue_dma source(%dma_start3A_2006 : memref<128xf32, #tpu.memory_space<hbm>>) target(%dma_start3A_2005 : memref<128xf32, #tpu.memory_space<vmem>>) target_semaphore(%arg14 : memref<!tpu.dma_semaphore, #tpu.memory_space<semaphore_mem>>)
      %jit3A_2007 = arith.constant 128 : i32
      %div3A_2008 = arith.divsi %reduce_sum3A_1960, %jit3A_2007 : i32
      %sign3A_2009 = arith.constant 0 : i32
      %sign3A_2010 = arith.cmpi sgt, %reduce_sum3A_1960, %sign3A_2009 : i32
      %sign3A_2011 = arith.extui %sign3A_2010 : i1 to i32
      %sign3A_2012 = arith.constant 0 : i32
      %sign3A_2013 = arith.cmpi slt, %reduce_sum3A_1960, %sign3A_2012 : i32
      %sign3A_2014 = arith.extui %sign3A_2013 : i1 to i32
      %sign3A_2015 = arith.subi %sign3A_2011, %sign3A_2014 : i32
      %sign3A_2016 = arith.constant 0 : i32
      %sign3A_2017 = arith.cmpi sgt, %jit3A_2007, %sign3A_2016 : i32
      %sign3A_2018 = arith.extui %sign3A_2017 : i1 to i32
      %sign3A_2019 = arith.constant 0 : i32
      %sign3A_2020 = arith.cmpi slt, %jit3A_2007, %sign3A_2019 : i32
      %sign3A_2021 = arith.extui %sign3A_2020 : i1 to i32
      %sign3A_2022 = arith.subi %sign3A_2018, %sign3A_2021 : i32
      %ne3A_2023 = arith.cmpi ne, %sign3A_2015, %sign3A_2022 : i32
      %rem3A_2024 = arith.remsi %reduce_sum3A_1960, %jit3A_2007 : i32
      %ne3A_2025 = arith.constant 0 : i32
      %ne3A_2026 = arith.cmpi ne, %rem3A_2024, %ne3A_2025 : i32
      %and3A_2027 = arith.andi %ne3A_2023, %ne3A_2026 : i1
      %sub3A_2028 = arith.constant 1 : i32
      %sub3A_2029 = arith.subi %div3A_2008, %sub3A_2028 : i32
      %select_n3A_2030 = arith.select %and3A_2027, %sub3A_2029, %div3A_2008 : i32
      %mul3A_2031 = arith.constant 128 : i32
      %mul3A_2032 = arith.muli %select_n3A_2030, %mul3A_2031 : i32
      %multiple_of3A_2033 = tpu.assume_multiple %mul3A_2032, 128 : i32
      %dma_start3A_2034 = arith.constant 160 : i32
      %dma_start3A_2035 = arith.constant 0 : i32
      %dma_start3A_2036 = tpu.memref_slice %arg11[%dma_start3A_2034, %dma_start3A_2035] : memref<512x128xf32, #tpu.memory_space<vmem>> -> memref<32x128xf32, #tpu.memory_space<vmem>>
      %dma_start3A_2037 = arith.constant 0 : i32
      %dma_start3A_2038 = tpu.memref_slice %arg6[%dma_start3A_2037, %multiple_of3A_2033] : memref<32x1000000xf32, #tpu.memory_space<hbm>> -> memref<32x128xf32, #tpu.memory_space<hbm>>
      %dma_start3A_2039 = arith.constant 160 : i32
      %dma_start3A_2040 = arith.constant 0 : i32
      %dma_start3A_2041 = tpu.memref_slice %arg11[%dma_start3A_2039, %dma_start3A_2040] : memref<512x128xf32, #tpu.memory_space<vmem>> -> memref<32x128xf32, #tpu.memory_space<vmem>>
      %dma_start3A_2042 = arith.constant 0 : i32
      %dma_start3A_2043 = tpu.memref_slice %arg6[%dma_start3A_2042, %multiple_of3A_2033] : memref<32x1000000xf32, #tpu.memory_space<hbm>> -> memref<32x128xf32, #tpu.memory_space<hbm>>
      tpu.enqueue_dma source(%dma_start3A_2043 : memref<32x128xf32, #tpu.memory_space<hbm>>) target(%dma_start3A_2041 : memref<32x128xf32, #tpu.memory_space<vmem>>) target_semaphore(%arg14 : memref<!tpu.dma_semaphore, #tpu.memory_space<semaphore_mem>>)
      %dma_start3A_2044 = arith.constant 5 : i32
      %dma_start3A_2045 = arith.constant 0 : i32
      %dma_start3A_2046 = tpu.memref_slice %arg12[%dma_start3A_2044, %dma_start3A_2045] : memref<16x128xf32, #tpu.memory_space<vmem>> -> memref<1x128xf32, #tpu.memory_space<vmem>>
      %dma_start3A_2047 = tpu.memref_squeeze %dma_start3A_2046 : memref<1x128xf32, #tpu.memory_space<vmem>> -> memref<128xf32, #tpu.memory_space<vmem>>
      %dma_start3A_2048 = tpu.memref_slice %arg7[%multiple_of3A_2033] : memref<1000000xf32, #tpu.memory_space<hbm>> -> memref<128xf32, #tpu.memory_space<hbm>>
      %dma_start3A_2049 = arith.constant 0 : i32
      %dma_start3A_2050 = tpu.memref_slice %arg12[%dma_start3A_2044, %dma_start3A_2049] : memref<16x128xf32, #tpu.memory_space<vmem>> -> memref<1x128xf32, #tpu.memory_space<vmem>>
      %dma_start3A_2051 = tpu.memref_squeeze %dma_start3A_2050 : memref<1x128xf32, #tpu.memory_space<vmem>> -> memref<128xf32, #tpu.memory_space<vmem>>
      %dma_start3A_2052 = tpu.memref_slice %arg7[%multiple_of3A_2033] : memref<1000000xf32, #tpu.memory_space<hbm>> -> memref<128xf32, #tpu.memory_space<hbm>>
      tpu.enqueue_dma source(%dma_start3A_2052 : memref<128xf32, #tpu.memory_space<hbm>>) target(%dma_start3A_2051 : memref<128xf32, #tpu.memory_space<vmem>>) target_semaphore(%arg14 : memref<!tpu.dma_semaphore, #tpu.memory_space<semaphore_mem>>)
      %eq3A_2053 = arith.constant 11 : i32
      %eq3A_2054 = vector.broadcast %eq3A_2053 : i32 to vector<16xi32>
      %eq3A_2055 = arith.cmpi eq, %iota3A, %eq3A_2054 : vector<16xi32>
      %select_n3A_2056 = arith.select %eq3A_2055, %get3A_19, %broadcast_in_dim3A_3 : vector<16xi1>, vector<16xi32>
      %reduce_sum3A_2057 = arith.constant true
      %reduce_sum3A_2058 = vector.broadcast %reduce_sum3A_2057 : i1 to vector<16xi1>
      %reduce_sum3A_2059 = tpu.scan <sum>, %select_n3A_2056 masked %reduce_sum3A_2058 : vector<16xi32>, vector<16xi1> -> vector<16xi32>
      %reduce_sum3A_2060 = vector.extract %reduce_sum3A_2059[15] : i32 from vector<16xi32>
      %eq3A_2061 = arith.constant 11 : i32
      %eq3A_2062 = vector.broadcast %eq3A_2061 : i32 to vector<16xi32>
      %eq3A_2063 = arith.cmpi eq, %iota3A, %eq3A_2062 : vector<16xi32>
      %select_n3A_2064 = arith.select %eq3A_2063, %get3A_23, %broadcast_in_dim3A_3 : vector<16xi1>, vector<16xi32>
      %reduce_sum3A_2065 = arith.constant true
      %reduce_sum3A_2066 = vector.broadcast %reduce_sum3A_2065 : i1 to vector<16xi1>
      %reduce_sum3A_2067 = tpu.scan <sum>, %select_n3A_2064 masked %reduce_sum3A_2066 : vector<16xi32>, vector<16xi1> -> vector<16xi32>
      %reduce_sum3A_2068 = vector.extract %reduce_sum3A_2067[15] : i32 from vector<16xi32>
      %jit3A_2069 = arith.constant 128 : i32
      %div3A_2070 = arith.divsi %reduce_sum3A_2060, %jit3A_2069 : i32
      %sign3A_2071 = arith.constant 0 : i32
      %sign3A_2072 = arith.cmpi sgt, %reduce_sum3A_2060, %sign3A_2071 : i32
      %sign3A_2073 = arith.extui %sign3A_2072 : i1 to i32
      %sign3A_2074 = arith.constant 0 : i32
      %sign3A_2075 = arith.cmpi slt, %reduce_sum3A_2060, %sign3A_2074 : i32
      %sign3A_2076 = arith.extui %sign3A_2075 : i1 to i32
      %sign3A_2077 = arith.subi %sign3A_2073, %sign3A_2076 : i32
      %sign3A_2078 = arith.constant 0 : i32
      %sign3A_2079 = arith.cmpi sgt, %jit3A_2069, %sign3A_2078 : i32
      %sign3A_2080 = arith.extui %sign3A_2079 : i1 to i32
      %sign3A_2081 = arith.constant 0 : i32
      %sign3A_2082 = arith.cmpi slt, %jit3A_2069, %sign3A_2081 : i32
      %sign3A_2083 = arith.extui %sign3A_2082 : i1 to i32
      %sign3A_2084 = arith.subi %sign3A_2080, %sign3A_2083 : i32
      %ne3A_2085 = arith.cmpi ne, %sign3A_2077, %sign3A_2084 : i32
      %rem3A_2086 = arith.remsi %reduce_sum3A_2060, %jit3A_2069 : i32
      %ne3A_2087 = arith.constant 0 : i32
      %ne3A_2088 = arith.cmpi ne, %rem3A_2086, %ne3A_2087 : i32
      %and3A_2089 = arith.andi %ne3A_2085, %ne3A_2088 : i1
      %sub3A_2090 = arith.constant 1 : i32
      %sub3A_2091 = arith.subi %div3A_2070, %sub3A_2090 : i32
      %select_n3A_2092 = arith.select %and3A_2089, %sub3A_2091, %div3A_2070 : i32
      %mul3A_2093 = arith.constant 128 : i32
      %mul3A_2094 = arith.muli %select_n3A_2092, %mul3A_2093 : i32
      %multiple_of3A_2095 = tpu.assume_multiple %mul3A_2094, 128 : i32
      %dma_start3A_2096 = arith.constant 192 : i32
      %dma_start3A_2097 = arith.constant 0 : i32
      %dma_start3A_2098 = tpu.memref_slice %arg11[%dma_start3A_2096, %dma_start3A_2097] : memref<512x128xf32, #tpu.memory_space<vmem>> -> memref<32x128xf32, #tpu.memory_space<vmem>>
      %dma_start3A_2099 = arith.constant 0 : i32
      %dma_start3A_2100 = tpu.memref_slice %arg4[%dma_start3A_2099, %multiple_of3A_2095] : memref<32x1000000xf32, #tpu.memory_space<hbm>> -> memref<32x128xf32, #tpu.memory_space<hbm>>
      %dma_start3A_2101 = arith.constant 192 : i32
      %dma_start3A_2102 = arith.constant 0 : i32
      %dma_start3A_2103 = tpu.memref_slice %arg11[%dma_start3A_2101, %dma_start3A_2102] : memref<512x128xf32, #tpu.memory_space<vmem>> -> memref<32x128xf32, #tpu.memory_space<vmem>>
      %dma_start3A_2104 = arith.constant 0 : i32
      %dma_start3A_2105 = tpu.memref_slice %arg4[%dma_start3A_2104, %multiple_of3A_2095] : memref<32x1000000xf32, #tpu.memory_space<hbm>> -> memref<32x128xf32, #tpu.memory_space<hbm>>
      tpu.enqueue_dma source(%dma_start3A_2105 : memref<32x128xf32, #tpu.memory_space<hbm>>) target(%dma_start3A_2103 : memref<32x128xf32, #tpu.memory_space<vmem>>) target_semaphore(%arg14 : memref<!tpu.dma_semaphore, #tpu.memory_space<semaphore_mem>>)
      %dma_start3A_2106 = arith.constant 6 : i32
      %dma_start3A_2107 = arith.constant 0 : i32
      %dma_start3A_2108 = tpu.memref_slice %arg12[%dma_start3A_2106, %dma_start3A_2107] : memref<16x128xf32, #tpu.memory_space<vmem>> -> memref<1x128xf32, #tpu.memory_space<vmem>>
      %dma_start3A_2109 = tpu.memref_squeeze %dma_start3A_2108 : memref<1x128xf32, #tpu.memory_space<vmem>> -> memref<128xf32, #tpu.memory_space<vmem>>
      %dma_start3A_2110 = tpu.memref_slice %arg5[%multiple_of3A_2095] : memref<1000000xf32, #tpu.memory_space<hbm>> -> memref<128xf32, #tpu.memory_space<hbm>>
      %dma_start3A_2111 = arith.constant 0 : i32
      %dma_start3A_2112 = tpu.memref_slice %arg12[%dma_start3A_2106, %dma_start3A_2111] : memref<16x128xf32, #tpu.memory_space<vmem>> -> memref<1x128xf32, #tpu.memory_space<vmem>>
      %dma_start3A_2113 = tpu.memref_squeeze %dma_start3A_2112 : memref<1x128xf32, #tpu.memory_space<vmem>> -> memref<128xf32, #tpu.memory_space<vmem>>
      %dma_start3A_2114 = tpu.memref_slice %arg5[%multiple_of3A_2095] : memref<1000000xf32, #tpu.memory_space<hbm>> -> memref<128xf32, #tpu.memory_space<hbm>>
      tpu.enqueue_dma source(%dma_start3A_2114 : memref<128xf32, #tpu.memory_space<hbm>>) target(%dma_start3A_2113 : memref<128xf32, #tpu.memory_space<vmem>>) target_semaphore(%arg14 : memref<!tpu.dma_semaphore, #tpu.memory_space<semaphore_mem>>)
      %jit3A_2115 = arith.constant 128 : i32
      %div3A_2116 = arith.divsi %reduce_sum3A_2068, %jit3A_2115 : i32
      %sign3A_2117 = arith.constant 0 : i32
      %sign3A_2118 = arith.cmpi sgt, %reduce_sum3A_2068, %sign3A_2117 : i32
      %sign3A_2119 = arith.extui %sign3A_2118 : i1 to i32
      %sign3A_2120 = arith.constant 0 : i32
      %sign3A_2121 = arith.cmpi slt, %reduce_sum3A_2068, %sign3A_2120 : i32
      %sign3A_2122 = arith.extui %sign3A_2121 : i1 to i32
      %sign3A_2123 = arith.subi %sign3A_2119, %sign3A_2122 : i32
      %sign3A_2124 = arith.constant 0 : i32
      %sign3A_2125 = arith.cmpi sgt, %jit3A_2115, %sign3A_2124 : i32
      %sign3A_2126 = arith.extui %sign3A_2125 : i1 to i32
      %sign3A_2127 = arith.constant 0 : i32
      %sign3A_2128 = arith.cmpi slt, %jit3A_2115, %sign3A_2127 : i32
      %sign3A_2129 = arith.extui %sign3A_2128 : i1 to i32
      %sign3A_2130 = arith.subi %sign3A_2126, %sign3A_2129 : i32
      %ne3A_2131 = arith.cmpi ne, %sign3A_2123, %sign3A_2130 : i32
      %rem3A_2132 = arith.remsi %reduce_sum3A_2068, %jit3A_2115 : i32
      %ne3A_2133 = arith.constant 0 : i32
      %ne3A_2134 = arith.cmpi ne, %rem3A_2132, %ne3A_2133 : i32
      %and3A_2135 = arith.andi %ne3A_2131, %ne3A_2134 : i1
      %sub3A_2136 = arith.constant 1 : i32
      %sub3A_2137 = arith.subi %div3A_2116, %sub3A_2136 : i32
      %select_n3A_2138 = arith.select %and3A_2135, %sub3A_2137, %div3A_2116 : i32
      %mul3A_2139 = arith.constant 128 : i32
      %mul3A_2140 = arith.muli %select_n3A_2138, %mul3A_2139 : i32
      %multiple_of3A_2141 = tpu.assume_multiple %mul3A_2140, 128 : i32
      %dma_start3A_2142 = arith.constant 224 : i32
      %dma_start3A_2143 = arith.constant 0 : i32
      %dma_start3A_2144 = tpu.memref_slice %arg11[%dma_start3A_2142, %dma_start3A_2143] : memref<512x128xf32, #tpu.memory_space<vmem>> -> memref<32x128xf32, #tpu.memory_space<vmem>>
      %dma_start3A_2145 = arith.constant 0 : i32
      %dma_start3A_2146 = tpu.memref_slice %arg6[%dma_start3A_2145, %multiple_of3A_2141] : memref<32x1000000xf32, #tpu.memory_space<hbm>> -> memref<32x128xf32, #tpu.memory_space<hbm>>
      %dma_start3A_2147 = arith.constant 224 : i32
      %dma_start3A_2148 = arith.constant 0 : i32
      %dma_start3A_2149 = tpu.memref_slice %arg11[%dma_start3A_2147, %dma_start3A_2148] : memref<512x128xf32, #tpu.memory_space<vmem>> -> memref<32x128xf32, #tpu.memory_space<vmem>>
      %dma_start3A_2150 = arith.constant 0 : i32
      %dma_start3A_2151 = tpu.memref_slice %arg6[%dma_start3A_2150, %multiple_of3A_2141] : memref<32x1000000xf32, #tpu.memory_space<hbm>> -> memref<32x128xf32, #tpu.memory_space<hbm>>
      tpu.enqueue_dma source(%dma_start3A_2151 : memref<32x128xf32, #tpu.memory_space<hbm>>) target(%dma_start3A_2149 : memref<32x128xf32, #tpu.memory_space<vmem>>) target_semaphore(%arg14 : memref<!tpu.dma_semaphore, #tpu.memory_space<semaphore_mem>>)
      %dma_start3A_2152 = arith.constant 7 : i32
      %dma_start3A_2153 = arith.constant 0 : i32
      %dma_start3A_2154 = tpu.memref_slice %arg12[%dma_start3A_2152, %dma_start3A_2153] : memref<16x128xf32, #tpu.memory_space<vmem>> -> memref<1x128xf32, #tpu.memory_space<vmem>>
      %dma_start3A_2155 = tpu.memref_squeeze %dma_start3A_2154 : memref<1x128xf32, #tpu.memory_space<vmem>> -> memref<128xf32, #tpu.memory_space<vmem>>
      %dma_start3A_2156 = tpu.memref_slice %arg7[%multiple_of3A_2141] : memref<1000000xf32, #tpu.memory_space<hbm>> -> memref<128xf32, #tpu.memory_space<hbm>>
      %dma_start3A_2157 = arith.constant 0 : i32
      %dma_start3A_2158 = tpu.memref_slice %arg12[%dma_start3A_2152, %dma_start3A_2157] : memref<16x128xf32, #tpu.memory_space<vmem>> -> memref<1x128xf32, #tpu.memory_space<vmem>>
      %dma_start3A_2159 = tpu.memref_squeeze %dma_start3A_2158 : memref<1x128xf32, #tpu.memory_space<vmem>> -> memref<128xf32, #tpu.memory_space<vmem>>
      %dma_start3A_2160 = tpu.memref_slice %arg7[%multiple_of3A_2141] : memref<1000000xf32, #tpu.memory_space<hbm>> -> memref<128xf32, #tpu.memory_space<hbm>>
      tpu.enqueue_dma source(%dma_start3A_2160 : memref<128xf32, #tpu.memory_space<hbm>>) target(%dma_start3A_2159 : memref<128xf32, #tpu.memory_space<vmem>>) target_semaphore(%arg14 : memref<!tpu.dma_semaphore, #tpu.memory_space<semaphore_mem>>)
      %eq3A_2161 = arith.constant 12 : i32
      %eq3A_2162 = vector.broadcast %eq3A_2161 : i32 to vector<16xi32>
      %eq3A_2163 = arith.cmpi eq, %iota3A, %eq3A_2162 : vector<16xi32>
      %select_n3A_2164 = arith.select %eq3A_2163, %get3A_19, %broadcast_in_dim3A_3 : vector<16xi1>, vector<16xi32>
      %reduce_sum3A_2165 = arith.constant true
      %reduce_sum3A_2166 = vector.broadcast %reduce_sum3A_2165 : i1 to vector<16xi1>
      %reduce_sum3A_2167 = tpu.scan <sum>, %select_n3A_2164 masked %reduce_sum3A_2166 : vector<16xi32>, vector<16xi1> -> vector<16xi32>
      %reduce_sum3A_2168 = vector.extract %reduce_sum3A_2167[15] : i32 from vector<16xi32>
      %eq3A_2169 = arith.constant 12 : i32
      %eq3A_2170 = vector.broadcast %eq3A_2169 : i32 to vector<16xi32>
      %eq3A_2171 = arith.cmpi eq, %iota3A, %eq3A_2170 : vector<16xi32>
      %select_n3A_2172 = arith.select %eq3A_2171, %get3A_23, %broadcast_in_dim3A_3 : vector<16xi1>, vector<16xi32>
      %reduce_sum3A_2173 = arith.constant true
      %reduce_sum3A_2174 = vector.broadcast %reduce_sum3A_2173 : i1 to vector<16xi1>
      %reduce_sum3A_2175 = tpu.scan <sum>, %select_n3A_2172 masked %reduce_sum3A_2174 : vector<16xi32>, vector<16xi1> -> vector<16xi32>
      %reduce_sum3A_2176 = vector.extract %reduce_sum3A_2175[15] : i32 from vector<16xi32>
      %jit3A_2177 = arith.constant 128 : i32
      %div3A_2178 = arith.divsi %reduce_sum3A_2168, %jit3A_2177 : i32
      %sign3A_2179 = arith.constant 0 : i32
      %sign3A_2180 = arith.cmpi sgt, %reduce_sum3A_2168, %sign3A_2179 : i32
      %sign3A_2181 = arith.extui %sign3A_2180 : i1 to i32
      %sign3A_2182 = arith.constant 0 : i32
      %sign3A_2183 = arith.cmpi slt, %reduce_sum3A_2168, %sign3A_2182 : i32
      %sign3A_2184 = arith.extui %sign3A_2183 : i1 to i32
      %sign3A_2185 = arith.subi %sign3A_2181, %sign3A_2184 : i32
      %sign3A_2186 = arith.constant 0 : i32
      %sign3A_2187 = arith.cmpi sgt, %jit3A_2177, %sign3A_2186 : i32
      %sign3A_2188 = arith.extui %sign3A_2187 : i1 to i32
      %sign3A_2189 = arith.constant 0 : i32
      %sign3A_2190 = arith.cmpi slt, %jit3A_2177, %sign3A_2189 : i32
      %sign3A_2191 = arith.extui %sign3A_2190 : i1 to i32
      %sign3A_2192 = arith.subi %sign3A_2188, %sign3A_2191 : i32
      %ne3A_2193 = arith.cmpi ne, %sign3A_2185, %sign3A_2192 : i32
      %rem3A_2194 = arith.remsi %reduce_sum3A_2168, %jit3A_2177 : i32
      %ne3A_2195 = arith.constant 0 : i32
      %ne3A_2196 = arith.cmpi ne, %rem3A_2194, %ne3A_2195 : i32
      %and3A_2197 = arith.andi %ne3A_2193, %ne3A_2196 : i1
      %sub3A_2198 = arith.constant 1 : i32
      %sub3A_2199 = arith.subi %div3A_2178, %sub3A_2198 : i32
      %select_n3A_2200 = arith.select %and3A_2197, %sub3A_2199, %div3A_2178 : i32
      %mul3A_2201 = arith.constant 128 : i32
      %mul3A_2202 = arith.muli %select_n3A_2200, %mul3A_2201 : i32
      %multiple_of3A_2203 = tpu.assume_multiple %mul3A_2202, 128 : i32
      %dma_start3A_2204 = arith.constant 256 : i32
      %dma_start3A_2205 = arith.constant 0 : i32
      %dma_start3A_2206 = tpu.memref_slice %arg11[%dma_start3A_2204, %dma_start3A_2205] : memref<512x128xf32, #tpu.memory_space<vmem>> -> memref<32x128xf32, #tpu.memory_space<vmem>>
      %dma_start3A_2207 = arith.constant 0 : i32
      %dma_start3A_2208 = tpu.memref_slice %arg4[%dma_start3A_2207, %multiple_of3A_2203] : memref<32x1000000xf32, #tpu.memory_space<hbm>> -> memref<32x128xf32, #tpu.memory_space<hbm>>
      %dma_start3A_2209 = arith.constant 256 : i32
      %dma_start3A_2210 = arith.constant 0 : i32
      %dma_start3A_2211 = tpu.memref_slice %arg11[%dma_start3A_2209, %dma_start3A_2210] : memref<512x128xf32, #tpu.memory_space<vmem>> -> memref<32x128xf32, #tpu.memory_space<vmem>>
      %dma_start3A_2212 = arith.constant 0 : i32
      %dma_start3A_2213 = tpu.memref_slice %arg4[%dma_start3A_2212, %multiple_of3A_2203] : memref<32x1000000xf32, #tpu.memory_space<hbm>> -> memref<32x128xf32, #tpu.memory_space<hbm>>
      tpu.enqueue_dma source(%dma_start3A_2213 : memref<32x128xf32, #tpu.memory_space<hbm>>) target(%dma_start3A_2211 : memref<32x128xf32, #tpu.memory_space<vmem>>) target_semaphore(%arg14 : memref<!tpu.dma_semaphore, #tpu.memory_space<semaphore_mem>>)
      %dma_start3A_2214 = arith.constant 8 : i32
      %dma_start3A_2215 = arith.constant 0 : i32
      %dma_start3A_2216 = tpu.memref_slice %arg12[%dma_start3A_2214, %dma_start3A_2215] : memref<16x128xf32, #tpu.memory_space<vmem>> -> memref<1x128xf32, #tpu.memory_space<vmem>>
      %dma_start3A_2217 = tpu.memref_squeeze %dma_start3A_2216 : memref<1x128xf32, #tpu.memory_space<vmem>> -> memref<128xf32, #tpu.memory_space<vmem>>
      %dma_start3A_2218 = tpu.memref_slice %arg5[%multiple_of3A_2203] : memref<1000000xf32, #tpu.memory_space<hbm>> -> memref<128xf32, #tpu.memory_space<hbm>>
      %dma_start3A_2219 = arith.constant 0 : i32
      %dma_start3A_2220 = tpu.memref_slice %arg12[%dma_start3A_2214, %dma_start3A_2219] : memref<16x128xf32, #tpu.memory_space<vmem>> -> memref<1x128xf32, #tpu.memory_space<vmem>>
      %dma_start3A_2221 = tpu.memref_squeeze %dma_start3A_2220 : memref<1x128xf32, #tpu.memory_space<vmem>> -> memref<128xf32, #tpu.memory_space<vmem>>
      %dma_start3A_2222 = tpu.memref_slice %arg5[%multiple_of3A_2203] : memref<1000000xf32, #tpu.memory_space<hbm>> -> memref<128xf32, #tpu.memory_space<hbm>>
      tpu.enqueue_dma source(%dma_start3A_2222 : memref<128xf32, #tpu.memory_space<hbm>>) target(%dma_start3A_2221 : memref<128xf32, #tpu.memory_space<vmem>>) target_semaphore(%arg14 : memref<!tpu.dma_semaphore, #tpu.memory_space<semaphore_mem>>)
      %jit3A_2223 = arith.constant 128 : i32
      %div3A_2224 = arith.divsi %reduce_sum3A_2176, %jit3A_2223 : i32
      %sign3A_2225 = arith.constant 0 : i32
      %sign3A_2226 = arith.cmpi sgt, %reduce_sum3A_2176, %sign3A_2225 : i32
      %sign3A_2227 = arith.extui %sign3A_2226 : i1 to i32
      %sign3A_2228 = arith.constant 0 : i32
      %sign3A_2229 = arith.cmpi slt, %reduce_sum3A_2176, %sign3A_2228 : i32
      %sign3A_2230 = arith.extui %sign3A_2229 : i1 to i32
      %sign3A_2231 = arith.subi %sign3A_2227, %sign3A_2230 : i32
      %sign3A_2232 = arith.constant 0 : i32
      %sign3A_2233 = arith.cmpi sgt, %jit3A_2223, %sign3A_2232 : i32
      %sign3A_2234 = arith.extui %sign3A_2233 : i1 to i32
      %sign3A_2235 = arith.constant 0 : i32
      %sign3A_2236 = arith.cmpi slt, %jit3A_2223, %sign3A_2235 : i32
      %sign3A_2237 = arith.extui %sign3A_2236 : i1 to i32
      %sign3A_2238 = arith.subi %sign3A_2234, %sign3A_2237 : i32
      %ne3A_2239 = arith.cmpi ne, %sign3A_2231, %sign3A_2238 : i32
      %rem3A_2240 = arith.remsi %reduce_sum3A_2176, %jit3A_2223 : i32
      %ne3A_2241 = arith.constant 0 : i32
      %ne3A_2242 = arith.cmpi ne, %rem3A_2240, %ne3A_2241 : i32
      %and3A_2243 = arith.andi %ne3A_2239, %ne3A_2242 : i1
      %sub3A_2244 = arith.constant 1 : i32
      %sub3A_2245 = arith.subi %div3A_2224, %sub3A_2244 : i32
      %select_n3A_2246 = arith.select %and3A_2243, %sub3A_2245, %div3A_2224 : i32
      %mul3A_2247 = arith.constant 128 : i32
      %mul3A_2248 = arith.muli %select_n3A_2246, %mul3A_2247 : i32
      %multiple_of3A_2249 = tpu.assume_multiple %mul3A_2248, 128 : i32
      %dma_start3A_2250 = arith.constant 288 : i32
      %dma_start3A_2251 = arith.constant 0 : i32
      %dma_start3A_2252 = tpu.memref_slice %arg11[%dma_start3A_2250, %dma_start3A_2251] : memref<512x128xf32, #tpu.memory_space<vmem>> -> memref<32x128xf32, #tpu.memory_space<vmem>>
      %dma_start3A_2253 = arith.constant 0 : i32
      %dma_start3A_2254 = tpu.memref_slice %arg6[%dma_start3A_2253, %multiple_of3A_2249] : memref<32x1000000xf32, #tpu.memory_space<hbm>> -> memref<32x128xf32, #tpu.memory_space<hbm>>
      %dma_start3A_2255 = arith.constant 288 : i32
      %dma_start3A_2256 = arith.constant 0 : i32
      %dma_start3A_2257 = tpu.memref_slice %arg11[%dma_start3A_2255, %dma_start3A_2256] : memref<512x128xf32, #tpu.memory_space<vmem>> -> memref<32x128xf32, #tpu.memory_space<vmem>>
      %dma_start3A_2258 = arith.constant 0 : i32
      %dma_start3A_2259 = tpu.memref_slice %arg6[%dma_start3A_2258, %multiple_of3A_2249] : memref<32x1000000xf32, #tpu.memory_space<hbm>> -> memref<32x128xf32, #tpu.memory_space<hbm>>
      tpu.enqueue_dma source(%dma_start3A_2259 : memref<32x128xf32, #tpu.memory_space<hbm>>) target(%dma_start3A_2257 : memref<32x128xf32, #tpu.memory_space<vmem>>) target_semaphore(%arg14 : memref<!tpu.dma_semaphore, #tpu.memory_space<semaphore_mem>>)
      %dma_start3A_2260 = arith.constant 9 : i32
      %dma_start3A_2261 = arith.constant 0 : i32
      %dma_start3A_2262 = tpu.memref_slice %arg12[%dma_start3A_2260, %dma_start3A_2261] : memref<16x128xf32, #tpu.memory_space<vmem>> -> memref<1x128xf32, #tpu.memory_space<vmem>>
      %dma_start3A_2263 = tpu.memref_squeeze %dma_start3A_2262 : memref<1x128xf32, #tpu.memory_space<vmem>> -> memref<128xf32, #tpu.memory_space<vmem>>
      %dma_start3A_2264 = tpu.memref_slice %arg7[%multiple_of3A_2249] : memref<1000000xf32, #tpu.memory_space<hbm>> -> memref<128xf32, #tpu.memory_space<hbm>>
      %dma_start3A_2265 = arith.constant 0 : i32
      %dma_start3A_2266 = tpu.memref_slice %arg12[%dma_start3A_2260, %dma_start3A_2265] : memref<16x128xf32, #tpu.memory_space<vmem>> -> memref<1x128xf32, #tpu.memory_space<vmem>>
      %dma_start3A_2267 = tpu.memref_squeeze %dma_start3A_2266 : memref<1x128xf32, #tpu.memory_space<vmem>> -> memref<128xf32, #tpu.memory_space<vmem>>
      %dma_start3A_2268 = tpu.memref_slice %arg7[%multiple_of3A_2249] : memref<1000000xf32, #tpu.memory_space<hbm>> -> memref<128xf32, #tpu.memory_space<hbm>>
      tpu.enqueue_dma source(%dma_start3A_2268 : memref<128xf32, #tpu.memory_space<hbm>>) target(%dma_start3A_2267 : memref<128xf32, #tpu.memory_space<vmem>>) target_semaphore(%arg14 : memref<!tpu.dma_semaphore, #tpu.memory_space<semaphore_mem>>)
      %eq3A_2269 = arith.constant 13 : i32
      %eq3A_2270 = vector.broadcast %eq3A_2269 : i32 to vector<16xi32>
      %eq3A_2271 = arith.cmpi eq, %iota3A, %eq3A_2270 : vector<16xi32>
      %select_n3A_2272 = arith.select %eq3A_2271, %get3A_19, %broadcast_in_dim3A_3 : vector<16xi1>, vector<16xi32>
      %reduce_sum3A_2273 = arith.constant true
      %reduce_sum3A_2274 = vector.broadcast %reduce_sum3A_2273 : i1 to vector<16xi1>
      %reduce_sum3A_2275 = tpu.scan <sum>, %select_n3A_2272 masked %reduce_sum3A_2274 : vector<16xi32>, vector<16xi1> -> vector<16xi32>
      %reduce_sum3A_2276 = vector.extract %reduce_sum3A_2275[15] : i32 from vector<16xi32>
      %eq3A_2277 = arith.constant 13 : i32
      %eq3A_2278 = vector.broadcast %eq3A_2277 : i32 to vector<16xi32>
      %eq3A_2279 = arith.cmpi eq, %iota3A, %eq3A_2278 : vector<16xi32>
      %select_n3A_2280 = arith.select %eq3A_2279, %get3A_23, %broadcast_in_dim3A_3 : vector<16xi1>, vector<16xi32>
      %reduce_sum3A_2281 = arith.constant true
      %reduce_sum3A_2282 = vector.broadcast %reduce_sum3A_2281 : i1 to vector<16xi1>
      %reduce_sum3A_2283 = tpu.scan <sum>, %select_n3A_2280 masked %reduce_sum3A_2282 : vector<16xi32>, vector<16xi1> -> vector<16xi32>
      %reduce_sum3A_2284 = vector.extract %reduce_sum3A_2283[15] : i32 from vector<16xi32>
      %jit3A_2285 = arith.constant 128 : i32
      %div3A_2286 = arith.divsi %reduce_sum3A_2276, %jit3A_2285 : i32
      %sign3A_2287 = arith.constant 0 : i32
      %sign3A_2288 = arith.cmpi sgt, %reduce_sum3A_2276, %sign3A_2287 : i32
      %sign3A_2289 = arith.extui %sign3A_2288 : i1 to i32
      %sign3A_2290 = arith.constant 0 : i32
      %sign3A_2291 = arith.cmpi slt, %reduce_sum3A_2276, %sign3A_2290 : i32
      %sign3A_2292 = arith.extui %sign3A_2291 : i1 to i32
      %sign3A_2293 = arith.subi %sign3A_2289, %sign3A_2292 : i32
      %sign3A_2294 = arith.constant 0 : i32
      %sign3A_2295 = arith.cmpi sgt, %jit3A_2285, %sign3A_2294 : i32
      %sign3A_2296 = arith.extui %sign3A_2295 : i1 to i32
      %sign3A_2297 = arith.constant 0 : i32
      %sign3A_2298 = arith.cmpi slt, %jit3A_2285, %sign3A_2297 : i32
      %sign3A_2299 = arith.extui %sign3A_2298 : i1 to i32
      %sign3A_2300 = arith.subi %sign3A_2296, %sign3A_2299 : i32
      %ne3A_2301 = arith.cmpi ne, %sign3A_2293, %sign3A_2300 : i32
      %rem3A_2302 = arith.remsi %reduce_sum3A_2276, %jit3A_2285 : i32
      %ne3A_2303 = arith.constant 0 : i32
      %ne3A_2304 = arith.cmpi ne, %rem3A_2302, %ne3A_2303 : i32
      %and3A_2305 = arith.andi %ne3A_2301, %ne3A_2304 : i1
      %sub3A_2306 = arith.constant 1 : i32
      %sub3A_2307 = arith.subi %div3A_2286, %sub3A_2306 : i32
      %select_n3A_2308 = arith.select %and3A_2305, %sub3A_2307, %div3A_2286 : i32
      %mul3A_2309 = arith.constant 128 : i32
      %mul3A_2310 = arith.muli %select_n3A_2308, %mul3A_2309 : i32
      %multiple_of3A_2311 = tpu.assume_multiple %mul3A_2310, 128 : i32
      %dma_start3A_2312 = arith.constant 320 : i32
      %dma_start3A_2313 = arith.constant 0 : i32
      %dma_start3A_2314 = tpu.memref_slice %arg11[%dma_start3A_2312, %dma_start3A_2313] : memref<512x128xf32, #tpu.memory_space<vmem>> -> memref<32x128xf32, #tpu.memory_space<vmem>>
      %dma_start3A_2315 = arith.constant 0 : i32
      %dma_start3A_2316 = tpu.memref_slice %arg4[%dma_start3A_2315, %multiple_of3A_2311] : memref<32x1000000xf32, #tpu.memory_space<hbm>> -> memref<32x128xf32, #tpu.memory_space<hbm>>
      %dma_start3A_2317 = arith.constant 320 : i32
      %dma_start3A_2318 = arith.constant 0 : i32
      %dma_start3A_2319 = tpu.memref_slice %arg11[%dma_start3A_2317, %dma_start3A_2318] : memref<512x128xf32, #tpu.memory_space<vmem>> -> memref<32x128xf32, #tpu.memory_space<vmem>>
      %dma_start3A_2320 = arith.constant 0 : i32
      %dma_start3A_2321 = tpu.memref_slice %arg4[%dma_start3A_2320, %multiple_of3A_2311] : memref<32x1000000xf32, #tpu.memory_space<hbm>> -> memref<32x128xf32, #tpu.memory_space<hbm>>
      tpu.enqueue_dma source(%dma_start3A_2321 : memref<32x128xf32, #tpu.memory_space<hbm>>) target(%dma_start3A_2319 : memref<32x128xf32, #tpu.memory_space<vmem>>) target_semaphore(%arg14 : memref<!tpu.dma_semaphore, #tpu.memory_space<semaphore_mem>>)
      %dma_start3A_2322 = arith.constant 10 : i32
      %dma_start3A_2323 = arith.constant 0 : i32
      %dma_start3A_2324 = tpu.memref_slice %arg12[%dma_start3A_2322, %dma_start3A_2323] : memref<16x128xf32, #tpu.memory_space<vmem>> -> memref<1x128xf32, #tpu.memory_space<vmem>>
      %dma_start3A_2325 = tpu.memref_squeeze %dma_start3A_2324 : memref<1x128xf32, #tpu.memory_space<vmem>> -> memref<128xf32, #tpu.memory_space<vmem>>
      %dma_start3A_2326 = tpu.memref_slice %arg5[%multiple_of3A_2311] : memref<1000000xf32, #tpu.memory_space<hbm>> -> memref<128xf32, #tpu.memory_space<hbm>>
      %dma_start3A_2327 = arith.constant 0 : i32
      %dma_start3A_2328 = tpu.memref_slice %arg12[%dma_start3A_2322, %dma_start3A_2327] : memref<16x128xf32, #tpu.memory_space<vmem>> -> memref<1x128xf32, #tpu.memory_space<vmem>>
      %dma_start3A_2329 = tpu.memref_squeeze %dma_start3A_2328 : memref<1x128xf32, #tpu.memory_space<vmem>> -> memref<128xf32, #tpu.memory_space<vmem>>
      %dma_start3A_2330 = tpu.memref_slice %arg5[%multiple_of3A_2311] : memref<1000000xf32, #tpu.memory_space<hbm>> -> memref<128xf32, #tpu.memory_space<hbm>>
      tpu.enqueue_dma source(%dma_start3A_2330 : memref<128xf32, #tpu.memory_space<hbm>>) target(%dma_start3A_2329 : memref<128xf32, #tpu.memory_space<vmem>>) target_semaphore(%arg14 : memref<!tpu.dma_semaphore, #tpu.memory_space<semaphore_mem>>)
      %jit3A_2331 = arith.constant 128 : i32
      %div3A_2332 = arith.divsi %reduce_sum3A_2284, %jit3A_2331 : i32
      %sign3A_2333 = arith.constant 0 : i32
      %sign3A_2334 = arith.cmpi sgt, %reduce_sum3A_2284, %sign3A_2333 : i32
      %sign3A_2335 = arith.extui %sign3A_2334 : i1 to i32
      %sign3A_2336 = arith.constant 0 : i32
      %sign3A_2337 = arith.cmpi slt, %reduce_sum3A_2284, %sign3A_2336 : i32
      %sign3A_2338 = arith.extui %sign3A_2337 : i1 to i32
      %sign3A_2339 = arith.subi %sign3A_2335, %sign3A_2338 : i32
      %sign3A_2340 = arith.constant 0 : i32
      %sign3A_2341 = arith.cmpi sgt, %jit3A_2331, %sign3A_2340 : i32
      %sign3A_2342 = arith.extui %sign3A_2341 : i1 to i32
      %sign3A_2343 = arith.constant 0 : i32
      %sign3A_2344 = arith.cmpi slt, %jit3A_2331, %sign3A_2343 : i32
      %sign3A_2345 = arith.extui %sign3A_2344 : i1 to i32
      %sign3A_2346 = arith.subi %sign3A_2342, %sign3A_2345 : i32
      %ne3A_2347 = arith.cmpi ne, %sign3A_2339, %sign3A_2346 : i32
      %rem3A_2348 = arith.remsi %reduce_sum3A_2284, %jit3A_2331 : i32
      %ne3A_2349 = arith.constant 0 : i32
      %ne3A_2350 = arith.cmpi ne, %rem3A_2348, %ne3A_2349 : i32
      %and3A_2351 = arith.andi %ne3A_2347, %ne3A_2350 : i1
      %sub3A_2352 = arith.constant 1 : i32
      %sub3A_2353 = arith.subi %div3A_2332, %sub3A_2352 : i32
      %select_n3A_2354 = arith.select %and3A_2351, %sub3A_2353, %div3A_2332 : i32
      %mul3A_2355 = arith.constant 128 : i32
      %mul3A_2356 = arith.muli %select_n3A_2354, %mul3A_2355 : i32
      %multiple_of3A_2357 = tpu.assume_multiple %mul3A_2356, 128 : i32
      %dma_start3A_2358 = arith.constant 352 : i32
      %dma_start3A_2359 = arith.constant 0 : i32
      %dma_start3A_2360 = tpu.memref_slice %arg11[%dma_start3A_2358, %dma_start3A_2359] : memref<512x128xf32, #tpu.memory_space<vmem>> -> memref<32x128xf32, #tpu.memory_space<vmem>>
      %dma_start3A_2361 = arith.constant 0 : i32
      %dma_start3A_2362 = tpu.memref_slice %arg6[%dma_start3A_2361, %multiple_of3A_2357] : memref<32x1000000xf32, #tpu.memory_space<hbm>> -> memref<32x128xf32, #tpu.memory_space<hbm>>
      %dma_start3A_2363 = arith.constant 352 : i32
      %dma_start3A_2364 = arith.constant 0 : i32
      %dma_start3A_2365 = tpu.memref_slice %arg11[%dma_start3A_2363, %dma_start3A_2364] : memref<512x128xf32, #tpu.memory_space<vmem>> -> memref<32x128xf32, #tpu.memory_space<vmem>>
      %dma_start3A_2366 = arith.constant 0 : i32
      %dma_start3A_2367 = tpu.memref_slice %arg6[%dma_start3A_2366, %multiple_of3A_2357] : memref<32x1000000xf32, #tpu.memory_space<hbm>> -> memref<32x128xf32, #tpu.memory_space<hbm>>
      tpu.enqueue_dma source(%dma_start3A_2367 : memref<32x128xf32, #tpu.memory_space<hbm>>) target(%dma_start3A_2365 : memref<32x128xf32, #tpu.memory_space<vmem>>) target_semaphore(%arg14 : memref<!tpu.dma_semaphore, #tpu.memory_space<semaphore_mem>>)
      %dma_start3A_2368 = arith.constant 11 : i32
      %dma_start3A_2369 = arith.constant 0 : i32
      %dma_start3A_2370 = tpu.memref_slice %arg12[%dma_start3A_2368, %dma_start3A_2369] : memref<16x128xf32, #tpu.memory_space<vmem>> -> memref<1x128xf32, #tpu.memory_space<vmem>>
      %dma_start3A_2371 = tpu.memref_squeeze %dma_start3A_2370 : memref<1x128xf32, #tpu.memory_space<vmem>> -> memref<128xf32, #tpu.memory_space<vmem>>
      %dma_start3A_2372 = tpu.memref_slice %arg7[%multiple_of3A_2357] : memref<1000000xf32, #tpu.memory_space<hbm>> -> memref<128xf32, #tpu.memory_space<hbm>>
      %dma_start3A_2373 = arith.constant 0 : i32
      %dma_start3A_2374 = tpu.memref_slice %arg12[%dma_start3A_2368, %dma_start3A_2373] : memref<16x128xf32, #tpu.memory_space<vmem>> -> memref<1x128xf32, #tpu.memory_space<vmem>>
      %dma_start3A_2375 = tpu.memref_squeeze %dma_start3A_2374 : memref<1x128xf32, #tpu.memory_space<vmem>> -> memref<128xf32, #tpu.memory_space<vmem>>
      %dma_start3A_2376 = tpu.memref_slice %arg7[%multiple_of3A_2357] : memref<1000000xf32, #tpu.memory_space<hbm>> -> memref<128xf32, #tpu.memory_space<hbm>>
      tpu.enqueue_dma source(%dma_start3A_2376 : memref<128xf32, #tpu.memory_space<hbm>>) target(%dma_start3A_2375 : memref<128xf32, #tpu.memory_space<vmem>>) target_semaphore(%arg14 : memref<!tpu.dma_semaphore, #tpu.memory_space<semaphore_mem>>)
      %eq3A_2377 = arith.constant 14 : i32
      %eq3A_2378 = vector.broadcast %eq3A_2377 : i32 to vector<16xi32>
      %eq3A_2379 = arith.cmpi eq, %iota3A, %eq3A_2378 : vector<16xi32>
      %select_n3A_2380 = arith.select %eq3A_2379, %get3A_19, %broadcast_in_dim3A_3 : vector<16xi1>, vector<16xi32>
      %reduce_sum3A_2381 = arith.constant true
      %reduce_sum3A_2382 = vector.broadcast %reduce_sum3A_2381 : i1 to vector<16xi1>
      %reduce_sum3A_2383 = tpu.scan <sum>, %select_n3A_2380 masked %reduce_sum3A_2382 : vector<16xi32>, vector<16xi1> -> vector<16xi32>
      %reduce_sum3A_2384 = vector.extract %reduce_sum3A_2383[15] : i32 from vector<16xi32>
      %eq3A_2385 = arith.constant 14 : i32
      %eq3A_2386 = vector.broadcast %eq3A_2385 : i32 to vector<16xi32>
      %eq3A_2387 = arith.cmpi eq, %iota3A, %eq3A_2386 : vector<16xi32>
      %select_n3A_2388 = arith.select %eq3A_2387, %get3A_23, %broadcast_in_dim3A_3 : vector<16xi1>, vector<16xi32>
      %reduce_sum3A_2389 = arith.constant true
      %reduce_sum3A_2390 = vector.broadcast %reduce_sum3A_2389 : i1 to vector<16xi1>
      %reduce_sum3A_2391 = tpu.scan <sum>, %select_n3A_2388 masked %reduce_sum3A_2390 : vector<16xi32>, vector<16xi1> -> vector<16xi32>
      %reduce_sum3A_2392 = vector.extract %reduce_sum3A_2391[15] : i32 from vector<16xi32>
      %jit3A_2393 = arith.constant 128 : i32
      %div3A_2394 = arith.divsi %reduce_sum3A_2384, %jit3A_2393 : i32
      %sign3A_2395 = arith.constant 0 : i32
      %sign3A_2396 = arith.cmpi sgt, %reduce_sum3A_2384, %sign3A_2395 : i32
      %sign3A_2397 = arith.extui %sign3A_2396 : i1 to i32
      %sign3A_2398 = arith.constant 0 : i32
      %sign3A_2399 = arith.cmpi slt, %reduce_sum3A_2384, %sign3A_2398 : i32
      %sign3A_2400 = arith.extui %sign3A_2399 : i1 to i32
      %sign3A_2401 = arith.subi %sign3A_2397, %sign3A_2400 : i32
      %sign3A_2402 = arith.constant 0 : i32
      %sign3A_2403 = arith.cmpi sgt, %jit3A_2393, %sign3A_2402 : i32
      %sign3A_2404 = arith.extui %sign3A_2403 : i1 to i32
      %sign3A_2405 = arith.constant 0 : i32
      %sign3A_2406 = arith.cmpi slt, %jit3A_2393, %sign3A_2405 : i32
      %sign3A_2407 = arith.extui %sign3A_2406 : i1 to i32
      %sign3A_2408 = arith.subi %sign3A_2404, %sign3A_2407 : i32
      %ne3A_2409 = arith.cmpi ne, %sign3A_2401, %sign3A_2408 : i32
      %rem3A_2410 = arith.remsi %reduce_sum3A_2384, %jit3A_2393 : i32
      %ne3A_2411 = arith.constant 0 : i32
      %ne3A_2412 = arith.cmpi ne, %rem3A_2410, %ne3A_2411 : i32
      %and3A_2413 = arith.andi %ne3A_2409, %ne3A_2412 : i1
      %sub3A_2414 = arith.constant 1 : i32
      %sub3A_2415 = arith.subi %div3A_2394, %sub3A_2414 : i32
      %select_n3A_2416 = arith.select %and3A_2413, %sub3A_2415, %div3A_2394 : i32
      %mul3A_2417 = arith.constant 128 : i32
      %mul3A_2418 = arith.muli %select_n3A_2416, %mul3A_2417 : i32
      %multiple_of3A_2419 = tpu.assume_multiple %mul3A_2418, 128 : i32
      %dma_start3A_2420 = arith.constant 384 : i32
      %dma_start3A_2421 = arith.constant 0 : i32
      %dma_start3A_2422 = tpu.memref_slice %arg11[%dma_start3A_2420, %dma_start3A_2421] : memref<512x128xf32, #tpu.memory_space<vmem>> -> memref<32x128xf32, #tpu.memory_space<vmem>>
      %dma_start3A_2423 = arith.constant 0 : i32
      %dma_start3A_2424 = tpu.memref_slice %arg4[%dma_start3A_2423, %multiple_of3A_2419] : memref<32x1000000xf32, #tpu.memory_space<hbm>> -> memref<32x128xf32, #tpu.memory_space<hbm>>
      %dma_start3A_2425 = arith.constant 384 : i32
      %dma_start3A_2426 = arith.constant 0 : i32
      %dma_start3A_2427 = tpu.memref_slice %arg11[%dma_start3A_2425, %dma_start3A_2426] : memref<512x128xf32, #tpu.memory_space<vmem>> -> memref<32x128xf32, #tpu.memory_space<vmem>>
      %dma_start3A_2428 = arith.constant 0 : i32
      %dma_start3A_2429 = tpu.memref_slice %arg4[%dma_start3A_2428, %multiple_of3A_2419] : memref<32x1000000xf32, #tpu.memory_space<hbm>> -> memref<32x128xf32, #tpu.memory_space<hbm>>
      tpu.enqueue_dma source(%dma_start3A_2429 : memref<32x128xf32, #tpu.memory_space<hbm>>) target(%dma_start3A_2427 : memref<32x128xf32, #tpu.memory_space<vmem>>) target_semaphore(%arg14 : memref<!tpu.dma_semaphore, #tpu.memory_space<semaphore_mem>>)
      %dma_start3A_2430 = arith.constant 12 : i32
      %dma_start3A_2431 = arith.constant 0 : i32
      %dma_start3A_2432 = tpu.memref_slice %arg12[%dma_start3A_2430, %dma_start3A_2431] : memref<16x128xf32, #tpu.memory_space<vmem>> -> memref<1x128xf32, #tpu.memory_space<vmem>>
      %dma_start3A_2433 = tpu.memref_squeeze %dma_start3A_2432 : memref<1x128xf32, #tpu.memory_space<vmem>> -> memref<128xf32, #tpu.memory_space<vmem>>
      %dma_start3A_2434 = tpu.memref_slice %arg5[%multiple_of3A_2419] : memref<1000000xf32, #tpu.memory_space<hbm>> -> memref<128xf32, #tpu.memory_space<hbm>>
      %dma_start3A_2435 = arith.constant 0 : i32
      %dma_start3A_2436 = tpu.memref_slice %arg12[%dma_start3A_2430, %dma_start3A_2435] : memref<16x128xf32, #tpu.memory_space<vmem>> -> memref<1x128xf32, #tpu.memory_space<vmem>>
      %dma_start3A_2437 = tpu.memref_squeeze %dma_start3A_2436 : memref<1x128xf32, #tpu.memory_space<vmem>> -> memref<128xf32, #tpu.memory_space<vmem>>
      %dma_start3A_2438 = tpu.memref_slice %arg5[%multiple_of3A_2419] : memref<1000000xf32, #tpu.memory_space<hbm>> -> memref<128xf32, #tpu.memory_space<hbm>>
      tpu.enqueue_dma source(%dma_start3A_2438 : memref<128xf32, #tpu.memory_space<hbm>>) target(%dma_start3A_2437 : memref<128xf32, #tpu.memory_space<vmem>>) target_semaphore(%arg14 : memref<!tpu.dma_semaphore, #tpu.memory_space<semaphore_mem>>)
      %jit3A_2439 = arith.constant 128 : i32
      %div3A_2440 = arith.divsi %reduce_sum3A_2392, %jit3A_2439 : i32
      %sign3A_2441 = arith.constant 0 : i32
      %sign3A_2442 = arith.cmpi sgt, %reduce_sum3A_2392, %sign3A_2441 : i32
      %sign3A_2443 = arith.extui %sign3A_2442 : i1 to i32
      %sign3A_2444 = arith.constant 0 : i32
      %sign3A_2445 = arith.cmpi slt, %reduce_sum3A_2392, %sign3A_2444 : i32
      %sign3A_2446 = arith.extui %sign3A_2445 : i1 to i32
      %sign3A_2447 = arith.subi %sign3A_2443, %sign3A_2446 : i32
      %sign3A_2448 = arith.constant 0 : i32
      %sign3A_2449 = arith.cmpi sgt, %jit3A_2439, %sign3A_2448 : i32
      %sign3A_2450 = arith.extui %sign3A_2449 : i1 to i32
      %sign3A_2451 = arith.constant 0 : i32
      %sign3A_2452 = arith.cmpi slt, %jit3A_2439, %sign3A_2451 : i32
      %sign3A_2453 = arith.extui %sign3A_2452 : i1 to i32
      %sign3A_2454 = arith.subi %sign3A_2450, %sign3A_2453 : i32
      %ne3A_2455 = arith.cmpi ne, %sign3A_2447, %sign3A_2454 : i32
      %rem3A_2456 = arith.remsi %reduce_sum3A_2392, %jit3A_2439 : i32
      %ne3A_2457 = arith.constant 0 : i32
      %ne3A_2458 = arith.cmpi ne, %rem3A_2456, %ne3A_2457 : i32
      %and3A_2459 = arith.andi %ne3A_2455, %ne3A_2458 : i1
      %sub3A_2460 = arith.constant 1 : i32
      %sub3A_2461 = arith.subi %div3A_2440, %sub3A_2460 : i32
      %select_n3A_2462 = arith.select %and3A_2459, %sub3A_2461, %div3A_2440 : i32
      %mul3A_2463 = arith.constant 128 : i32
      %mul3A_2464 = arith.muli %select_n3A_2462, %mul3A_2463 : i32
      %multiple_of3A_2465 = tpu.assume_multiple %mul3A_2464, 128 : i32
      %dma_start3A_2466 = arith.constant 416 : i32
      %dma_start3A_2467 = arith.constant 0 : i32
      %dma_start3A_2468 = tpu.memref_slice %arg11[%dma_start3A_2466, %dma_start3A_2467] : memref<512x128xf32, #tpu.memory_space<vmem>> -> memref<32x128xf32, #tpu.memory_space<vmem>>
      %dma_start3A_2469 = arith.constant 0 : i32
      %dma_start3A_2470 = tpu.memref_slice %arg6[%dma_start3A_2469, %multiple_of3A_2465] : memref<32x1000000xf32, #tpu.memory_space<hbm>> -> memref<32x128xf32, #tpu.memory_space<hbm>>
      %dma_start3A_2471 = arith.constant 416 : i32
      %dma_start3A_2472 = arith.constant 0 : i32
      %dma_start3A_2473 = tpu.memref_slice %arg11[%dma_start3A_2471, %dma_start3A_2472] : memref<512x128xf32, #tpu.memory_space<vmem>> -> memref<32x128xf32, #tpu.memory_space<vmem>>
      %dma_start3A_2474 = arith.constant 0 : i32
      %dma_start3A_2475 = tpu.memref_slice %arg6[%dma_start3A_2474, %multiple_of3A_2465] : memref<32x1000000xf32, #tpu.memory_space<hbm>> -> memref<32x128xf32, #tpu.memory_space<hbm>>
      tpu.enqueue_dma source(%dma_start3A_2475 : memref<32x128xf32, #tpu.memory_space<hbm>>) target(%dma_start3A_2473 : memref<32x128xf32, #tpu.memory_space<vmem>>) target_semaphore(%arg14 : memref<!tpu.dma_semaphore, #tpu.memory_space<semaphore_mem>>)
      %dma_start3A_2476 = arith.constant 13 : i32
      %dma_start3A_2477 = arith.constant 0 : i32
      %dma_start3A_2478 = tpu.memref_slice %arg12[%dma_start3A_2476, %dma_start3A_2477] : memref<16x128xf32, #tpu.memory_space<vmem>> -> memref<1x128xf32, #tpu.memory_space<vmem>>
      %dma_start3A_2479 = tpu.memref_squeeze %dma_start3A_2478 : memref<1x128xf32, #tpu.memory_space<vmem>> -> memref<128xf32, #tpu.memory_space<vmem>>
      %dma_start3A_2480 = tpu.memref_slice %arg7[%multiple_of3A_2465] : memref<1000000xf32, #tpu.memory_space<hbm>> -> memref<128xf32, #tpu.memory_space<hbm>>
      %dma_start3A_2481 = arith.constant 0 : i32
      %dma_start3A_2482 = tpu.memref_slice %arg12[%dma_start3A_2476, %dma_start3A_2481] : memref<16x128xf32, #tpu.memory_space<vmem>> -> memref<1x128xf32, #tpu.memory_space<vmem>>
      %dma_start3A_2483 = tpu.memref_squeeze %dma_start3A_2482 : memref<1x128xf32, #tpu.memory_space<vmem>> -> memref<128xf32, #tpu.memory_space<vmem>>
      %dma_start3A_2484 = tpu.memref_slice %arg7[%multiple_of3A_2465] : memref<1000000xf32, #tpu.memory_space<hbm>> -> memref<128xf32, #tpu.memory_space<hbm>>
      tpu.enqueue_dma source(%dma_start3A_2484 : memref<128xf32, #tpu.memory_space<hbm>>) target(%dma_start3A_2483 : memref<128xf32, #tpu.memory_space<vmem>>) target_semaphore(%arg14 : memref<!tpu.dma_semaphore, #tpu.memory_space<semaphore_mem>>)
      %eq3A_2485 = arith.constant 15 : i32
      %eq3A_2486 = vector.broadcast %eq3A_2485 : i32 to vector<16xi32>
      %eq3A_2487 = arith.cmpi eq, %iota3A, %eq3A_2486 : vector<16xi32>
      %select_n3A_2488 = arith.select %eq3A_2487, %get3A_19, %broadcast_in_dim3A_3 : vector<16xi1>, vector<16xi32>
      %reduce_sum3A_2489 = arith.constant true
      %reduce_sum3A_2490 = vector.broadcast %reduce_sum3A_2489 : i1 to vector<16xi1>
      %reduce_sum3A_2491 = tpu.scan <sum>, %select_n3A_2488 masked %reduce_sum3A_2490 : vector<16xi32>, vector<16xi1> -> vector<16xi32>
      %reduce_sum3A_2492 = vector.extract %reduce_sum3A_2491[15] : i32 from vector<16xi32>
      %eq3A_2493 = arith.constant 15 : i32
      %eq3A_2494 = vector.broadcast %eq3A_2493 : i32 to vector<16xi32>
      %eq3A_2495 = arith.cmpi eq, %iota3A, %eq3A_2494 : vector<16xi32>
      %select_n3A_2496 = arith.select %eq3A_2495, %get3A_23, %broadcast_in_dim3A_3 : vector<16xi1>, vector<16xi32>
      %reduce_sum3A_2497 = arith.constant true
      %reduce_sum3A_2498 = vector.broadcast %reduce_sum3A_2497 : i1 to vector<16xi1>
      %reduce_sum3A_2499 = tpu.scan <sum>, %select_n3A_2496 masked %reduce_sum3A_2498 : vector<16xi32>, vector<16xi1> -> vector<16xi32>
      %reduce_sum3A_2500 = vector.extract %reduce_sum3A_2499[15] : i32 from vector<16xi32>
      %jit3A_2501 = arith.constant 128 : i32
      %div3A_2502 = arith.divsi %reduce_sum3A_2492, %jit3A_2501 : i32
      %sign3A_2503 = arith.constant 0 : i32
      %sign3A_2504 = arith.cmpi sgt, %reduce_sum3A_2492, %sign3A_2503 : i32
      %sign3A_2505 = arith.extui %sign3A_2504 : i1 to i32
      %sign3A_2506 = arith.constant 0 : i32
      %sign3A_2507 = arith.cmpi slt, %reduce_sum3A_2492, %sign3A_2506 : i32
      %sign3A_2508 = arith.extui %sign3A_2507 : i1 to i32
      %sign3A_2509 = arith.subi %sign3A_2505, %sign3A_2508 : i32
      %sign3A_2510 = arith.constant 0 : i32
      %sign3A_2511 = arith.cmpi sgt, %jit3A_2501, %sign3A_2510 : i32
      %sign3A_2512 = arith.extui %sign3A_2511 : i1 to i32
      %sign3A_2513 = arith.constant 0 : i32
      %sign3A_2514 = arith.cmpi slt, %jit3A_2501, %sign3A_2513 : i32
      %sign3A_2515 = arith.extui %sign3A_2514 : i1 to i32
      %sign3A_2516 = arith.subi %sign3A_2512, %sign3A_2515 : i32
      %ne3A_2517 = arith.cmpi ne, %sign3A_2509, %sign3A_2516 : i32
      %rem3A_2518 = arith.remsi %reduce_sum3A_2492, %jit3A_2501 : i32
      %ne3A_2519 = arith.constant 0 : i32
      %ne3A_2520 = arith.cmpi ne, %rem3A_2518, %ne3A_2519 : i32
      %and3A_2521 = arith.andi %ne3A_2517, %ne3A_2520 : i1
      %sub3A_2522 = arith.constant 1 : i32
      %sub3A_2523 = arith.subi %div3A_2502, %sub3A_2522 : i32
      %select_n3A_2524 = arith.select %and3A_2521, %sub3A_2523, %div3A_2502 : i32
      %mul3A_2525 = arith.constant 128 : i32
      %mul3A_2526 = arith.muli %select_n3A_2524, %mul3A_2525 : i32
      %multiple_of3A_2527 = tpu.assume_multiple %mul3A_2526, 128 : i32
      %dma_start3A_2528 = arith.constant 448 : i32
      %dma_start3A_2529 = arith.constant 0 : i32
      %dma_start3A_2530 = tpu.memref_slice %arg11[%dma_start3A_2528, %dma_start3A_2529] : memref<512x128xf32, #tpu.memory_space<vmem>> -> memref<32x128xf32, #tpu.memory_space<vmem>>
      %dma_start3A_2531 = arith.constant 0 : i32
      %dma_start3A_2532 = tpu.memref_slice %arg4[%dma_start3A_2531, %multiple_of3A_2527] : memref<32x1000000xf32, #tpu.memory_space<hbm>> -> memref<32x128xf32, #tpu.memory_space<hbm>>
      %dma_start3A_2533 = arith.constant 448 : i32
      %dma_start3A_2534 = arith.constant 0 : i32
      %dma_start3A_2535 = tpu.memref_slice %arg11[%dma_start3A_2533, %dma_start3A_2534] : memref<512x128xf32, #tpu.memory_space<vmem>> -> memref<32x128xf32, #tpu.memory_space<vmem>>
      %dma_start3A_2536 = arith.constant 0 : i32
      %dma_start3A_2537 = tpu.memref_slice %arg4[%dma_start3A_2536, %multiple_of3A_2527] : memref<32x1000000xf32, #tpu.memory_space<hbm>> -> memref<32x128xf32, #tpu.memory_space<hbm>>
      tpu.enqueue_dma source(%dma_start3A_2537 : memref<32x128xf32, #tpu.memory_space<hbm>>) target(%dma_start3A_2535 : memref<32x128xf32, #tpu.memory_space<vmem>>) target_semaphore(%arg14 : memref<!tpu.dma_semaphore, #tpu.memory_space<semaphore_mem>>)
      %dma_start3A_2538 = arith.constant 14 : i32
      %dma_start3A_2539 = arith.constant 0 : i32
      %dma_start3A_2540 = tpu.memref_slice %arg12[%dma_start3A_2538, %dma_start3A_2539] : memref<16x128xf32, #tpu.memory_space<vmem>> -> memref<1x128xf32, #tpu.memory_space<vmem>>
      %dma_start3A_2541 = tpu.memref_squeeze %dma_start3A_2540 : memref<1x128xf32, #tpu.memory_space<vmem>> -> memref<128xf32, #tpu.memory_space<vmem>>
      %dma_start3A_2542 = tpu.memref_slice %arg5[%multiple_of3A_2527] : memref<1000000xf32, #tpu.memory_space<hbm>> -> memref<128xf32, #tpu.memory_space<hbm>>
      %dma_start3A_2543 = arith.constant 0 : i32
      %dma_start3A_2544 = tpu.memref_slice %arg12[%dma_start3A_2538, %dma_start3A_2543] : memref<16x128xf32, #tpu.memory_space<vmem>> -> memref<1x128xf32, #tpu.memory_space<vmem>>
      %dma_start3A_2545 = tpu.memref_squeeze %dma_start3A_2544 : memref<1x128xf32, #tpu.memory_space<vmem>> -> memref<128xf32, #tpu.memory_space<vmem>>
      %dma_start3A_2546 = tpu.memref_slice %arg5[%multiple_of3A_2527] : memref<1000000xf32, #tpu.memory_space<hbm>> -> memref<128xf32, #tpu.memory_space<hbm>>
      tpu.enqueue_dma source(%dma_start3A_2546 : memref<128xf32, #tpu.memory_space<hbm>>) target(%dma_start3A_2545 : memref<128xf32, #tpu.memory_space<vmem>>) target_semaphore(%arg14 : memref<!tpu.dma_semaphore, #tpu.memory_space<semaphore_mem>>)
      %jit3A_2547 = arith.constant 128 : i32
      %div3A_2548 = arith.divsi %reduce_sum3A_2500, %jit3A_2547 : i32
      %sign3A_2549 = arith.constant 0 : i32
      %sign3A_2550 = arith.cmpi sgt, %reduce_sum3A_2500, %sign3A_2549 : i32
      %sign3A_2551 = arith.extui %sign3A_2550 : i1 to i32
      %sign3A_2552 = arith.constant 0 : i32
      %sign3A_2553 = arith.cmpi slt, %reduce_sum3A_2500, %sign3A_2552 : i32
      %sign3A_2554 = arith.extui %sign3A_2553 : i1 to i32
      %sign3A_2555 = arith.subi %sign3A_2551, %sign3A_2554 : i32
      %sign3A_2556 = arith.constant 0 : i32
      %sign3A_2557 = arith.cmpi sgt, %jit3A_2547, %sign3A_2556 : i32
      %sign3A_2558 = arith.extui %sign3A_2557 : i1 to i32
      %sign3A_2559 = arith.constant 0 : i32
      %sign3A_2560 = arith.cmpi slt, %jit3A_2547, %sign3A_2559 : i32
      %sign3A_2561 = arith.extui %sign3A_2560 : i1 to i32
      %sign3A_2562 = arith.subi %sign3A_2558, %sign3A_2561 : i32
      %ne3A_2563 = arith.cmpi ne, %sign3A_2555, %sign3A_2562 : i32
      %rem3A_2564 = arith.remsi %reduce_sum3A_2500, %jit3A_2547 : i32
      %ne3A_2565 = arith.constant 0 : i32
      %ne3A_2566 = arith.cmpi ne, %rem3A_2564, %ne3A_2565 : i32
      %and3A_2567 = arith.andi %ne3A_2563, %ne3A_2566 : i1
      %sub3A_2568 = arith.constant 1 : i32
      %sub3A_2569 = arith.subi %div3A_2548, %sub3A_2568 : i32
      %select_n3A_2570 = arith.select %and3A_2567, %sub3A_2569, %div3A_2548 : i32
      %mul3A_2571 = arith.constant 128 : i32
      %mul3A_2572 = arith.muli %select_n3A_2570, %mul3A_2571 : i32
      %multiple_of3A_2573 = tpu.assume_multiple %mul3A_2572, 128 : i32
      %dma_start3A_2574 = arith.constant 480 : i32
      %dma_start3A_2575 = arith.constant 0 : i32
      %dma_start3A_2576 = tpu.memref_slice %arg11[%dma_start3A_2574, %dma_start3A_2575] : memref<512x128xf32, #tpu.memory_space<vmem>> -> memref<32x128xf32, #tpu.memory_space<vmem>>
      %dma_start3A_2577 = arith.constant 0 : i32
      %dma_start3A_2578 = tpu.memref_slice %arg6[%dma_start3A_2577, %multiple_of3A_2573] : memref<32x1000000xf32, #tpu.memory_space<hbm>> -> memref<32x128xf32, #tpu.memory_space<hbm>>
      %dma_start3A_2579 = arith.constant 480 : i32
      %dma_start3A_2580 = arith.constant 0 : i32
      %dma_start3A_2581 = tpu.memref_slice %arg11[%dma_start3A_2579, %dma_start3A_2580] : memref<512x128xf32, #tpu.memory_space<vmem>> -> memref<32x128xf32, #tpu.memory_space<vmem>>
      %dma_start3A_2582 = arith.constant 0 : i32
      %dma_start3A_2583 = tpu.memref_slice %arg6[%dma_start3A_2582, %multiple_of3A_2573] : memref<32x1000000xf32, #tpu.memory_space<hbm>> -> memref<32x128xf32, #tpu.memory_space<hbm>>
      tpu.enqueue_dma source(%dma_start3A_2583 : memref<32x128xf32, #tpu.memory_space<hbm>>) target(%dma_start3A_2581 : memref<32x128xf32, #tpu.memory_space<vmem>>) target_semaphore(%arg14 : memref<!tpu.dma_semaphore, #tpu.memory_space<semaphore_mem>>)
      %dma_start3A_2584 = arith.constant 15 : i32
      %dma_start3A_2585 = arith.constant 0 : i32
      %dma_start3A_2586 = tpu.memref_slice %arg12[%dma_start3A_2584, %dma_start3A_2585] : memref<16x128xf32, #tpu.memory_space<vmem>> -> memref<1x128xf32, #tpu.memory_space<vmem>>
      %dma_start3A_2587 = tpu.memref_squeeze %dma_start3A_2586 : memref<1x128xf32, #tpu.memory_space<vmem>> -> memref<128xf32, #tpu.memory_space<vmem>>
      %dma_start3A_2588 = tpu.memref_slice %arg7[%multiple_of3A_2573] : memref<1000000xf32, #tpu.memory_space<hbm>> -> memref<128xf32, #tpu.memory_space<hbm>>
      %dma_start3A_2589 = arith.constant 0 : i32
      %dma_start3A_2590 = tpu.memref_slice %arg12[%dma_start3A_2584, %dma_start3A_2589] : memref<16x128xf32, #tpu.memory_space<vmem>> -> memref<1x128xf32, #tpu.memory_space<vmem>>
      %dma_start3A_2591 = tpu.memref_squeeze %dma_start3A_2590 : memref<1x128xf32, #tpu.memory_space<vmem>> -> memref<128xf32, #tpu.memory_space<vmem>>
      %dma_start3A_2592 = tpu.memref_slice %arg7[%multiple_of3A_2573] : memref<1000000xf32, #tpu.memory_space<hbm>> -> memref<128xf32, #tpu.memory_space<hbm>>
      tpu.enqueue_dma source(%dma_start3A_2592 : memref<128xf32, #tpu.memory_space<hbm>>) target(%dma_start3A_2591 : memref<128xf32, #tpu.memory_space<vmem>>) target_semaphore(%arg14 : memref<!tpu.dma_semaphore, #tpu.memory_space<semaphore_mem>>)
      %dma_wait3A_2593 = arith.constant 0 : i32
      %dma_wait3A_2594 = arith.constant 0 : i32
      %dma_wait3A_2595 = tpu.memref_slice %arg11[%dma_wait3A_2593, %dma_wait3A_2594] : memref<512x128xf32, #tpu.memory_space<vmem>> -> memref<32x128xf32, #tpu.memory_space<vmem>>
      %dma_wait3A_2596 = arith.constant 0 : i32
      %dma_wait3A_2597 = tpu.memref_slice %arg4[%dma_wait3A_2596, %multiple_of3A_1771] : memref<32x1000000xf32, #tpu.memory_space<hbm>> -> memref<32x128xf32, #tpu.memory_space<hbm>>
      %dma_wait3A_2598 = arith.constant 0 : i32
      %dma_wait3A_2599 = arith.constant 0 : i32
      %dma_wait3A_2600 = tpu.memref_slice %arg11[%dma_wait3A_2598, %dma_wait3A_2599] : memref<512x128xf32, #tpu.memory_space<vmem>> -> memref<32x128xf32, #tpu.memory_space<vmem>>
      %dma_wait3A_2601 = arith.constant 0 : i32
      %dma_wait3A_2602 = tpu.memref_slice %arg4[%dma_wait3A_2601, %multiple_of3A_1771] : memref<32x1000000xf32, #tpu.memory_space<hbm>> -> memref<32x128xf32, #tpu.memory_space<hbm>>
      tpu.wait_dma2 semaphore(%arg14 : memref<!tpu.dma_semaphore, #tpu.memory_space<semaphore_mem>>) src(%dma_wait3A_2602 : memref<32x128xf32, #tpu.memory_space<hbm>>) dst(%dma_wait3A_2600 : memref<32x128xf32, #tpu.memory_space<vmem>>)
      %dma_wait3A_2603 = arith.constant 0 : i32
      %dma_wait3A_2604 = arith.constant 0 : i32
      %dma_wait3A_2605 = tpu.memref_slice %arg12[%dma_wait3A_2603, %dma_wait3A_2604] : memref<16x128xf32, #tpu.memory_space<vmem>> -> memref<1x128xf32, #tpu.memory_space<vmem>>
      %dma_wait3A_2606 = tpu.memref_squeeze %dma_wait3A_2605 : memref<1x128xf32, #tpu.memory_space<vmem>> -> memref<128xf32, #tpu.memory_space<vmem>>
      %dma_wait3A_2607 = tpu.memref_slice %arg5[%multiple_of3A_1771] : memref<1000000xf32, #tpu.memory_space<hbm>> -> memref<128xf32, #tpu.memory_space<hbm>>
      %dma_wait3A_2608 = arith.constant 0 : i32
      %dma_wait3A_2609 = tpu.memref_slice %arg12[%dma_wait3A_2603, %dma_wait3A_2608] : memref<16x128xf32, #tpu.memory_space<vmem>> -> memref<1x128xf32, #tpu.memory_space<vmem>>
      %dma_wait3A_2610 = tpu.memref_squeeze %dma_wait3A_2609 : memref<1x128xf32, #tpu.memory_space<vmem>> -> memref<128xf32, #tpu.memory_space<vmem>>
      %dma_wait3A_2611 = tpu.memref_slice %arg5[%multiple_of3A_1771] : memref<1000000xf32, #tpu.memory_space<hbm>> -> memref<128xf32, #tpu.memory_space<hbm>>
      tpu.wait_dma2 semaphore(%arg14 : memref<!tpu.dma_semaphore, #tpu.memory_space<semaphore_mem>>) src(%dma_wait3A_2611 : memref<128xf32, #tpu.memory_space<hbm>>) dst(%dma_wait3A_2610 : memref<128xf32, #tpu.memory_space<vmem>>)
      %dma_wait3A_2612 = arith.constant 32 : i32
      %dma_wait3A_2613 = arith.constant 0 : i32
      %dma_wait3A_2614 = tpu.memref_slice %arg11[%dma_wait3A_2612, %dma_wait3A_2613] : memref<512x128xf32, #tpu.memory_space<vmem>> -> memref<32x128xf32, #tpu.memory_space<vmem>>
      %dma_wait3A_2615 = arith.constant 0 : i32
      %dma_wait3A_2616 = tpu.memref_slice %arg6[%dma_wait3A_2615, %multiple_of3A_1817] : memref<32x1000000xf32, #tpu.memory_space<hbm>> -> memref<32x128xf32, #tpu.memory_space<hbm>>
      %dma_wait3A_2617 = arith.constant 32 : i32
      %dma_wait3A_2618 = arith.constant 0 : i32
      %dma_wait3A_2619 = tpu.memref_slice %arg11[%dma_wait3A_2617, %dma_wait3A_2618] : memref<512x128xf32, #tpu.memory_space<vmem>> -> memref<32x128xf32, #tpu.memory_space<vmem>>
      %dma_wait3A_2620 = arith.constant 0 : i32
      %dma_wait3A_2621 = tpu.memref_slice %arg6[%dma_wait3A_2620, %multiple_of3A_1817] : memref<32x1000000xf32, #tpu.memory_space<hbm>> -> memref<32x128xf32, #tpu.memory_space<hbm>>
      tpu.wait_dma2 semaphore(%arg14 : memref<!tpu.dma_semaphore, #tpu.memory_space<semaphore_mem>>) src(%dma_wait3A_2621 : memref<32x128xf32, #tpu.memory_space<hbm>>) dst(%dma_wait3A_2619 : memref<32x128xf32, #tpu.memory_space<vmem>>)
      %dma_wait3A_2622 = arith.constant 1 : i32
      %dma_wait3A_2623 = arith.constant 0 : i32
      %dma_wait3A_2624 = tpu.memref_slice %arg12[%dma_wait3A_2622, %dma_wait3A_2623] : memref<16x128xf32, #tpu.memory_space<vmem>> -> memref<1x128xf32, #tpu.memory_space<vmem>>
      %dma_wait3A_2625 = tpu.memref_squeeze %dma_wait3A_2624 : memref<1x128xf32, #tpu.memory_space<vmem>> -> memref<128xf32, #tpu.memory_space<vmem>>
      %dma_wait3A_2626 = tpu.memref_slice %arg7[%multiple_of3A_1817] : memref<1000000xf32, #tpu.memory_space<hbm>> -> memref<128xf32, #tpu.memory_space<hbm>>
      %dma_wait3A_2627 = arith.constant 0 : i32
      %dma_wait3A_2628 = tpu.memref_slice %arg12[%dma_wait3A_2622, %dma_wait3A_2627] : memref<16x128xf32, #tpu.memory_space<vmem>> -> memref<1x128xf32, #tpu.memory_space<vmem>>
      %dma_wait3A_2629 = tpu.memref_squeeze %dma_wait3A_2628 : memref<1x128xf32, #tpu.memory_space<vmem>> -> memref<128xf32, #tpu.memory_space<vmem>>
      %dma_wait3A_2630 = tpu.memref_slice %arg7[%multiple_of3A_1817] : memref<1000000xf32, #tpu.memory_space<hbm>> -> memref<128xf32, #tpu.memory_space<hbm>>
      tpu.wait_dma2 semaphore(%arg14 : memref<!tpu.dma_semaphore, #tpu.memory_space<semaphore_mem>>) src(%dma_wait3A_2630 : memref<128xf32, #tpu.memory_space<hbm>>) dst(%dma_wait3A_2629 : memref<128xf32, #tpu.memory_space<vmem>>)
      %dma_wait3A_2631 = arith.constant 64 : i32
      %dma_wait3A_2632 = arith.constant 0 : i32
      %dma_wait3A_2633 = tpu.memref_slice %arg11[%dma_wait3A_2631, %dma_wait3A_2632] : memref<512x128xf32, #tpu.memory_space<vmem>> -> memref<32x128xf32, #tpu.memory_space<vmem>>
      %dma_wait3A_2634 = arith.constant 0 : i32
      %dma_wait3A_2635 = tpu.memref_slice %arg4[%dma_wait3A_2634, %multiple_of3A_1879] : memref<32x1000000xf32, #tpu.memory_space<hbm>> -> memref<32x128xf32, #tpu.memory_space<hbm>>
      %dma_wait3A_2636 = arith.constant 64 : i32
      %dma_wait3A_2637 = arith.constant 0 : i32
      %dma_wait3A_2638 = tpu.memref_slice %arg11[%dma_wait3A_2636, %dma_wait3A_2637] : memref<512x128xf32, #tpu.memory_space<vmem>> -> memref<32x128xf32, #tpu.memory_space<vmem>>
      %dma_wait3A_2639 = arith.constant 0 : i32
      %dma_wait3A_2640 = tpu.memref_slice %arg4[%dma_wait3A_2639, %multiple_of3A_1879] : memref<32x1000000xf32, #tpu.memory_space<hbm>> -> memref<32x128xf32, #tpu.memory_space<hbm>>
      tpu.wait_dma2 semaphore(%arg14 : memref<!tpu.dma_semaphore, #tpu.memory_space<semaphore_mem>>) src(%dma_wait3A_2640 : memref<32x128xf32, #tpu.memory_space<hbm>>) dst(%dma_wait3A_2638 : memref<32x128xf32, #tpu.memory_space<vmem>>)
      %dma_wait3A_2641 = arith.constant 2 : i32
      %dma_wait3A_2642 = arith.constant 0 : i32
      %dma_wait3A_2643 = tpu.memref_slice %arg12[%dma_wait3A_2641, %dma_wait3A_2642] : memref<16x128xf32, #tpu.memory_space<vmem>> -> memref<1x128xf32, #tpu.memory_space<vmem>>
      %dma_wait3A_2644 = tpu.memref_squeeze %dma_wait3A_2643 : memref<1x128xf32, #tpu.memory_space<vmem>> -> memref<128xf32, #tpu.memory_space<vmem>>
      %dma_wait3A_2645 = tpu.memref_slice %arg5[%multiple_of3A_1879] : memref<1000000xf32, #tpu.memory_space<hbm>> -> memref<128xf32, #tpu.memory_space<hbm>>
      %dma_wait3A_2646 = arith.constant 0 : i32
      %dma_wait3A_2647 = tpu.memref_slice %arg12[%dma_wait3A_2641, %dma_wait3A_2646] : memref<16x128xf32, #tpu.memory_space<vmem>> -> memref<1x128xf32, #tpu.memory_space<vmem>>
      %dma_wait3A_2648 = tpu.memref_squeeze %dma_wait3A_2647 : memref<1x128xf32, #tpu.memory_space<vmem>> -> memref<128xf32, #tpu.memory_space<vmem>>
      %dma_wait3A_2649 = tpu.memref_slice %arg5[%multiple_of3A_1879] : memref<1000000xf32, #tpu.memory_space<hbm>> -> memref<128xf32, #tpu.memory_space<hbm>>
      tpu.wait_dma2 semaphore(%arg14 : memref<!tpu.dma_semaphore, #tpu.memory_space<semaphore_mem>>) src(%dma_wait3A_2649 : memref<128xf32, #tpu.memory_space<hbm>>) dst(%dma_wait3A_2648 : memref<128xf32, #tpu.memory_space<vmem>>)
      %dma_wait3A_2650 = arith.constant 96 : i32
      %dma_wait3A_2651 = arith.constant 0 : i32
      %dma_wait3A_2652 = tpu.memref_slice %arg11[%dma_wait3A_2650, %dma_wait3A_2651] : memref<512x128xf32, #tpu.memory_space<vmem>> -> memref<32x128xf32, #tpu.memory_space<vmem>>
      %dma_wait3A_2653 = arith.constant 0 : i32
      %dma_wait3A_2654 = tpu.memref_slice %arg6[%dma_wait3A_2653, %multiple_of3A_1925] : memref<32x1000000xf32, #tpu.memory_space<hbm>> -> memref<32x128xf32, #tpu.memory_space<hbm>>
      %dma_wait3A_2655 = arith.constant 96 : i32
      %dma_wait3A_2656 = arith.constant 0 : i32
      %dma_wait3A_2657 = tpu.memref_slice %arg11[%dma_wait3A_2655, %dma_wait3A_2656] : memref<512x128xf32, #tpu.memory_space<vmem>> -> memref<32x128xf32, #tpu.memory_space<vmem>>
      %dma_wait3A_2658 = arith.constant 0 : i32
      %dma_wait3A_2659 = tpu.memref_slice %arg6[%dma_wait3A_2658, %multiple_of3A_1925] : memref<32x1000000xf32, #tpu.memory_space<hbm>> -> memref<32x128xf32, #tpu.memory_space<hbm>>
      tpu.wait_dma2 semaphore(%arg14 : memref<!tpu.dma_semaphore, #tpu.memory_space<semaphore_mem>>) src(%dma_wait3A_2659 : memref<32x128xf32, #tpu.memory_space<hbm>>) dst(%dma_wait3A_2657 : memref<32x128xf32, #tpu.memory_space<vmem>>)
      %dma_wait3A_2660 = arith.constant 3 : i32
      %dma_wait3A_2661 = arith.constant 0 : i32
      %dma_wait3A_2662 = tpu.memref_slice %arg12[%dma_wait3A_2660, %dma_wait3A_2661] : memref<16x128xf32, #tpu.memory_space<vmem>> -> memref<1x128xf32, #tpu.memory_space<vmem>>
      %dma_wait3A_2663 = tpu.memref_squeeze %dma_wait3A_2662 : memref<1x128xf32, #tpu.memory_space<vmem>> -> memref<128xf32, #tpu.memory_space<vmem>>
      %dma_wait3A_2664 = tpu.memref_slice %arg7[%multiple_of3A_1925] : memref<1000000xf32, #tpu.memory_space<hbm>> -> memref<128xf32, #tpu.memory_space<hbm>>
      %dma_wait3A_2665 = arith.constant 0 : i32
      %dma_wait3A_2666 = tpu.memref_slice %arg12[%dma_wait3A_2660, %dma_wait3A_2665] : memref<16x128xf32, #tpu.memory_space<vmem>> -> memref<1x128xf32, #tpu.memory_space<vmem>>
      %dma_wait3A_2667 = tpu.memref_squeeze %dma_wait3A_2666 : memref<1x128xf32, #tpu.memory_space<vmem>> -> memref<128xf32, #tpu.memory_space<vmem>>
      %dma_wait3A_2668 = tpu.memref_slice %arg7[%multiple_of3A_1925] : memref<1000000xf32, #tpu.memory_space<hbm>> -> memref<128xf32, #tpu.memory_space<hbm>>
      tpu.wait_dma2 semaphore(%arg14 : memref<!tpu.dma_semaphore, #tpu.memory_space<semaphore_mem>>) src(%dma_wait3A_2668 : memref<128xf32, #tpu.memory_space<hbm>>) dst(%dma_wait3A_2667 : memref<128xf32, #tpu.memory_space<vmem>>)
      %dma_wait3A_2669 = arith.constant 128 : i32
      %dma_wait3A_2670 = arith.constant 0 : i32
      %dma_wait3A_2671 = tpu.memref_slice %arg11[%dma_wait3A_2669, %dma_wait3A_2670] : memref<512x128xf32, #tpu.memory_space<vmem>> -> memref<32x128xf32, #tpu.memory_space<vmem>>
      %dma_wait3A_2672 = arith.constant 0 : i32
      %dma_wait3A_2673 = tpu.memref_slice %arg4[%dma_wait3A_2672, %multiple_of3A_1987] : memref<32x1000000xf32, #tpu.memory_space<hbm>> -> memref<32x128xf32, #tpu.memory_space<hbm>>
      %dma_wait3A_2674 = arith.constant 128 : i32
      %dma_wait3A_2675 = arith.constant 0 : i32
      %dma_wait3A_2676 = tpu.memref_slice %arg11[%dma_wait3A_2674, %dma_wait3A_2675] : memref<512x128xf32, #tpu.memory_space<vmem>> -> memref<32x128xf32, #tpu.memory_space<vmem>>
      %dma_wait3A_2677 = arith.constant 0 : i32
      %dma_wait3A_2678 = tpu.memref_slice %arg4[%dma_wait3A_2677, %multiple_of3A_1987] : memref<32x1000000xf32, #tpu.memory_space<hbm>> -> memref<32x128xf32, #tpu.memory_space<hbm>>
      tpu.wait_dma2 semaphore(%arg14 : memref<!tpu.dma_semaphore, #tpu.memory_space<semaphore_mem>>) src(%dma_wait3A_2678 : memref<32x128xf32, #tpu.memory_space<hbm>>) dst(%dma_wait3A_2676 : memref<32x128xf32, #tpu.memory_space<vmem>>)
      %dma_wait3A_2679 = arith.constant 4 : i32
      %dma_wait3A_2680 = arith.constant 0 : i32
      %dma_wait3A_2681 = tpu.memref_slice %arg12[%dma_wait3A_2679, %dma_wait3A_2680] : memref<16x128xf32, #tpu.memory_space<vmem>> -> memref<1x128xf32, #tpu.memory_space<vmem>>
      %dma_wait3A_2682 = tpu.memref_squeeze %dma_wait3A_2681 : memref<1x128xf32, #tpu.memory_space<vmem>> -> memref<128xf32, #tpu.memory_space<vmem>>
      %dma_wait3A_2683 = tpu.memref_slice %arg5[%multiple_of3A_1987] : memref<1000000xf32, #tpu.memory_space<hbm>> -> memref<128xf32, #tpu.memory_space<hbm>>
      %dma_wait3A_2684 = arith.constant 0 : i32
      %dma_wait3A_2685 = tpu.memref_slice %arg12[%dma_wait3A_2679, %dma_wait3A_2684] : memref<16x128xf32, #tpu.memory_space<vmem>> -> memref<1x128xf32, #tpu.memory_space<vmem>>
      %dma_wait3A_2686 = tpu.memref_squeeze %dma_wait3A_2685 : memref<1x128xf32, #tpu.memory_space<vmem>> -> memref<128xf32, #tpu.memory_space<vmem>>
      %dma_wait3A_2687 = tpu.memref_slice %arg5[%multiple_of3A_1987] : memref<1000000xf32, #tpu.memory_space<hbm>> -> memref<128xf32, #tpu.memory_space<hbm>>
      tpu.wait_dma2 semaphore(%arg14 : memref<!tpu.dma_semaphore, #tpu.memory_space<semaphore_mem>>) src(%dma_wait3A_2687 : memref<128xf32, #tpu.memory_space<hbm>>) dst(%dma_wait3A_2686 : memref<128xf32, #tpu.memory_space<vmem>>)
      %dma_wait3A_2688 = arith.constant 160 : i32
      %dma_wait3A_2689 = arith.constant 0 : i32
      %dma_wait3A_2690 = tpu.memref_slice %arg11[%dma_wait3A_2688, %dma_wait3A_2689] : memref<512x128xf32, #tpu.memory_space<vmem>> -> memref<32x128xf32, #tpu.memory_space<vmem>>
      %dma_wait3A_2691 = arith.constant 0 : i32
      %dma_wait3A_2692 = tpu.memref_slice %arg6[%dma_wait3A_2691, %multiple_of3A_2033] : memref<32x1000000xf32, #tpu.memory_space<hbm>> -> memref<32x128xf32, #tpu.memory_space<hbm>>
      %dma_wait3A_2693 = arith.constant 160 : i32
      %dma_wait3A_2694 = arith.constant 0 : i32
      %dma_wait3A_2695 = tpu.memref_slice %arg11[%dma_wait3A_2693, %dma_wait3A_2694] : memref<512x128xf32, #tpu.memory_space<vmem>> -> memref<32x128xf32, #tpu.memory_space<vmem>>
      %dma_wait3A_2696 = arith.constant 0 : i32
      %dma_wait3A_2697 = tpu.memref_slice %arg6[%dma_wait3A_2696, %multiple_of3A_2033] : memref<32x1000000xf32, #tpu.memory_space<hbm>> -> memref<32x128xf32, #tpu.memory_space<hbm>>
      tpu.wait_dma2 semaphore(%arg14 : memref<!tpu.dma_semaphore, #tpu.memory_space<semaphore_mem>>) src(%dma_wait3A_2697 : memref<32x128xf32, #tpu.memory_space<hbm>>) dst(%dma_wait3A_2695 : memref<32x128xf32, #tpu.memory_space<vmem>>)
      %dma_wait3A_2698 = arith.constant 5 : i32
      %dma_wait3A_2699 = arith.constant 0 : i32
      %dma_wait3A_2700 = tpu.memref_slice %arg12[%dma_wait3A_2698, %dma_wait3A_2699] : memref<16x128xf32, #tpu.memory_space<vmem>> -> memref<1x128xf32, #tpu.memory_space<vmem>>
      %dma_wait3A_2701 = tpu.memref_squeeze %dma_wait3A_2700 : memref<1x128xf32, #tpu.memory_space<vmem>> -> memref<128xf32, #tpu.memory_space<vmem>>
      %dma_wait3A_2702 = tpu.memref_slice %arg7[%multiple_of3A_2033] : memref<1000000xf32, #tpu.memory_space<hbm>> -> memref<128xf32, #tpu.memory_space<hbm>>
      %dma_wait3A_2703 = arith.constant 0 : i32
      %dma_wait3A_2704 = tpu.memref_slice %arg12[%dma_wait3A_2698, %dma_wait3A_2703] : memref<16x128xf32, #tpu.memory_space<vmem>> -> memref<1x128xf32, #tpu.memory_space<vmem>>
      %dma_wait3A_2705 = tpu.memref_squeeze %dma_wait3A_2704 : memref<1x128xf32, #tpu.memory_space<vmem>> -> memref<128xf32, #tpu.memory_space<vmem>>
      %dma_wait3A_2706 = tpu.memref_slice %arg7[%multiple_of3A_2033] : memref<1000000xf32, #tpu.memory_space<hbm>> -> memref<128xf32, #tpu.memory_space<hbm>>
      tpu.wait_dma2 semaphore(%arg14 : memref<!tpu.dma_semaphore, #tpu.memory_space<semaphore_mem>>) src(%dma_wait3A_2706 : memref<128xf32, #tpu.memory_space<hbm>>) dst(%dma_wait3A_2705 : memref<128xf32, #tpu.memory_space<vmem>>)
      %dma_wait3A_2707 = arith.constant 192 : i32
      %dma_wait3A_2708 = arith.constant 0 : i32
      %dma_wait3A_2709 = tpu.memref_slice %arg11[%dma_wait3A_2707, %dma_wait3A_2708] : memref<512x128xf32, #tpu.memory_space<vmem>> -> memref<32x128xf32, #tpu.memory_space<vmem>>
      %dma_wait3A_2710 = arith.constant 0 : i32
      %dma_wait3A_2711 = tpu.memref_slice %arg4[%dma_wait3A_2710, %multiple_of3A_2095] : memref<32x1000000xf32, #tpu.memory_space<hbm>> -> memref<32x128xf32, #tpu.memory_space<hbm>>
      %dma_wait3A_2712 = arith.constant 192 : i32
      %dma_wait3A_2713 = arith.constant 0 : i32
      %dma_wait3A_2714 = tpu.memref_slice %arg11[%dma_wait3A_2712, %dma_wait3A_2713] : memref<512x128xf32, #tpu.memory_space<vmem>> -> memref<32x128xf32, #tpu.memory_space<vmem>>
      %dma_wait3A_2715 = arith.constant 0 : i32
      %dma_wait3A_2716 = tpu.memref_slice %arg4[%dma_wait3A_2715, %multiple_of3A_2095] : memref<32x1000000xf32, #tpu.memory_space<hbm>> -> memref<32x128xf32, #tpu.memory_space<hbm>>
      tpu.wait_dma2 semaphore(%arg14 : memref<!tpu.dma_semaphore, #tpu.memory_space<semaphore_mem>>) src(%dma_wait3A_2716 : memref<32x128xf32, #tpu.memory_space<hbm>>) dst(%dma_wait3A_2714 : memref<32x128xf32, #tpu.memory_space<vmem>>)
      %dma_wait3A_2717 = arith.constant 6 : i32
      %dma_wait3A_2718 = arith.constant 0 : i32
      %dma_wait3A_2719 = tpu.memref_slice %arg12[%dma_wait3A_2717, %dma_wait3A_2718] : memref<16x128xf32, #tpu.memory_space<vmem>> -> memref<1x128xf32, #tpu.memory_space<vmem>>
      %dma_wait3A_2720 = tpu.memref_squeeze %dma_wait3A_2719 : memref<1x128xf32, #tpu.memory_space<vmem>> -> memref<128xf32, #tpu.memory_space<vmem>>
      %dma_wait3A_2721 = tpu.memref_slice %arg5[%multiple_of3A_2095] : memref<1000000xf32, #tpu.memory_space<hbm>> -> memref<128xf32, #tpu.memory_space<hbm>>
      %dma_wait3A_2722 = arith.constant 0 : i32
      %dma_wait3A_2723 = tpu.memref_slice %arg12[%dma_wait3A_2717, %dma_wait3A_2722] : memref<16x128xf32, #tpu.memory_space<vmem>> -> memref<1x128xf32, #tpu.memory_space<vmem>>
      %dma_wait3A_2724 = tpu.memref_squeeze %dma_wait3A_2723 : memref<1x128xf32, #tpu.memory_space<vmem>> -> memref<128xf32, #tpu.memory_space<vmem>>
      %dma_wait3A_2725 = tpu.memref_slice %arg5[%multiple_of3A_2095] : memref<1000000xf32, #tpu.memory_space<hbm>> -> memref<128xf32, #tpu.memory_space<hbm>>
      tpu.wait_dma2 semaphore(%arg14 : memref<!tpu.dma_semaphore, #tpu.memory_space<semaphore_mem>>) src(%dma_wait3A_2725 : memref<128xf32, #tpu.memory_space<hbm>>) dst(%dma_wait3A_2724 : memref<128xf32, #tpu.memory_space<vmem>>)
      %dma_wait3A_2726 = arith.constant 224 : i32
      %dma_wait3A_2727 = arith.constant 0 : i32
      %dma_wait3A_2728 = tpu.memref_slice %arg11[%dma_wait3A_2726, %dma_wait3A_2727] : memref<512x128xf32, #tpu.memory_space<vmem>> -> memref<32x128xf32, #tpu.memory_space<vmem>>
      %dma_wait3A_2729 = arith.constant 0 : i32
      %dma_wait3A_2730 = tpu.memref_slice %arg6[%dma_wait3A_2729, %multiple_of3A_2141] : memref<32x1000000xf32, #tpu.memory_space<hbm>> -> memref<32x128xf32, #tpu.memory_space<hbm>>
      %dma_wait3A_2731 = arith.constant 224 : i32
      %dma_wait3A_2732 = arith.constant 0 : i32
      %dma_wait3A_2733 = tpu.memref_slice %arg11[%dma_wait3A_2731, %dma_wait3A_2732] : memref<512x128xf32, #tpu.memory_space<vmem>> -> memref<32x128xf32, #tpu.memory_space<vmem>>
      %dma_wait3A_2734 = arith.constant 0 : i32
      %dma_wait3A_2735 = tpu.memref_slice %arg6[%dma_wait3A_2734, %multiple_of3A_2141] : memref<32x1000000xf32, #tpu.memory_space<hbm>> -> memref<32x128xf32, #tpu.memory_space<hbm>>
      tpu.wait_dma2 semaphore(%arg14 : memref<!tpu.dma_semaphore, #tpu.memory_space<semaphore_mem>>) src(%dma_wait3A_2735 : memref<32x128xf32, #tpu.memory_space<hbm>>) dst(%dma_wait3A_2733 : memref<32x128xf32, #tpu.memory_space<vmem>>)
      %dma_wait3A_2736 = arith.constant 7 : i32
      %dma_wait3A_2737 = arith.constant 0 : i32
      %dma_wait3A_2738 = tpu.memref_slice %arg12[%dma_wait3A_2736, %dma_wait3A_2737] : memref<16x128xf32, #tpu.memory_space<vmem>> -> memref<1x128xf32, #tpu.memory_space<vmem>>
      %dma_wait3A_2739 = tpu.memref_squeeze %dma_wait3A_2738 : memref<1x128xf32, #tpu.memory_space<vmem>> -> memref<128xf32, #tpu.memory_space<vmem>>
      %dma_wait3A_2740 = tpu.memref_slice %arg7[%multiple_of3A_2141] : memref<1000000xf32, #tpu.memory_space<hbm>> -> memref<128xf32, #tpu.memory_space<hbm>>
      %dma_wait3A_2741 = arith.constant 0 : i32
      %dma_wait3A_2742 = tpu.memref_slice %arg12[%dma_wait3A_2736, %dma_wait3A_2741] : memref<16x128xf32, #tpu.memory_space<vmem>> -> memref<1x128xf32, #tpu.memory_space<vmem>>
      %dma_wait3A_2743 = tpu.memref_squeeze %dma_wait3A_2742 : memref<1x128xf32, #tpu.memory_space<vmem>> -> memref<128xf32, #tpu.memory_space<vmem>>
      %dma_wait3A_2744 = tpu.memref_slice %arg7[%multiple_of3A_2141] : memref<1000000xf32, #tpu.memory_space<hbm>> -> memref<128xf32, #tpu.memory_space<hbm>>
      tpu.wait_dma2 semaphore(%arg14 : memref<!tpu.dma_semaphore, #tpu.memory_space<semaphore_mem>>) src(%dma_wait3A_2744 : memref<128xf32, #tpu.memory_space<hbm>>) dst(%dma_wait3A_2743 : memref<128xf32, #tpu.memory_space<vmem>>)
      %dma_wait3A_2745 = arith.constant 256 : i32
      %dma_wait3A_2746 = arith.constant 0 : i32
      %dma_wait3A_2747 = tpu.memref_slice %arg11[%dma_wait3A_2745, %dma_wait3A_2746] : memref<512x128xf32, #tpu.memory_space<vmem>> -> memref<32x128xf32, #tpu.memory_space<vmem>>
      %dma_wait3A_2748 = arith.constant 0 : i32
      %dma_wait3A_2749 = tpu.memref_slice %arg4[%dma_wait3A_2748, %multiple_of3A_2203] : memref<32x1000000xf32, #tpu.memory_space<hbm>> -> memref<32x128xf32, #tpu.memory_space<hbm>>
      %dma_wait3A_2750 = arith.constant 256 : i32
      %dma_wait3A_2751 = arith.constant 0 : i32
      %dma_wait3A_2752 = tpu.memref_slice %arg11[%dma_wait3A_2750, %dma_wait3A_2751] : memref<512x128xf32, #tpu.memory_space<vmem>> -> memref<32x128xf32, #tpu.memory_space<vmem>>
      %dma_wait3A_2753 = arith.constant 0 : i32
      %dma_wait3A_2754 = tpu.memref_slice %arg4[%dma_wait3A_2753, %multiple_of3A_2203] : memref<32x1000000xf32, #tpu.memory_space<hbm>> -> memref<32x128xf32, #tpu.memory_space<hbm>>
      tpu.wait_dma2 semaphore(%arg14 : memref<!tpu.dma_semaphore, #tpu.memory_space<semaphore_mem>>) src(%dma_wait3A_2754 : memref<32x128xf32, #tpu.memory_space<hbm>>) dst(%dma_wait3A_2752 : memref<32x128xf32, #tpu.memory_space<vmem>>)
      %dma_wait3A_2755 = arith.constant 8 : i32
      %dma_wait3A_2756 = arith.constant 0 : i32
      %dma_wait3A_2757 = tpu.memref_slice %arg12[%dma_wait3A_2755, %dma_wait3A_2756] : memref<16x128xf32, #tpu.memory_space<vmem>> -> memref<1x128xf32, #tpu.memory_space<vmem>>
      %dma_wait3A_2758 = tpu.memref_squeeze %dma_wait3A_2757 : memref<1x128xf32, #tpu.memory_space<vmem>> -> memref<128xf32, #tpu.memory_space<vmem>>
      %dma_wait3A_2759 = tpu.memref_slice %arg5[%multiple_of3A_2203] : memref<1000000xf32, #tpu.memory_space<hbm>> -> memref<128xf32, #tpu.memory_space<hbm>>
      %dma_wait3A_2760 = arith.constant 0 : i32
      %dma_wait3A_2761 = tpu.memref_slice %arg12[%dma_wait3A_2755, %dma_wait3A_2760] : memref<16x128xf32, #tpu.memory_space<vmem>> -> memref<1x128xf32, #tpu.memory_space<vmem>>
      %dma_wait3A_2762 = tpu.memref_squeeze %dma_wait3A_2761 : memref<1x128xf32, #tpu.memory_space<vmem>> -> memref<128xf32, #tpu.memory_space<vmem>>
      %dma_wait3A_2763 = tpu.memref_slice %arg5[%multiple_of3A_2203] : memref<1000000xf32, #tpu.memory_space<hbm>> -> memref<128xf32, #tpu.memory_space<hbm>>
      tpu.wait_dma2 semaphore(%arg14 : memref<!tpu.dma_semaphore, #tpu.memory_space<semaphore_mem>>) src(%dma_wait3A_2763 : memref<128xf32, #tpu.memory_space<hbm>>) dst(%dma_wait3A_2762 : memref<128xf32, #tpu.memory_space<vmem>>)
      %dma_wait3A_2764 = arith.constant 288 : i32
      %dma_wait3A_2765 = arith.constant 0 : i32
      %dma_wait3A_2766 = tpu.memref_slice %arg11[%dma_wait3A_2764, %dma_wait3A_2765] : memref<512x128xf32, #tpu.memory_space<vmem>> -> memref<32x128xf32, #tpu.memory_space<vmem>>
      %dma_wait3A_2767 = arith.constant 0 : i32
      %dma_wait3A_2768 = tpu.memref_slice %arg6[%dma_wait3A_2767, %multiple_of3A_2249] : memref<32x1000000xf32, #tpu.memory_space<hbm>> -> memref<32x128xf32, #tpu.memory_space<hbm>>
      %dma_wait3A_2769 = arith.constant 288 : i32
      %dma_wait3A_2770 = arith.constant 0 : i32
      %dma_wait3A_2771 = tpu.memref_slice %arg11[%dma_wait3A_2769, %dma_wait3A_2770] : memref<512x128xf32, #tpu.memory_space<vmem>> -> memref<32x128xf32, #tpu.memory_space<vmem>>
      %dma_wait3A_2772 = arith.constant 0 : i32
      %dma_wait3A_2773 = tpu.memref_slice %arg6[%dma_wait3A_2772, %multiple_of3A_2249] : memref<32x1000000xf32, #tpu.memory_space<hbm>> -> memref<32x128xf32, #tpu.memory_space<hbm>>
      tpu.wait_dma2 semaphore(%arg14 : memref<!tpu.dma_semaphore, #tpu.memory_space<semaphore_mem>>) src(%dma_wait3A_2773 : memref<32x128xf32, #tpu.memory_space<hbm>>) dst(%dma_wait3A_2771 : memref<32x128xf32, #tpu.memory_space<vmem>>)
      %dma_wait3A_2774 = arith.constant 9 : i32
      %dma_wait3A_2775 = arith.constant 0 : i32
      %dma_wait3A_2776 = tpu.memref_slice %arg12[%dma_wait3A_2774, %dma_wait3A_2775] : memref<16x128xf32, #tpu.memory_space<vmem>> -> memref<1x128xf32, #tpu.memory_space<vmem>>
      %dma_wait3A_2777 = tpu.memref_squeeze %dma_wait3A_2776 : memref<1x128xf32, #tpu.memory_space<vmem>> -> memref<128xf32, #tpu.memory_space<vmem>>
      %dma_wait3A_2778 = tpu.memref_slice %arg7[%multiple_of3A_2249] : memref<1000000xf32, #tpu.memory_space<hbm>> -> memref<128xf32, #tpu.memory_space<hbm>>
      %dma_wait3A_2779 = arith.constant 0 : i32
      %dma_wait3A_2780 = tpu.memref_slice %arg12[%dma_wait3A_2774, %dma_wait3A_2779] : memref<16x128xf32, #tpu.memory_space<vmem>> -> memref<1x128xf32, #tpu.memory_space<vmem>>
      %dma_wait3A_2781 = tpu.memref_squeeze %dma_wait3A_2780 : memref<1x128xf32, #tpu.memory_space<vmem>> -> memref<128xf32, #tpu.memory_space<vmem>>
      %dma_wait3A_2782 = tpu.memref_slice %arg7[%multiple_of3A_2249] : memref<1000000xf32, #tpu.memory_space<hbm>> -> memref<128xf32, #tpu.memory_space<hbm>>
      tpu.wait_dma2 semaphore(%arg14 : memref<!tpu.dma_semaphore, #tpu.memory_space<semaphore_mem>>) src(%dma_wait3A_2782 : memref<128xf32, #tpu.memory_space<hbm>>) dst(%dma_wait3A_2781 : memref<128xf32, #tpu.memory_space<vmem>>)
      %dma_wait3A_2783 = arith.constant 320 : i32
      %dma_wait3A_2784 = arith.constant 0 : i32
      %dma_wait3A_2785 = tpu.memref_slice %arg11[%dma_wait3A_2783, %dma_wait3A_2784] : memref<512x128xf32, #tpu.memory_space<vmem>> -> memref<32x128xf32, #tpu.memory_space<vmem>>
      %dma_wait3A_2786 = arith.constant 0 : i32
      %dma_wait3A_2787 = tpu.memref_slice %arg4[%dma_wait3A_2786, %multiple_of3A_2311] : memref<32x1000000xf32, #tpu.memory_space<hbm>> -> memref<32x128xf32, #tpu.memory_space<hbm>>
      %dma_wait3A_2788 = arith.constant 320 : i32
      %dma_wait3A_2789 = arith.constant 0 : i32
      %dma_wait3A_2790 = tpu.memref_slice %arg11[%dma_wait3A_2788, %dma_wait3A_2789] : memref<512x128xf32, #tpu.memory_space<vmem>> -> memref<32x128xf32, #tpu.memory_space<vmem>>
      %dma_wait3A_2791 = arith.constant 0 : i32
      %dma_wait3A_2792 = tpu.memref_slice %arg4[%dma_wait3A_2791, %multiple_of3A_2311] : memref<32x1000000xf32, #tpu.memory_space<hbm>> -> memref<32x128xf32, #tpu.memory_space<hbm>>
      tpu.wait_dma2 semaphore(%arg14 : memref<!tpu.dma_semaphore, #tpu.memory_space<semaphore_mem>>) src(%dma_wait3A_2792 : memref<32x128xf32, #tpu.memory_space<hbm>>) dst(%dma_wait3A_2790 : memref<32x128xf32, #tpu.memory_space<vmem>>)
      %dma_wait3A_2793 = arith.constant 10 : i32
      %dma_wait3A_2794 = arith.constant 0 : i32
      %dma_wait3A_2795 = tpu.memref_slice %arg12[%dma_wait3A_2793, %dma_wait3A_2794] : memref<16x128xf32, #tpu.memory_space<vmem>> -> memref<1x128xf32, #tpu.memory_space<vmem>>
      %dma_wait3A_2796 = tpu.memref_squeeze %dma_wait3A_2795 : memref<1x128xf32, #tpu.memory_space<vmem>> -> memref<128xf32, #tpu.memory_space<vmem>>
      %dma_wait3A_2797 = tpu.memref_slice %arg5[%multiple_of3A_2311] : memref<1000000xf32, #tpu.memory_space<hbm>> -> memref<128xf32, #tpu.memory_space<hbm>>
      %dma_wait3A_2798 = arith.constant 0 : i32
      %dma_wait3A_2799 = tpu.memref_slice %arg12[%dma_wait3A_2793, %dma_wait3A_2798] : memref<16x128xf32, #tpu.memory_space<vmem>> -> memref<1x128xf32, #tpu.memory_space<vmem>>
      %dma_wait3A_2800 = tpu.memref_squeeze %dma_wait3A_2799 : memref<1x128xf32, #tpu.memory_space<vmem>> -> memref<128xf32, #tpu.memory_space<vmem>>
      %dma_wait3A_2801 = tpu.memref_slice %arg5[%multiple_of3A_2311] : memref<1000000xf32, #tpu.memory_space<hbm>> -> memref<128xf32, #tpu.memory_space<hbm>>
      tpu.wait_dma2 semaphore(%arg14 : memref<!tpu.dma_semaphore, #tpu.memory_space<semaphore_mem>>) src(%dma_wait3A_2801 : memref<128xf32, #tpu.memory_space<hbm>>) dst(%dma_wait3A_2800 : memref<128xf32, #tpu.memory_space<vmem>>)
      %dma_wait3A_2802 = arith.constant 352 : i32
      %dma_wait3A_2803 = arith.constant 0 : i32
      %dma_wait3A_2804 = tpu.memref_slice %arg11[%dma_wait3A_2802, %dma_wait3A_2803] : memref<512x128xf32, #tpu.memory_space<vmem>> -> memref<32x128xf32, #tpu.memory_space<vmem>>
      %dma_wait3A_2805 = arith.constant 0 : i32
      %dma_wait3A_2806 = tpu.memref_slice %arg6[%dma_wait3A_2805, %multiple_of3A_2357] : memref<32x1000000xf32, #tpu.memory_space<hbm>> -> memref<32x128xf32, #tpu.memory_space<hbm>>
      %dma_wait3A_2807 = arith.constant 352 : i32
      %dma_wait3A_2808 = arith.constant 0 : i32
      %dma_wait3A_2809 = tpu.memref_slice %arg11[%dma_wait3A_2807, %dma_wait3A_2808] : memref<512x128xf32, #tpu.memory_space<vmem>> -> memref<32x128xf32, #tpu.memory_space<vmem>>
      %dma_wait3A_2810 = arith.constant 0 : i32
      %dma_wait3A_2811 = tpu.memref_slice %arg6[%dma_wait3A_2810, %multiple_of3A_2357] : memref<32x1000000xf32, #tpu.memory_space<hbm>> -> memref<32x128xf32, #tpu.memory_space<hbm>>
      tpu.wait_dma2 semaphore(%arg14 : memref<!tpu.dma_semaphore, #tpu.memory_space<semaphore_mem>>) src(%dma_wait3A_2811 : memref<32x128xf32, #tpu.memory_space<hbm>>) dst(%dma_wait3A_2809 : memref<32x128xf32, #tpu.memory_space<vmem>>)
      %dma_wait3A_2812 = arith.constant 11 : i32
      %dma_wait3A_2813 = arith.constant 0 : i32
      %dma_wait3A_2814 = tpu.memref_slice %arg12[%dma_wait3A_2812, %dma_wait3A_2813] : memref<16x128xf32, #tpu.memory_space<vmem>> -> memref<1x128xf32, #tpu.memory_space<vmem>>
      %dma_wait3A_2815 = tpu.memref_squeeze %dma_wait3A_2814 : memref<1x128xf32, #tpu.memory_space<vmem>> -> memref<128xf32, #tpu.memory_space<vmem>>
      %dma_wait3A_2816 = tpu.memref_slice %arg7[%multiple_of3A_2357] : memref<1000000xf32, #tpu.memory_space<hbm>> -> memref<128xf32, #tpu.memory_space<hbm>>
      %dma_wait3A_2817 = arith.constant 0 : i32
      %dma_wait3A_2818 = tpu.memref_slice %arg12[%dma_wait3A_2812, %dma_wait3A_2817] : memref<16x128xf32, #tpu.memory_space<vmem>> -> memref<1x128xf32, #tpu.memory_space<vmem>>
      %dma_wait3A_2819 = tpu.memref_squeeze %dma_wait3A_2818 : memref<1x128xf32, #tpu.memory_space<vmem>> -> memref<128xf32, #tpu.memory_space<vmem>>
      %dma_wait3A_2820 = tpu.memref_slice %arg7[%multiple_of3A_2357] : memref<1000000xf32, #tpu.memory_space<hbm>> -> memref<128xf32, #tpu.memory_space<hbm>>
      tpu.wait_dma2 semaphore(%arg14 : memref<!tpu.dma_semaphore, #tpu.memory_space<semaphore_mem>>) src(%dma_wait3A_2820 : memref<128xf32, #tpu.memory_space<hbm>>) dst(%dma_wait3A_2819 : memref<128xf32, #tpu.memory_space<vmem>>)
      %dma_wait3A_2821 = arith.constant 384 : i32
      %dma_wait3A_2822 = arith.constant 0 : i32
      %dma_wait3A_2823 = tpu.memref_slice %arg11[%dma_wait3A_2821, %dma_wait3A_2822] : memref<512x128xf32, #tpu.memory_space<vmem>> -> memref<32x128xf32, #tpu.memory_space<vmem>>
      %dma_wait3A_2824 = arith.constant 0 : i32
      %dma_wait3A_2825 = tpu.memref_slice %arg4[%dma_wait3A_2824, %multiple_of3A_2419] : memref<32x1000000xf32, #tpu.memory_space<hbm>> -> memref<32x128xf32, #tpu.memory_space<hbm>>
      %dma_wait3A_2826 = arith.constant 384 : i32
      %dma_wait3A_2827 = arith.constant 0 : i32
      %dma_wait3A_2828 = tpu.memref_slice %arg11[%dma_wait3A_2826, %dma_wait3A_2827] : memref<512x128xf32, #tpu.memory_space<vmem>> -> memref<32x128xf32, #tpu.memory_space<vmem>>
      %dma_wait3A_2829 = arith.constant 0 : i32
      %dma_wait3A_2830 = tpu.memref_slice %arg4[%dma_wait3A_2829, %multiple_of3A_2419] : memref<32x1000000xf32, #tpu.memory_space<hbm>> -> memref<32x128xf32, #tpu.memory_space<hbm>>
      tpu.wait_dma2 semaphore(%arg14 : memref<!tpu.dma_semaphore, #tpu.memory_space<semaphore_mem>>) src(%dma_wait3A_2830 : memref<32x128xf32, #tpu.memory_space<hbm>>) dst(%dma_wait3A_2828 : memref<32x128xf32, #tpu.memory_space<vmem>>)
      %dma_wait3A_2831 = arith.constant 12 : i32
      %dma_wait3A_2832 = arith.constant 0 : i32
      %dma_wait3A_2833 = tpu.memref_slice %arg12[%dma_wait3A_2831, %dma_wait3A_2832] : memref<16x128xf32, #tpu.memory_space<vmem>> -> memref<1x128xf32, #tpu.memory_space<vmem>>
      %dma_wait3A_2834 = tpu.memref_squeeze %dma_wait3A_2833 : memref<1x128xf32, #tpu.memory_space<vmem>> -> memref<128xf32, #tpu.memory_space<vmem>>
      %dma_wait3A_2835 = tpu.memref_slice %arg5[%multiple_of3A_2419] : memref<1000000xf32, #tpu.memory_space<hbm>> -> memref<128xf32, #tpu.memory_space<hbm>>
      %dma_wait3A_2836 = arith.constant 0 : i32
      %dma_wait3A_2837 = tpu.memref_slice %arg12[%dma_wait3A_2831, %dma_wait3A_2836] : memref<16x128xf32, #tpu.memory_space<vmem>> -> memref<1x128xf32, #tpu.memory_space<vmem>>
      %dma_wait3A_2838 = tpu.memref_squeeze %dma_wait3A_2837 : memref<1x128xf32, #tpu.memory_space<vmem>> -> memref<128xf32, #tpu.memory_space<vmem>>
      %dma_wait3A_2839 = tpu.memref_slice %arg5[%multiple_of3A_2419] : memref<1000000xf32, #tpu.memory_space<hbm>> -> memref<128xf32, #tpu.memory_space<hbm>>
      tpu.wait_dma2 semaphore(%arg14 : memref<!tpu.dma_semaphore, #tpu.memory_space<semaphore_mem>>) src(%dma_wait3A_2839 : memref<128xf32, #tpu.memory_space<hbm>>) dst(%dma_wait3A_2838 : memref<128xf32, #tpu.memory_space<vmem>>)
      %dma_wait3A_2840 = arith.constant 416 : i32
      %dma_wait3A_2841 = arith.constant 0 : i32
      %dma_wait3A_2842 = tpu.memref_slice %arg11[%dma_wait3A_2840, %dma_wait3A_2841] : memref<512x128xf32, #tpu.memory_space<vmem>> -> memref<32x128xf32, #tpu.memory_space<vmem>>
      %dma_wait3A_2843 = arith.constant 0 : i32
      %dma_wait3A_2844 = tpu.memref_slice %arg6[%dma_wait3A_2843, %multiple_of3A_2465] : memref<32x1000000xf32, #tpu.memory_space<hbm>> -> memref<32x128xf32, #tpu.memory_space<hbm>>
      %dma_wait3A_2845 = arith.constant 416 : i32
      %dma_wait3A_2846 = arith.constant 0 : i32
      %dma_wait3A_2847 = tpu.memref_slice %arg11[%dma_wait3A_2845, %dma_wait3A_2846] : memref<512x128xf32, #tpu.memory_space<vmem>> -> memref<32x128xf32, #tpu.memory_space<vmem>>
      %dma_wait3A_2848 = arith.constant 0 : i32
      %dma_wait3A_2849 = tpu.memref_slice %arg6[%dma_wait3A_2848, %multiple_of3A_2465] : memref<32x1000000xf32, #tpu.memory_space<hbm>> -> memref<32x128xf32, #tpu.memory_space<hbm>>
      tpu.wait_dma2 semaphore(%arg14 : memref<!tpu.dma_semaphore, #tpu.memory_space<semaphore_mem>>) src(%dma_wait3A_2849 : memref<32x128xf32, #tpu.memory_space<hbm>>) dst(%dma_wait3A_2847 : memref<32x128xf32, #tpu.memory_space<vmem>>)
      %dma_wait3A_2850 = arith.constant 13 : i32
      %dma_wait3A_2851 = arith.constant 0 : i32
      %dma_wait3A_2852 = tpu.memref_slice %arg12[%dma_wait3A_2850, %dma_wait3A_2851] : memref<16x128xf32, #tpu.memory_space<vmem>> -> memref<1x128xf32, #tpu.memory_space<vmem>>
      %dma_wait3A_2853 = tpu.memref_squeeze %dma_wait3A_2852 : memref<1x128xf32, #tpu.memory_space<vmem>> -> memref<128xf32, #tpu.memory_space<vmem>>
      %dma_wait3A_2854 = tpu.memref_slice %arg7[%multiple_of3A_2465] : memref<1000000xf32, #tpu.memory_space<hbm>> -> memref<128xf32, #tpu.memory_space<hbm>>
      %dma_wait3A_2855 = arith.constant 0 : i32
      %dma_wait3A_2856 = tpu.memref_slice %arg12[%dma_wait3A_2850, %dma_wait3A_2855] : memref<16x128xf32, #tpu.memory_space<vmem>> -> memref<1x128xf32, #tpu.memory_space<vmem>>
      %dma_wait3A_2857 = tpu.memref_squeeze %dma_wait3A_2856 : memref<1x128xf32, #tpu.memory_space<vmem>> -> memref<128xf32, #tpu.memory_space<vmem>>
      %dma_wait3A_2858 = tpu.memref_slice %arg7[%multiple_of3A_2465] : memref<1000000xf32, #tpu.memory_space<hbm>> -> memref<128xf32, #tpu.memory_space<hbm>>
      tpu.wait_dma2 semaphore(%arg14 : memref<!tpu.dma_semaphore, #tpu.memory_space<semaphore_mem>>) src(%dma_wait3A_2858 : memref<128xf32, #tpu.memory_space<hbm>>) dst(%dma_wait3A_2857 : memref<128xf32, #tpu.memory_space<vmem>>)
      %dma_wait3A_2859 = arith.constant 448 : i32
      %dma_wait3A_2860 = arith.constant 0 : i32
      %dma_wait3A_2861 = tpu.memref_slice %arg11[%dma_wait3A_2859, %dma_wait3A_2860] : memref<512x128xf32, #tpu.memory_space<vmem>> -> memref<32x128xf32, #tpu.memory_space<vmem>>
      %dma_wait3A_2862 = arith.constant 0 : i32
      %dma_wait3A_2863 = tpu.memref_slice %arg4[%dma_wait3A_2862, %multiple_of3A_2527] : memref<32x1000000xf32, #tpu.memory_space<hbm>> -> memref<32x128xf32, #tpu.memory_space<hbm>>
      %dma_wait3A_2864 = arith.constant 448 : i32
      %dma_wait3A_2865 = arith.constant 0 : i32
      %dma_wait3A_2866 = tpu.memref_slice %arg11[%dma_wait3A_2864, %dma_wait3A_2865] : memref<512x128xf32, #tpu.memory_space<vmem>> -> memref<32x128xf32, #tpu.memory_space<vmem>>
      %dma_wait3A_2867 = arith.constant 0 : i32
      %dma_wait3A_2868 = tpu.memref_slice %arg4[%dma_wait3A_2867, %multiple_of3A_2527] : memref<32x1000000xf32, #tpu.memory_space<hbm>> -> memref<32x128xf32, #tpu.memory_space<hbm>>
      tpu.wait_dma2 semaphore(%arg14 : memref<!tpu.dma_semaphore, #tpu.memory_space<semaphore_mem>>) src(%dma_wait3A_2868 : memref<32x128xf32, #tpu.memory_space<hbm>>) dst(%dma_wait3A_2866 : memref<32x128xf32, #tpu.memory_space<vmem>>)
      %dma_wait3A_2869 = arith.constant 14 : i32
      %dma_wait3A_2870 = arith.constant 0 : i32
      %dma_wait3A_2871 = tpu.memref_slice %arg12[%dma_wait3A_2869, %dma_wait3A_2870] : memref<16x128xf32, #tpu.memory_space<vmem>> -> memref<1x128xf32, #tpu.memory_space<vmem>>
      %dma_wait3A_2872 = tpu.memref_squeeze %dma_wait3A_2871 : memref<1x128xf32, #tpu.memory_space<vmem>> -> memref<128xf32, #tpu.memory_space<vmem>>
      %dma_wait3A_2873 = tpu.memref_slice %arg5[%multiple_of3A_2527] : memref<1000000xf32, #tpu.memory_space<hbm>> -> memref<128xf32, #tpu.memory_space<hbm>>
      %dma_wait3A_2874 = arith.constant 0 : i32
      %dma_wait3A_2875 = tpu.memref_slice %arg12[%dma_wait3A_2869, %dma_wait3A_2874] : memref<16x128xf32, #tpu.memory_space<vmem>> -> memref<1x128xf32, #tpu.memory_space<vmem>>
      %dma_wait3A_2876 = tpu.memref_squeeze %dma_wait3A_2875 : memref<1x128xf32, #tpu.memory_space<vmem>> -> memref<128xf32, #tpu.memory_space<vmem>>
      %dma_wait3A_2877 = tpu.memref_slice %arg5[%multiple_of3A_2527] : memref<1000000xf32, #tpu.memory_space<hbm>> -> memref<128xf32, #tpu.memory_space<hbm>>
      tpu.wait_dma2 semaphore(%arg14 : memref<!tpu.dma_semaphore, #tpu.memory_space<semaphore_mem>>) src(%dma_wait3A_2877 : memref<128xf32, #tpu.memory_space<hbm>>) dst(%dma_wait3A_2876 : memref<128xf32, #tpu.memory_space<vmem>>)
      %dma_wait3A_2878 = arith.constant 480 : i32
      %dma_wait3A_2879 = arith.constant 0 : i32
      %dma_wait3A_2880 = tpu.memref_slice %arg11[%dma_wait3A_2878, %dma_wait3A_2879] : memref<512x128xf32, #tpu.memory_space<vmem>> -> memref<32x128xf32, #tpu.memory_space<vmem>>
      %dma_wait3A_2881 = arith.constant 0 : i32
      %dma_wait3A_2882 = tpu.memref_slice %arg6[%dma_wait3A_2881, %multiple_of3A_2573] : memref<32x1000000xf32, #tpu.memory_space<hbm>> -> memref<32x128xf32, #tpu.memory_space<hbm>>
      %dma_wait3A_2883 = arith.constant 480 : i32
      %dma_wait3A_2884 = arith.constant 0 : i32
      %dma_wait3A_2885 = tpu.memref_slice %arg11[%dma_wait3A_2883, %dma_wait3A_2884] : memref<512x128xf32, #tpu.memory_space<vmem>> -> memref<32x128xf32, #tpu.memory_space<vmem>>
      %dma_wait3A_2886 = arith.constant 0 : i32
      %dma_wait3A_2887 = tpu.memref_slice %arg6[%dma_wait3A_2886, %multiple_of3A_2573] : memref<32x1000000xf32, #tpu.memory_space<hbm>> -> memref<32x128xf32, #tpu.memory_space<hbm>>
      tpu.wait_dma2 semaphore(%arg14 : memref<!tpu.dma_semaphore, #tpu.memory_space<semaphore_mem>>) src(%dma_wait3A_2887 : memref<32x128xf32, #tpu.memory_space<hbm>>) dst(%dma_wait3A_2885 : memref<32x128xf32, #tpu.memory_space<vmem>>)
      %dma_wait3A_2888 = arith.constant 15 : i32
      %dma_wait3A_2889 = arith.constant 0 : i32
      %dma_wait3A_2890 = tpu.memref_slice %arg12[%dma_wait3A_2888, %dma_wait3A_2889] : memref<16x128xf32, #tpu.memory_space<vmem>> -> memref<1x128xf32, #tpu.memory_space<vmem>>
      %dma_wait3A_2891 = tpu.memref_squeeze %dma_wait3A_2890 : memref<1x128xf32, #tpu.memory_space<vmem>> -> memref<128xf32, #tpu.memory_space<vmem>>
      %dma_wait3A_2892 = tpu.memref_slice %arg7[%multiple_of3A_2573] : memref<1000000xf32, #tpu.memory_space<hbm>> -> memref<128xf32, #tpu.memory_space<hbm>>
      %dma_wait3A_2893 = arith.constant 0 : i32
      %dma_wait3A_2894 = tpu.memref_slice %arg12[%dma_wait3A_2888, %dma_wait3A_2893] : memref<16x128xf32, #tpu.memory_space<vmem>> -> memref<1x128xf32, #tpu.memory_space<vmem>>
      %dma_wait3A_2895 = tpu.memref_squeeze %dma_wait3A_2894 : memref<1x128xf32, #tpu.memory_space<vmem>> -> memref<128xf32, #tpu.memory_space<vmem>>
      %dma_wait3A_2896 = tpu.memref_slice %arg7[%multiple_of3A_2573] : memref<1000000xf32, #tpu.memory_space<hbm>> -> memref<128xf32, #tpu.memory_space<hbm>>
      tpu.wait_dma2 semaphore(%arg14 : memref<!tpu.dma_semaphore, #tpu.memory_space<semaphore_mem>>) src(%dma_wait3A_2896 : memref<128xf32, #tpu.memory_space<hbm>>) dst(%dma_wait3A_2895 : memref<128xf32, #tpu.memory_space<vmem>>)
      %jit3A_2897 = arith.constant 128 : i32
      %eq3A_2898 = arith.constant 0 : i32
      %eq3A_2899 = arith.cmpi eq, %jit3A_2897, %eq3A_2898 : i32
      %jit3A_2900 = arith.constant 1 : i32
      %select_n3A_2901 = arith.select %eq3A_2899, %jit3A_2900, %jit3A_2897 : i32
      %rem3A_2902 = arith.remsi %reduce_sum3A_1736, %select_n3A_2901 : i32
      %ne3A_2903 = arith.constant 0 : i32
      %ne3A_2904 = arith.cmpi ne, %rem3A_2902, %ne3A_2903 : i32
      %lt3A_2905 = arith.constant 0 : i32
      %lt3A_2906 = arith.cmpi slt, %rem3A_2902, %lt3A_2905 : i32
      %lt3A_2907 = arith.constant 0 : i32
      %lt3A_2908 = arith.cmpi slt, %select_n3A_2901, %lt3A_2907 : i32
      %ne3A_2909 = arith.xori %lt3A_2906, %lt3A_2908 : i1
      %and3A_2910 = arith.andi %ne3A_2909, %ne3A_2904 : i1
      %add3A_2911 = arith.addi %rem3A_2902, %select_n3A_2901 : i32
      %select_n3A_2912 = arith.select %and3A_2910, %add3A_2911, %rem3A_2902 : i32
      %broadcast_in_dim3A_2913 = vector.broadcast %select_n3A_2912 : i32 to vector<16xi32>
      %jit3A_2914 = arith.constant 128 : i32
      %eq3A_2915 = arith.constant 0 : i32
      %eq3A_2916 = arith.cmpi eq, %jit3A_2914, %eq3A_2915 : i32
      %jit3A_2917 = arith.constant 1 : i32
      %select_n3A_2918 = arith.select %eq3A_2916, %jit3A_2917, %jit3A_2914 : i32
      %rem3A_2919 = arith.remsi %reduce_sum3A_1744, %select_n3A_2918 : i32
      %ne3A_2920 = arith.constant 0 : i32
      %ne3A_2921 = arith.cmpi ne, %rem3A_2919, %ne3A_2920 : i32
      %lt3A_2922 = arith.constant 0 : i32
      %lt3A_2923 = arith.cmpi slt, %rem3A_2919, %lt3A_2922 : i32
      %lt3A_2924 = arith.constant 0 : i32
      %lt3A_2925 = arith.cmpi slt, %select_n3A_2918, %lt3A_2924 : i32
      %ne3A_2926 = arith.xori %lt3A_2923, %lt3A_2925 : i1
      %and3A_2927 = arith.andi %ne3A_2926, %ne3A_2921 : i1
      %add3A_2928 = arith.addi %rem3A_2919, %select_n3A_2918 : i32
      %select_n3A_2929 = arith.select %and3A_2927, %add3A_2928, %rem3A_2919 : i32
      %broadcast_in_dim3A_2930 = vector.broadcast %select_n3A_2929 : i32 to vector<16xi32>
      %add3A_2931 = arith.constant 0 : i32
      %add3A_2932 = vector.broadcast %add3A_2931 : i32 to vector<16xi32>
      %add3A_2933 = arith.addi %add3A_2932, %iota3A : vector<16xi32>
      %gather3A_2934 = tpu.vector_load_idx %arg11[%add3A_2933, %broadcast_in_dim3A_2913] : memref<512x128xf32, #tpu.memory_space<vmem>>[vector<16xi32>, vector<16xi32>], vector<16xf32>,
      %add3A_2935 = arith.constant 16 : i32
      %add3A_2936 = vector.broadcast %add3A_2935 : i32 to vector<16xi32>
      %add3A_2937 = arith.addi %add3A_2936, %iota3A : vector<16xi32>
      %gather3A_2938 = tpu.vector_load_idx %arg11[%add3A_2937, %broadcast_in_dim3A_2913] : memref<512x128xf32, #tpu.memory_space<vmem>>[vector<16xi32>, vector<16xi32>], vector<16xf32>,
      %add3A_2939 = arith.constant 32 : i32
      %add3A_2940 = vector.broadcast %add3A_2939 : i32 to vector<16xi32>
      %add3A_2941 = arith.addi %add3A_2940, %iota3A : vector<16xi32>
      %gather3A_2942 = tpu.vector_load_idx %arg11[%add3A_2941, %broadcast_in_dim3A_2930] : memref<512x128xf32, #tpu.memory_space<vmem>>[vector<16xi32>, vector<16xi32>], vector<16xf32>,
      %add3A_2943 = arith.constant 48 : i32
      %add3A_2944 = vector.broadcast %add3A_2943 : i32 to vector<16xi32>
      %add3A_2945 = arith.addi %add3A_2944, %iota3A : vector<16xi32>
      %gather3A_2946 = tpu.vector_load_idx %arg11[%add3A_2945, %broadcast_in_dim3A_2930] : memref<512x128xf32, #tpu.memory_space<vmem>>[vector<16xi32>, vector<16xi32>], vector<16xf32>,
      %broadcast_in_dim3A_2947 = arith.constant 0 : i32
      %broadcast_in_dim3A_2948 = vector.broadcast %broadcast_in_dim3A_2947 : i32 to vector<16xi32>
      %gather3A_2949 = tpu.vector_load_idx %arg12[%broadcast_in_dim3A_2948, %broadcast_in_dim3A_2913] : memref<16x128xf32, #tpu.memory_space<vmem>>[vector<16xi32>, vector<16xi32>], vector<16xf32>,
      %broadcast_in_dim3A_2950 = arith.constant 1 : i32
      %broadcast_in_dim3A_2951 = vector.broadcast %broadcast_in_dim3A_2950 : i32 to vector<16xi32>
      %gather3A_2952 = tpu.vector_load_idx %arg12[%broadcast_in_dim3A_2951, %broadcast_in_dim3A_2930] : memref<16x128xf32, #tpu.memory_space<vmem>>[vector<16xi32>, vector<16xi32>], vector<16xf32>,
      %mul3A_2953 = arith.mulf %gather3A_2934, %gather3A_2942 : vector<16xf32>
      %mul3A_2954 = arith.mulf %gather3A_2938, %gather3A_2946 : vector<16xf32>
      %add3A_2955 = arith.addf %mul3A_2953, %mul3A_2954 : vector<16xf32>
      %add3A_2956 = arith.addf %gather3A_2949, %gather3A_2952 : vector<16xf32>
      %select_n3A_2957 = arith.select %eq3A_7, %add3A_2956, %broadcast_in_dim3A_5 : vector<16xi1>, vector<16xf32>
      %add3A_2958 = arith.addf %add3A_2955, %select_n3A_2957 : vector<16xf32>
      %broadcast_in_dim3A_2959 = arith.constant true
      %broadcast_in_dim3A_2960 = vector.broadcast %broadcast_in_dim3A_2959 : i1 to vector<16xi1>
      %masked_cumsum3A_2961 = tpu.scan <sum>, %add3A_2958 masked %broadcast_in_dim3A_2960 : vector<16xf32>, vector<16xi1> -> vector<16xf32>
      %add3A_2962 = arith.constant 0 : i32
      %add3A_2963 = arith.addi %add3A_1728, %add3A_2962 : i32
      %broadcast_in_dim3A_2964 = vector.broadcast %add3A_2963 : i32 to vector<16xi32>
      tpu.vector_store_idx %arg13[%broadcast_in_dim3A_2964], %masked_cumsum3A_2961 masked %eq3A_10 : memref<512xf32, #tpu.memory_space<vmem>>[vector<16xi32>], vector<16xf32>, vector<16xi1>
      %jit3A_2965 = arith.constant 128 : i32
      %eq3A_2966 = arith.constant 0 : i32
      %eq3A_2967 = arith.cmpi eq, %jit3A_2965, %eq3A_2966 : i32
      %jit3A_2968 = arith.constant 1 : i32
      %select_n3A_2969 = arith.select %eq3A_2967, %jit3A_2968, %jit3A_2965 : i32
      %rem3A_2970 = arith.remsi %reduce_sum3A_1844, %select_n3A_2969 : i32
      %ne3A_2971 = arith.constant 0 : i32
      %ne3A_2972 = arith.cmpi ne, %rem3A_2970, %ne3A_2971 : i32
      %lt3A_2973 = arith.constant 0 : i32
      %lt3A_2974 = arith.cmpi slt, %rem3A_2970, %lt3A_2973 : i32
      %lt3A_2975 = arith.constant 0 : i32
      %lt3A_2976 = arith.cmpi slt, %select_n3A_2969, %lt3A_2975 : i32
      %ne3A_2977 = arith.xori %lt3A_2974, %lt3A_2976 : i1
      %and3A_2978 = arith.andi %ne3A_2977, %ne3A_2972 : i1
      %add3A_2979 = arith.addi %rem3A_2970, %select_n3A_2969 : i32
      %select_n3A_2980 = arith.select %and3A_2978, %add3A_2979, %rem3A_2970 : i32
      %broadcast_in_dim3A_2981 = vector.broadcast %select_n3A_2980 : i32 to vector<16xi32>
      %jit3A_2982 = arith.constant 128 : i32
      %eq3A_2983 = arith.constant 0 : i32
      %eq3A_2984 = arith.cmpi eq, %jit3A_2982, %eq3A_2983 : i32
      %jit3A_2985 = arith.constant 1 : i32
      %select_n3A_2986 = arith.select %eq3A_2984, %jit3A_2985, %jit3A_2982 : i32
      %rem3A_2987 = arith.remsi %reduce_sum3A_1852, %select_n3A_2986 : i32
      %ne3A_2988 = arith.constant 0 : i32
      %ne3A_2989 = arith.cmpi ne, %rem3A_2987, %ne3A_2988 : i32
      %lt3A_2990 = arith.constant 0 : i32
      %lt3A_2991 = arith.cmpi slt, %rem3A_2987, %lt3A_2990 : i32
      %lt3A_2992 = arith.constant 0 : i32
      %lt3A_2993 = arith.cmpi slt, %select_n3A_2986, %lt3A_2992 : i32
      %ne3A_2994 = arith.xori %lt3A_2991, %lt3A_2993 : i1
      %and3A_2995 = arith.andi %ne3A_2994, %ne3A_2989 : i1
      %add3A_2996 = arith.addi %rem3A_2987, %select_n3A_2986 : i32
      %select_n3A_2997 = arith.select %and3A_2995, %add3A_2996, %rem3A_2987 : i32
      %broadcast_in_dim3A_2998 = vector.broadcast %select_n3A_2997 : i32 to vector<16xi32>
      %add3A_2999 = arith.constant 64 : i32
      %add3A_3000 = vector.broadcast %add3A_2999 : i32 to vector<16xi32>
      %add3A_3001 = arith.addi %add3A_3000, %iota3A : vector<16xi32>
      %gather3A_3002 = tpu.vector_load_idx %arg11[%add3A_3001, %broadcast_in_dim3A_2981] : memref<512x128xf32, #tpu.memory_space<vmem>>[vector<16xi32>, vector<16xi32>], vector<16xf32>,
      %add3A_3003 = arith.constant 80 : i32
      %add3A_3004 = vector.broadcast %add3A_3003 : i32 to vector<16xi32>
      %add3A_3005 = arith.addi %add3A_3004, %iota3A : vector<16xi32>
      %gather3A_3006 = tpu.vector_load_idx %arg11[%add3A_3005, %broadcast_in_dim3A_2981] : memref<512x128xf32, #tpu.memory_space<vmem>>[vector<16xi32>, vector<16xi32>], vector<16xf32>,
      %add3A_3007 = arith.constant 96 : i32
      %add3A_3008 = vector.broadcast %add3A_3007 : i32 to vector<16xi32>
      %add3A_3009 = arith.addi %add3A_3008, %iota3A : vector<16xi32>
      %gather3A_3010 = tpu.vector_load_idx %arg11[%add3A_3009, %broadcast_in_dim3A_2998] : memref<512x128xf32, #tpu.memory_space<vmem>>[vector<16xi32>, vector<16xi32>], vector<16xf32>,
      %add3A_3011 = arith.constant 112 : i32
      %add3A_3012 = vector.broadcast %add3A_3011 : i32 to vector<16xi32>
      %add3A_3013 = arith.addi %add3A_3012, %iota3A : vector<16xi32>
      %gather3A_3014 = tpu.vector_load_idx %arg11[%add3A_3013, %broadcast_in_dim3A_2998] : memref<512x128xf32, #tpu.memory_space<vmem>>[vector<16xi32>, vector<16xi32>], vector<16xf32>,
      %broadcast_in_dim3A_3015 = arith.constant 2 : i32
      %broadcast_in_dim3A_3016 = vector.broadcast %broadcast_in_dim3A_3015 : i32 to vector<16xi32>
      %gather3A_3017 = tpu.vector_load_idx %arg12[%broadcast_in_dim3A_3016, %broadcast_in_dim3A_2981] : memref<16x128xf32, #tpu.memory_space<vmem>>[vector<16xi32>, vector<16xi32>], vector<16xf32>,
      %broadcast_in_dim3A_3018 = arith.constant 3 : i32
      %broadcast_in_dim3A_3019 = vector.broadcast %broadcast_in_dim3A_3018 : i32 to vector<16xi32>
      %gather3A_3020 = tpu.vector_load_idx %arg12[%broadcast_in_dim3A_3019, %broadcast_in_dim3A_2998] : memref<16x128xf32, #tpu.memory_space<vmem>>[vector<16xi32>, vector<16xi32>], vector<16xf32>,
      %mul3A_3021 = arith.mulf %gather3A_3002, %gather3A_3010 : vector<16xf32>
      %mul3A_3022 = arith.mulf %gather3A_3006, %gather3A_3014 : vector<16xf32>
      %add3A_3023 = arith.addf %mul3A_3021, %mul3A_3022 : vector<16xf32>
      %add3A_3024 = arith.addf %gather3A_3017, %gather3A_3020 : vector<16xf32>
      %select_n3A_3025 = arith.select %eq3A_7, %add3A_3024, %broadcast_in_dim3A_5 : vector<16xi1>, vector<16xf32>
      %add3A_3026 = arith.addf %add3A_3023, %select_n3A_3025 : vector<16xf32>
      %broadcast_in_dim3A_3027 = arith.constant true
      %broadcast_in_dim3A_3028 = vector.broadcast %broadcast_in_dim3A_3027 : i1 to vector<16xi1>
      %masked_cumsum3A_3029 = tpu.scan <sum>, %add3A_3026 masked %broadcast_in_dim3A_3028 : vector<16xf32>, vector<16xi1> -> vector<16xf32>
      %add3A_3030 = arith.constant 1 : i32
      %add3A_3031 = arith.addi %add3A_1728, %add3A_3030 : i32
      %broadcast_in_dim3A_3032 = vector.broadcast %add3A_3031 : i32 to vector<16xi32>
      tpu.vector_store_idx %arg13[%broadcast_in_dim3A_3032], %masked_cumsum3A_3029 masked %eq3A_10 : memref<512xf32, #tpu.memory_space<vmem>>[vector<16xi32>], vector<16xf32>, vector<16xi1>
      %jit3A_3033 = arith.constant 128 : i32
      %eq3A_3034 = arith.constant 0 : i32
      %eq3A_3035 = arith.cmpi eq, %jit3A_3033, %eq3A_3034 : i32
      %jit3A_3036 = arith.constant 1 : i32
      %select_n3A_3037 = arith.select %eq3A_3035, %jit3A_3036, %jit3A_3033 : i32
      %rem3A_3038 = arith.remsi %reduce_sum3A_1952, %select_n3A_3037 : i32
      %ne3A_3039 = arith.constant 0 : i32
      %ne3A_3040 = arith.cmpi ne, %rem3A_3038, %ne3A_3039 : i32
      %lt3A_3041 = arith.constant 0 : i32
      %lt3A_3042 = arith.cmpi slt, %rem3A_3038, %lt3A_3041 : i32
      %lt3A_3043 = arith.constant 0 : i32
      %lt3A_3044 = arith.cmpi slt, %select_n3A_3037, %lt3A_3043 : i32
      %ne3A_3045 = arith.xori %lt3A_3042, %lt3A_3044 : i1
      %and3A_3046 = arith.andi %ne3A_3045, %ne3A_3040 : i1
      %add3A_3047 = arith.addi %rem3A_3038, %select_n3A_3037 : i32
      %select_n3A_3048 = arith.select %and3A_3046, %add3A_3047, %rem3A_3038 : i32
      %broadcast_in_dim3A_3049 = vector.broadcast %select_n3A_3048 : i32 to vector<16xi32>
      %jit3A_3050 = arith.constant 128 : i32
      %eq3A_3051 = arith.constant 0 : i32
      %eq3A_3052 = arith.cmpi eq, %jit3A_3050, %eq3A_3051 : i32
      %jit3A_3053 = arith.constant 1 : i32
      %select_n3A_3054 = arith.select %eq3A_3052, %jit3A_3053, %jit3A_3050 : i32
      %rem3A_3055 = arith.remsi %reduce_sum3A_1960, %select_n3A_3054 : i32
      %ne3A_3056 = arith.constant 0 : i32
      %ne3A_3057 = arith.cmpi ne, %rem3A_3055, %ne3A_3056 : i32
      %lt3A_3058 = arith.constant 0 : i32
      %lt3A_3059 = arith.cmpi slt, %rem3A_3055, %lt3A_3058 : i32
      %lt3A_3060 = arith.constant 0 : i32
      %lt3A_3061 = arith.cmpi slt, %select_n3A_3054, %lt3A_3060 : i32
      %ne3A_3062 = arith.xori %lt3A_3059, %lt3A_3061 : i1
      %and3A_3063 = arith.andi %ne3A_3062, %ne3A_3057 : i1
      %add3A_3064 = arith.addi %rem3A_3055, %select_n3A_3054 : i32
      %select_n3A_3065 = arith.select %and3A_3063, %add3A_3064, %rem3A_3055 : i32
      %broadcast_in_dim3A_3066 = vector.broadcast %select_n3A_3065 : i32 to vector<16xi32>
      %add3A_3067 = arith.constant 128 : i32
      %add3A_3068 = vector.broadcast %add3A_3067 : i32 to vector<16xi32>
      %add3A_3069 = arith.addi %add3A_3068, %iota3A : vector<16xi32>
      %gather3A_3070 = tpu.vector_load_idx %arg11[%add3A_3069, %broadcast_in_dim3A_3049] : memref<512x128xf32, #tpu.memory_space<vmem>>[vector<16xi32>, vector<16xi32>], vector<16xf32>,
      %add3A_3071 = arith.constant 144 : i32
      %add3A_3072 = vector.broadcast %add3A_3071 : i32 to vector<16xi32>
      %add3A_3073 = arith.addi %add3A_3072, %iota3A : vector<16xi32>
      %gather3A_3074 = tpu.vector_load_idx %arg11[%add3A_3073, %broadcast_in_dim3A_3049] : memref<512x128xf32, #tpu.memory_space<vmem>>[vector<16xi32>, vector<16xi32>], vector<16xf32>,
      %add3A_3075 = arith.constant 160 : i32
      %add3A_3076 = vector.broadcast %add3A_3075 : i32 to vector<16xi32>
      %add3A_3077 = arith.addi %add3A_3076, %iota3A : vector<16xi32>
      %gather3A_3078 = tpu.vector_load_idx %arg11[%add3A_3077, %broadcast_in_dim3A_3066] : memref<512x128xf32, #tpu.memory_space<vmem>>[vector<16xi32>, vector<16xi32>], vector<16xf32>,
      %add3A_3079 = arith.constant 176 : i32
      %add3A_3080 = vector.broadcast %add3A_3079 : i32 to vector<16xi32>
      %add3A_3081 = arith.addi %add3A_3080, %iota3A : vector<16xi32>
      %gather3A_3082 = tpu.vector_load_idx %arg11[%add3A_3081, %broadcast_in_dim3A_3066] : memref<512x128xf32, #tpu.memory_space<vmem>>[vector<16xi32>, vector<16xi32>], vector<16xf32>,
      %broadcast_in_dim3A_3083 = arith.constant 4 : i32
      %broadcast_in_dim3A_3084 = vector.broadcast %broadcast_in_dim3A_3083 : i32 to vector<16xi32>
      %gather3A_3085 = tpu.vector_load_idx %arg12[%broadcast_in_dim3A_3084, %broadcast_in_dim3A_3049] : memref<16x128xf32, #tpu.memory_space<vmem>>[vector<16xi32>, vector<16xi32>], vector<16xf32>,
      %broadcast_in_dim3A_3086 = arith.constant 5 : i32
      %broadcast_in_dim3A_3087 = vector.broadcast %broadcast_in_dim3A_3086 : i32 to vector<16xi32>
      %gather3A_3088 = tpu.vector_load_idx %arg12[%broadcast_in_dim3A_3087, %broadcast_in_dim3A_3066] : memref<16x128xf32, #tpu.memory_space<vmem>>[vector<16xi32>, vector<16xi32>], vector<16xf32>,
      %mul3A_3089 = arith.mulf %gather3A_3070, %gather3A_3078 : vector<16xf32>
      %mul3A_3090 = arith.mulf %gather3A_3074, %gather3A_3082 : vector<16xf32>
      %add3A_3091 = arith.addf %mul3A_3089, %mul3A_3090 : vector<16xf32>
      %add3A_3092 = arith.addf %gather3A_3085, %gather3A_3088 : vector<16xf32>
      %select_n3A_3093 = arith.select %eq3A_7, %add3A_3092, %broadcast_in_dim3A_5 : vector<16xi1>, vector<16xf32>
      %add3A_3094 = arith.addf %add3A_3091, %select_n3A_3093 : vector<16xf32>
      %broadcast_in_dim3A_3095 = arith.constant true
      %broadcast_in_dim3A_3096 = vector.broadcast %broadcast_in_dim3A_3095 : i1 to vector<16xi1>
      %masked_cumsum3A_3097 = tpu.scan <sum>, %add3A_3094 masked %broadcast_in_dim3A_3096 : vector<16xf32>, vector<16xi1> -> vector<16xf32>
      %add3A_3098 = arith.constant 2 : i32
      %add3A_3099 = arith.addi %add3A_1728, %add3A_3098 : i32
      %broadcast_in_dim3A_3100 = vector.broadcast %add3A_3099 : i32 to vector<16xi32>
      tpu.vector_store_idx %arg13[%broadcast_in_dim3A_3100], %masked_cumsum3A_3097 masked %eq3A_10 : memref<512xf32, #tpu.memory_space<vmem>>[vector<16xi32>], vector<16xf32>, vector<16xi1>
      %jit3A_3101 = arith.constant 128 : i32
      %eq3A_3102 = arith.constant 0 : i32
      %eq3A_3103 = arith.cmpi eq, %jit3A_3101, %eq3A_3102 : i32
      %jit3A_3104 = arith.constant 1 : i32
      %select_n3A_3105 = arith.select %eq3A_3103, %jit3A_3104, %jit3A_3101 : i32
      %rem3A_3106 = arith.remsi %reduce_sum3A_2060, %select_n3A_3105 : i32
      %ne3A_3107 = arith.constant 0 : i32
      %ne3A_3108 = arith.cmpi ne, %rem3A_3106, %ne3A_3107 : i32
      %lt3A_3109 = arith.constant 0 : i32
      %lt3A_3110 = arith.cmpi slt, %rem3A_3106, %lt3A_3109 : i32
      %lt3A_3111 = arith.constant 0 : i32
      %lt3A_3112 = arith.cmpi slt, %select_n3A_3105, %lt3A_3111 : i32
      %ne3A_3113 = arith.xori %lt3A_3110, %lt3A_3112 : i1
      %and3A_3114 = arith.andi %ne3A_3113, %ne3A_3108 : i1
      %add3A_3115 = arith.addi %rem3A_3106, %select_n3A_3105 : i32
      %select_n3A_3116 = arith.select %and3A_3114, %add3A_3115, %rem3A_3106 : i32
      %broadcast_in_dim3A_3117 = vector.broadcast %select_n3A_3116 : i32 to vector<16xi32>
      %jit3A_3118 = arith.constant 128 : i32
      %eq3A_3119 = arith.constant 0 : i32
      %eq3A_3120 = arith.cmpi eq, %jit3A_3118, %eq3A_3119 : i32
      %jit3A_3121 = arith.constant 1 : i32
      %select_n3A_3122 = arith.select %eq3A_3120, %jit3A_3121, %jit3A_3118 : i32
      %rem3A_3123 = arith.remsi %reduce_sum3A_2068, %select_n3A_3122 : i32
      %ne3A_3124 = arith.constant 0 : i32
      %ne3A_3125 = arith.cmpi ne, %rem3A_3123, %ne3A_3124 : i32
      %lt3A_3126 = arith.constant 0 : i32
      %lt3A_3127 = arith.cmpi slt, %rem3A_3123, %lt3A_3126 : i32
      %lt3A_3128 = arith.constant 0 : i32
      %lt3A_3129 = arith.cmpi slt, %select_n3A_3122, %lt3A_3128 : i32
      %ne3A_3130 = arith.xori %lt3A_3127, %lt3A_3129 : i1
      %and3A_3131 = arith.andi %ne3A_3130, %ne3A_3125 : i1
      %add3A_3132 = arith.addi %rem3A_3123, %select_n3A_3122 : i32
      %select_n3A_3133 = arith.select %and3A_3131, %add3A_3132, %rem3A_3123 : i32
      %broadcast_in_dim3A_3134 = vector.broadcast %select_n3A_3133 : i32 to vector<16xi32>
      %add3A_3135 = arith.constant 192 : i32
      %add3A_3136 = vector.broadcast %add3A_3135 : i32 to vector<16xi32>
      %add3A_3137 = arith.addi %add3A_3136, %iota3A : vector<16xi32>
      %gather3A_3138 = tpu.vector_load_idx %arg11[%add3A_3137, %broadcast_in_dim3A_3117] : memref<512x128xf32, #tpu.memory_space<vmem>>[vector<16xi32>, vector<16xi32>], vector<16xf32>,
      %add3A_3139 = arith.constant 208 : i32
      %add3A_3140 = vector.broadcast %add3A_3139 : i32 to vector<16xi32>
      %add3A_3141 = arith.addi %add3A_3140, %iota3A : vector<16xi32>
      %gather3A_3142 = tpu.vector_load_idx %arg11[%add3A_3141, %broadcast_in_dim3A_3117] : memref<512x128xf32, #tpu.memory_space<vmem>>[vector<16xi32>, vector<16xi32>], vector<16xf32>,
      %add3A_3143 = arith.constant 224 : i32
      %add3A_3144 = vector.broadcast %add3A_3143 : i32 to vector<16xi32>
      %add3A_3145 = arith.addi %add3A_3144, %iota3A : vector<16xi32>
      %gather3A_3146 = tpu.vector_load_idx %arg11[%add3A_3145, %broadcast_in_dim3A_3134] : memref<512x128xf32, #tpu.memory_space<vmem>>[vector<16xi32>, vector<16xi32>], vector<16xf32>,
      %add3A_3147 = arith.constant 240 : i32
      %add3A_3148 = vector.broadcast %add3A_3147 : i32 to vector<16xi32>
      %add3A_3149 = arith.addi %add3A_3148, %iota3A : vector<16xi32>
      %gather3A_3150 = tpu.vector_load_idx %arg11[%add3A_3149, %broadcast_in_dim3A_3134] : memref<512x128xf32, #tpu.memory_space<vmem>>[vector<16xi32>, vector<16xi32>], vector<16xf32>,
      %broadcast_in_dim3A_3151 = arith.constant 6 : i32
      %broadcast_in_dim3A_3152 = vector.broadcast %broadcast_in_dim3A_3151 : i32 to vector<16xi32>
      %gather3A_3153 = tpu.vector_load_idx %arg12[%broadcast_in_dim3A_3152, %broadcast_in_dim3A_3117] : memref<16x128xf32, #tpu.memory_space<vmem>>[vector<16xi32>, vector<16xi32>], vector<16xf32>,
      %broadcast_in_dim3A_3154 = arith.constant 7 : i32
      %broadcast_in_dim3A_3155 = vector.broadcast %broadcast_in_dim3A_3154 : i32 to vector<16xi32>
      %gather3A_3156 = tpu.vector_load_idx %arg12[%broadcast_in_dim3A_3155, %broadcast_in_dim3A_3134] : memref<16x128xf32, #tpu.memory_space<vmem>>[vector<16xi32>, vector<16xi32>], vector<16xf32>,
      %mul3A_3157 = arith.mulf %gather3A_3138, %gather3A_3146 : vector<16xf32>
      %mul3A_3158 = arith.mulf %gather3A_3142, %gather3A_3150 : vector<16xf32>
      %add3A_3159 = arith.addf %mul3A_3157, %mul3A_3158 : vector<16xf32>
      %add3A_3160 = arith.addf %gather3A_3153, %gather3A_3156 : vector<16xf32>
      %select_n3A_3161 = arith.select %eq3A_7, %add3A_3160, %broadcast_in_dim3A_5 : vector<16xi1>, vector<16xf32>
      %add3A_3162 = arith.addf %add3A_3159, %select_n3A_3161 : vector<16xf32>
      %broadcast_in_dim3A_3163 = arith.constant true
      %broadcast_in_dim3A_3164 = vector.broadcast %broadcast_in_dim3A_3163 : i1 to vector<16xi1>
      %masked_cumsum3A_3165 = tpu.scan <sum>, %add3A_3162 masked %broadcast_in_dim3A_3164 : vector<16xf32>, vector<16xi1> -> vector<16xf32>
      %add3A_3166 = arith.constant 3 : i32
      %add3A_3167 = arith.addi %add3A_1728, %add3A_3166 : i32
      %broadcast_in_dim3A_3168 = vector.broadcast %add3A_3167 : i32 to vector<16xi32>
      tpu.vector_store_idx %arg13[%broadcast_in_dim3A_3168], %masked_cumsum3A_3165 masked %eq3A_10 : memref<512xf32, #tpu.memory_space<vmem>>[vector<16xi32>], vector<16xf32>, vector<16xi1>
      %jit3A_3169 = arith.constant 128 : i32
      %eq3A_3170 = arith.constant 0 : i32
      %eq3A_3171 = arith.cmpi eq, %jit3A_3169, %eq3A_3170 : i32
      %jit3A_3172 = arith.constant 1 : i32
      %select_n3A_3173 = arith.select %eq3A_3171, %jit3A_3172, %jit3A_3169 : i32
      %rem3A_3174 = arith.remsi %reduce_sum3A_2168, %select_n3A_3173 : i32
      %ne3A_3175 = arith.constant 0 : i32
      %ne3A_3176 = arith.cmpi ne, %rem3A_3174, %ne3A_3175 : i32
      %lt3A_3177 = arith.constant 0 : i32
      %lt3A_3178 = arith.cmpi slt, %rem3A_3174, %lt3A_3177 : i32
      %lt3A_3179 = arith.constant 0 : i32
      %lt3A_3180 = arith.cmpi slt, %select_n3A_3173, %lt3A_3179 : i32
      %ne3A_3181 = arith.xori %lt3A_3178, %lt3A_3180 : i1
      %and3A_3182 = arith.andi %ne3A_3181, %ne3A_3176 : i1
      %add3A_3183 = arith.addi %rem3A_3174, %select_n3A_3173 : i32
      %select_n3A_3184 = arith.select %and3A_3182, %add3A_3183, %rem3A_3174 : i32
      %broadcast_in_dim3A_3185 = vector.broadcast %select_n3A_3184 : i32 to vector<16xi32>
      %jit3A_3186 = arith.constant 128 : i32
      %eq3A_3187 = arith.constant 0 : i32
      %eq3A_3188 = arith.cmpi eq, %jit3A_3186, %eq3A_3187 : i32
      %jit3A_3189 = arith.constant 1 : i32
      %select_n3A_3190 = arith.select %eq3A_3188, %jit3A_3189, %jit3A_3186 : i32
      %rem3A_3191 = arith.remsi %reduce_sum3A_2176, %select_n3A_3190 : i32
      %ne3A_3192 = arith.constant 0 : i32
      %ne3A_3193 = arith.cmpi ne, %rem3A_3191, %ne3A_3192 : i32
      %lt3A_3194 = arith.constant 0 : i32
      %lt3A_3195 = arith.cmpi slt, %rem3A_3191, %lt3A_3194 : i32
      %lt3A_3196 = arith.constant 0 : i32
      %lt3A_3197 = arith.cmpi slt, %select_n3A_3190, %lt3A_3196 : i32
      %ne3A_3198 = arith.xori %lt3A_3195, %lt3A_3197 : i1
      %and3A_3199 = arith.andi %ne3A_3198, %ne3A_3193 : i1
      %add3A_3200 = arith.addi %rem3A_3191, %select_n3A_3190 : i32
      %select_n3A_3201 = arith.select %and3A_3199, %add3A_3200, %rem3A_3191 : i32
      %broadcast_in_dim3A_3202 = vector.broadcast %select_n3A_3201 : i32 to vector<16xi32>
      %add3A_3203 = arith.constant 256 : i32
      %add3A_3204 = vector.broadcast %add3A_3203 : i32 to vector<16xi32>
      %add3A_3205 = arith.addi %add3A_3204, %iota3A : vector<16xi32>
      %gather3A_3206 = tpu.vector_load_idx %arg11[%add3A_3205, %broadcast_in_dim3A_3185] : memref<512x128xf32, #tpu.memory_space<vmem>>[vector<16xi32>, vector<16xi32>], vector<16xf32>,
      %add3A_3207 = arith.constant 272 : i32
      %add3A_3208 = vector.broadcast %add3A_3207 : i32 to vector<16xi32>
      %add3A_3209 = arith.addi %add3A_3208, %iota3A : vector<16xi32>
      %gather3A_3210 = tpu.vector_load_idx %arg11[%add3A_3209, %broadcast_in_dim3A_3185] : memref<512x128xf32, #tpu.memory_space<vmem>>[vector<16xi32>, vector<16xi32>], vector<16xf32>,
      %add3A_3211 = arith.constant 288 : i32
      %add3A_3212 = vector.broadcast %add3A_3211 : i32 to vector<16xi32>
      %add3A_3213 = arith.addi %add3A_3212, %iota3A : vector<16xi32>
      %gather3A_3214 = tpu.vector_load_idx %arg11[%add3A_3213, %broadcast_in_dim3A_3202] : memref<512x128xf32, #tpu.memory_space<vmem>>[vector<16xi32>, vector<16xi32>], vector<16xf32>,
      %add3A_3215 = arith.constant 304 : i32
      %add3A_3216 = vector.broadcast %add3A_3215 : i32 to vector<16xi32>
      %add3A_3217 = arith.addi %add3A_3216, %iota3A : vector<16xi32>
      %gather3A_3218 = tpu.vector_load_idx %arg11[%add3A_3217, %broadcast_in_dim3A_3202] : memref<512x128xf32, #tpu.memory_space<vmem>>[vector<16xi32>, vector<16xi32>], vector<16xf32>,
      %broadcast_in_dim3A_3219 = arith.constant 8 : i32
      %broadcast_in_dim3A_3220 = vector.broadcast %broadcast_in_dim3A_3219 : i32 to vector<16xi32>
      %gather3A_3221 = tpu.vector_load_idx %arg12[%broadcast_in_dim3A_3220, %broadcast_in_dim3A_3185] : memref<16x128xf32, #tpu.memory_space<vmem>>[vector<16xi32>, vector<16xi32>], vector<16xf32>,
      %broadcast_in_dim3A_3222 = arith.constant 9 : i32
      %broadcast_in_dim3A_3223 = vector.broadcast %broadcast_in_dim3A_3222 : i32 to vector<16xi32>
      %gather3A_3224 = tpu.vector_load_idx %arg12[%broadcast_in_dim3A_3223, %broadcast_in_dim3A_3202] : memref<16x128xf32, #tpu.memory_space<vmem>>[vector<16xi32>, vector<16xi32>], vector<16xf32>,
      %mul3A_3225 = arith.mulf %gather3A_3206, %gather3A_3214 : vector<16xf32>
      %mul3A_3226 = arith.mulf %gather3A_3210, %gather3A_3218 : vector<16xf32>
      %add3A_3227 = arith.addf %mul3A_3225, %mul3A_3226 : vector<16xf32>
      %add3A_3228 = arith.addf %gather3A_3221, %gather3A_3224 : vector<16xf32>
      %select_n3A_3229 = arith.select %eq3A_7, %add3A_3228, %broadcast_in_dim3A_5 : vector<16xi1>, vector<16xf32>
      %add3A_3230 = arith.addf %add3A_3227, %select_n3A_3229 : vector<16xf32>
      %broadcast_in_dim3A_3231 = arith.constant true
      %broadcast_in_dim3A_3232 = vector.broadcast %broadcast_in_dim3A_3231 : i1 to vector<16xi1>
      %masked_cumsum3A_3233 = tpu.scan <sum>, %add3A_3230 masked %broadcast_in_dim3A_3232 : vector<16xf32>, vector<16xi1> -> vector<16xf32>
      %add3A_3234 = arith.constant 4 : i32
      %add3A_3235 = arith.addi %add3A_1728, %add3A_3234 : i32
      %broadcast_in_dim3A_3236 = vector.broadcast %add3A_3235 : i32 to vector<16xi32>
      tpu.vector_store_idx %arg13[%broadcast_in_dim3A_3236], %masked_cumsum3A_3233 masked %eq3A_10 : memref<512xf32, #tpu.memory_space<vmem>>[vector<16xi32>], vector<16xf32>, vector<16xi1>
      %jit3A_3237 = arith.constant 128 : i32
      %eq3A_3238 = arith.constant 0 : i32
      %eq3A_3239 = arith.cmpi eq, %jit3A_3237, %eq3A_3238 : i32
      %jit3A_3240 = arith.constant 1 : i32
      %select_n3A_3241 = arith.select %eq3A_3239, %jit3A_3240, %jit3A_3237 : i32
      %rem3A_3242 = arith.remsi %reduce_sum3A_2276, %select_n3A_3241 : i32
      %ne3A_3243 = arith.constant 0 : i32
      %ne3A_3244 = arith.cmpi ne, %rem3A_3242, %ne3A_3243 : i32
      %lt3A_3245 = arith.constant 0 : i32
      %lt3A_3246 = arith.cmpi slt, %rem3A_3242, %lt3A_3245 : i32
      %lt3A_3247 = arith.constant 0 : i32
      %lt3A_3248 = arith.cmpi slt, %select_n3A_3241, %lt3A_3247 : i32
      %ne3A_3249 = arith.xori %lt3A_3246, %lt3A_3248 : i1
      %and3A_3250 = arith.andi %ne3A_3249, %ne3A_3244 : i1
      %add3A_3251 = arith.addi %rem3A_3242, %select_n3A_3241 : i32
      %select_n3A_3252 = arith.select %and3A_3250, %add3A_3251, %rem3A_3242 : i32
      %broadcast_in_dim3A_3253 = vector.broadcast %select_n3A_3252 : i32 to vector<16xi32>
      %jit3A_3254 = arith.constant 128 : i32
      %eq3A_3255 = arith.constant 0 : i32
      %eq3A_3256 = arith.cmpi eq, %jit3A_3254, %eq3A_3255 : i32
      %jit3A_3257 = arith.constant 1 : i32
      %select_n3A_3258 = arith.select %eq3A_3256, %jit3A_3257, %jit3A_3254 : i32
      %rem3A_3259 = arith.remsi %reduce_sum3A_2284, %select_n3A_3258 : i32
      %ne3A_3260 = arith.constant 0 : i32
      %ne3A_3261 = arith.cmpi ne, %rem3A_3259, %ne3A_3260 : i32
      %lt3A_3262 = arith.constant 0 : i32
      %lt3A_3263 = arith.cmpi slt, %rem3A_3259, %lt3A_3262 : i32
      %lt3A_3264 = arith.constant 0 : i32
      %lt3A_3265 = arith.cmpi slt, %select_n3A_3258, %lt3A_3264 : i32
      %ne3A_3266 = arith.xori %lt3A_3263, %lt3A_3265 : i1
      %and3A_3267 = arith.andi %ne3A_3266, %ne3A_3261 : i1
      %add3A_3268 = arith.addi %rem3A_3259, %select_n3A_3258 : i32
      %select_n3A_3269 = arith.select %and3A_3267, %add3A_3268, %rem3A_3259 : i32
      %broadcast_in_dim3A_3270 = vector.broadcast %select_n3A_3269 : i32 to vector<16xi32>
      %add3A_3271 = arith.constant 320 : i32
      %add3A_3272 = vector.broadcast %add3A_3271 : i32 to vector<16xi32>
      %add3A_3273 = arith.addi %add3A_3272, %iota3A : vector<16xi32>
      %gather3A_3274 = tpu.vector_load_idx %arg11[%add3A_3273, %broadcast_in_dim3A_3253] : memref<512x128xf32, #tpu.memory_space<vmem>>[vector<16xi32>, vector<16xi32>], vector<16xf32>,
      %add3A_3275 = arith.constant 336 : i32
      %add3A_3276 = vector.broadcast %add3A_3275 : i32 to vector<16xi32>
      %add3A_3277 = arith.addi %add3A_3276, %iota3A : vector<16xi32>
      %gather3A_3278 = tpu.vector_load_idx %arg11[%add3A_3277, %broadcast_in_dim3A_3253] : memref<512x128xf32, #tpu.memory_space<vmem>>[vector<16xi32>, vector<16xi32>], vector<16xf32>,
      %add3A_3279 = arith.constant 352 : i32
      %add3A_3280 = vector.broadcast %add3A_3279 : i32 to vector<16xi32>
      %add3A_3281 = arith.addi %add3A_3280, %iota3A : vector<16xi32>
      %gather3A_3282 = tpu.vector_load_idx %arg11[%add3A_3281, %broadcast_in_dim3A_3270] : memref<512x128xf32, #tpu.memory_space<vmem>>[vector<16xi32>, vector<16xi32>], vector<16xf32>,
      %add3A_3283 = arith.constant 368 : i32
      %add3A_3284 = vector.broadcast %add3A_3283 : i32 to vector<16xi32>
      %add3A_3285 = arith.addi %add3A_3284, %iota3A : vector<16xi32>
      %gather3A_3286 = tpu.vector_load_idx %arg11[%add3A_3285, %broadcast_in_dim3A_3270] : memref<512x128xf32, #tpu.memory_space<vmem>>[vector<16xi32>, vector<16xi32>], vector<16xf32>,
      %broadcast_in_dim3A_3287 = arith.constant 10 : i32
      %broadcast_in_dim3A_3288 = vector.broadcast %broadcast_in_dim3A_3287 : i32 to vector<16xi32>
      %gather3A_3289 = tpu.vector_load_idx %arg12[%broadcast_in_dim3A_3288, %broadcast_in_dim3A_3253] : memref<16x128xf32, #tpu.memory_space<vmem>>[vector<16xi32>, vector<16xi32>], vector<16xf32>,
      %broadcast_in_dim3A_3290 = arith.constant 11 : i32
      %broadcast_in_dim3A_3291 = vector.broadcast %broadcast_in_dim3A_3290 : i32 to vector<16xi32>
      %gather3A_3292 = tpu.vector_load_idx %arg12[%broadcast_in_dim3A_3291, %broadcast_in_dim3A_3270] : memref<16x128xf32, #tpu.memory_space<vmem>>[vector<16xi32>, vector<16xi32>], vector<16xf32>,
      %mul3A_3293 = arith.mulf %gather3A_3274, %gather3A_3282 : vector<16xf32>
      %mul3A_3294 = arith.mulf %gather3A_3278, %gather3A_3286 : vector<16xf32>
      %add3A_3295 = arith.addf %mul3A_3293, %mul3A_3294 : vector<16xf32>
      %add3A_3296 = arith.addf %gather3A_3289, %gather3A_3292 : vector<16xf32>
      %select_n3A_3297 = arith.select %eq3A_7, %add3A_3296, %broadcast_in_dim3A_5 : vector<16xi1>, vector<16xf32>
      %add3A_3298 = arith.addf %add3A_3295, %select_n3A_3297 : vector<16xf32>
      %broadcast_in_dim3A_3299 = arith.constant true
      %broadcast_in_dim3A_3300 = vector.broadcast %broadcast_in_dim3A_3299 : i1 to vector<16xi1>
      %masked_cumsum3A_3301 = tpu.scan <sum>, %add3A_3298 masked %broadcast_in_dim3A_3300 : vector<16xf32>, vector<16xi1> -> vector<16xf32>
      %add3A_3302 = arith.constant 5 : i32
      %add3A_3303 = arith.addi %add3A_1728, %add3A_3302 : i32
      %broadcast_in_dim3A_3304 = vector.broadcast %add3A_3303 : i32 to vector<16xi32>
      tpu.vector_store_idx %arg13[%broadcast_in_dim3A_3304], %masked_cumsum3A_3301 masked %eq3A_10 : memref<512xf32, #tpu.memory_space<vmem>>[vector<16xi32>], vector<16xf32>, vector<16xi1>
      %jit3A_3305 = arith.constant 128 : i32
      %eq3A_3306 = arith.constant 0 : i32
      %eq3A_3307 = arith.cmpi eq, %jit3A_3305, %eq3A_3306 : i32
      %jit3A_3308 = arith.constant 1 : i32
      %select_n3A_3309 = arith.select %eq3A_3307, %jit3A_3308, %jit3A_3305 : i32
      %rem3A_3310 = arith.remsi %reduce_sum3A_2384, %select_n3A_3309 : i32
      %ne3A_3311 = arith.constant 0 : i32
      %ne3A_3312 = arith.cmpi ne, %rem3A_3310, %ne3A_3311 : i32
      %lt3A_3313 = arith.constant 0 : i32
      %lt3A_3314 = arith.cmpi slt, %rem3A_3310, %lt3A_3313 : i32
      %lt3A_3315 = arith.constant 0 : i32
      %lt3A_3316 = arith.cmpi slt, %select_n3A_3309, %lt3A_3315 : i32
      %ne3A_3317 = arith.xori %lt3A_3314, %lt3A_3316 : i1
      %and3A_3318 = arith.andi %ne3A_3317, %ne3A_3312 : i1
      %add3A_3319 = arith.addi %rem3A_3310, %select_n3A_3309 : i32
      %select_n3A_3320 = arith.select %and3A_3318, %add3A_3319, %rem3A_3310 : i32
      %broadcast_in_dim3A_3321 = vector.broadcast %select_n3A_3320 : i32 to vector<16xi32>
      %jit3A_3322 = arith.constant 128 : i32
      %eq3A_3323 = arith.constant 0 : i32
      %eq3A_3324 = arith.cmpi eq, %jit3A_3322, %eq3A_3323 : i32
      %jit3A_3325 = arith.constant 1 : i32
      %select_n3A_3326 = arith.select %eq3A_3324, %jit3A_3325, %jit3A_3322 : i32
      %rem3A_3327 = arith.remsi %reduce_sum3A_2392, %select_n3A_3326 : i32
      %ne3A_3328 = arith.constant 0 : i32
      %ne3A_3329 = arith.cmpi ne, %rem3A_3327, %ne3A_3328 : i32
      %lt3A_3330 = arith.constant 0 : i32
      %lt3A_3331 = arith.cmpi slt, %rem3A_3327, %lt3A_3330 : i32
      %lt3A_3332 = arith.constant 0 : i32
      %lt3A_3333 = arith.cmpi slt, %select_n3A_3326, %lt3A_3332 : i32
      %ne3A_3334 = arith.xori %lt3A_3331, %lt3A_3333 : i1
      %and3A_3335 = arith.andi %ne3A_3334, %ne3A_3329 : i1
      %add3A_3336 = arith.addi %rem3A_3327, %select_n3A_3326 : i32
      %select_n3A_3337 = arith.select %and3A_3335, %add3A_3336, %rem3A_3327 : i32
      %broadcast_in_dim3A_3338 = vector.broadcast %select_n3A_3337 : i32 to vector<16xi32>
      %add3A_3339 = arith.constant 384 : i32
      %add3A_3340 = vector.broadcast %add3A_3339 : i32 to vector<16xi32>
      %add3A_3341 = arith.addi %add3A_3340, %iota3A : vector<16xi32>
      %gather3A_3342 = tpu.vector_load_idx %arg11[%add3A_3341, %broadcast_in_dim3A_3321] : memref<512x128xf32, #tpu.memory_space<vmem>>[vector<16xi32>, vector<16xi32>], vector<16xf32>,
      %add3A_3343 = arith.constant 400 : i32
      %add3A_3344 = vector.broadcast %add3A_3343 : i32 to vector<16xi32>
      %add3A_3345 = arith.addi %add3A_3344, %iota3A : vector<16xi32>
      %gather3A_3346 = tpu.vector_load_idx %arg11[%add3A_3345, %broadcast_in_dim3A_3321] : memref<512x128xf32, #tpu.memory_space<vmem>>[vector<16xi32>, vector<16xi32>], vector<16xf32>,
      %add3A_3347 = arith.constant 416 : i32
      %add3A_3348 = vector.broadcast %add3A_3347 : i32 to vector<16xi32>
      %add3A_3349 = arith.addi %add3A_3348, %iota3A : vector<16xi32>
      %gather3A_3350 = tpu.vector_load_idx %arg11[%add3A_3349, %broadcast_in_dim3A_3338] : memref<512x128xf32, #tpu.memory_space<vmem>>[vector<16xi32>, vector<16xi32>], vector<16xf32>,
      %add3A_3351 = arith.constant 432 : i32
      %add3A_3352 = vector.broadcast %add3A_3351 : i32 to vector<16xi32>
      %add3A_3353 = arith.addi %add3A_3352, %iota3A : vector<16xi32>
      %gather3A_3354 = tpu.vector_load_idx %arg11[%add3A_3353, %broadcast_in_dim3A_3338] : memref<512x128xf32, #tpu.memory_space<vmem>>[vector<16xi32>, vector<16xi32>], vector<16xf32>,
      %broadcast_in_dim3A_3355 = arith.constant 12 : i32
      %broadcast_in_dim3A_3356 = vector.broadcast %broadcast_in_dim3A_3355 : i32 to vector<16xi32>
      %gather3A_3357 = tpu.vector_load_idx %arg12[%broadcast_in_dim3A_3356, %broadcast_in_dim3A_3321] : memref<16x128xf32, #tpu.memory_space<vmem>>[vector<16xi32>, vector<16xi32>], vector<16xf32>,
      %broadcast_in_dim3A_3358 = arith.constant 13 : i32
      %broadcast_in_dim3A_3359 = vector.broadcast %broadcast_in_dim3A_3358 : i32 to vector<16xi32>
      %gather3A_3360 = tpu.vector_load_idx %arg12[%broadcast_in_dim3A_3359, %broadcast_in_dim3A_3338] : memref<16x128xf32, #tpu.memory_space<vmem>>[vector<16xi32>, vector<16xi32>], vector<16xf32>,
      %mul3A_3361 = arith.mulf %gather3A_3342, %gather3A_3350 : vector<16xf32>
      %mul3A_3362 = arith.mulf %gather3A_3346, %gather3A_3354 : vector<16xf32>
      %add3A_3363 = arith.addf %mul3A_3361, %mul3A_3362 : vector<16xf32>
      %add3A_3364 = arith.addf %gather3A_3357, %gather3A_3360 : vector<16xf32>
      %select_n3A_3365 = arith.select %eq3A_7, %add3A_3364, %broadcast_in_dim3A_5 : vector<16xi1>, vector<16xf32>
      %add3A_3366 = arith.addf %add3A_3363, %select_n3A_3365 : vector<16xf32>
      %broadcast_in_dim3A_3367 = arith.constant true
      %broadcast_in_dim3A_3368 = vector.broadcast %broadcast_in_dim3A_3367 : i1 to vector<16xi1>
      %masked_cumsum3A_3369 = tpu.scan <sum>, %add3A_3366 masked %broadcast_in_dim3A_3368 : vector<16xf32>, vector<16xi1> -> vector<16xf32>
      %add3A_3370 = arith.constant 6 : i32
      %add3A_3371 = arith.addi %add3A_1728, %add3A_3370 : i32
      %broadcast_in_dim3A_3372 = vector.broadcast %add3A_3371 : i32 to vector<16xi32>
      tpu.vector_store_idx %arg13[%broadcast_in_dim3A_3372], %masked_cumsum3A_3369 masked %eq3A_10 : memref<512xf32, #tpu.memory_space<vmem>>[vector<16xi32>], vector<16xf32>, vector<16xi1>
      %jit3A_3373 = arith.constant 128 : i32
      %eq3A_3374 = arith.constant 0 : i32
      %eq3A_3375 = arith.cmpi eq, %jit3A_3373, %eq3A_3374 : i32
      %jit3A_3376 = arith.constant 1 : i32
      %select_n3A_3377 = arith.select %eq3A_3375, %jit3A_3376, %jit3A_3373 : i32
      %rem3A_3378 = arith.remsi %reduce_sum3A_2492, %select_n3A_3377 : i32
      %ne3A_3379 = arith.constant 0 : i32
      %ne3A_3380 = arith.cmpi ne, %rem3A_3378, %ne3A_3379 : i32
      %lt3A_3381 = arith.constant 0 : i32
      %lt3A_3382 = arith.cmpi slt, %rem3A_3378, %lt3A_3381 : i32
      %lt3A_3383 = arith.constant 0 : i32
      %lt3A_3384 = arith.cmpi slt, %select_n3A_3377, %lt3A_3383 : i32
      %ne3A_3385 = arith.xori %lt3A_3382, %lt3A_3384 : i1
      %and3A_3386 = arith.andi %ne3A_3385, %ne3A_3380 : i1
      %add3A_3387 = arith.addi %rem3A_3378, %select_n3A_3377 : i32
      %select_n3A_3388 = arith.select %and3A_3386, %add3A_3387, %rem3A_3378 : i32
      %broadcast_in_dim3A_3389 = vector.broadcast %select_n3A_3388 : i32 to vector<16xi32>
      %jit3A_3390 = arith.constant 128 : i32
      %eq3A_3391 = arith.constant 0 : i32
      %eq3A_3392 = arith.cmpi eq, %jit3A_3390, %eq3A_3391 : i32
      %jit3A_3393 = arith.constant 1 : i32
      %select_n3A_3394 = arith.select %eq3A_3392, %jit3A_3393, %jit3A_3390 : i32
      %rem3A_3395 = arith.remsi %reduce_sum3A_2500, %select_n3A_3394 : i32
      %ne3A_3396 = arith.constant 0 : i32
      %ne3A_3397 = arith.cmpi ne, %rem3A_3395, %ne3A_3396 : i32
      %lt3A_3398 = arith.constant 0 : i32
      %lt3A_3399 = arith.cmpi slt, %rem3A_3395, %lt3A_3398 : i32
      %lt3A_3400 = arith.constant 0 : i32
      %lt3A_3401 = arith.cmpi slt, %select_n3A_3394, %lt3A_3400 : i32
      %ne3A_3402 = arith.xori %lt3A_3399, %lt3A_3401 : i1
      %and3A_3403 = arith.andi %ne3A_3402, %ne3A_3397 : i1
      %add3A_3404 = arith.addi %rem3A_3395, %select_n3A_3394 : i32
      %select_n3A_3405 = arith.select %and3A_3403, %add3A_3404, %rem3A_3395 : i32
      %broadcast_in_dim3A_3406 = vector.broadcast %select_n3A_3405 : i32 to vector<16xi32>
      %add3A_3407 = arith.constant 448 : i32
      %add3A_3408 = vector.broadcast %add3A_3407 : i32 to vector<16xi32>
      %add3A_3409 = arith.addi %add3A_3408, %iota3A : vector<16xi32>
      %gather3A_3410 = tpu.vector_load_idx %arg11[%add3A_3409, %broadcast_in_dim3A_3389] : memref<512x128xf32, #tpu.memory_space<vmem>>[vector<16xi32>, vector<16xi32>], vector<16xf32>,
      %add3A_3411 = arith.constant 464 : i32
      %add3A_3412 = vector.broadcast %add3A_3411 : i32 to vector<16xi32>
      %add3A_3413 = arith.addi %add3A_3412, %iota3A : vector<16xi32>
      %gather3A_3414 = tpu.vector_load_idx %arg11[%add3A_3413, %broadcast_in_dim3A_3389] : memref<512x128xf32, #tpu.memory_space<vmem>>[vector<16xi32>, vector<16xi32>], vector<16xf32>,
      %add3A_3415 = arith.constant 480 : i32
      %add3A_3416 = vector.broadcast %add3A_3415 : i32 to vector<16xi32>
      %add3A_3417 = arith.addi %add3A_3416, %iota3A : vector<16xi32>
      %gather3A_3418 = tpu.vector_load_idx %arg11[%add3A_3417, %broadcast_in_dim3A_3406] : memref<512x128xf32, #tpu.memory_space<vmem>>[vector<16xi32>, vector<16xi32>], vector<16xf32>,
      %add3A_3419 = arith.constant 496 : i32
      %add3A_3420 = vector.broadcast %add3A_3419 : i32 to vector<16xi32>
      %add3A_3421 = arith.addi %add3A_3420, %iota3A : vector<16xi32>
      %gather3A_3422 = tpu.vector_load_idx %arg11[%add3A_3421, %broadcast_in_dim3A_3406] : memref<512x128xf32, #tpu.memory_space<vmem>>[vector<16xi32>, vector<16xi32>], vector<16xf32>,
      %broadcast_in_dim3A_3423 = arith.constant 14 : i32
      %broadcast_in_dim3A_3424 = vector.broadcast %broadcast_in_dim3A_3423 : i32 to vector<16xi32>
      %gather3A_3425 = tpu.vector_load_idx %arg12[%broadcast_in_dim3A_3424, %broadcast_in_dim3A_3389] : memref<16x128xf32, #tpu.memory_space<vmem>>[vector<16xi32>, vector<16xi32>], vector<16xf32>,
      %broadcast_in_dim3A_3426 = arith.constant 15 : i32
      %broadcast_in_dim3A_3427 = vector.broadcast %broadcast_in_dim3A_3426 : i32 to vector<16xi32>
      %gather3A_3428 = tpu.vector_load_idx %arg12[%broadcast_in_dim3A_3427, %broadcast_in_dim3A_3406] : memref<16x128xf32, #tpu.memory_space<vmem>>[vector<16xi32>, vector<16xi32>], vector<16xf32>,
      %mul3A_3429 = arith.mulf %gather3A_3410, %gather3A_3418 : vector<16xf32>
      %mul3A_3430 = arith.mulf %gather3A_3414, %gather3A_3422 : vector<16xf32>
      %add3A_3431 = arith.addf %mul3A_3429, %mul3A_3430 : vector<16xf32>
      %add3A_3432 = arith.addf %gather3A_3425, %gather3A_3428 : vector<16xf32>
      %select_n3A_3433 = arith.select %eq3A_7, %add3A_3432, %broadcast_in_dim3A_5 : vector<16xi1>, vector<16xf32>
      %add3A_3434 = arith.addf %add3A_3431, %select_n3A_3433 : vector<16xf32>
      %broadcast_in_dim3A_3435 = arith.constant true
      %broadcast_in_dim3A_3436 = vector.broadcast %broadcast_in_dim3A_3435 : i1 to vector<16xi1>
      %masked_cumsum3A_3437 = tpu.scan <sum>, %add3A_3434 masked %broadcast_in_dim3A_3436 : vector<16xf32>, vector<16xi1> -> vector<16xf32>
      %add3A_3438 = arith.constant 7 : i32
      %add3A_3439 = arith.addi %add3A_1728, %add3A_3438 : i32
      %broadcast_in_dim3A_3440 = vector.broadcast %add3A_3439 : i32 to vector<16xi32>
      tpu.vector_store_idx %arg13[%broadcast_in_dim3A_3440], %masked_cumsum3A_3437 masked %eq3A_10 : memref<512xf32, #tpu.memory_space<vmem>>[vector<16xi32>], vector<16xf32>, vector<16xi1>
    }
    %scan3A_15 = arith.constant 32 : i32
    "tpu.region"() ({
      %run_scoped3A = tpu.sem_alloc : memref<!tpu.dma_semaphore, #tpu.memory_space<semaphore_mem>>
      %dma_start3A = tpu.memref_slice %arg8[%mul3A_2] : memref<16384xf32, #tpu.memory_space<hbm>> -> memref<512xf32, #tpu.memory_space<hbm>>
      %dma_start3A_16 = tpu.memref_slice %arg8[%mul3A_2] : memref<16384xf32, #tpu.memory_space<hbm>> -> memref<512xf32, #tpu.memory_space<hbm>>
      tpu.enqueue_dma source(%arg13 : memref<512xf32, #tpu.memory_space<vmem>>) target(%dma_start3A_16 : memref<512xf32, #tpu.memory_space<hbm>>) target_semaphore(%run_scoped3A : memref<!tpu.dma_semaphore, #tpu.memory_space<semaphore_mem>>)
      %dma_wait3A = tpu.memref_slice %arg8[%mul3A_2] : memref<16384xf32, #tpu.memory_space<hbm>> -> memref<512xf32, #tpu.memory_space<hbm>>
      %dma_wait3A_17 = tpu.memref_slice %arg8[%mul3A_2] : memref<16384xf32, #tpu.memory_space<hbm>> -> memref<512xf32, #tpu.memory_space<hbm>>
      tpu.wait_dma2 semaphore(%run_scoped3A : memref<!tpu.dma_semaphore, #tpu.memory_space<semaphore_mem>>) src(%arg13 : memref<512xf32, #tpu.memory_space<vmem>>) dst(%dma_wait3A_17 : memref<512xf32, #tpu.memory_space<hbm>>)
      tpu.yield
    }) : () -> ()
    return
  }
}

</mosaic_0001>

<sc_bundles>
// kernel: kernel.3.cloned.1.call-start
scs
__scs_entry_jumppad:
0x0: {  	(pc) =	sbr.rel $0x88, $3  }
0x1: {  	(tag) =	ssettag $0x0;
	lr =	simm.s32 $0x1  }
0x2: {  	[smem:$0x3F9B] =	sst lr;
	_ =	strace $0xD0000000  }
0x3: {  	_ = 	snop  }
0x4: {  	_ = 	snop  }
0x5: {  	_ = 	snop  }
0x6: {  	_ = 	snop  }
0x7: {  	_ = 	snop  }
__scs_overlays_trampoline_lowered:
0x8: {  	[smem:$0x3FAA] =	sst s0  }
0x9: {  	[smem:$0x3FAB] =	sst s1  }
0xa: {  	[smem:$0x3FAC] =	sst s2  }
0xb: {  	[smem:$0x3FAD] =	sst s3  }
0xc: {  	[smem:$0x3FAE] =	sst s4  }
0xd: {  	[smem:$0x3FAF] =	sst s5  }
0xe: {  	[smem:$0x3FB0] =	sst s6  }
0xf: {  	[smem:$0x3FB1] =	sst s7  }
0x10: {  	[smem:$0x3FB2] =	sst s8  }
0x11: {  	[smem:$0x3FB3] =	sst s9;
	s0 =	simm.s32 @!p0 $0x0  }
0x12: {  	s1 =	sld [smem:$0x3F99];
	s0 =	simm.s32 @p0 $0x1  }
0x13: {  	[smem:$0x3FB4] =	sst s0;
	s0 =	simm.s32 @!p1 $0x0  }
0x14: {  	s2 =	sld [smem:$0x3F98];
	s0 =	simm.s32 @p1 $0x1  }
0x15: {  	[smem:$0x3FB5] =	sst s0;
	s0 =	simm.s32 @!p2 $0x0  }
0x16: {  	s3 =	sld [smem:$0x3FDB];
	s0 =	simm.s32 @p2 $0x1  }
0x17: {  	s4 =	simm.s32 $0x1BF5;
	[smem:$0x3FB7] =	sst s0  }
0x18: {  	s0 =	sld [smem:$0x3F9A];
	_ =	swait.ge [sflag:s4], $0x0  }
0x19: {  	s7 =	sld [smem:$0x3F9B]  }
0x1a: {  	s8 =	sadd.s32 $0xFFFFE003, lr  }
0x1b: {  	s9 =	sadd.s32 $0xFFFFFEF7, lr;
	s5 =	simm.s32 $0xFFFFFFFF;
	p2 =	slt.u32 s8, $0xFFFFF086  }
0x1c: {  	p1 =	slt.u32 s9, $0xF7A;
	s5 =	simm.s32 @!p2 $0x0  }
0x1d: {  	s5 =	simm.s32 @p1 $0x1;
	p0 =	seq.s32 s7, s2  }
0x1e: {  	s7 =	smul.u32 @!p0 $0xF7A, s2;
	p2 =	seq.s32 @!p0 s5, $0x0  }
0x1f: {  	s9 =	smul.u32 $0xF7A, s1;
	s8 =	simm.s32 @!p0 $0x1BF5;
	p2 =	por !p2, p0  }
0x20: {  	[sflag:s8] =	ssyncset.s32 @!p0 $0xFFFFF086;
	s6 =	sadd.s32 @!p0 s3, s7;
	s7 =	simm.s32 @!p0 $0x108  }
0x21: {  	s3 =	sadd.s32 s3, s9;
	s6 =	sadd.s32 @!p0 $0x88, s6;
	s7 =	simm.s32 @p2 $0x1082  }
0x22: {  	[simem:s7], [sflag:s8] =	dma.local @!p0 [hbm:s6], $0xF7A  }
0x23: {  	s9 =	sor.u32 $0xD0000000, s2;
	s6 =	simm.s32 $0x108;
	_ =	swait.ge @!p0 [sflag:s8], $0x0  }
0x24: {  	s3 =	sadd.s32 $0x88, s3;
	s6 =	simm.s32 @!p1 $0x1082;
	[sflag:s4] =	ssyncset.s32 $0xFFFFF086  }
0x25: {  	[simem:s6], [sflag:s4] =	dma.local [hbm:s3], $0xF7A  }
0x26: {  	[smem:$0x3F9B] =	sst s1;
	(tag) =	ssettag s2;
	_ =	strace s9  }
0x27: {  	s1 =	sld [smem:$0x3FAB]  }
0x28: {  	s2 =	sld [smem:$0x3FAC]  }
0x29: {  	s4 =	sld [smem:$0x3FAE]  }
0x2a: {  	p0 =	seq.s32 s5, $0x0;
	s5 =	sld [smem:$0x3FAF]  }
0x2b: {  	s6 =	sld [smem:$0x3FB0]  }
0x2c: {  	s7 =	sld [smem:$0x3FB1]  }
0x2d: {  	s3 =	simm.s32 $0x108;
	s8 =	sld [smem:$0x3FB2]  }
0x2e: {  	s3 =	simm.s32 @!p0 $0x1082;
	s9 =	sld [smem:$0x3FB3]  }
0x2f: {  	lr =	sadd.s32 s0, s3;
	s0 =	sld [smem:$0x3FAA]  }
0x30: {  	s3 =	sld [smem:$0x3FAD]  }
0x31: {  	[smem:$0x3FB6] =	sst s10  }
0x32: {  	s10 =	sld [smem:$0x3FB4];
	_ =	sdelay $0x3  }
0x33: {  	p0 =	seq.s32 s10, $0x1;
	s10 =	sld [smem:$0x3FB6];
	_ =	sdelay $0x3  }
0x34: {  	[smem:$0x3FB6] =	sst s10  }
0x35: {  	s10 =	sld [smem:$0x3FB5];
	_ =	sdelay $0x3  }
0x36: {  	p1 =	seq.s32 s10, $0x1;
	s10 =	sld [smem:$0x3FB6];
	_ =	sdelay $0x3  }
0x37: {  	[smem:$0x3FB6] =	sst s10  }
0x38: {  	s10 =	sld [smem:$0x3FB7]  }
0x39: {  	_ = 	snop;
	(pc) =	sbr.ind lr, $3  }
0x3a: {  	_ = 	snop  }
0x3b: {  	_ = 	snop  }
0x3c: {  	p2 =	seq.s32 s10, $0x1;
	s10 =	sld [smem:$0x3FB6]  }
0x3d: {  	_ =	shalt  }
0x3e: {  	_ =	shalt  }
0x3f: {  	_ =	shalt  }
0x40: {  	_ =	shalt  }
0x41: {  	_ =	shalt  }
0x42: {  	_ =	shalt  }
0x43: {  	_ =	shalt  }
0x44: {  	_ =	shalt  }
0x45: {  	_ =	shalt  }
0x46: {  	_ =	shalt  }
0x47: {  	_ =	shalt  }
0x48: {  	_ =	shalt  }
0x49: {  	_ =	shalt  }
0x4a: {  	_ =	shalt  }
0x4b: {  	_ =	shalt  }
0x4c: {  	_ =	shalt  }
0x4d: {  	_ =	shalt  }
0x4e: {  	_ =	shalt  }
0x4f: {  	_ =	shalt  }
0x50: {  	_ =	shalt  }
0x51: {  	_ =	shalt  }
0x52: {  	_ =	shalt  }
0x53: {  	_ =	shalt  }
0x54: {  	_ =	shalt  }
0x55: {  	_ =	shalt  }
0x56: {  	_ =	shalt  }
0x57: {  	_ =	shalt  }
0x58: {  	_ =	shalt  }
0x59: {  	_ =	shalt  }
0x5a: {  	_ =	shalt  }
0x5b: {  	_ =	shalt  }
0x5c: {  	_ =	shalt  }
0x5d: {  	_ =	shalt  }
0x5e: {  	_ =	shalt  }
0x5f: {  	_ =	shalt  }
0x60: {  	_ =	shalt  }
0x61: {  	_ =	shalt  }
0x62: {  	_ =	shalt  }
0x63: {  	_ =	shalt  }
0x64: {  	_ =	shalt  }
0x65: {  	_ =	shalt  }
0x66: {  	_ =	shalt  }
0x67: {  	_ =	shalt  }
0x68: {  	_ =	shalt  }
0x69: {  	_ =	shalt  }
0x6a: {  	_ =	shalt  }
0x6b: {  	_ =	shalt  }
0x6c: {  	_ =	shalt  }
0x6d: {  	_ =	shalt  }
0x6e: {  	_ =	shalt  }
0x6f: {  	_ =	shalt  }
0x70: {  	_ =	shalt  }
0x71: {  	_ =	shalt  }
0x72: {  	_ =	shalt  }
0x73: {  	_ =	shalt  }
0x74: {  	_ =	shalt  }
0x75: {  	_ =	shalt  }
0x76: {  	_ =	shalt  }
0x77: {  	_ =	shalt  }
0x78: {  	_ =	shalt  }
0x79: {  	_ =	shalt  }
0x7a: {  	_ =	shalt  }
0x7b: {  	_ =	shalt  }
0x7c: {  	_ =	shalt  }
0x7d: {  	_ =	shalt  }
0x7e: {  	_ =	shalt  }
0x7f: {  	_ =	shalt  }
0x80: {  	_ =	shalt  }
0x81: {  	_ =	shalt  }
0x82: {  	_ =	shalt  }
0x83: {  	_ =	shalt  }
0x84: {  	_ =	shalt  }
0x85: {  	_ =	shalt  }
0x86: {  	_ =	shalt  }
0x87: {  	_ =	shalt  }
.Lfunc_end0:
.L_simem_size_0:
called_computation_lowered:
.L_overlay_start_0:
0x88: {  	s2 =	sld [smem:$0x3FD9]  }
0x89: {  	s3 =	sld [smem:$0x3FFE];
	_ =	sdelay $0x1  }
0x8a: {  	s1 =	srdreg.scid  }
0x8b: {  	s0 =	sand.u32 $0x1, s1  }
0x8c: {  	s18 =	sshll.u32 s0, $0xA;
	s2 =	sadd.s32 s3, s2  }
0x8d: {  	s2 =	sadd.s32 s2, s18  }
0x8e: {  	[smem:$0x3FC2] =	sst s2  }
0x8f: {  	_ = 	snop  }
0x90: {  	s2 =	sld [smem:$0x3FC9]  }
0x91: {  	s19 =	sld [smem:$0x3FC8]  }
0x92: {  	s4 =	sld [smem:$0x3FC7]  }
0x93: {  	s5 =	sld [smem:$0x3FC6]  }
0x94: {  	s6 =	sld [smem:$0x3FC5]  }
0x95: {  	s7 =	sld [smem:$0x3FC4]  }
0x96: {  	s8 =	sld [smem:$0x3FD0];
	(tm) =	ssettm $0x1  }
0x97: {  	s9 =	sld [smem:$0x3FFB];
	_ =	sdelay $0x3  }
0x98: {  	_ =	strace s9  }
0x99: {  	s9 =	sld [smem:$0x3FFC];
	_ =	sdelay $0x3  }
0x9a: {  	_ =	strace s9  }
0x9b: {  	s9 =	sld [smem:$0x3FFD];
	_ =	sdelay $0x3  }
0x9c: {  	_ =	strace s9  }
0x9d: {  	_ =	strace $0x8FFFFFFF  }
0x9e: {  	s20 =	sld [smem:$0x3FDB];
	_ =	sdelay $0x1  }
0x9f: {  	s10 =	simm.s32 $_scs_section_size  }
0xa0: {  	s11 =	simm.s32 $_size__tile_overlayer_lowered;
	s12 =	simm.s32 $_tile_overlayer_lowered  }
0xa1: {  	s23 =	simm.s32 $0x1BFF;
	s22 =	sshll.u32 s12, $0x1;
	s9 =	sadd.s32 s10, s20  }
0xa2: {  	s13 =	simm.s32 $0x0;
	s21 =	sshll.u32 s11, $0x1;
	s11 =	sadd.s32 s22, s9  }
0xa3: {  	[timem:s13], [sflag:s23] =	dma.local [hbm:s11], s21  }
0xa4: {  	_ =	swait.ge [sflag:s23], s21  }
0xa5: {  	s10 =	ssub.s32 $0x0, s21;
	[sflag:s23] =	ssyncset.done $0x0  }
0xa6: {  	[sflag:s23] =	ssyncadd.s32 s10;
	_ =	sdelay $0x1  }
0xa7: {  	s24 =	simm.s32 $0x1B8B  }
0xa8: {  	_ =	swait.ge [sflag:s24], $0x1  }
0xa9: {  	[sflag:s24] =	ssyncset.done $0x0  }
0xaa: {  	s25 =	simm.s32 $0x1B8E;
	[sflag:s24] =	ssyncadd.s32 $0xFFFFFFFF  }
0xab: {  	s26 =	simm.s32 $execute0_lowered;
	[smem:$0x3FD2] =	sst s25  }
0xac: {  	s10 =	sshll.u32 s26, $0x1;
	_ =	strace $0x80000046;
	[dreg:$0x1] =	wrdreg $0xFFFFFFFF  }
0xad: {  	s28 =	simm.s32 $_size_execute0_lowered;
	s9 =	sadd.s32 s9, s10;
	[dreg:$0x0] =	wrdreg $0x0  }
0xae: {  	s10 =	sshll.u32 s28, $0x1;
	[dreg:$0x2] =	wrdreg s9  }
0xaf: {  	[dreg:$0x3] =	wrdreg s10  }
0xb0: {  	[dreg:$0x4] =	wrdreg $0xC0  }
0xb1: {  	_ =	task [dreg:s13], $0x5FFFF  }
0xb2: {  	[dreg:$0x1] =	wrdreg $0xFFFFFFFF  }
0xb3: {  	[dreg:$0x0] =	wrdreg $0x60  }
0xb4: {  	[dreg:$0x2] =	wrdreg s2  }
0xb5: {  	[dreg:$0x3] =	wrdreg s19  }
0xb6: {  	[dreg:$0x4] =	wrdreg s4  }
0xb7: {  	[dreg:$0x5] =	wrdreg s5  }
0xb8: {  	[dreg:$0x6] =	wrdreg s6  }
0xb9: {  	[dreg:$0x7] =	wrdreg s7  }
0xba: {  	[dreg:$0x8] =	wrdreg s8  }
0xbb: {  	[dreg:$0x9] =	wrdreg $0x9  }
0xbc: {  	_ =	task.clear_ibuf [dreg:s13], $0xAFFFF;
	_ =	strace $0x90000046  }
0xbd: {  	s29 =	simm.s32 $0x9;
	_ =	strace $0x80000048  }
0xbe: {  	_ =	swait.ge [sflag:s29], $0x1  }
0xbf: {  	[sflag:s29] =	ssyncadd.s32 $0xFFFFFFFF  }
0xc0: {  	_ =	strace $0x90000048  }
0xc1: {  	_ =	sfence  }
0xc2: {  	s30 =	sld [smem:$0x0];
	_ =	sdelay $0x2  }
0xc3: {  	s31 =	sshll.u32 s1, $0xD;
	s1 =	sshrl.u32 s1, $0x2  }
0xc4: {  	s3 =	sand.u32 $0x4000, s31;
	s1 =	sadd.s32 s1, s30  }
0xc5: {  	s0 =	sor.u32 s3, s0;
	s1 =	sshll.u32 s1, $0x11  }
0xc6: {  	s0 =	sor.u32 s1, s0  }
0xc7: {  	s0 =	sadd.s32 $0x8F2B, s0  }
0xc8: {  	[sflag:s0] =	ssyncadd.remote.s32 $0x1  }
0xc9: {  	_ =	sfence.sel $0xFFFF  }
0xca: {  	[dreg:$0x0] =	wrdreg $0xFFFFFFFF;
	(pc) =	sbr.abs _section_cstart, $3  }
0xcb: {  	[dreg:$0x1] =	wrdreg $0xFFFFFFFF  }
0xcc: {  	_ =	task.clear_ibuf [dreg:s13], $0x2FFFF;
	_ =	strace $0x9FFFFFFF  }
0xcd: {  	(tm) =	ssettm $0x7FFFFFFF  }
tec
execute0_lowered:
.L_overlay_start_1:
0x0: {  	(tag) =	ssettag $0x1  }
0x1: {  	s0 =	rddreg [dreg:$0x0]  }
0x2: {  	s5 =	rddreg [dreg:$0x1]  }
0x3: {  	s1 =	rddreg [dreg:$0x2]  }
0x4: {  	s2 =	rddreg [dreg:$0x3]  }
0x5: {  	s3 =	rddreg [dreg:$0x4];
	vm0 =	vmmov $0x1;
	v0 =	vlaneseq.u32;
	vm8 =	vcmask $0x3F3C  }
0x6: {  	s4 =	rddreg [dreg:$0x5];
	vm1 =	vmmov $0x7fff;
	vm4 =	vcmask $0xB10;
	vm5 =	vcmask $0xF14  }
0x7: {  	s7 =	rddreg [dreg:$0x6];
	s6 =	simm.s32 $0x0;
	vm6 =	vcmask $0x1318;
	vm7 =	vcmask $0x171C;
	vm9 =	vcmask $0x1B20  }
0x8: {  	s8 =	srdreg.scid;
	s10 =	stileid.u32;
	s13 =	simm.s32 $0x7A1400;
	vm10 =	vcmask $0x1F24;
	vm11 =	vcmask $0x2328;
	v0 =	vmul.u32 $0x80, v0  }
0x9: {  	s12 =	simm.s32 $0x1;
	s14 =	simm.s32 $0x400;
	s15 =	simm.s32 $0x10400;
	vm12 =	vcmask $0x272C;
	vm13 =	vcmask $0x2B30;
	vm14 =	vcmask $0x2F34  }
0xa: {  	s16 =	simm.s32 $0x10580;
	s17 =	simm.s32 $0x4400;
	s18 =	simm.s32 $0x10600;
	vm15 =	vcmask $0x3338;
	vm2 =	vcmask $0x373C;
	v1 =	vor.u32 $0x800, v0  }
0xb: {  	s19 =	simm.s32 $0x5400;
	s20 =	simm.s32 $0x10680;
	s21 =	simm.s32 $0x6400;
	v2 =	vor.u32 $0x1000, v0;
	v3 =	vor.u32 $0x1800, v0;
	v4 =	vor.u32 $0x2000, v0  }
0xc: {  	s22 =	simm.s32 $0x10700;
	s23 =	simm.s32 $0x7400;
	s24 =	simm.s32 $0x10C00;
	v5 =	vor.u32 $0x2800, v0;
	v6 =	vor.u32 $0x3000, v0;
	v7 =	vor.u32 $0x3800, v0  }
0xd: {  	s25 =	simm.s32 $0x0;
	[smem:$0x7FF] =	sst s6;
	s8 =	sand.u32 $0x1, s8;
	v8 =	vor.u32 $0x4000, v0;
	v9 =	vor.u32 $0x4800, v0;
	v10 =	vor.u32 $0x5000, v0  }
0xe: {  	s10 =	sshll.u32 s10, $0x7;
	s9 =	ssub.s32 $0x2, s8;
	s8 =	sshll.u32 s8, $0x6;
	v11 =	vor.u32 $0x5800, v0;
	v12 =	vor.u32 $0x6000, v0;
	v13 =	vor.u32 $0x6800, v0  }
0xf: {  	_ =	strace $0x80000047;
	s11 =	sshrl.u32 s9, $0x1;
	s8 =	sor.u32 s8, s10;
	v14 =	vor.u32 $0x7000, v0;
	v15 =	vor.u32 $0x7800, v0;
	v16 =	vor.u32 $0x8000, v0  }
0x10: {  	s10 =	simm.s32 $0x10500;
	v17 =	vor.u32 $0x8800, v0;
	v18 =	vor.u32 $0x9000, v0;
	v19 =	vor.u32 $0x9800, v0;
	s9 =	ssub.s32 s9, s11;
	s0 =	sadd.s32 s0, s8  }
0x11: {  	v20 =	vor.u32 $0xA000, v0;
	v21 =	vor.u32 $0xA800, v0;
	v22 =	vor.u32 $0xB000, v0;
	s29 =	sadd.s32 s5, s8;
	s30 =	sadd.s32 s7, s8;
	[dreg:$0x8] =	wrdreg s0  }
0x12: {  	v23 =	vor.u32 $0xB800, v0;
	v24 =	vor.u32 $0xC000, v0;
	v25 =	vor.u32 $0xC800, v0;
	s5 =	simm.s32 $0x2;
	s7 =	simm.s32 $0x1400;
	[dreg:$0x9] =	wrdreg s29  }
0x13: {  	v26 =	vor.u32 $0xD000, v0;
	v27 =	vor.u32 $0xD800, v0;
	v28 =	vor.u32 $0xE000, v0;
	s8 =	simm.s32 $0x10480;
	[dreg:$0xa] =	wrdreg s30;
	s31 =	smax.u32 s9, $0x1  }
0x14: {  	v29 =	vor.u32 $0xE800, v0;
	v30 =	vor.u32 $0xF000, v0;
	v31 =	vor.u32 $0xF800, v0;
	s11 =	simm.s32 $0x3400;
	s9 =	simm.s32 $0x2400;
	[dreg:$0xb] =	wrdreg s31  }
.LBB2_1:
0x15: {  	[dreg:$0xc] =	wrdreg s25  }
0x16: {  	s0 =	rddreg [dreg:$0x8]  }
0x17: {  	[tilespmem:s6], [sflag:$0x2] =	stream.linear.gather [hbm4b:s0+s6], $0x200, $0x38;
	[tilespmem:$0x10E00] =	vst v63  }
0x18: {  	_ =	swait.ge [sflag:s5], $0x200  }
0x19: {  	[sflag:s5] =	ssyncset.done $0x0  }
0x1a: {  	s25 =	simm.s32 $0x200;
	s31 =	rddreg [dreg:$0x9];
	[sflag:s5] =	ssyncadd.s32 $0xFFFFFE00  }
0x1b: {  	[tilespmem:s25], [sflag:$0x2] =	stream.linear.gather [hbm4b:s31+s6], $0x200, $0x38;
	[tilespmem:$0x10E00] =	vst v63  }
0x1c: {  	_ =	swait.ge [sflag:s5], $0x200  }
0x1d: {  	[sflag:s5] =	ssyncset.done $0x0  }
0x1e: {  	s26 =	simm.s32 $0xF;
	s0 =	simm.s32 $0x0;
	[sflag:s5] =	ssyncadd.s32 $0xFFFFFE00  }
.LBB2_2:
0x1f: {  	v33 =	vld [tilespmem:s0+$0x0];
	_ =	sdelay $0x4  }
0x20: {  	v32 =	vnsel vm0, $0x0, v33  }
0x21: {  	(xrf0) =	vadd.scan.msk.s32 $0xffff, v32;
	_ =	sdelay $0x5  }
0x22: {  	v32, _, _ =	vpop (xrf0)  }
0x23: {  	(v2sf) =	vpush v32, $0xF;
	_ =	sdelay $0x1  }
0x24: {  	v32 =	vld [tilespmem:s25+$0x0];
	_ =	sdelay $0x4  }
0x25: {  	v34 =	vnsel vm0, $0x0, v32  }
0x26: {  	(xrf0) =	vadd.scan.msk.s32 $0xffff, v34;
	_ =	sdelay $0x5  }
0x27: {  	v34, _, _ =	vpop (xrf0)  }
0x28: {  	s29 =	spop (v2sf);
	(v2sf) =	vpush v34, $0xF;
	_ =	sdelay $0x1  }
0x29: {  	s5 =	sshra.s32 s29, $0x1F  }
0x2a: {  	[dreg:$0xd] =	wrdreg s0;
	s0 =	sshrl.u32 s5, $0x19  }
0x2b: {  	s0 =	sadd.s32 s0, s29  }
0x2c: {  	s5 =	sand.u32 $0xFFFFFF80, s0  }
0x2d: {  	vm3 =	vcmask $0x308;
	p0 =	slt.s32 s29, $0x1;
	p1 =	sne.s32 s29, s5  }
0x2e: {  	v59 =	vsel vm3, $0x0, v33;
	p0 =	por !p0, !p1  }
0x2f: {  	(xrf0) =	vadd.scan.msk.s32 $0xffff, v59;
	s5 =	simm.s32 $0x1;
	p0 =	por !p0, !p0  }
0x30: {  	s0 =	sshra.s32 s0, $0x7;
	s5 =	simm.s32 @!p0 $0x0  }
0x31: {  	s0 =	ssub.s32 s0, s5  }
0x32: {  	s5 =	sshll.u32 s0, $0x7  }
0x33: {  	s0 =	sshll.u32 s0, $0x4;
	s5 =	sand.u32 $0x1FFFFF80, s5  }
0x34: {  	s0 =	sand.u32 $0x1FFFFFF0, s0;
	s5 =	sadd.s32 s1, s5  }
0x35: {  	v34, _, _ =	vpop (xrf0);
	[tilespmem:s14], [sflag:$0x1] =	stream.strided.gather [hbm4b:s5+s14], $0x1000, s13, s14, $0x38;
	[tilespmem:$0x10E00] =	vst v63  }
0x36: {  	s0 =	sadd.s32 s2, s0;
	s30 =	spop (v2sf);
	(v2sf) =	vpush v34, $0xF  }
0x37: {  	[tilespmem:s15], [sflag:$0x1] =	stream.linear.gather [hbm4b:s0+s6], $0x80, $0x38;
	[tilespmem:$0x10E00] =	vst v63  }
0x38: {  	s28 =	sshra.s32 s30, $0x1F  }
0x39: {  	s0 =	sshrl.u32 s28, $0x19  }
0x3a: {  	s0 =	sadd.s32 s0, s30  }
0x3b: {  	s31 =	sand.u32 $0xFFFFFF80, s0  }
0x3c: {  	p5 =	slt.s32 s30, $0x1;
	p6 =	sne.s32 s30, s31  }
0x3d: {  	v60 =	vsel vm3, $0x0, v32;
	p0 =	por !p5, !p6  }
0x3e: {  	(xrf0) =	vadd.scan.msk.s32 $0xffff, v60;
	s5 =	simm.s32 $0x1;
	p0 =	por !p0, !p0  }
0x3f: {  	s0 =	sshra.s32 s0, $0x7;
	s5 =	simm.s32 @!p0 $0x0  }
0x40: {  	s0 =	ssub.s32 s0, s5  }
0x41: {  	s5 =	sshll.u32 s0, $0x7  }
0x42: {  	s0 =	sshll.u32 s0, $0x4;
	s5 =	sand.u32 $0x1FFFFF80, s5  }
0x43: {  	s0 =	sand.u32 $0x1FFFFFF0, s0;
	s5 =	sadd.s32 s3, s5  }
0x44: {  	v34, _, _ =	vpop (xrf0);
	[tilespmem:s7], [sflag:$0x1] =	stream.strided.gather [hbm4b:s5+s14], $0x1000, s13, s14, $0x38;
	[tilespmem:$0x10E00] =	vst v63  }
0x45: {  	s0 =	sadd.s32 s4, s0;
	s31 =	spop (v2sf);
	(v2sf) =	vpush v34, $0xF  }
0x46: {  	[tilespmem:s8], [sflag:$0x1] =	stream.linear.gather [hbm4b:s0+s6], $0x80, $0x38;
	[tilespmem:$0x10E00] =	vst v63  }
0x47: {  	s5 =	sshra.s32 s31, $0x1F  }
0x48: {  	s0 =	sshrl.u32 s5, $0x19  }
0x49: {  	s0 =	sadd.s32 s0, s31  }
0x4a: {  	s7 =	sand.u32 $0xFFFFFF80, s0  }
0x4b: {  	p1 =	slt.s32 s31, $0x1;
	p2 =	sne.s32 s31, s7  }
0x4c: {  	p0 =	por !p1, !p2  }
0x4d: {  	vm3 =	vcmask $0x70C;
	s5 =	simm.s32 $0x1;
	p0 =	por !p0, !p0  }
0x4e: {  	v61 =	vsel vm3, $0x0, v33;
	s0 =	sshra.s32 s0, $0x7;
	s5 =	simm.s32 @!p0 $0x0  }
0x4f: {  	(xrf0) =	vadd.scan.msk.s32 $0xffff, v61;
	s0 =	ssub.s32 s0, s5  }
0x50: {  	s5 =	sshll.u32 s0, $0x7  }
0x51: {  	s0 =	sshll.u32 s0, $0x4;
	s5 =	sand.u32 $0x1FFFFF80, s5  }
0x52: {  	s8 =	sand.u32 $0x1FFFFFF0, s0;
	s5 =	sadd.s32 s1, s5  }
0x53: {  	[tilespmem:s9], [sflag:$0x1] =	stream.strided.gather [hbm4b:s5+s14], $0x1000, s13, s14, $0x38;
	[tilespmem:$0x10E00] =	vst v63  }
0x54: {  	s5 =	sadd.s32 s2, s8;
	s0 =	spop (v2sf)  }
0x55: {  	v34, _, _ =	vpop (xrf0);
	[tilespmem:s10], [sflag:$0x1] =	stream.linear.gather [hbm4b:s5+s6], $0x80, $0x38;
	[tilespmem:$0x10E00] =	vst v63  }
0x56: {  	(v2sf) =	vpush v34, $0xF;
	s9 =	sshra.s32 s0, $0x1F  }
0x57: {  	s5 =	sshrl.u32 s9, $0x19  }
0x58: {  	s5 =	sadd.s32 s5, s0  }
0x59: {  	s10 =	sand.u32 $0xFFFFFF80, s5  }
0x5a: {  	p3 =	slt.s32 s0, $0x1;
	p4 =	sne.s32 s0, s10  }
0x5b: {  	p0 =	por !p3, !p4  }
0x5c: {  	s7 =	simm.s32 $0x1;
	p0 =	por !p0, !p0  }
0x5d: {  	v62 =	vsel vm3, $0x0, v32;
	s5 =	sshra.s32 s5, $0x7;
	s7 =	simm.s32 @!p0 $0x0  }
0x5e: {  	(xrf0) =	vadd.scan.msk.s32 $0xffff, v62;
	s5 =	ssub.s32 s5, s7  }
0x5f: {  	s7 =	sshll.u32 s5, $0x7  }
0x60: {  	s5 =	sshll.u32 s5, $0x4;
	s7 =	sand.u32 $0x1FFFFF80, s7  }
0x61: {  	s5 =	sand.u32 $0x1FFFFFF0, s5;
	s7 =	sadd.s32 s3, s7  }
0x62: {  	[tilespmem:s11], [sflag:$0x1] =	stream.strided.gather [hbm4b:s7+s14], $0x1000, s13, s14, $0x38;
	[tilespmem:$0x10E00] =	vst v63  }
0x63: {  	s5 =	sadd.s32 s4, s5  }
0x64: {  	v34, _, _ =	vpop (xrf0);
	[tilespmem:s16], [sflag:$0x1] =	stream.linear.gather [hbm4b:s5+s6], $0x80, $0x38;
	[tilespmem:$0x10E00] =	vst v63  }
0x65: {  	s5 =	spop (v2sf);
	(v2sf) =	vpush v34, $0xF  }
0x66: {  	s11 =	sshra.s32 s5, $0x1F  }
0x67: {  	s7 =	sshrl.u32 s11, $0x19  }
0x68: {  	s7 =	sadd.s32 s7, s5  }
0x69: {  	s16 =	sand.u32 $0xFFFFFF80, s7  }
0x6a: {  	p5 =	slt.s32 s5, $0x1;
	p6 =	sne.s32 s5, s16  }
0x6b: {  	p0 =	por !p5, !p6  }
0x6c: {  	s8 =	simm.s32 $0x1;
	p0 =	por !p0, !p0  }
0x6d: {  	s7 =	sshra.s32 s7, $0x7;
	s8 =	simm.s32 @!p0 $0x0  }
0x6e: {  	v63 =	vsel vm4, $0x0, v33;
	s7 =	ssub.s32 s7, s8  }
0x6f: {  	(xrf0) =	vadd.scan.msk.s32 $0xffff, v63;
	s8 =	sshll.u32 s7, $0x7  }
0x70: {  	s8 =	sand.u32 $0x1FFFFF80, s8  }
0x71: {  	s7 =	sshll.u32 s7, $0x4;
	s8 =	sadd.s32 s1, s8  }
0x72: {  	[tilespmem:s17], [sflag:$0x1] =	stream.strided.gather [hbm4b:s8+s14], $0x1000, s13, s14, $0x38;
	[tilespmem:$0x10E00] =	vst v63  }
0x73: {  	s17 =	sand.u32 $0x1FFFFFF0, s7  }
0x74: {  	s8 =	sadd.s32 s2, s17;
	s7 =	spop (v2sf)  }
0x75: {  	v34, _, _ =	vpop (xrf0);
	[tilespmem:s18], [sflag:$0x1] =	stream.linear.gather [hbm4b:s8+s6], $0x80, $0x38;
	[tilespmem:$0x10E00] =	vst v63  }
0x76: {  	(v2sf) =	vpush v34, $0xF;
	s18 =	sshra.s32 s7, $0x1F  }
0x77: {  	s8 =	sshrl.u32 s18, $0x19  }
0x78: {  	s8 =	sadd.s32 s8, s7  }
0x79: {  	s28 =	sand.u32 $0xFFFFFF80, s8  }
0x7a: {  	p1 =	slt.s32 s7, $0x1;
	p2 =	sne.s32 s7, s28  }
0x7b: {  	p0 =	por !p1, !p2  }
0x7c: {  	s9 =	simm.s32 $0x1;
	p0 =	por !p0, !p0  }
0x7d: {  	v36 =	vsel vm4, $0x0, v32;
	s8 =	sshra.s32 s8, $0x7;
	s9 =	simm.s32 @!p0 $0x0  }
0x7e: {  	(xrf0) =	vadd.scan.msk.s32 $0xffff, v36;
	s8 =	ssub.s32 s8, s9  }
0x7f: {  	s9 =	sshll.u32 s8, $0x7  }
0x80: {  	s8 =	sshll.u32 s8, $0x4;
	s9 =	sand.u32 $0x1FFFFF80, s9  }
0x81: {  	s8 =	sand.u32 $0x1FFFFFF0, s8;
	s9 =	sadd.s32 s3, s9  }
0x82: {  	[tilespmem:s19], [sflag:$0x1] =	stream.strided.gather [hbm4b:s9+s14], $0x1000, s13, s14, $0x38;
	[tilespmem:$0x10E00] =	vst v63  }
0x83: {  	s8 =	sadd.s32 s4, s8  }
0x84: {  	v34, _, _ =	vpop (xrf0);
	[tilespmem:s20], [sflag:$0x1] =	stream.linear.gather [hbm4b:s8+s6], $0x80, $0x38;
	[tilespmem:$0x10E00] =	vst v63  }
0x85: {  	s8 =	spop (v2sf);
	(v2sf) =	vpush v34, $0xF;
	_ =	sdelay $0x1  }
0x86: {  	s10 =	sshra.s32 s8, $0x1F  }
0x87: {  	s9 =	sshrl.u32 s10, $0x19  }
0x88: {  	s9 =	sadd.s32 s9, s8  }
0x89: {  	s11 =	sand.u32 $0xFFFFFF80, s9  }
0x8a: {  	p3 =	slt.s32 s8, $0x1;
	p4 =	sne.s32 s8, s11  }
0x8b: {  	p0 =	por !p3, !p4  }
0x8c: {  	s10 =	simm.s32 $0x1;
	p0 =	por !p0, !p0  }
0x8d: {  	v37 =	vsel vm5, $0x0, v33;
	s9 =	sshra.s32 s9, $0x7;
	s10 =	simm.s32 @!p0 $0x0  }
0x8e: {  	(xrf0) =	vadd.scan.msk.s32 $0xffff, v37;
	s9 =	ssub.s32 s9, s10  }
0x8f: {  	s10 =	sshll.u32 s9, $0x7  }
0x90: {  	s9 =	sshll.u32 s9, $0x4;
	s10 =	sand.u32 $0x1FFFFF80, s10  }
0x91: {  	s16 =	sand.u32 $0x1FFFFFF0, s9;
	s10 =	sadd.s32 s1, s10  }
0x92: {  	[tilespmem:s21], [sflag:$0x1] =	stream.strided.gather [hbm4b:s10+s14], $0x1000, s13, s14, $0x38;
	[tilespmem:$0x10E00] =	vst v63  }
0x93: {  	s10 =	sadd.s32 s2, s16;
	s9 =	spop (v2sf)  }
0x94: {  	v34, _, _ =	vpop (xrf0);
	[tilespmem:s22], [sflag:$0x1] =	stream.linear.gather [hbm4b:s10+s6], $0x80, $0x38;
	[tilespmem:$0x10E00] =	vst v63  }
0x95: {  	(v2sf) =	vpush v34, $0xF;
	s17 =	sshra.s32 s9, $0x1F  }
0x96: {  	s10 =	sshrl.u32 s17, $0x19  }
0x97: {  	s10 =	sadd.s32 s10, s9  }
0x98: {  	s18 =	sand.u32 $0xFFFFFF80, s10  }
0x99: {  	p5 =	slt.s32 s9, $0x1;
	p6 =	sne.s32 s9, s18  }
0x9a: {  	p0 =	por !p5, !p6  }
0x9b: {  	s11 =	simm.s32 $0x1;
	p0 =	por !p0, !p0  }
0x9c: {  	v38 =	vsel vm5, $0x0, v32;
	s10 =	sshra.s32 s10, $0x7;
	s11 =	simm.s32 @!p0 $0x0  }
0x9d: {  	(xrf0) =	vadd.scan.msk.s32 $0xffff, v38;
	s10 =	ssub.s32 s10, s11  }
0x9e: {  	s11 =	sshll.u32 s10, $0x7  }
0x9f: {  	s10 =	sshll.u32 s10, $0x4;
	s11 =	sand.u32 $0x1FFFFF80, s11  }
0xa0: {  	s10 =	sand.u32 $0x1FFFFFF0, s10;
	s11 =	sadd.s32 s3, s11  }
0xa1: {  	[tilespmem:s23], [sflag:$0x1] =	stream.strided.gather [hbm4b:s11+s14], $0x1000, s13, s14, $0x38;
	[tilespmem:$0x10E00] =	vst v63  }
0xa2: {  	s19 =	simm.s32 $0x10780;
	s10 =	sadd.s32 s4, s10  }
0xa3: {  	v34, _, _ =	vpop (xrf0);
	[tilespmem:s19], [sflag:$0x1] =	stream.linear.gather [hbm4b:s10+s6], $0x80, $0x38;
	[tilespmem:$0x10E00] =	vst v63  }
0xa4: {  	s10 =	spop (v2sf);
	(v2sf) =	vpush v34, $0xF;
	_ =	sdelay $0x1  }
0xa5: {  	s20 =	sshra.s32 s10, $0x1F  }
0xa6: {  	s11 =	sshrl.u32 s20, $0x19  }
0xa7: {  	s11 =	sadd.s32 s11, s10  }
0xa8: {  	s21 =	sand.u32 $0xFFFFFF80, s11  }
0xa9: {  	p1 =	slt.s32 s10, $0x1;
	p2 =	sne.s32 s10, s21  }
0xaa: {  	p0 =	por !p1, !p2  }
0xab: {  	s16 =	simm.s32 $0x1;
	p0 =	por !p0, !p0  }
0xac: {  	v39 =	vsel vm6, $0x0, v33;
	s11 =	sshra.s32 s11, $0x7;
	s16 =	simm.s32 @!p0 $0x0  }
0xad: {  	(xrf0) =	vadd.scan.msk.s32 $0xffff, v39;
	s11 =	ssub.s32 s11, s16  }
0xae: {  	s16 =	sshll.u32 s11, $0x7  }
0xaf: {  	s11 =	sshll.u32 s11, $0x4;
	s16 =	sand.u32 $0x1FFFFF80, s16  }
0xb0: {  	s22 =	simm.s32 $0x8400;
	s23 =	sand.u32 $0x1FFFFFF0, s11;
	s16 =	sadd.s32 s1, s16  }
0xb1: {  	[tilespmem:s22], [sflag:$0x1] =	stream.strided.gather [hbm4b:s16+s14], $0x1000, s13, s14, $0x38;
	[tilespmem:$0x10E00] =	vst v63  }
0xb2: {  	s28 =	simm.s32 $0x10800;
	s16 =	sadd.s32 s2, s23;
	s11 =	spop (v2sf)  }
0xb3: {  	v34, _, _ =	vpop (xrf0);
	[tilespmem:s28], [sflag:$0x1] =	stream.linear.gather [hbm4b:s16+s6], $0x80, $0x38;
	[tilespmem:$0x10E00] =	vst v63  }
0xb4: {  	(v2sf) =	vpush v34, $0xF;
	s18 =	sshra.s32 s11, $0x1F  }
0xb5: {  	s16 =	sshrl.u32 s18, $0x19  }
0xb6: {  	s16 =	sadd.s32 s16, s11  }
0xb7: {  	s19 =	sand.u32 $0xFFFFFF80, s16  }
0xb8: {  	p3 =	slt.s32 s11, $0x1;
	p4 =	sne.s32 s11, s19  }
0xb9: {  	p0 =	por !p3, !p4  }
0xba: {  	s17 =	simm.s32 $0x1;
	p0 =	por !p0, !p0  }
0xbb: {  	v40 =	vsel vm6, $0x0, v32;
	s16 =	sshra.s32 s16, $0x7;
	s17 =	simm.s32 @!p0 $0x0  }
0xbc: {  	(xrf0) =	vadd.scan.msk.s32 $0xffff, v40;
	s16 =	ssub.s32 s16, s17  }
0xbd: {  	s17 =	sshll.u32 s16, $0x7  }
0xbe: {  	s16 =	sshll.u32 s16, $0x4;
	s17 =	sand.u32 $0x1FFFFF80, s17  }
0xbf: {  	s20 =	simm.s32 $0x9400;
	s16 =	sand.u32 $0x1FFFFFF0, s16;
	s17 =	sadd.s32 s3, s17  }
0xc0: {  	[tilespmem:s20], [sflag:$0x1] =	stream.strided.gather [hbm4b:s17+s14], $0x1000, s13, s14, $0x38;
	[tilespmem:$0x10E00] =	vst v63  }
0xc1: {  	s21 =	simm.s32 $0x10880;
	s16 =	sadd.s32 s4, s16  }
0xc2: {  	v34, _, _ =	vpop (xrf0);
	[tilespmem:s21], [sflag:$0x1] =	stream.linear.gather [hbm4b:s16+s6], $0x80, $0x38;
	[tilespmem:$0x10E00] =	vst v63  }
0xc3: {  	s16 =	spop (v2sf);
	(v2sf) =	vpush v34, $0xF;
	_ =	sdelay $0x1  }
0xc4: {  	s22 =	sshra.s32 s16, $0x1F  }
0xc5: {  	s17 =	sshrl.u32 s22, $0x19  }
0xc6: {  	s17 =	sadd.s32 s17, s16  }
0xc7: {  	s23 =	sand.u32 $0xFFFFFF80, s17  }
0xc8: {  	p5 =	slt.s32 s16, $0x1;
	p6 =	sne.s32 s16, s23  }
0xc9: {  	p0 =	por !p5, !p6  }
0xca: {  	s18 =	simm.s32 $0x1;
	p0 =	por !p0, !p0  }
0xcb: {  	v41 =	vsel vm7, $0x0, v33;
	s17 =	sshra.s32 s17, $0x7;
	s18 =	simm.s32 @!p0 $0x0  }
0xcc: {  	(xrf0) =	vadd.scan.msk.s32 $0xffff, v41;
	s17 =	ssub.s32 s17, s18  }
0xcd: {  	s18 =	sshll.u32 s17, $0x7  }
0xce: {  	s17 =	sshll.u32 s17, $0x4;
	s18 =	sand.u32 $0x1FFFFF80, s18  }
0xcf: {  	s28 =	simm.s32 $0xA400;
	s20 =	sand.u32 $0x1FFFFFF0, s17;
	s18 =	sadd.s32 s1, s18  }
0xd0: {  	[tilespmem:s28], [sflag:$0x1] =	stream.strided.gather [hbm4b:s18+s14], $0x1000, s13, s14, $0x38;
	[tilespmem:$0x10E00] =	vst v63  }
0xd1: {  	s21 =	simm.s32 $0x10900;
	s18 =	sadd.s32 s2, s20;
	s17 =	spop (v2sf)  }
0xd2: {  	v34, _, _ =	vpop (xrf0);
	[tilespmem:s21], [sflag:$0x1] =	stream.linear.gather [hbm4b:s18+s6], $0x80, $0x38;
	[tilespmem:$0x10E00] =	vst v63  }
0xd3: {  	(v2sf) =	vpush v34, $0xF;
	s22 =	sshra.s32 s17, $0x1F  }
0xd4: {  	s18 =	sshrl.u32 s22, $0x19  }
0xd5: {  	s18 =	sadd.s32 s18, s17  }
0xd6: {  	s23 =	sand.u32 $0xFFFFFF80, s18  }
0xd7: {  	p1 =	slt.s32 s17, $0x1;
	p2 =	sne.s32 s17, s23  }
0xd8: {  	p0 =	por !p1, !p2  }
0xd9: {  	s19 =	simm.s32 $0x1;
	p0 =	por !p0, !p0  }
0xda: {  	v42 =	vsel vm7, $0x0, v32;
	s18 =	sshra.s32 s18, $0x7;
	s19 =	simm.s32 @!p0 $0x0  }
0xdb: {  	(xrf0) =	vadd.scan.msk.s32 $0xffff, v42;
	s18 =	ssub.s32 s18, s19  }
0xdc: {  	s19 =	sshll.u32 s18, $0x7  }
0xdd: {  	s18 =	sshll.u32 s18, $0x4;
	s19 =	sand.u32 $0x1FFFFF80, s19  }
0xde: {  	s28 =	simm.s32 $0xB400;
	s18 =	sand.u32 $0x1FFFFFF0, s18;
	s19 =	sadd.s32 s3, s19  }
0xdf: {  	[tilespmem:s28], [sflag:$0x1] =	stream.strided.gather [hbm4b:s19+s14], $0x1000, s13, s14, $0x38;
	[tilespmem:$0x10E00] =	vst v63  }
0xe0: {  	s20 =	simm.s32 $0x10980;
	s18 =	sadd.s32 s4, s18  }
0xe1: {  	v34, _, _ =	vpop (xrf0);
	[tilespmem:s20], [sflag:$0x1] =	stream.linear.gather [hbm4b:s18+s6], $0x80, $0x38;
	[tilespmem:$0x10E00] =	vst v63  }
0xe2: {  	s18 =	spop (v2sf);
	(v2sf) =	vpush v34, $0xF;
	_ =	sdelay $0x1  }
0xe3: {  	s21 =	sshra.s32 s18, $0x1F  }
0xe4: {  	s19 =	sshrl.u32 s21, $0x19  }
0xe5: {  	s19 =	sadd.s32 s19, s18  }
0xe6: {  	s22 =	sand.u32 $0xFFFFFF80, s19  }
0xe7: {  	p3 =	slt.s32 s18, $0x1;
	p4 =	sne.s32 s18, s22  }
0xe8: {  	p0 =	por !p3, !p4  }
0xe9: {  	s20 =	simm.s32 $0x1;
	p0 =	por !p0, !p0  }
0xea: {  	v43 =	vsel vm9, $0x0, v33;
	s19 =	sshra.s32 s19, $0x7;
	s20 =	simm.s32 @!p0 $0x0  }
0xeb: {  	(xrf0) =	vadd.scan.msk.s32 $0xffff, v43;
	s19 =	ssub.s32 s19, s20  }
0xec: {  	s20 =	sshll.u32 s19, $0x7  }
0xed: {  	s19 =	sshll.u32 s19, $0x4;
	s20 =	sand.u32 $0x1FFFFF80, s20  }
0xee: {  	s23 =	simm.s32 $0xC400;
	s19 =	sand.u32 $0x1FFFFFF0, s19;
	s20 =	sadd.s32 s1, s20  }
0xef: {  	[tilespmem:s23], [sflag:$0x1] =	stream.strided.gather [hbm4b:s20+s14], $0x1000, s13, s14, $0x38;
	[tilespmem:$0x10E00] =	vst v63  }
0xf0: {  	s28 =	simm.s32 $0x10A00;
	s19 =	sadd.s32 s2, s19;
	s20 =	spop (v2sf)  }
0xf1: {  	v34, _, _ =	vpop (xrf0);
	[tilespmem:s28], [sflag:$0x1] =	stream.linear.gather [hbm4b:s19+s6], $0x80, $0x38;
	[tilespmem:$0x10E00] =	vst v63  }
0xf2: {  	(v2sf) =	vpush v34, $0xF;
	s21 =	sshra.s32 s20, $0x1F  }
0xf3: {  	s19 =	sshrl.u32 s21, $0x19  }
0xf4: {  	s19 =	sadd.s32 s19, s20  }
0xf5: {  	s22 =	sand.u32 $0xFFFFFF80, s19  }
0xf6: {  	p5 =	slt.s32 s20, $0x1;
	p6 =	sne.s32 s20, s22  }
0xf7: {  	p0 =	por !p5, !p6  }
0xf8: {  	s21 =	simm.s32 $0x1;
	p0 =	por !p0, !p0  }
0xf9: {  	v44 =	vsel vm9, $0x0, v32;
	s19 =	sshra.s32 s19, $0x7;
	s21 =	simm.s32 @!p0 $0x0  }
0xfa: {  	(xrf0) =	vadd.scan.msk.s32 $0xffff, v44;
	s19 =	ssub.s32 s19, s21  }
0xfb: {  	s21 =	sshll.u32 s19, $0x7  }
0xfc: {  	s19 =	sshll.u32 s19, $0x4;
	s21 =	sand.u32 $0x1FFFFF80, s21  }
0xfd: {  	s23 =	simm.s32 $0xD400;
	s19 =	sand.u32 $0x1FFFFFF0, s19;
	s21 =	sadd.s32 s3, s21  }
0xfe: {  	[tilespmem:s23], [sflag:$0x1] =	stream.strided.gather [hbm4b:s21+s14], $0x1000, s13, s14, $0x38;
	[tilespmem:$0x10E00] =	vst v63  }
0xff: {  	s28 =	simm.s32 $0x10A80;
	s19 =	sadd.s32 s4, s19  }
0x100: {  	v34, _, _ =	vpop (xrf0);
	[tilespmem:s28], [sflag:$0x1] =	stream.linear.gather [hbm4b:s19+s6], $0x80, $0x38;
	[tilespmem:$0x10E00] =	vst v63  }
0x101: {  	s19 =	spop (v2sf);
	(v2sf) =	vpush v34, $0xF;
	_ =	sdelay $0x1  }
0x102: {  	s22 =	sshra.s32 s19, $0x1F  }
0x103: {  	s21 =	sshrl.u32 s22, $0x19  }
0x104: {  	s21 =	sadd.s32 s21, s19  }
0x105: {  	s23 =	sand.u32 $0xFFFFFF80, s21  }
0x106: {  	p1 =	slt.s32 s19, $0x1;
	p2 =	sne.s32 s19, s23  }
0x107: {  	p0 =	por !p1, !p2  }
0x108: {  	s22 =	simm.s32 $0x1;
	p0 =	por !p0, !p0  }
0x109: {  	s21 =	sshra.s32 s21, $0x7;
	s22 =	simm.s32 @!p0 $0x0  }
0x10a: {  	s21 =	ssub.s32 s21, s22  }
0x10b: {  	s22 =	sshll.u32 s21, $0x7  }
0x10c: {  	s21 =	sshll.u32 s21, $0x4;
	s22 =	sand.u32 $0x1FFFFF80, s22  }
0x10d: {  	s28 =	simm.s32 $0xE400;
	s23 =	sand.u32 $0x1FFFFFF0, s21;
	s22 =	sadd.s32 s1, s22  }
0x10e: {  	[tilespmem:s28], [sflag:$0x1] =	stream.strided.gather [hbm4b:s22+s14], $0x1000, s13, s14, $0x38;
	[tilespmem:$0x10E00] =	vst v63  }
0x10f: {  	s22 =	sadd.s32 s2, s23;
	s28 =	simm.s32 $0x10B00;
	s21 =	spop (v2sf)  }
0x110: {  	[tilespmem:s28], [sflag:$0x1] =	stream.linear.gather [hbm4b:s22+s6], $0x80, $0x38;
	[tilespmem:$0x10E00] =	vst v63  }
0x111: {  	s23 =	sshra.s32 s21, $0x1F  }
0x112: {  	s22 =	sshrl.u32 s23, $0x19  }
0x113: {  	s22 =	sadd.s32 s22, s21  }
0x114: {  	s28 =	sand.u32 $0xFFFFFF80, s22  }
0x115: {  	p3 =	slt.s32 s21, $0x1;
	p4 =	sne.s32 s21, s28  }
0x116: {  	p0 =	por !p3, !p4  }
0x117: {  	s23 =	simm.s32 $0x1;
	p0 =	por !p0, !p0  }
0x118: {  	s22 =	sshra.s32 s22, $0x7;
	s23 =	simm.s32 @!p0 $0x0  }
0x119: {  	s22 =	ssub.s32 s22, s23  }
0x11a: {  	s23 =	sshll.u32 s22, $0x7  }
0x11b: {  	s22 =	sshll.u32 s22, $0x4;
	s23 =	sand.u32 $0x1FFFFF80, s23  }
0x11c: {  	s28 =	simm.s32 $0xF400;
	s22 =	sand.u32 $0x1FFFFFF0, s22;
	s23 =	sadd.s32 s3, s23  }
0x11d: {  	[tilespmem:s28], [sflag:$0x1] =	stream.strided.gather [hbm4b:s23+s14], $0x1000, s13, s14, $0x38;
	[tilespmem:$0x10E00] =	vst v63  }
0x11e: {  	s22 =	sadd.s32 s4, s22;
	s28 =	simm.s32 $0x10B80  }
0x11f: {  	[tilespmem:s28], [sflag:$0x1] =	stream.linear.gather [hbm4b:s22+s6], $0x80, $0x38;
	[tilespmem:$0x10E00] =	vst v63  }
0x120: {  	_ =	swait.ge [sflag:s12], $0x1000  }
0x121: {  	[sflag:s12] =	ssyncset.done $0x0  }
0x122: {  	[sflag:s12] =	ssyncadd.s32 $0xFFFFF000  }
0x123: {  	_ =	swait.ge [sflag:s12], $0x80  }
0x124: {  	[sflag:s12] =	ssyncset.done $0x0  }
0x125: {  	[sflag:s12] =	ssyncadd.s32 $0xFFFFFF80  }
0x126: {  	_ =	swait.ge [sflag:s12], $0x1000  }
0x127: {  	[sflag:s12] =	ssyncset.done $0x0  }
0x128: {  	[sflag:s12] =	ssyncadd.s32 $0xFFFFF000  }
0x129: {  	_ =	swait.ge [sflag:s12], $0x80  }
0x12a: {  	[sflag:s12] =	ssyncset.done $0x0  }
0x12b: {  	[sflag:s12] =	ssyncadd.s32 $0xFFFFFF80  }
0x12c: {  	_ =	swait.ge [sflag:s12], $0x1000  }
0x12d: {  	[sflag:s12] =	ssyncset.done $0x0  }
0x12e: {  	[sflag:s12] =	ssyncadd.s32 $0xFFFFF000  }
0x12f: {  	_ =	swait.ge [sflag:s12], $0x80  }
0x130: {  	[sflag:s12] =	ssyncset.done $0x0  }
0x131: {  	[sflag:s12] =	ssyncadd.s32 $0xFFFFFF80  }
0x132: {  	_ =	swait.ge [sflag:s12], $0x1000  }
0x133: {  	[sflag:s12] =	ssyncset.done $0x0  }
0x134: {  	[sflag:s12] =	ssyncadd.s32 $0xFFFFF000  }
0x135: {  	_ =	swait.ge [sflag:s12], $0x80  }
0x136: {  	[sflag:s12] =	ssyncset.done $0x0  }
0x137: {  	[sflag:s12] =	ssyncadd.s32 $0xFFFFFF80  }
0x138: {  	_ =	swait.ge [sflag:s12], $0x1000  }
0x139: {  	[sflag:s12] =	ssyncset.done $0x0  }
0x13a: {  	[sflag:s12] =	ssyncadd.s32 $0xFFFFF000  }
0x13b: {  	_ =	swait.ge [sflag:s12], $0x80  }
0x13c: {  	[sflag:s12] =	ssyncset.done $0x0  }
0x13d: {  	[sflag:s12] =	ssyncadd.s32 $0xFFFFFF80  }
0x13e: {  	_ =	swait.ge [sflag:s12], $0x1000  }
0x13f: {  	[sflag:s12] =	ssyncset.done $0x0  }
0x140: {  	[sflag:s12] =	ssyncadd.s32 $0xFFFFF000  }
0x141: {  	_ =	swait.ge [sflag:s12], $0x80  }
0x142: {  	[sflag:s12] =	ssyncset.done $0x0  }
0x143: {  	[sflag:s12] =	ssyncadd.s32 $0xFFFFFF80  }
0x144: {  	_ =	swait.ge [sflag:s12], $0x1000  }
0x145: {  	[sflag:s12] =	ssyncset.done $0x0  }
0x146: {  	[sflag:s12] =	ssyncadd.s32 $0xFFFFF000  }
0x147: {  	_ =	swait.ge [sflag:s12], $0x80  }
0x148: {  	[sflag:s12] =	ssyncset.done $0x0  }
0x149: {  	[sflag:s12] =	ssyncadd.s32 $0xFFFFFF80  }
0x14a: {  	_ =	swait.ge [sflag:s12], $0x1000  }
0x14b: {  	[sflag:s12] =	ssyncset.done $0x0  }
0x14c: {  	[sflag:s12] =	ssyncadd.s32 $0xFFFFF000  }
0x14d: {  	_ =	swait.ge [sflag:s12], $0x80  }
0x14e: {  	[sflag:s12] =	ssyncset.done $0x0  }
0x14f: {  	[sflag:s12] =	ssyncadd.s32 $0xFFFFFF80  }
0x150: {  	_ =	swait.ge [sflag:s12], $0x1000  }
0x151: {  	[sflag:s12] =	ssyncset.done $0x0  }
0x152: {  	[sflag:s12] =	ssyncadd.s32 $0xFFFFF000  }
0x153: {  	_ =	swait.ge [sflag:s12], $0x80  }
0x154: {  	[sflag:s12] =	ssyncset.done $0x0  }
0x155: {  	[sflag:s12] =	ssyncadd.s32 $0xFFFFFF80  }
0x156: {  	_ =	swait.ge [sflag:s12], $0x1000  }
0x157: {  	[sflag:s12] =	ssyncset.done $0x0  }
0x158: {  	[sflag:s12] =	ssyncadd.s32 $0xFFFFF000  }
0x159: {  	_ =	swait.ge [sflag:s12], $0x80  }
0x15a: {  	[sflag:s12] =	ssyncset.done $0x0  }
0x15b: {  	[sflag:s12] =	ssyncadd.s32 $0xFFFFFF80  }
0x15c: {  	_ =	swait.ge [sflag:s12], $0x1000  }
0x15d: {  	[sflag:s12] =	ssyncset.done $0x0  }
0x15e: {  	[sflag:s12] =	ssyncadd.s32 $0xFFFFF000  }
0x15f: {  	_ =	swait.ge [sflag:s12], $0x80  }
0x160: {  	[sflag:s12] =	ssyncset.done $0x0  }
0x161: {  	[sflag:s12] =	ssyncadd.s32 $0xFFFFFF80  }
0x162: {  	_ =	swait.ge [sflag:s12], $0x1000  }
0x163: {  	[sflag:s12] =	ssyncset.done $0x0  }
0x164: {  	[sflag:s12] =	ssyncadd.s32 $0xFFFFF000  }
0x165: {  	_ =	swait.ge [sflag:s12], $0x80  }
0x166: {  	[sflag:s12] =	ssyncset.done $0x0  }
0x167: {  	[sflag:s12] =	ssyncadd.s32 $0xFFFFFF80  }
0x168: {  	_ =	swait.ge [sflag:s12], $0x1000  }
0x169: {  	[sflag:s12] =	ssyncset.done $0x0  }
0x16a: {  	[sflag:s12] =	ssyncadd.s32 $0xFFFFF000  }
0x16b: {  	_ =	swait.ge [sflag:s12], $0x80  }
0x16c: {  	[sflag:s12] =	ssyncset.done $0x0  }
0x16d: {  	[sflag:s12] =	ssyncadd.s32 $0xFFFFFF80  }
0x16e: {  	_ =	swait.ge [sflag:s12], $0x1000  }
0x16f: {  	[sflag:s12] =	ssyncset.done $0x0  }
0x170: {  	[sflag:s12] =	ssyncadd.s32 $0xFFFFF000  }
0x171: {  	_ =	swait.ge [sflag:s12], $0x80  }
0x172: {  	[sflag:s12] =	ssyncset.done $0x0  }
0x173: {  	[sflag:s12] =	ssyncadd.s32 $0xFFFFFF80  }
0x174: {  	_ =	swait.ge [sflag:s12], $0x1000  }
0x175: {  	[sflag:s12] =	ssyncset.done $0x0  }
0x176: {  	[sflag:s12] =	ssyncadd.s32 $0xFFFFF000  }
0x177: {  	_ =	swait.ge [sflag:s12], $0x80  }
0x178: {  	[sflag:s12] =	ssyncset.done $0x0  }
0x179: {  	[sflag:s12] =	ssyncadd.s32 $0xFFFFFF80  }
0x17a: {  	s23 =	sand.u32 $0x7F, s29;
	_ =	swait.ge [sflag:s12], $0x1000  }
0x17b: {  	v45 =	vor.u32 s23, v0;
	[sflag:s12] =	ssyncset.done $0x0  }
0x17c: {  	v35 =	vor.u32 s23, v1;
	s28 =	sand.u32 $0x7F, s30;
	[sflag:s12] =	ssyncadd.s32 $0xFFFFF000  }
0x17d: {  	v36 =	vor.u32 s28, v2;
	_ =	swait.ge [sflag:s12], $0x80  }
0x17e: {  	v37 =	vor.u32 s28, v3;
	[sflag:s12] =	ssyncset.done $0x0  }
0x17f: {  	v38 =	vmov s23;
	v39 =	vmov s28;
	[sflag:s12] =	ssyncadd.s32 $0xFFFFFF80  }
0x180: {  	v39 =	vor.u32 $0x80, v39;
	v34 =	vld.idx.msk [tilespmem:v45+s14+$0x0], $0xffff  }
0x181: {  	v35 =	vld.idx.msk [tilespmem:v35+s14+$0x0], $0xffff  }
0x182: {  	v36 =	vld.idx.msk [tilespmem:v36+s14+$0x0], $0xffff  }
0x183: {  	v37 =	vld.idx.msk [tilespmem:v37+s14+$0x0], $0xffff  }
0x184: {  	v38 =	vld.idx.msk [tilespmem:v38+s15+$0x0], $0xffff  }
0x185: {  	v39 =	vld.idx.msk [tilespmem:v39+s15+$0x0], $0xffff;
	_ =	sdelay $0x3  }
0x186: {  	v34 =	vmul.f32 v36, v34;
	v35 =	vmul.f32 v37, v35  }
0x187: {  	v46 =	vadd.f32 v39, v38  }
0x188: {  	v34 =	vadd.f32 v35, v34  }
0x189: {  	v47 =	vnsel vm0, $0x0, v46  }
0x18a: {  	v34 =	vadd.f32 v47, v34;
	_ =	sdelay $0x1  }
0x18b: {  	(xrf2) =	vadd.scan.msk.f32 $0xffff, v34;
	_ =	sdelay $0x1  }
0x18c: {  	s29 =	sadd.s32 $0xFFFFFFF1, s26  }
0x18d: {  	v48 =	vmov s29  }
0x18e: {  	v34 =	vand.u32 $0xFFFFFFF0, v48  }
0x18f: {  	v34 =	vbroadcast v34, $0x0  }
0x190: {  	s30 =	sand.u32 $0x7F, s31  }
0x191: {  	v49 =	vor.u32 s30, v4  }
0x192: {  	s0 =	sand.u32 $0x7F, s0;
	v50 =	vor.u32 s30, v5  }
0x193: {  	v51 =	vor.u32 s0, v6  }
0x194: {  	v40 =	vor.u32 s0, v7;
	v53 =	vmov s30;
	v52, _, _ =	vpop (xrf2)  }
0x195: {  	v54 =	vmov s0;
	v55 =	vor.u32 $0x100, v53;
	[tilespmem:v34+s24+$0x0] =	vst.idx.msk vm8, v52  }
0x196: {  	v34 =	vor.u32 $0x180, v54;
	v35 =	vld.idx.msk [tilespmem:v49+s14+$0x0], $0xffff  }
0x197: {  	v36 =	vld.idx.msk [tilespmem:v50+s14+$0x0], $0xffff  }
0x198: {  	v37 =	vld.idx.msk [tilespmem:v51+s14+$0x0], $0xffff  }
0x199: {  	v56 =	vld.idx.msk [tilespmem:v40+s14+$0x0], $0xffff  }
0x19a: {  	v38 =	vld.idx.msk [tilespmem:v55+s15+$0x0], $0xffff  }
0x19b: {  	v34 =	vld.idx.msk [tilespmem:v34+s15+$0x0], $0xffff;
	_ =	sdelay $0x3  }
0x19c: {  	v35 =	vmul.f32 v37, v35;
	v36 =	vmul.f32 v56, v36  }
0x19d: {  	v34 =	vadd.f32 v34, v38  }
0x19e: {  	v35 =	vadd.f32 v36, v35  }
0x19f: {  	v34 =	vnsel vm0, $0x0, v34  }
0x1a0: {  	v34 =	vadd.f32 v34, v35;
	_ =	sdelay $0x1  }
0x1a1: {  	(xrf2) =	vadd.scan.msk.f32 $0xffff, v34;
	_ =	sdelay $0x1  }
0x1a2: {  	s31 =	sadd.s32 $0xFFFFFFF2, s26  }
0x1a3: {  	v57 =	vmov s31  }
0x1a4: {  	v34 =	vand.u32 $0xFFFFFFF1, v57  }
0x1a5: {  	v34 =	vbroadcast v34, $0x0  }
0x1a6: {  	s5 =	sand.u32 $0x7F, s5  }
0x1a7: {  	v58 =	vor.u32 s5, v8  }
0x1a8: {  	v59 =	vor.u32 s5, v9;
	s7 =	sand.u32 $0x7F, s7  }
0x1a9: {  	v60 =	vor.u32 s7, v10  }
0x1aa: {  	v62 =	vmov s5;
	v63 =	vor.u32 s7, v11;
	v61, _, _ =	vpop (xrf2)  }
0x1ab: {  	v44 =	vmov s7;
	v45 =	vor.u32 $0x200, v62;
	[tilespmem:v34+s24+$0x0] =	vst.idx.msk vm8, v61  }
0x1ac: {  	v34 =	vor.u32 $0x280, v44;
	v35 =	vld.idx.msk [tilespmem:v58+s14+$0x0], $0xffff  }
0x1ad: {  	v36 =	vld.idx.msk [tilespmem:v59+s14+$0x0], $0xffff  }
0x1ae: {  	v37 =	vld.idx.msk [tilespmem:v60+s14+$0x0], $0xffff  }
0x1af: {  	v46 =	vld.idx.msk [tilespmem:v63+s14+$0x0], $0xffff  }
0x1b0: {  	v38 =	vld.idx.msk [tilespmem:v45+s15+$0x0], $0xffff  }
0x1b1: {  	v34 =	vld.idx.msk [tilespmem:v34+s15+$0x0], $0xffff;
	_ =	sdelay $0x3  }
0x1b2: {  	v35 =	vmul.f32 v37, v35;
	v36 =	vmul.f32 v46, v36  }
0x1b3: {  	v34 =	vadd.f32 v34, v38  }
0x1b4: {  	v35 =	vadd.f32 v36, v35  }
0x1b5: {  	v34 =	vnsel vm0, $0x0, v34  }
0x1b6: {  	v34 =	vadd.f32 v34, v35;
	_ =	sdelay $0x1  }
0x1b7: {  	(xrf2) =	vadd.scan.msk.f32 $0xffff, v34;
	_ =	sdelay $0x1  }
0x1b8: {  	s22 =	sadd.s32 $0xFFFFFFF3, s26  }
0x1b9: {  	v47 =	vmov s22  }
0x1ba: {  	v34 =	vand.u32 $0xFFFFFFF2, v47  }
0x1bb: {  	v34 =	vbroadcast v34, $0x0  }
0x1bc: {  	s23 =	sand.u32 $0x7F, s8  }
0x1bd: {  	v48 =	vor.u32 s23, v12  }
0x1be: {  	s28 =	sand.u32 $0x7F, s9;
	v49 =	vor.u32 s23, v13  }
0x1bf: {  	v50 =	vor.u32 s28, v14  }
0x1c0: {  	v53 =	vor.u32 s28, v15;
	v52 =	vmov s23;
	v51, _, _ =	vpop (xrf2)  }
0x1c1: {  	v54 =	vmov s28;
	v55 =	vor.u32 $0x300, v52;
	[tilespmem:v34+s24+$0x0] =	vst.idx.msk vm8, v51  }
0x1c2: {  	v34 =	vor.u32 $0x380, v54;
	v35 =	vld.idx.msk [tilespmem:v48+s14+$0x0], $0xffff  }
0x1c3: {  	v36 =	vld.idx.msk [tilespmem:v49+s14+$0x0], $0xffff  }
0x1c4: {  	v37 =	vld.idx.msk [tilespmem:v50+s14+$0x0], $0xffff  }
0x1c5: {  	v56 =	vld.idx.msk [tilespmem:v53+s14+$0x0], $0xffff  }
0x1c6: {  	v38 =	vld.idx.msk [tilespmem:v55+s15+$0x0], $0xffff  }
0x1c7: {  	v34 =	vld.idx.msk [tilespmem:v34+s15+$0x0], $0xffff;
	_ =	sdelay $0x3  }
0x1c8: {  	v35 =	vmul.f32 v37, v35;
	v36 =	vmul.f32 v56, v36  }
0x1c9: {  	v34 =	vadd.f32 v34, v38  }
0x1ca: {  	v35 =	vadd.f32 v36, v35  }
0x1cb: {  	v34 =	vnsel vm0, $0x0, v34  }
0x1cc: {  	v34 =	vadd.f32 v34, v35;
	_ =	sdelay $0x1  }
0x1cd: {  	(xrf2) =	vadd.scan.msk.f32 $0xffff, v34;
	_ =	sdelay $0x1  }
0x1ce: {  	s29 =	sadd.s32 $0xFFFFFFF4, s26  }
0x1cf: {  	v57 =	vmov s29  }
0x1d0: {  	v34 =	vand.u32 $0xFFFFFFF3, v57  }
0x1d1: {  	v34 =	vbroadcast v34, $0x0  }
0x1d2: {  	s30 =	sand.u32 $0x7F, s10  }
0x1d3: {  	v58 =	vor.u32 s30, v16  }
0x1d4: {  	s31 =	sand.u32 $0x7F, s11;
	v59 =	vor.u32 s30, v17  }
0x1d5: {  	v60 =	vor.u32 s31, v18  }
0x1d6: {  	v62 =	vmov s30;
	v63 =	vor.u32 s31, v19;
	v61, _, _ =	vpop (xrf2)  }
0x1d7: {  	v44 =	vmov s31;
	v45 =	vor.u32 $0x400, v62;
	[tilespmem:v34+s24+$0x0] =	vst.idx.msk vm8, v61  }
0x1d8: {  	v34 =	vor.u32 $0x480, v44;
	v35 =	vld.idx.msk [tilespmem:v58+s14+$0x0], $0xffff  }
0x1d9: {  	v36 =	vld.idx.msk [tilespmem:v59+s14+$0x0], $0xffff  }
0x1da: {  	v37 =	vld.idx.msk [tilespmem:v60+s14+$0x0], $0xffff  }
0x1db: {  	v46 =	vld.idx.msk [tilespmem:v63+s14+$0x0], $0xffff  }
0x1dc: {  	v38 =	vld.idx.msk [tilespmem:v45+s15+$0x0], $0xffff  }
0x1dd: {  	v34 =	vld.idx.msk [tilespmem:v34+s15+$0x0], $0xffff;
	_ =	sdelay $0x3  }
0x1de: {  	v35 =	vmul.f32 v37, v35;
	v36 =	vmul.f32 v46, v36  }
0x1df: {  	v34 =	vadd.f32 v34, v38  }
0x1e0: {  	v35 =	vadd.f32 v36, v35  }
0x1e1: {  	v34 =	vnsel vm0, $0x0, v34  }
0x1e2: {  	v34 =	vadd.f32 v34, v35;
	_ =	sdelay $0x1  }
0x1e3: {  	(xrf2) =	vadd.scan.msk.f32 $0xffff, v34;
	_ =	sdelay $0x1  }
0x1e4: {  	s7 =	sadd.s32 $0xFFFFFFF5, s26  }
0x1e5: {  	v47 =	vmov s7  }
0x1e6: {  	v34 =	vand.u32 $0xFFFFFFF4, v47  }
0x1e7: {  	v34 =	vbroadcast v34, $0x0  }
0x1e8: {  	s8 =	sand.u32 $0x7F, s16  }
0x1e9: {  	v48 =	vor.u32 s8, v20  }
0x1ea: {  	s9 =	sand.u32 $0x7F, s17;
	v49 =	vor.u32 s8, v21  }
0x1eb: {  	v50 =	vor.u32 s9, v22  }
0x1ec: {  	v52 =	vmov s8;
	v53 =	vor.u32 s9, v23;
	v51, _, _ =	vpop (xrf2)  }
0x1ed: {  	v54 =	vmov s9;
	v55 =	vor.u32 $0x500, v52;
	[tilespmem:v34+s24+$0x0] =	vst.idx.msk vm8, v51  }
0x1ee: {  	v34 =	vor.u32 $0x580, v54;
	v35 =	vld.idx.msk [tilespmem:v48+s14+$0x0], $0xffff  }
0x1ef: {  	v36 =	vld.idx.msk [tilespmem:v49+s14+$0x0], $0xffff  }
0x1f0: {  	v37 =	vld.idx.msk [tilespmem:v50+s14+$0x0], $0xffff  }
0x1f1: {  	v56 =	vld.idx.msk [tilespmem:v53+s14+$0x0], $0xffff  }
0x1f2: {  	v38 =	vld.idx.msk [tilespmem:v55+s15+$0x0], $0xffff  }
0x1f3: {  	v34 =	vld.idx.msk [tilespmem:v34+s15+$0x0], $0xffff;
	_ =	sdelay $0x3  }
0x1f4: {  	v35 =	vmul.f32 v37, v35;
	v36 =	vmul.f32 v56, v36  }
0x1f5: {  	v34 =	vadd.f32 v34, v38  }
0x1f6: {  	v35 =	vadd.f32 v36, v35  }
0x1f7: {  	v34 =	vnsel vm0, $0x0, v34  }
0x1f8: {  	v34 =	vadd.f32 v34, v35;
	_ =	sdelay $0x1  }
0x1f9: {  	(xrf2) =	vadd.scan.msk.f32 $0xffff, v34;
	_ =	sdelay $0x1  }
0x1fa: {  	s10 =	sadd.s32 $0xFFFFFFF6, s26  }
0x1fb: {  	v57 =	vmov s10  }
0x1fc: {  	v34 =	vand.u32 $0xFFFFFFF5, v57  }
0x1fd: {  	v34 =	vbroadcast v34, $0x0  }
0x1fe: {  	s11 =	sand.u32 $0x7F, s18  }
0x1ff: {  	v58 =	vor.u32 s11, v24  }
0x200: {  	s16 =	sand.u32 $0x7F, s20;
	v59 =	vor.u32 s11, v25  }
0x201: {  	v60 =	vor.u32 s16, v26  }
0x202: {  	v62 =	vmov s11;
	v63 =	vor.u32 s16, v27;
	v61, _, _ =	vpop (xrf2)  }
0x203: {  	v42 =	vmov s16;
	v43 =	vor.u32 $0x600, v62;
	[tilespmem:v34+s24+$0x0] =	vst.idx.msk vm8, v61  }
0x204: {  	v34 =	vor.u32 $0x680, v42;
	v35 =	vld.idx.msk [tilespmem:v58+s14+$0x0], $0xffff  }
0x205: {  	v36 =	vld.idx.msk [tilespmem:v59+s14+$0x0], $0xffff  }
0x206: {  	v37 =	vld.idx.msk [tilespmem:v60+s14+$0x0], $0xffff  }
0x207: {  	v44 =	vld.idx.msk [tilespmem:v63+s14+$0x0], $0xffff  }
0x208: {  	v38 =	vld.idx.msk [tilespmem:v43+s15+$0x0], $0xffff  }
0x209: {  	v34 =	vld.idx.msk [tilespmem:v34+s15+$0x0], $0xffff;
	_ =	sdelay $0x3  }
0x20a: {  	v35 =	vmul.f32 v37, v35;
	v36 =	vmul.f32 v44, v36  }
0x20b: {  	v34 =	vadd.f32 v34, v38  }
0x20c: {  	v35 =	vadd.f32 v36, v35  }
0x20d: {  	v34 =	vnsel vm0, $0x0, v34  }
0x20e: {  	v34 =	vadd.f32 v34, v35;
	_ =	sdelay $0x1  }
0x20f: {  	v46 =	vsel vm10, $0x0, v33;
	(xrf2) =	vadd.scan.msk.f32 $0xffff, v34  }
0x210: {  	(xrf0) =	vadd.scan.msk.s32 $0xffff, v46  }
0x211: {  	s17 =	sadd.s32 $0xFFFFFFF7, s26  }
0x212: {  	v45 =	vmov s17  }
0x213: {  	v34 =	vand.u32 $0xFFFFFFF6, v45  }
0x214: {  	v34 =	vbroadcast v34, $0x0  }
0x215: {  	s18 =	sand.u32 $0x7F, s19  }
0x216: {  	v41, _, _ =	vpop (xrf0);
	v47 =	vor.u32 s18, v28  }
0x217: {  	s19 =	sand.u32 $0x7F, s21;
	(v2sf) =	vpush v41, $0xF;
	v48 =	vor.u32 s18, v29  }
0x218: {  	v50 =	vor.u32 s19, v30  }
0x219: {  	v52 =	vor.u32 s19, v31;
	v51 =	vmov s18;
	v49, _, _ =	vpop (xrf2)  }
0x21a: {  	v53 =	vmov s19;
	v54 =	vor.u32 $0x700, v51;
	[tilespmem:v34+s24+$0x0] =	vst.idx.msk vm8, v49  }
0x21b: {  	v34 =	vor.u32 $0x780, v53;
	v35 =	vld.idx.msk [tilespmem:v47+s14+$0x0], $0xffff  }
0x21c: {  	v36 =	vld.idx.msk [tilespmem:v48+s14+$0x0], $0xffff  }
0x21d: {  	v38 =	vld.idx.msk [tilespmem:v50+s14+$0x0], $0xffff  }
0x21e: {  	v56 =	vsel vm10, $0x0, v32;
	v55 =	vld.idx.msk [tilespmem:v52+s14+$0x0], $0xffff  }
0x21f: {  	(xrf0) =	vadd.scan.msk.s32 $0xffff, v56;
	v37 =	vld.idx.msk [tilespmem:v54+s15+$0x0], $0xffff  }
0x220: {  	v34 =	vld.idx.msk [tilespmem:v34+s15+$0x0], $0xffff;
	_ =	sdelay $0x3  }
0x221: {  	v35 =	vmul.f32 v38, v35;
	v36 =	vmul.f32 v55, v36  }
0x222: {  	v57, _, _ =	vpop (xrf0);
	v34 =	vadd.f32 v34, v37  }
0x223: {  	s29 =	spop (v2sf);
	(v2sf) =	vpush v57, $0xF;
	v35 =	vadd.f32 v36, v35  }
0x224: {  	v34 =	vnsel vm0, $0x0, v34  }
0x225: {  	v34 =	vadd.f32 v34, v35;
	_ =	sdelay $0x1  }
0x226: {  	s20 =	sshra.s32 s29, $0x1F;
	(xrf2) =	vadd.scan.msk.f32 $0xffff, v34  }
0x227: {  	s0 =	sshrl.u32 s20, $0x19  }
0x228: {  	s21 =	sadd.s32 $0xFFFFFFF8, s26;
	s0 =	sadd.s32 s0, s29  }
0x229: {  	s22 =	sand.u32 $0xFFFFFF80, s0;
	v58 =	vmov s21  }
0x22a: {  	p5 =	slt.s32 s29, $0x1;
	p6 =	sne.s32 s29, s22;
	v60 =	vsel vm11, $0x0, v33;
	v34 =	vand.u32 $0xFFFFFFF7, v58  }
0x22b: {  	p0 =	por !p5, !p6;
	(xrf0) =	vadd.scan.msk.s32 $0xffff, v60;
	v34 =	vbroadcast v34, $0x0  }
0x22c: {  	s5 =	simm.s32 $0x1;
	p0 =	por !p0, !p0  }
0x22d: {  	s0 =	sshra.s32 s0, $0x7;
	s5 =	simm.s32 @!p0 $0x0  }
0x22e: {  	s0 =	ssub.s32 s0, s5  }
0x22f: {  	s5 =	sshll.u32 s0, $0x7  }
0x230: {  	s0 =	sshll.u32 s0, $0x4;
	s5 =	sand.u32 $0x1FFFFF80, s5;
	v59, _, _ =	vpop (xrf2)  }
0x231: {  	s0 =	sand.u32 $0x1FFFFFF0, s0;
	s5 =	sadd.s32 s1, s5;
	s30 =	spop (v2sf);
	[tilespmem:v34+s24+$0x0] =	vst.idx.msk vm8, v59;
	v34, _, _ =	vpop (xrf0)  }
0x232: {  	[tilespmem:s14], [sflag:$0x1] =	stream.strided.gather [hbm4b:s5+s14], $0x1000, s13, s14, $0x38;
	(v2sf) =	vpush v34, $0xF;
	[tilespmem:$0x10E00] =	vst v63  }
0x233: {  	s0 =	sadd.s32 s2, s0;
	s23 =	sshra.s32 s30, $0x1F  }
0x234: {  	[tilespmem:s15], [sflag:$0x1] =	stream.linear.gather [hbm4b:s0+s6], $0x80, $0x38;
	[tilespmem:$0x10E00] =	vst v63  }
0x235: {  	s0 =	sshrl.u32 s23, $0x19  }
0x236: {  	s0 =	sadd.s32 s0, s30  }
0x237: {  	s28 =	sand.u32 $0xFFFFFF80, s0  }
0x238: {  	p1 =	slt.s32 s30, $0x1;
	p2 =	sne.s32 s30, s28  }
0x239: {  	v61 =	vsel vm11, $0x0, v32;
	p0 =	por !p1, !p2  }
0x23a: {  	(xrf0) =	vadd.scan.msk.s32 $0xffff, v61;
	s5 =	simm.s32 $0x1;
	p0 =	por !p0, !p0  }
0x23b: {  	s0 =	sshra.s32 s0, $0x7;
	s5 =	simm.s32 @!p0 $0x0  }
0x23c: {  	s0 =	ssub.s32 s0, s5  }
0x23d: {  	s5 =	sshll.u32 s0, $0x7  }
0x23e: {  	s0 =	sshll.u32 s0, $0x4;
	s5 =	sand.u32 $0x1FFFFF80, s5  }
0x23f: {  	s31 =	simm.s32 $0x1400;
	s0 =	sand.u32 $0x1FFFFFF0, s0;
	s5 =	sadd.s32 s3, s5  }
0x240: {  	v34, _, _ =	vpop (xrf0);
	[tilespmem:s31], [sflag:$0x1] =	stream.strided.gather [hbm4b:s5+s14], $0x1000, s13, s14, $0x38;
	[tilespmem:$0x10E00] =	vst v63  }
0x241: {  	s8 =	simm.s32 $0x10480;
	s0 =	sadd.s32 s4, s0;
	s31 =	spop (v2sf);
	(v2sf) =	vpush v34, $0xF  }
0x242: {  	[tilespmem:s8], [sflag:$0x1] =	stream.linear.gather [hbm4b:s0+s6], $0x80, $0x38;
	[tilespmem:$0x10E00] =	vst v63  }
0x243: {  	s9 =	sshra.s32 s31, $0x1F  }
0x244: {  	s0 =	sshrl.u32 s9, $0x19  }
0x245: {  	s0 =	sadd.s32 s0, s31  }
0x246: {  	s10 =	sand.u32 $0xFFFFFF80, s0  }
0x247: {  	p3 =	slt.s32 s31, $0x1;
	p4 =	sne.s32 s31, s10  }
0x248: {  	p0 =	por !p3, !p4  }
0x249: {  	s5 =	simm.s32 $0x1;
	p0 =	por !p0, !p0  }
0x24a: {  	v62 =	vsel vm12, $0x0, v33;
	s0 =	sshra.s32 s0, $0x7;
	s5 =	simm.s32 @!p0 $0x0  }
0x24b: {  	(xrf0) =	vadd.scan.msk.s32 $0xffff, v62;
	s0 =	ssub.s32 s0, s5  }
0x24c: {  	s5 =	sshll.u32 s0, $0x7  }
0x24d: {  	s0 =	sshll.u32 s0, $0x4;
	s5 =	sand.u32 $0x1FFFFF80, s5  }
0x24e: {  	s11 =	simm.s32 $0x2400;
	s16 =	sand.u32 $0x1FFFFFF0, s0;
	s5 =	sadd.s32 s1, s5  }
0x24f: {  	[tilespmem:s11], [sflag:$0x1] =	stream.strided.gather [hbm4b:s5+s14], $0x1000, s13, s14, $0x38;
	[tilespmem:$0x10E00] =	vst v63  }
0x250: {  	s17 =	simm.s32 $0x10500;
	s5 =	sadd.s32 s2, s16;
	s0 =	spop (v2sf)  }
0x251: {  	v34, _, _ =	vpop (xrf0);
	[tilespmem:s17], [sflag:$0x1] =	stream.linear.gather [hbm4b:s5+s6], $0x80, $0x38;
	[tilespmem:$0x10E00] =	vst v63  }
0x252: {  	(v2sf) =	vpush v34, $0xF;
	s18 =	sshra.s32 s0, $0x1F  }
0x253: {  	s5 =	sshrl.u32 s18, $0x19  }
0x254: {  	s5 =	sadd.s32 s5, s0  }
0x255: {  	s19 =	sand.u32 $0xFFFFFF80, s5  }
0x256: {  	p5 =	slt.s32 s0, $0x1;
	p6 =	sne.s32 s0, s19  }
0x257: {  	p0 =	por !p5, !p6  }
0x258: {  	s7 =	simm.s32 $0x1;
	p0 =	por !p0, !p0  }
0x259: {  	v63 =	vsel vm12, $0x0, v32;
	s5 =	sshra.s32 s5, $0x7;
	s7 =	simm.s32 @!p0 $0x0  }
0x25a: {  	(xrf0) =	vadd.scan.msk.s32 $0xffff, v63;
	s5 =	ssub.s32 s5, s7  }
0x25b: {  	s7 =	sshll.u32 s5, $0x7  }
0x25c: {  	s5 =	sshll.u32 s5, $0x4;
	s7 =	sand.u32 $0x1FFFFF80, s7  }
0x25d: {  	s20 =	simm.s32 $0x3400;
	s5 =	sand.u32 $0x1FFFFFF0, s5;
	s7 =	sadd.s32 s3, s7  }
0x25e: {  	[tilespmem:s20], [sflag:$0x1] =	stream.strided.gather [hbm4b:s7+s14], $0x1000, s13, s14, $0x38;
	[tilespmem:$0x10E00] =	vst v63  }
0x25f: {  	s21 =	simm.s32 $0x10580;
	s5 =	sadd.s32 s4, s5  }
0x260: {  	v34, _, _ =	vpop (xrf0);
	[tilespmem:s21], [sflag:$0x1] =	stream.linear.gather [hbm4b:s5+s6], $0x80, $0x38;
	[tilespmem:$0x10E00] =	vst v63  }
0x261: {  	s5 =	spop (v2sf);
	(v2sf) =	vpush v34, $0xF;
	_ =	sdelay $0x1  }
0x262: {  	s22 =	sshra.s32 s5, $0x1F  }
0x263: {  	s7 =	sshrl.u32 s22, $0x19  }
0x264: {  	s7 =	sadd.s32 s7, s5  }
0x265: {  	s23 =	sand.u32 $0xFFFFFF80, s7  }
0x266: {  	p1 =	slt.s32 s5, $0x1;
	p2 =	sne.s32 s5, s23  }
0x267: {  	p0 =	por !p1, !p2  }
0x268: {  	s8 =	simm.s32 $0x1;
	p0 =	por !p0, !p0  }
0x269: {  	v36 =	vsel vm13, $0x0, v33;
	s7 =	sshra.s32 s7, $0x7;
	s8 =	simm.s32 @!p0 $0x0  }
0x26a: {  	(xrf0) =	vadd.scan.msk.s32 $0xffff, v36;
	s7 =	ssub.s32 s7, s8  }
0x26b: {  	s8 =	sshll.u32 s7, $0x7  }
0x26c: {  	s7 =	sshll.u32 s7, $0x4;
	s8 =	sand.u32 $0x1FFFFF80, s8  }
0x26d: {  	s28 =	simm.s32 $0x4400;
	s10 =	sand.u32 $0x1FFFFFF0, s7;
	s8 =	sadd.s32 s1, s8  }
0x26e: {  	[tilespmem:s28], [sflag:$0x1] =	stream.strided.gather [hbm4b:s8+s14], $0x1000, s13, s14, $0x38;
	[tilespmem:$0x10E00] =	vst v63  }
0x26f: {  	s11 =	simm.s32 $0x10600;
	s8 =	sadd.s32 s2, s10;
	s7 =	spop (v2sf)  }
0x270: {  	v34, _, _ =	vpop (xrf0);
	[tilespmem:s11], [sflag:$0x1] =	stream.linear.gather [hbm4b:s8+s6], $0x80, $0x38;
	[tilespmem:$0x10E00] =	vst v63  }
0x271: {  	(v2sf) =	vpush v34, $0xF;
	s16 =	sshra.s32 s7, $0x1F  }
0x272: {  	s8 =	sshrl.u32 s16, $0x19  }
0x273: {  	s8 =	sadd.s32 s8, s7  }
0x274: {  	s17 =	sand.u32 $0xFFFFFF80, s8  }
0x275: {  	p3 =	slt.s32 s7, $0x1;
	p4 =	sne.s32 s7, s17  }
0x276: {  	p0 =	por !p3, !p4  }
0x277: {  	s9 =	simm.s32 $0x1;
	p0 =	por !p0, !p0  }
0x278: {  	v37 =	vsel vm13, $0x0, v32;
	s8 =	sshra.s32 s8, $0x7;
	s9 =	simm.s32 @!p0 $0x0  }
0x279: {  	(xrf0) =	vadd.scan.msk.s32 $0xffff, v37;
	s8 =	ssub.s32 s8, s9  }
0x27a: {  	s9 =	sshll.u32 s8, $0x7  }
0x27b: {  	s8 =	sshll.u32 s8, $0x4;
	s9 =	sand.u32 $0x1FFFFF80, s9  }
0x27c: {  	s18 =	simm.s32 $0x5400;
	s8 =	sand.u32 $0x1FFFFFF0, s8;
	s9 =	sadd.s32 s3, s9  }
0x27d: {  	[tilespmem:s18], [sflag:$0x1] =	stream.strided.gather [hbm4b:s9+s14], $0x1000, s13, s14, $0x38;
	[tilespmem:$0x10E00] =	vst v63  }
0x27e: {  	s19 =	simm.s32 $0x10680;
	s8 =	sadd.s32 s4, s8  }
0x27f: {  	v34, _, _ =	vpop (xrf0);
	[tilespmem:s19], [sflag:$0x1] =	stream.linear.gather [hbm4b:s8+s6], $0x80, $0x38;
	[tilespmem:$0x10E00] =	vst v63  }
0x280: {  	s8 =	spop (v2sf);
	(v2sf) =	vpush v34, $0xF;
	_ =	sdelay $0x1  }
0x281: {  	s20 =	sshra.s32 s8, $0x1F  }
0x282: {  	s9 =	sshrl.u32 s20, $0x19  }
0x283: {  	s9 =	sadd.s32 s9, s8  }
0x284: {  	s21 =	sand.u32 $0xFFFFFF80, s9  }
0x285: {  	p5 =	slt.s32 s8, $0x1;
	p6 =	sne.s32 s8, s21  }
0x286: {  	p0 =	por !p5, !p6  }
0x287: {  	s10 =	simm.s32 $0x1;
	p0 =	por !p0, !p0  }
0x288: {  	v38 =	vsel vm14, $0x0, v33;
	s9 =	sshra.s32 s9, $0x7;
	s10 =	simm.s32 @!p0 $0x0  }
0x289: {  	(xrf0) =	vadd.scan.msk.s32 $0xffff, v38;
	s9 =	ssub.s32 s9, s10  }
0x28a: {  	s10 =	sshll.u32 s9, $0x7  }
0x28b: {  	s9 =	sshll.u32 s9, $0x4;
	s10 =	sand.u32 $0x1FFFFF80, s10  }
0x28c: {  	s22 =	simm.s32 $0x6400;
	s23 =	sand.u32 $0x1FFFFFF0, s9;
	s10 =	sadd.s32 s1, s10  }
0x28d: {  	[tilespmem:s22], [sflag:$0x1] =	stream.strided.gather [hbm4b:s10+s14], $0x1000, s13, s14, $0x38;
	[tilespmem:$0x10E00] =	vst v63  }
0x28e: {  	s28 =	simm.s32 $0x10700;
	s10 =	sadd.s32 s2, s23;
	s9 =	spop (v2sf)  }
0x28f: {  	v34, _, _ =	vpop (xrf0);
	[tilespmem:s28], [sflag:$0x1] =	stream.linear.gather [hbm4b:s10+s6], $0x80, $0x38;
	[tilespmem:$0x10E00] =	vst v63  }
0x290: {  	(v2sf) =	vpush v34, $0xF;
	s16 =	sshra.s32 s9, $0x1F  }
0x291: {  	s10 =	sshrl.u32 s16, $0x19  }
0x292: {  	s10 =	sadd.s32 s10, s9  }
0x293: {  	s17 =	sand.u32 $0xFFFFFF80, s10  }
0x294: {  	p1 =	slt.s32 s9, $0x1;
	p2 =	sne.s32 s9, s17  }
0x295: {  	p0 =	por !p1, !p2  }
0x296: {  	s11 =	simm.s32 $0x1;
	p0 =	por !p0, !p0  }
0x297: {  	v39 =	vsel vm14, $0x0, v32;
	s10 =	sshra.s32 s10, $0x7;
	s11 =	simm.s32 @!p0 $0x0  }
0x298: {  	(xrf0) =	vadd.scan.msk.s32 $0xffff, v39;
	s10 =	ssub.s32 s10, s11  }
0x299: {  	s11 =	sshll.u32 s10, $0x7  }
0x29a: {  	s10 =	sshll.u32 s10, $0x4;
	s11 =	sand.u32 $0x1FFFFF80, s11  }
0x29b: {  	s18 =	simm.s32 $0x7400;
	s10 =	sand.u32 $0x1FFFFFF0, s10;
	s11 =	sadd.s32 s3, s11  }
0x29c: {  	[tilespmem:s18], [sflag:$0x1] =	stream.strided.gather [hbm4b:s11+s14], $0x1000, s13, s14, $0x38;
	[tilespmem:$0x10E00] =	vst v63  }
0x29d: {  	s19 =	simm.s32 $0x10780;
	s10 =	sadd.s32 s4, s10  }
0x29e: {  	v34, _, _ =	vpop (xrf0);
	[tilespmem:s19], [sflag:$0x1] =	stream.linear.gather [hbm4b:s10+s6], $0x80, $0x38;
	[tilespmem:$0x10E00] =	vst v63  }
0x29f: {  	s10 =	spop (v2sf);
	(v2sf) =	vpush v34, $0xF;
	_ =	sdelay $0x1  }
0x2a0: {  	s20 =	sshra.s32 s10, $0x1F  }
0x2a1: {  	s11 =	sshrl.u32 s20, $0x19  }
0x2a2: {  	s11 =	sadd.s32 s11, s10  }
0x2a3: {  	s21 =	sand.u32 $0xFFFFFF80, s11  }
0x2a4: {  	p3 =	slt.s32 s10, $0x1;
	p4 =	sne.s32 s10, s21  }
0x2a5: {  	p0 =	por !p3, !p4  }
0x2a6: {  	s16 =	simm.s32 $0x1;
	p0 =	por !p0, !p0  }
0x2a7: {  	v40 =	vsel vm15, $0x0, v33;
	s11 =	sshra.s32 s11, $0x7;
	s16 =	simm.s32 @!p0 $0x0  }
0x2a8: {  	(xrf0) =	vadd.scan.msk.s32 $0xffff, v40;
	s11 =	ssub.s32 s11, s16  }
0x2a9: {  	s16 =	sshll.u32 s11, $0x7  }
0x2aa: {  	s11 =	sshll.u32 s11, $0x4;
	s16 =	sand.u32 $0x1FFFFF80, s16  }
0x2ab: {  	s22 =	simm.s32 $0x8400;
	s23 =	sand.u32 $0x1FFFFFF0, s11;
	s16 =	sadd.s32 s1, s16  }
0x2ac: {  	[tilespmem:s22], [sflag:$0x1] =	stream.strided.gather [hbm4b:s16+s14], $0x1000, s13, s14, $0x38;
	[tilespmem:$0x10E00] =	vst v63  }
0x2ad: {  	s28 =	simm.s32 $0x10800;
	s16 =	sadd.s32 s2, s23;
	s11 =	spop (v2sf)  }
0x2ae: {  	v34, _, _ =	vpop (xrf0);
	[tilespmem:s28], [sflag:$0x1] =	stream.linear.gather [hbm4b:s16+s6], $0x80, $0x38;
	[tilespmem:$0x10E00] =	vst v63  }
0x2af: {  	(v2sf) =	vpush v34, $0xF;
	s18 =	sshra.s32 s11, $0x1F  }
0x2b0: {  	s16 =	sshrl.u32 s18, $0x19  }
0x2b1: {  	s16 =	sadd.s32 s16, s11  }
0x2b2: {  	s19 =	sand.u32 $0xFFFFFF80, s16  }
0x2b3: {  	p5 =	slt.s32 s11, $0x1;
	p6 =	sne.s32 s11, s19  }
0x2b4: {  	p0 =	por !p5, !p6  }
0x2b5: {  	s17 =	simm.s32 $0x1;
	p0 =	por !p0, !p0  }
0x2b6: {  	v41 =	vsel vm15, $0x0, v32;
	s16 =	sshra.s32 s16, $0x7;
	s17 =	simm.s32 @!p0 $0x0  }
0x2b7: {  	(xrf0) =	vadd.scan.msk.s32 $0xffff, v41;
	s16 =	ssub.s32 s16, s17  }
0x2b8: {  	s17 =	sshll.u32 s16, $0x7  }
0x2b9: {  	s16 =	sshll.u32 s16, $0x4;
	s17 =	sand.u32 $0x1FFFFF80, s17  }
0x2ba: {  	s20 =	simm.s32 $0x9400;
	s16 =	sand.u32 $0x1FFFFFF0, s16;
	s17 =	sadd.s32 s3, s17  }
0x2bb: {  	[tilespmem:s20], [sflag:$0x1] =	stream.strided.gather [hbm4b:s17+s14], $0x1000, s13, s14, $0x38;
	[tilespmem:$0x10E00] =	vst v63  }
0x2bc: {  	s21 =	simm.s32 $0x10880;
	s16 =	sadd.s32 s4, s16  }
0x2bd: {  	v34, _, _ =	vpop (xrf0);
	[tilespmem:s21], [sflag:$0x1] =	stream.linear.gather [hbm4b:s16+s6], $0x80, $0x38;
	[tilespmem:$0x10E00] =	vst v63  }
0x2be: {  	s16 =	spop (v2sf);
	(v2sf) =	vpush v34, $0xF;
	_ =	sdelay $0x1  }
0x2bf: {  	s22 =	sshra.s32 s16, $0x1F  }
0x2c0: {  	s17 =	sshrl.u32 s22, $0x19  }
0x2c1: {  	s17 =	sadd.s32 s17, s16  }
0x2c2: {  	s23 =	sand.u32 $0xFFFFFF80, s17  }
0x2c3: {  	p1 =	slt.s32 s16, $0x1;
	p2 =	sne.s32 s16, s23  }
0x2c4: {  	p0 =	por !p1, !p2  }
0x2c5: {  	s18 =	simm.s32 $0x1;
	p0 =	por !p0, !p0  }
0x2c6: {  	v42 =	vsel vm2, $0x0, v33;
	s17 =	sshra.s32 s17, $0x7;
	s18 =	simm.s32 @!p0 $0x0  }
0x2c7: {  	(xrf0) =	vadd.scan.msk.s32 $0xffff, v42;
	s17 =	ssub.s32 s17, s18  }
0x2c8: {  	s18 =	sshll.u32 s17, $0x7  }
0x2c9: {  	s17 =	sshll.u32 s17, $0x4;
	s18 =	sand.u32 $0x1FFFFF80, s18  }
0x2ca: {  	s28 =	simm.s32 $0xA400;
	s19 =	sand.u32 $0x1FFFFFF0, s17;
	s18 =	sadd.s32 s1, s18  }
0x2cb: {  	[tilespmem:s28], [sflag:$0x1] =	stream.strided.gather [hbm4b:s18+s14], $0x1000, s13, s14, $0x38;
	[tilespmem:$0x10E00] =	vst v63  }
0x2cc: {  	s20 =	simm.s32 $0x10900;
	s18 =	sadd.s32 s2, s19;
	s17 =	spop (v2sf)  }
0x2cd: {  	v34, _, _ =	vpop (xrf0);
	[tilespmem:s20], [sflag:$0x1] =	stream.linear.gather [hbm4b:s18+s6], $0x80, $0x38;
	[tilespmem:$0x10E00] =	vst v63  }
0x2ce: {  	(v2sf) =	vpush v34, $0xF;
	s21 =	sshra.s32 s17, $0x1F  }
0x2cf: {  	s18 =	sshrl.u32 s21, $0x19  }
0x2d0: {  	s18 =	sadd.s32 s18, s17  }
0x2d1: {  	s22 =	sand.u32 $0xFFFFFF80, s18  }
0x2d2: {  	p3 =	slt.s32 s17, $0x1;
	p4 =	sne.s32 s17, s22  }
0x2d3: {  	p0 =	por !p3, !p4  }
0x2d4: {  	s19 =	simm.s32 $0x1;
	p0 =	por !p0, !p0  }
0x2d5: {  	v43 =	vsel vm2, $0x0, v32;
	s18 =	sshra.s32 s18, $0x7;
	s19 =	simm.s32 @!p0 $0x0  }
0x2d6: {  	(xrf0) =	vadd.scan.msk.s32 $0xffff, v43;
	s18 =	ssub.s32 s18, s19  }
0x2d7: {  	s19 =	sshll.u32 s18, $0x7  }
0x2d8: {  	s18 =	sshll.u32 s18, $0x4;
	s19 =	sand.u32 $0x1FFFFF80, s19  }
0x2d9: {  	s23 =	simm.s32 $0xB400;
	s18 =	sand.u32 $0x1FFFFFF0, s18;
	s19 =	sadd.s32 s3, s19  }
0x2da: {  	[tilespmem:s23], [sflag:$0x1] =	stream.strided.gather [hbm4b:s19+s14], $0x1000, s13, s14, $0x38;
	[tilespmem:$0x10E00] =	vst v63  }
0x2db: {  	s28 =	simm.s32 $0x10980;
	s18 =	sadd.s32 s4, s18  }
0x2dc: {  	v34, _, _ =	vpop (xrf0);
	[tilespmem:s28], [sflag:$0x1] =	stream.linear.gather [hbm4b:s18+s6], $0x80, $0x38;
	[tilespmem:$0x10E00] =	vst v63  }
0x2dd: {  	s18 =	spop (v2sf);
	(v2sf) =	vpush v34, $0xF;
	_ =	sdelay $0x1  }
0x2de: {  	s20 =	sshra.s32 s18, $0x1F  }
0x2df: {  	s19 =	sshrl.u32 s20, $0x19  }
0x2e0: {  	s19 =	sadd.s32 s19, s18  }
0x2e1: {  	s21 =	sand.u32 $0xFFFFFF80, s19  }
0x2e2: {  	p5 =	slt.s32 s18, $0x1;
	p6 =	sne.s32 s18, s21  }
0x2e3: {  	p0 =	por !p5, !p6  }
0x2e4: {  	s20 =	simm.s32 $0x1;
	p0 =	por !p0, !p0  }
0x2e5: {  	v33 =	vsel vm1, $0x0, v33;
	s19 =	sshra.s32 s19, $0x7;
	s20 =	simm.s32 @!p0 $0x0  }
0x2e6: {  	(xrf0) =	vadd.scan.msk.s32 $0xffff, v33;
	s19 =	ssub.s32 s19, s20  }
0x2e7: {  	s20 =	sshll.u32 s19, $0x7  }
0x2e8: {  	s19 =	sshll.u32 s19, $0x4;
	s20 =	sand.u32 $0x1FFFFF80, s20  }
0x2e9: {  	s22 =	simm.s32 $0xC400;
	s23 =	sand.u32 $0x1FFFFFF0, s19;
	s20 =	sadd.s32 s1, s20  }
0x2ea: {  	[tilespmem:s22], [sflag:$0x1] =	stream.strided.gather [hbm4b:s20+s14], $0x1000, s13, s14, $0x38;
	[tilespmem:$0x10E00] =	vst v63  }
0x2eb: {  	s28 =	simm.s32 $0x10A00;
	s20 =	sadd.s32 s2, s23;
	s19 =	spop (v2sf)  }
0x2ec: {  	v33, _, _ =	vpop (xrf0);
	[tilespmem:s28], [sflag:$0x1] =	stream.linear.gather [hbm4b:s20+s6], $0x80, $0x38;
	[tilespmem:$0x10E00] =	vst v63  }
0x2ed: {  	(v2sf) =	vpush v33, $0xF;
	s21 =	sshra.s32 s19, $0x1F  }
0x2ee: {  	s20 =	sshrl.u32 s21, $0x19  }
0x2ef: {  	s20 =	sadd.s32 s20, s19  }
0x2f0: {  	s22 =	sand.u32 $0xFFFFFF80, s20  }
0x2f1: {  	p1 =	slt.s32 s19, $0x1;
	p2 =	sne.s32 s19, s22  }
0x2f2: {  	p0 =	por !p1, !p2  }
0x2f3: {  	s21 =	simm.s32 $0x1;
	p0 =	por !p0, !p0  }
0x2f4: {  	v32 =	vsel vm1, $0x0, v32;
	s20 =	sshra.s32 s20, $0x7;
	s21 =	simm.s32 @!p0 $0x0  }
0x2f5: {  	(xrf0) =	vadd.scan.msk.s32 $0xffff, v32;
	s20 =	ssub.s32 s20, s21  }
0x2f6: {  	s21 =	sshll.u32 s20, $0x7  }
0x2f7: {  	s20 =	sshll.u32 s20, $0x4;
	s21 =	sand.u32 $0x1FFFFF80, s21  }
0x2f8: {  	s23 =	simm.s32 $0xD400;
	s20 =	sand.u32 $0x1FFFFFF0, s20;
	s21 =	sadd.s32 s3, s21  }
0x2f9: {  	[tilespmem:s23], [sflag:$0x1] =	stream.strided.gather [hbm4b:s21+s14], $0x1000, s13, s14, $0x38;
	[tilespmem:$0x10E00] =	vst v63  }
0x2fa: {  	s28 =	simm.s32 $0x10A80;
	s20 =	sadd.s32 s4, s20  }
0x2fb: {  	v32, _, _ =	vpop (xrf0);
	[tilespmem:s28], [sflag:$0x1] =	stream.linear.gather [hbm4b:s20+s6], $0x80, $0x38;
	[tilespmem:$0x10E00] =	vst v63  }
0x2fc: {  	s20 =	spop (v2sf);
	(v2sf) =	vpush v32, $0xF;
	_ =	sdelay $0x1  }
0x2fd: {  	s22 =	sshra.s32 s20, $0x1F  }
0x2fe: {  	s21 =	sshrl.u32 s22, $0x19  }
0x2ff: {  	s21 =	sadd.s32 s21, s20  }
0x300: {  	s23 =	sand.u32 $0xFFFFFF80, s21  }
0x301: {  	p3 =	slt.s32 s20, $0x1;
	p4 =	sne.s32 s20, s23  }
0x302: {  	p0 =	por !p3, !p4  }
0x303: {  	s22 =	simm.s32 $0x1;
	p0 =	por !p0, !p0  }
0x304: {  	s21 =	sshra.s32 s21, $0x7;
	s22 =	simm.s32 @!p0 $0x0  }
0x305: {  	s21 =	ssub.s32 s21, s22  }
0x306: {  	s22 =	sshll.u32 s21, $0x7  }
0x307: {  	s21 =	sshll.u32 s21, $0x4;
	s22 =	sand.u32 $0x1FFFFF80, s22  }
0x308: {  	s28 =	simm.s32 $0xE400;
	s23 =	sand.u32 $0x1FFFFFF0, s21;
	s22 =	sadd.s32 s1, s22  }
0x309: {  	[tilespmem:s28], [sflag:$0x1] =	stream.strided.gather [hbm4b:s22+s14], $0x1000, s13, s14, $0x38;
	[tilespmem:$0x10E00] =	vst v63  }
0x30a: {  	s22 =	sadd.s32 s2, s23;
	s28 =	simm.s32 $0x10B00;
	s21 =	spop (v2sf)  }
0x30b: {  	[tilespmem:s28], [sflag:$0x1] =	stream.linear.gather [hbm4b:s22+s6], $0x80, $0x38;
	[tilespmem:$0x10E00] =	vst v63  }
0x30c: {  	s23 =	sshra.s32 s21, $0x1F  }
0x30d: {  	s22 =	sshrl.u32 s23, $0x19  }
0x30e: {  	s22 =	sadd.s32 s22, s21  }
0x30f: {  	s28 =	sand.u32 $0xFFFFFF80, s22  }
0x310: {  	p5 =	slt.s32 s21, $0x1;
	p6 =	sne.s32 s21, s28  }
0x311: {  	p0 =	por !p5, !p6  }
0x312: {  	s23 =	simm.s32 $0x1;
	p0 =	por !p0, !p0  }
0x313: {  	s22 =	sshra.s32 s22, $0x7;
	s23 =	simm.s32 @!p0 $0x0  }
0x314: {  	s22 =	ssub.s32 s22, s23  }
0x315: {  	s23 =	sshll.u32 s22, $0x7  }
0x316: {  	s22 =	sshll.u32 s22, $0x4;
	s23 =	sand.u32 $0x1FFFFF80, s23  }
0x317: {  	s28 =	simm.s32 $0xF400;
	s22 =	sand.u32 $0x1FFFFFF0, s22;
	s23 =	sadd.s32 s3, s23  }
0x318: {  	[tilespmem:s28], [sflag:$0x1] =	stream.strided.gather [hbm4b:s23+s14], $0x1000, s13, s14, $0x38;
	[tilespmem:$0x10E00] =	vst v63  }
0x319: {  	s22 =	sadd.s32 s4, s22;
	s28 =	simm.s32 $0x10B80  }
0x31a: {  	[tilespmem:s28], [sflag:$0x1] =	stream.linear.gather [hbm4b:s22+s6], $0x80, $0x38;
	[tilespmem:$0x10E00] =	vst v63  }
0x31b: {  	_ =	swait.ge [sflag:s12], $0x1000  }
0x31c: {  	[sflag:s12] =	ssyncset.done $0x0  }
0x31d: {  	[sflag:s12] =	ssyncadd.s32 $0xFFFFF000  }
0x31e: {  	_ =	swait.ge [sflag:s12], $0x80  }
0x31f: {  	[sflag:s12] =	ssyncset.done $0x0  }
0x320: {  	[sflag:s12] =	ssyncadd.s32 $0xFFFFFF80  }
0x321: {  	_ =	swait.ge [sflag:s12], $0x1000  }
0x322: {  	[sflag:s12] =	ssyncset.done $0x0  }
0x323: {  	[sflag:s12] =	ssyncadd.s32 $0xFFFFF000  }
0x324: {  	_ =	swait.ge [sflag:s12], $0x80  }
0x325: {  	[sflag:s12] =	ssyncset.done $0x0  }
0x326: {  	[sflag:s12] =	ssyncadd.s32 $0xFFFFFF80  }
0x327: {  	_ =	swait.ge [sflag:s12], $0x1000  }
0x328: {  	[sflag:s12] =	ssyncset.done $0x0  }
0x329: {  	[sflag:s12] =	ssyncadd.s32 $0xFFFFF000  }
0x32a: {  	_ =	swait.ge [sflag:s12], $0x80  }
0x32b: {  	[sflag:s12] =	ssyncset.done $0x0  }
0x32c: {  	[sflag:s12] =	ssyncadd.s32 $0xFFFFFF80  }
0x32d: {  	_ =	swait.ge [sflag:s12], $0x1000  }
0x32e: {  	[sflag:s12] =	ssyncset.done $0x0  }
0x32f: {  	[sflag:s12] =	ssyncadd.s32 $0xFFFFF000  }
0x330: {  	_ =	swait.ge [sflag:s12], $0x80  }
0x331: {  	[sflag:s12] =	ssyncset.done $0x0  }
0x332: {  	[sflag:s12] =	ssyncadd.s32 $0xFFFFFF80  }
0x333: {  	_ =	swait.ge [sflag:s12], $0x1000  }
0x334: {  	[sflag:s12] =	ssyncset.done $0x0  }
0x335: {  	[sflag:s12] =	ssyncadd.s32 $0xFFFFF000  }
0x336: {  	_ =	swait.ge [sflag:s12], $0x80  }
0x337: {  	[sflag:s12] =	ssyncset.done $0x0  }
0x338: {  	[sflag:s12] =	ssyncadd.s32 $0xFFFFFF80  }
0x339: {  	_ =	swait.ge [sflag:s12], $0x1000  }
0x33a: {  	[sflag:s12] =	ssyncset.done $0x0  }
0x33b: {  	[sflag:s12] =	ssyncadd.s32 $0xFFFFF000  }
0x33c: {  	_ =	swait.ge [sflag:s12], $0x80  }
0x33d: {  	[sflag:s12] =	ssyncset.done $0x0  }
0x33e: {  	[sflag:s12] =	ssyncadd.s32 $0xFFFFFF80  }
0x33f: {  	_ =	swait.ge [sflag:s12], $0x1000  }
0x340: {  	[sflag:s12] =	ssyncset.done $0x0  }
0x341: {  	[sflag:s12] =	ssyncadd.s32 $0xFFFFF000  }
0x342: {  	_ =	swait.ge [sflag:s12], $0x80  }
0x343: {  	[sflag:s12] =	ssyncset.done $0x0  }
0x344: {  	[sflag:s12] =	ssyncadd.s32 $0xFFFFFF80  }
0x345: {  	_ =	swait.ge [sflag:s12], $0x1000  }
0x346: {  	[sflag:s12] =	ssyncset.done $0x0  }
0x347: {  	[sflag:s12] =	ssyncadd.s32 $0xFFFFF000  }
0x348: {  	_ =	swait.ge [sflag:s12], $0x80  }
0x349: {  	[sflag:s12] =	ssyncset.done $0x0  }
0x34a: {  	[sflag:s12] =	ssyncadd.s32 $0xFFFFFF80  }
0x34b: {  	_ =	swait.ge [sflag:s12], $0x1000  }
0x34c: {  	[sflag:s12] =	ssyncset.done $0x0  }
0x34d: {  	[sflag:s12] =	ssyncadd.s32 $0xFFFFF000  }
0x34e: {  	_ =	swait.ge [sflag:s12], $0x80  }
0x34f: {  	[sflag:s12] =	ssyncset.done $0x0  }
0x350: {  	[sflag:s12] =	ssyncadd.s32 $0xFFFFFF80  }
0x351: {  	_ =	swait.ge [sflag:s12], $0x1000  }
0x352: {  	[sflag:s12] =	ssyncset.done $0x0  }
0x353: {  	[sflag:s12] =	ssyncadd.s32 $0xFFFFF000  }
0x354: {  	_ =	swait.ge [sflag:s12], $0x80  }
0x355: {  	[sflag:s12] =	ssyncset.done $0x0  }
0x356: {  	[sflag:s12] =	ssyncadd.s32 $0xFFFFFF80  }
0x357: {  	_ =	swait.ge [sflag:s12], $0x1000  }
0x358: {  	[sflag:s12] =	ssyncset.done $0x0  }
0x359: {  	[sflag:s12] =	ssyncadd.s32 $0xFFFFF000  }
0x35a: {  	_ =	swait.ge [sflag:s12], $0x80  }
0x35b: {  	[sflag:s12] =	ssyncset.done $0x0  }
0x35c: {  	[sflag:s12] =	ssyncadd.s32 $0xFFFFFF80  }
0x35d: {  	_ =	swait.ge [sflag:s12], $0x1000  }
0x35e: {  	[sflag:s12] =	ssyncset.done $0x0  }
0x35f: {  	[sflag:s12] =	ssyncadd.s32 $0xFFFFF000  }
0x360: {  	_ =	swait.ge [sflag:s12], $0x80  }
0x361: {  	[sflag:s12] =	ssyncset.done $0x0  }
0x362: {  	[sflag:s12] =	ssyncadd.s32 $0xFFFFFF80  }
0x363: {  	_ =	swait.ge [sflag:s12], $0x1000  }
0x364: {  	[sflag:s12] =	ssyncset.done $0x0  }
0x365: {  	[sflag:s12] =	ssyncadd.s32 $0xFFFFF000  }
0x366: {  	_ =	swait.ge [sflag:s12], $0x80  }
0x367: {  	[sflag:s12] =	ssyncset.done $0x0  }
0x368: {  	[sflag:s12] =	ssyncadd.s32 $0xFFFFFF80  }
0x369: {  	_ =	swait.ge [sflag:s12], $0x1000  }
0x36a: {  	[sflag:s12] =	ssyncset.done $0x0  }
0x36b: {  	[sflag:s12] =	ssyncadd.s32 $0xFFFFF000  }
0x36c: {  	_ =	swait.ge [sflag:s12], $0x80  }
0x36d: {  	[sflag:s12] =	ssyncset.done $0x0  }
0x36e: {  	[sflag:s12] =	ssyncadd.s32 $0xFFFFFF80  }
0x36f: {  	_ =	swait.ge [sflag:s12], $0x1000  }
0x370: {  	[sflag:s12] =	ssyncset.done $0x0  }
0x371: {  	[sflag:s12] =	ssyncadd.s32 $0xFFFFF000  }
0x372: {  	_ =	swait.ge [sflag:s12], $0x80  }
0x373: {  	[sflag:s12] =	ssyncset.done $0x0  }
0x374: {  	[sflag:s12] =	ssyncadd.s32 $0xFFFFFF80  }
0x375: {  	s23 =	sand.u32 $0x7F, s29;
	_ =	swait.ge [sflag:s12], $0x1000  }
0x376: {  	v44 =	vor.u32 s23, v0;
	[sflag:s12] =	ssyncset.done $0x0  }
0x377: {  	v45 =	vor.u32 s23, v1;
	s28 =	sand.u32 $0x7F, s30;
	[sflag:s12] =	ssyncadd.s32 $0xFFFFF000  }
0x378: {  	v46 =	vor.u32 s28, v2;
	_ =	swait.ge [sflag:s12], $0x80  }
0x379: {  	v47 =	vor.u32 s28, v3;
	[sflag:s12] =	ssyncset.done $0x0  }
0x37a: {  	v48 =	vmov s23;
	v49 =	vmov s28;
	[sflag:s12] =	ssyncadd.s32 $0xFFFFFF80  }
0x37b: {  	v37 =	vor.u32 $0x80, v49;
	v32 =	vld.idx.msk [tilespmem:v44+s14+$0x0], $0xffff  }
0x37c: {  	v33 =	vld.idx.msk [tilespmem:v45+s14+$0x0], $0xffff  }
0x37d: {  	v34 =	vld.idx.msk [tilespmem:v46+s14+$0x0], $0xffff  }
0x37e: {  	v35 =	vld.idx.msk [tilespmem:v47+s14+$0x0], $0xffff  }
0x37f: {  	v36 =	vld.idx.msk [tilespmem:v48+s15+$0x0], $0xffff  }
0x380: {  	v37 =	vld.idx.msk [tilespmem:v37+s15+$0x0], $0xffff;
	_ =	sdelay $0x3  }
0x381: {  	v32 =	vmul.f32 v34, v32;
	v33 =	vmul.f32 v35, v33  }
0x382: {  	v50 =	vadd.f32 v37, v36  }
0x383: {  	v32 =	vadd.f32 v33, v32  }
0x384: {  	v51 =	vnsel vm0, $0x0, v50  }
0x385: {  	v32 =	vadd.f32 v51, v32;
	_ =	sdelay $0x1  }
0x386: {  	(xrf2) =	vadd.scan.msk.f32 $0xffff, v32;
	_ =	sdelay $0x1  }
0x387: {  	s29 =	sadd.s32 $0xFFFFFFF9, s26  }
0x388: {  	v52 =	vmov s29  }
0x389: {  	v32 =	vand.u32 $0xFFFFFFF8, v52  }
0x38a: {  	v32 =	vbroadcast v32, $0x0  }
0x38b: {  	s30 =	sand.u32 $0x7F, s31  }
0x38c: {  	v53 =	vor.u32 s30, v4  }
0x38d: {  	s0 =	sand.u32 $0x7F, s0;
	v54 =	vor.u32 s30, v5  }
0x38e: {  	v55 =	vor.u32 s0, v6  }
0x38f: {  	v58 =	vor.u32 s0, v7;
	v56 =	vmov s30;
	v57, _, _ =	vpop (xrf2)  }
0x390: {  	v59 =	vmov s0;
	v36 =	vor.u32 $0x100, v56;
	[tilespmem:v32+s24+$0x0] =	vst.idx.msk vm8, v57  }
0x391: {  	v32 =	vor.u32 $0x180, v59;
	v33 =	vld.idx.msk [tilespmem:v53+s14+$0x0], $0xffff  }
0x392: {  	v34 =	vld.idx.msk [tilespmem:v54+s14+$0x0], $0xffff  }
0x393: {  	v35 =	vld.idx.msk [tilespmem:v55+s14+$0x0], $0xffff  }
0x394: {  	v37 =	vld.idx.msk [tilespmem:v58+s14+$0x0], $0xffff  }
0x395: {  	v36 =	vld.idx.msk [tilespmem:v36+s15+$0x0], $0xffff  }
0x396: {  	v32 =	vld.idx.msk [tilespmem:v32+s15+$0x0], $0xffff;
	_ =	sdelay $0x3  }
0x397: {  	v33 =	vmul.f32 v35, v33;
	v34 =	vmul.f32 v37, v34  }
0x398: {  	v32 =	vadd.f32 v32, v36  }
0x399: {  	v33 =	vadd.f32 v34, v33  }
0x39a: {  	v32 =	vnsel vm0, $0x0, v32  }
0x39b: {  	v32 =	vadd.f32 v32, v33;
	_ =	sdelay $0x1  }
0x39c: {  	(xrf2) =	vadd.scan.msk.f32 $0xffff, v32;
	_ =	sdelay $0x1  }
0x39d: {  	s31 =	sadd.s32 $0xFFFFFFFA, s26  }
0x39e: {  	v60 =	vmov s31  }
0x39f: {  	v32 =	vand.u32 $0xFFFFFFF9, v60  }
0x3a0: {  	v32 =	vbroadcast v32, $0x0  }
0x3a1: {  	s5 =	sand.u32 $0x7F, s5  }
0x3a2: {  	v61 =	vor.u32 s5, v8  }
0x3a3: {  	v62 =	vor.u32 s5, v9;
	s28 =	sand.u32 $0x7F, s7  }
0x3a4: {  	v63 =	vor.u32 s28, v10  }
0x3a5: {  	v40 =	vmov s5;
	v42 =	vor.u32 s28, v11;
	v41, _, _ =	vpop (xrf2)  }
0x3a6: {  	v43 =	vmov s28;
	v36 =	vor.u32 $0x200, v40;
	[tilespmem:v32+s24+$0x0] =	vst.idx.msk vm8, v41  }
0x3a7: {  	v32 =	vor.u32 $0x280, v43;
	v33 =	vld.idx.msk [tilespmem:v61+s14+$0x0], $0xffff  }
0x3a8: {  	v34 =	vld.idx.msk [tilespmem:v62+s14+$0x0], $0xffff  }
0x3a9: {  	v35 =	vld.idx.msk [tilespmem:v63+s14+$0x0], $0xffff  }
0x3aa: {  	v37 =	vld.idx.msk [tilespmem:v42+s14+$0x0], $0xffff  }
0x3ab: {  	v36 =	vld.idx.msk [tilespmem:v36+s15+$0x0], $0xffff  }
0x3ac: {  	v32 =	vld.idx.msk [tilespmem:v32+s15+$0x0], $0xffff;
	_ =	sdelay $0x3  }
0x3ad: {  	v33 =	vmul.f32 v35, v33;
	v34 =	vmul.f32 v37, v34  }
0x3ae: {  	v32 =	vadd.f32 v32, v36  }
0x3af: {  	v33 =	vadd.f32 v34, v33  }
0x3b0: {  	v32 =	vnsel vm0, $0x0, v32  }
0x3b1: {  	v32 =	vadd.f32 v32, v33;
	_ =	sdelay $0x1  }
0x3b2: {  	(xrf2) =	vadd.scan.msk.f32 $0xffff, v32;
	_ =	sdelay $0x1  }
0x3b3: {  	s29 =	sadd.s32 $0xFFFFFFFB, s26  }
0x3b4: {  	v44 =	vmov s29  }
0x3b5: {  	v32 =	vand.u32 $0xFFFFFFFA, v44  }
0x3b6: {  	v32 =	vbroadcast v32, $0x0  }
0x3b7: {  	s30 =	sand.u32 $0x7F, s8  }
0x3b8: {  	v45 =	vor.u32 s30, v12  }
0x3b9: {  	s31 =	sand.u32 $0x7F, s9;
	v46 =	vor.u32 s30, v13  }
0x3ba: {  	v47 =	vor.u32 s31, v14  }
0x3bb: {  	v48 =	vmov s30;
	v50 =	vor.u32 s31, v15;
	v49, _, _ =	vpop (xrf2)  }
0x3bc: {  	v51 =	vmov s31;
	v36 =	vor.u32 $0x300, v48;
	[tilespmem:v32+s24+$0x0] =	vst.idx.msk vm8, v49  }
0x3bd: {  	v32 =	vor.u32 $0x380, v51;
	v33 =	vld.idx.msk [tilespmem:v45+s14+$0x0], $0xffff  }
0x3be: {  	v34 =	vld.idx.msk [tilespmem:v46+s14+$0x0], $0xffff  }
0x3bf: {  	v35 =	vld.idx.msk [tilespmem:v47+s14+$0x0], $0xffff  }
0x3c0: {  	v37 =	vld.idx.msk [tilespmem:v50+s14+$0x0], $0xffff  }
0x3c1: {  	v36 =	vld.idx.msk [tilespmem:v36+s15+$0x0], $0xffff  }
0x3c2: {  	v32 =	vld.idx.msk [tilespmem:v32+s15+$0x0], $0xffff;
	_ =	sdelay $0x3  }
0x3c3: {  	v33 =	vmul.f32 v35, v33;
	v34 =	vmul.f32 v37, v34  }
0x3c4: {  	v32 =	vadd.f32 v32, v36  }
0x3c5: {  	v33 =	vadd.f32 v34, v33  }
0x3c6: {  	v32 =	vnsel vm0, $0x0, v32  }
0x3c7: {  	v32 =	vadd.f32 v32, v33;
	_ =	sdelay $0x1  }
0x3c8: {  	(xrf2) =	vadd.scan.msk.f32 $0xffff, v32;
	_ =	sdelay $0x1  }
0x3c9: {  	s28 =	sadd.s32 $0xFFFFFFFC, s26  }
0x3ca: {  	v52 =	vmov s28  }
0x3cb: {  	v32 =	vand.u32 $0xFFFFFFFB, v52  }
0x3cc: {  	v32 =	vbroadcast v32, $0x0  }
0x3cd: {  	s29 =	sand.u32 $0x7F, s10  }
0x3ce: {  	v53 =	vor.u32 s29, v16  }
0x3cf: {  	s30 =	sand.u32 $0x7F, s11;
	v54 =	vor.u32 s29, v17  }
0x3d0: {  	v55 =	vor.u32 s30, v18  }
0x3d1: {  	v56 =	vmov s29;
	v58 =	vor.u32 s30, v19;
	v57, _, _ =	vpop (xrf2)  }
0x3d2: {  	v59 =	vmov s30;
	v36 =	vor.u32 $0x400, v56;
	[tilespmem:v32+s24+$0x0] =	vst.idx.msk vm8, v57  }
0x3d3: {  	v32 =	vor.u32 $0x480, v59;
	v33 =	vld.idx.msk [tilespmem:v53+s14+$0x0], $0xffff  }
0x3d4: {  	v34 =	vld.idx.msk [tilespmem:v54+s14+$0x0], $0xffff  }
0x3d5: {  	v35 =	vld.idx.msk [tilespmem:v55+s14+$0x0], $0xffff  }
0x3d6: {  	v37 =	vld.idx.msk [tilespmem:v58+s14+$0x0], $0xffff  }
0x3d7: {  	v36 =	vld.idx.msk [tilespmem:v36+s15+$0x0], $0xffff  }
0x3d8: {  	v32 =	vld.idx.msk [tilespmem:v32+s15+$0x0], $0xffff;
	_ =	sdelay $0x3  }
0x3d9: {  	v33 =	vmul.f32 v35, v33;
	v34 =	vmul.f32 v37, v34  }
0x3da: {  	v32 =	vadd.f32 v32, v36  }
0x3db: {  	v33 =	vadd.f32 v34, v33  }
0x3dc: {  	v32 =	vnsel vm0, $0x0, v32  }
0x3dd: {  	v32 =	vadd.f32 v32, v33;
	_ =	sdelay $0x1  }
0x3de: {  	(xrf2) =	vadd.scan.msk.f32 $0xffff, v32;
	_ =	sdelay $0x1  }
0x3df: {  	s31 =	sadd.s32 $0xFFFFFFFD, s26  }
0x3e0: {  	v60 =	vmov s31  }
0x3e1: {  	v32 =	vand.u32 $0xFFFFFFFC, v60  }
0x3e2: {  	v32 =	vbroadcast v32, $0x0  }
0x3e3: {  	s5 =	sand.u32 $0x7F, s16  }
0x3e4: {  	v61 =	vor.u32 s5, v20  }
0x3e5: {  	s28 =	sand.u32 $0x7F, s17;
	v62 =	vor.u32 s5, v21  }
0x3e6: {  	v63 =	vor.u32 s28, v22  }
0x3e7: {  	v40 =	vmov s5;
	v42 =	vor.u32 s28, v23;
	v41, _, _ =	vpop (xrf2)  }
0x3e8: {  	v43 =	vmov s28;
	v36 =	vor.u32 $0x500, v40;
	[tilespmem:v32+s24+$0x0] =	vst.idx.msk vm8, v41  }
0x3e9: {  	v32 =	vor.u32 $0x580, v43;
	v33 =	vld.idx.msk [tilespmem:v61+s14+$0x0], $0xffff  }
0x3ea: {  	v34 =	vld.idx.msk [tilespmem:v62+s14+$0x0], $0xffff  }
0x3eb: {  	v35 =	vld.idx.msk [tilespmem:v63+s14+$0x0], $0xffff  }
0x3ec: {  	v37 =	vld.idx.msk [tilespmem:v42+s14+$0x0], $0xffff  }
0x3ed: {  	v36 =	vld.idx.msk [tilespmem:v36+s15+$0x0], $0xffff  }
0x3ee: {  	v32 =	vld.idx.msk [tilespmem:v32+s15+$0x0], $0xffff;
	_ =	sdelay $0x3  }
0x3ef: {  	v33 =	vmul.f32 v35, v33;
	v34 =	vmul.f32 v37, v34  }
0x3f0: {  	v32 =	vadd.f32 v32, v36  }
0x3f1: {  	v33 =	vadd.f32 v34, v33  }
0x3f2: {  	v32 =	vnsel vm0, $0x0, v32  }
0x3f3: {  	v32 =	vadd.f32 v32, v33;
	_ =	sdelay $0x1  }
0x3f4: {  	(xrf2) =	vadd.scan.msk.f32 $0xffff, v32;
	_ =	sdelay $0x1  }
0x3f5: {  	s29 =	sadd.s32 $0xFFFFFFFE, s26  }
0x3f6: {  	v44 =	vmov s29  }
0x3f7: {  	v32 =	vand.u32 $0xFFFFFFFD, v44  }
0x3f8: {  	v32 =	vbroadcast v32, $0x0  }
0x3f9: {  	s30 =	sand.u32 $0x7F, s18  }
0x3fa: {  	v45 =	vor.u32 s30, v24  }
0x3fb: {  	s31 =	sand.u32 $0x7F, s19;
	v46 =	vor.u32 s30, v25  }
0x3fc: {  	v47 =	vor.u32 s31, v26  }
0x3fd: {  	v48 =	vmov s30;
	v50 =	vor.u32 s31, v27;
	v49, _, _ =	vpop (xrf2)  }
0x3fe: {  	v51 =	vmov s31;
	v36 =	vor.u32 $0x600, v48;
	[tilespmem:v32+s24+$0x0] =	vst.idx.msk vm8, v49  }
0x3ff: {  	v32 =	vor.u32 $0x680, v51;
	v33 =	vld.idx.msk [tilespmem:v45+s14+$0x0], $0xffff  }
0x400: {  	v34 =	vld.idx.msk [tilespmem:v46+s14+$0x0], $0xffff  }
0x401: {  	v35 =	vld.idx.msk [tilespmem:v47+s14+$0x0], $0xffff  }
0x402: {  	v37 =	vld.idx.msk [tilespmem:v50+s14+$0x0], $0xffff  }
0x403: {  	v36 =	vld.idx.msk [tilespmem:v36+s15+$0x0], $0xffff  }
0x404: {  	v32 =	vld.idx.msk [tilespmem:v32+s15+$0x0], $0xffff;
	_ =	sdelay $0x3  }
0x405: {  	v33 =	vmul.f32 v35, v33;
	v34 =	vmul.f32 v37, v34  }
0x406: {  	v32 =	vadd.f32 v32, v36  }
0x407: {  	v33 =	vadd.f32 v34, v33  }
0x408: {  	v32 =	vnsel vm0, $0x0, v32  }
0x409: {  	v32 =	vadd.f32 v32, v33;
	_ =	sdelay $0x1  }
0x40a: {  	(xrf2) =	vadd.scan.msk.f32 $0xffff, v32;
	_ =	sdelay $0x1  }
0x40b: {  	s28 =	sadd.s32 $0xFFFFFFFF, s26  }
0x40c: {  	v52 =	vmov s28  }
0x40d: {  	v32 =	vand.u32 $0xFFFFFFFE, v52  }
0x40e: {  	v32 =	vbroadcast v32, $0x0  }
0x40f: {  	s29 =	sand.u32 $0x7F, s20  }
0x410: {  	v53 =	vor.u32 s29, v28  }
0x411: {  	s30 =	sand.u32 $0x7F, s21;
	v54 =	vor.u32 s29, v29  }
0x412: {  	v55 =	vor.u32 s30, v30  }
0x413: {  	v56 =	vmov s29;
	v58 =	vor.u32 s30, v31;
	v57, _, _ =	vpop (xrf2)  }
0x414: {  	v59 =	vmov s30;
	v60 =	vor.u32 $0x700, v56;
	[tilespmem:v32+s24+$0x0] =	vst.idx.msk vm8, v57  }
0x415: {  	v61 =	vor.u32 $0x780, v59;
	v33 =	vld.idx.msk [tilespmem:v53+s14+$0x0], $0xffff  }
0x416: {  	v34 =	vld.idx.msk [tilespmem:v54+s14+$0x0], $0xffff  }
0x417: {  	v35 =	vld.idx.msk [tilespmem:v55+s14+$0x0], $0xffff  }
0x418: {  	v37 =	vld.idx.msk [tilespmem:v58+s14+$0x0], $0xffff  }
0x419: {  	v32 =	vld.idx.msk [tilespmem:v60+s15+$0x0], $0xffff  }
0x41a: {  	v36 =	vld.idx.msk [tilespmem:v61+s15+$0x0], $0xffff;
	_ =	sdelay $0x3  }
0x41b: {  	v33 =	vmul.f32 v35, v33;
	v34 =	vmul.f32 v37, v34  }
0x41c: {  	v32 =	vadd.f32 v36, v32  }
0x41d: {  	v33 =	vadd.f32 v34, v33  }
0x41e: {  	v32 =	vnsel vm0, $0x0, v32  }
0x41f: {  	v32 =	vadd.f32 v32, v33;
	_ =	sdelay $0x1  }
0x420: {  	(xrf2) =	vadd.scan.msk.f32 $0xffff, v32;
	_ =	sdelay $0x4  }
0x421: {  	s25 =	sadd.s32 $0x10, s25  }
0x422: {  	s16 =	simm.s32 $0x10580;
	p0 =	sne.s32 s26, $0x1FF;
	s23 =	simm.s32 $0x7400;
	v62 =	vmov s26  }
.Ltmp0:
0x423: {  	s22 =	simm.s32 $0x10700;
	s7 =	simm.s32 $0x1400;
	(pc) =	sbr.rel @p0 .LBB2_2-.Ltmp0, $4  }
0x424: {  	s8 =	simm.s32 $0x10480;
	s9 =	simm.s32 $0x2400;
	s10 =	simm.s32 $0x10500  }
0x425: {  	s11 =	simm.s32 $0x3400;
	s17 =	simm.s32 $0x4400;
	s18 =	simm.s32 $0x10600  }
0x426: {  	s19 =	simm.s32 $0x5400;
	s20 =	simm.s32 $0x10680;
	s31 =	rddreg [dreg:$0xd];
	v63, _, _ =	vpop (xrf2)  }
0x427: {  	s21 =	simm.s32 $0x6400;
	s0 =	sadd.s32 $0x10, s31;
	s26 =	sadd.s32 $0x10, s26;
	[tilespmem:v62+s24+$0x0] =	vst.idx.msk vm8, v63  }
0x428: {  	s0 =	rddreg [dreg:$0xa];
	s5 =	simm.s32 $0x2  }
0x429: {  	[hbm4b:s0+s6] =	stream.linear.scatter [tilespmem:s24], [sflag:$0x2], $0x200, $0x38;
	[tilespmem:$0x10E00] =	vst v63  }
0x42a: {  	_ =	swait.ge [sflag:s5], $0x200  }
0x42b: {  	s25 =	rddreg [dreg:$0xc]  }
0x42c: {  	s31 =	rddreg [dreg:$0xb];
	s25 =	sadd.s32 $0x1, s25  }
0x42d: {  	p0 =	sne.s32 s25, s31  }
.Ltmp1:
0x42e: {  	_ = 	snop;
	(pc) =	sbr.rel @p0 .LBB2_1-.Ltmp1, $3  }
0x42f: {  	_ =	sdelay $0x1  }
0x430: {  	[sflag:s5] =	ssyncset.done $0x0  }
0x431: {  	[sflag:s5] =	ssyncadd.s32 $0xFFFFFE00  }
0x432: {  	_ =	sfence.sel $0x180000  }
0x433: {  	[bflag:$0x0] =	sbarrier.arrive $0xFFFF  }
0x434: {  	_ =	strace $0x90000047  }
0x435: {  	s0 =	stileid.u32;
	[bflag:$0x2] =	sbarrier.arrive $0xFFFF  }
0x436: {  	p0 =	sne.s32 s0, $0x0;
	s0 =	rddreg [dreg:$0x7]  }
0x437: {  	s0 =	sadd.s32 @!p0 $0x100000, s0  }
0x438: {  	[sflag:s0] =	ssyncadd.tile.s32 @!p0 $0x1;
	_ =	shalt  }
.Lfunc_end2:
_tile_overlayer_lowered:
.L_overlay_start_2:
0x439: {  	(tag) =	ssettag $0x2  }
0x43a: {  	s0 =	rddreg [dreg:$0x0];
	s2 =	stileid.u32  }
0x43b: {  	s1 =	rddreg [dreg:$0x1];
	p0 =	sne.s32 s2, $0x0  }
0x43c: {  	s3 =	rddreg [dreg:$0x2];
	[bflag:$0x3] =	sbarrier.arrive $0xFFFF;
	s2 =	simm.s32 @!p0 $0x1C02  }
0x43d: {  	[timem:s3], [sflag:s2] =	dma.local @!p0 [hbm:s0], s1  }
0x43e: {  	s0 =	simm.s32 @!p0 $0x2  }
0x43f: {  	_ =	swait.ge @!p0 [sflag:s0], s1  }
0x440: {  	s1 =	ssub.s32 @!p0 $0x0, s1;
	[sflag:s0] =	ssyncset.done @!p0 $0x0  }
0x441: {  	[sflag:s0] =	ssyncadd.s32 @!p0 s1  }
0x442: {  	[bflag:$0x3] =	sbarrier.arrive $0xFFFF  }
0x443: {  	_ =	shalt  }

</sc_bundles>
